<compile_context>
chip_gen: v7x
topology: tpu7x:2x2x1
jax: 0.10.2.dev20260603
libtpu: 0.0.44.dev20260713+nightly
codegen_flags: <defaults>
</compile_context>

<pallas_src>
import functools

import jax
import jax.numpy as jnp
from jax import lax
from jax.experimental import pallas as pl
from jax.experimental.pallas import tpu as pltpu
from jax.experimental.pallas import tpu_sc as plsc

N_ATOM = 500000
N_FRAG = 25000

NC = 2
NS = 16
NW = NC * NS

B = 4000
GROUPS = B // 16
SCAT = 125
NSCAT = B // SCAT
FULL_TILES = 29
NB_FULL = 4
NB_SMALL = 3

ACC_ROWS = 25088
ZROWS = ACC_ROWS // NS
FROWS = ACC_ROWS // NW
FGROUPS = FROWS // 16

_PARAMS = dict(
    compiler_params=pltpu.CompilerParams(
        needs_layout_passes=False, use_tc_tiling_on_sc=False),
)


def _mesh():
    return plsc.VectorSubcoreMesh(
        core_axis_name="c", subcore_axis_name="s", num_cores=NC,
        num_subcores=NS)


def _seg_accumulate(f_flat, p_flat, fid2):

    @functools.partial(
        pl.kernel,
        out_type=jax.ShapeDtypeStruct((NC, ACC_ROWS, 16), jnp.float32),
        mesh=_mesh(),
        scratch_types=[
            pltpu.VMEM((3 * B,), jnp.float32),
            pltpu.VMEM((3 * B,), jnp.float32),
            pltpu.VMEM((NSCAT, SCAT), jnp.int32),
            pltpu.VMEM((B, 16), jnp.float32),
            pltpu.VMEM_SHARED((ACC_ROWS, 16), jnp.float32),
            pltpu.SemaphoreType.DMA,
            pltpu.SemaphoreType.DMA,
        ],
        **_PARAMS,
    )
    def k1(f_hbm, p_hbm, id_hbm, out_hbm, fbuf, pbuf, idbuf, feat, acc,
           sem_in, sem_sc):
        c = lax.axis_index("c")
        s = lax.axis_index("s")
        wid = c * NS + s

        iota = lax.iota(jnp.int32, 16)
        c0 = jnp.zeros((16,), jnp.int32)
        zeros = jnp.zeros((16,), jnp.float32)
        ones = jnp.ones((16,), jnp.float32)

        def zrow(i, _):
            feat[i, :] = zeros
            return 0
        lax.fori_loop(0, ZROWS, zrow, 0)
        zbase = pl.multiple_of(s * ZROWS, ZROWS)
        pltpu.sync_copy(feat.at[pl.ds(0, ZROWS)], acc.at[pl.ds(zbase, ZROWS)])

        def crow(g, _):
            plsc.store_scatter(feat, [g * 16 + iota, c0], ones)
            return 0
        lax.fori_loop(0, GROUPS, crow, 0)
        plsc.subcore_barrier()

        nb = jnp.where(wid < FULL_TILES, NB_FULL, NB_SMALL)
        tbase = wid * (NB_FULL * B) - jnp.maximum(wid - FULL_TILES, 0) * B

        def batch(b, _):
            abase = pl.multiple_of(tbase + b * B, B)
            idrow = pl.multiple_of((tbase + b * B) // SCAT, NSCAT)
            cps = []
            for comp in range(3):
                off = pl.multiple_of(comp * N_ATOM + abase, B)
                cps.append(pltpu.async_copy(
                    f_hbm.at[pl.ds(off, B)],
                    fbuf.at[pl.ds(comp * B, B)], sem_in))
                cps.append(pltpu.async_copy(
                    p_hbm.at[pl.ds(off, B)],
                    pbuf.at[pl.ds(comp * B, B)], sem_in))
            cps.append(pltpu.async_copy(
                id_hbm.at[pl.ds(idrow, NSCAT)], idbuf, sem_in))
            for cp in cps:
                cp.wait()

            scps = []
            half = GROUPS // 2
            for h in range(2):
                @plsc.parallel_loop(h * half, (h + 1) * half)
                def group(g):
                    o = g * 16
                    rows = o + iota
                    fx = fbuf[pl.ds(o, 16)]
                    fy = fbuf[pl.ds(B + o, 16)]
                    fz = fbuf[pl.ds(2 * B + o, 16)]
                    px = pbuf[pl.ds(o, 16)]
                    py = pbuf[pl.ds(B + o, 16)]
                    pz = pbuf[pl.ds(2 * B + o, 16)]

                    vals = (
                        fx, fy, fz,
                        px, py, pz,
                        py * fz - pz * fy,
                        pz * fx - px * fz,
                        px * fy - py * fx,
                        px * px, py * py, pz * pz,
                        px * py, px * pz, py * pz,
                    )
                    for k, v in enumerate(vals):
                        plsc.store_scatter(feat, [rows, c0 + (k + 1)], v)

                for j in range(h * (NSCAT // 2), (h + 1) * (NSCAT // 2)):
                    scps.append(pltpu.async_copy(
                        feat.at[pl.ds(j * SCAT, SCAT)],
                        acc.at[idbuf.at[j]], sem_sc, add=True))
            for cp in scps:
                cp.wait()
            return 0
        lax.fori_loop(0, nb, batch, 0)

        plsc.subcore_barrier()
        obase = pl.multiple_of(s * ZROWS, ZROWS)
        pltpu.sync_copy(acc.at[pl.ds(obase, ZROWS)],
                        out_hbm.at[c].at[pl.ds(obase, ZROWS)])

    return k1(f_flat, p_flat, fid2)


def _postprocess(part, T_flat, fsz_pad):

    @functools.partial(
        pl.kernel,
        out_type=(jax.ShapeDtypeStruct((ACC_ROWS * 3,), jnp.float32),
                  jax.ShapeDtypeStruct((ACC_ROWS * 3,), jnp.float32)),
        mesh=_mesh(),
        scratch_types=[
            pltpu.VMEM((FROWS, 16), jnp.float32),
            pltpu.VMEM((FROWS, 16), jnp.float32),
            pltpu.VMEM((FROWS * 3,), jnp.float32),
            pltpu.VMEM((FROWS,), jnp.int32),
            pltpu.VMEM((FROWS * 3,), jnp.float32),
            pltpu.VMEM((FROWS * 3,), jnp.float32),
            pltpu.SemaphoreType.DMA,
        ],
        **_PARAMS,
    )
    def k2(part_hbm, t_hbm, sz_hbm, v_hbm, o_hbm, p0, p1, tbuf, szbuf,
           vstg, ostg, sem_in):
        c = lax.axis_index("c")
        s = lax.axis_index("s")
        wid = c * NS + s
        r0 = pl.multiple_of(wid * FROWS, FROWS)

        cps = [
            pltpu.async_copy(part_hbm.at[0].at[pl.ds(r0, FROWS)], p0, sem_in),
            pltpu.async_copy(part_hbm.at[1].at[pl.ds(r0, FROWS)], p1, sem_in),
            pltpu.async_copy(t_hbm.at[pl.ds(r0, FROWS)],
                             tbuf.at[pl.ds(0, FROWS)], sem_in),
            pltpu.async_copy(
                t_hbm.at[pl.ds(pl.multiple_of(ACC_ROWS + r0, FROWS), FROWS)],
                tbuf.at[pl.ds(FROWS, FROWS)], sem_in),
            pltpu.async_copy(
                t_hbm.at[pl.ds(pl.multiple_of(2 * ACC_ROWS + r0, FROWS), FROWS)],
                tbuf.at[pl.ds(2 * FROWS, FROWS)], sem_in),
            pltpu.async_copy(sz_hbm.at[pl.ds(r0, FROWS)], szbuf, sem_in),
        ]
        for cp in cps:
            cp.wait()

        def addrow(i, _):
            p0[i, :] = p0[i, :] + p1[i, :]
            return 0
        lax.fori_loop(0, FROWS, addrow, 0)

        iota = lax.iota(jnp.int32, 16)
        c0 = jnp.zeros((16,), jnp.int32)

        def group(g, _):
            o = g * 16
            rows = o + iota

            def F(k):
                return plsc.load_gather(p0, [rows, c0 + k])

            cnt = F(0)
            sfx, sfy, sfz = F(1), F(2), F(3)
            spx, spy, spz = F(4), F(5), F(6)
            cpx, cpy, cpz = F(7), F(8), F(9)
            sxx, syy, szz = F(10), F(11), F(12)
            sxy, sxz, syz = F(13), F(14), F(15)

            tx = tbuf[pl.ds(o, 16)]
            ty = tbuf[pl.ds(FROWS + o, 16)]
            tz = tbuf[pl.ds(2 * FROWS + o, 16)]
            sz = szbuf[pl.ds(o, 16)]

            denom = jnp.maximum(cnt, 1.0)
            vx = sfx / denom
            vy = sfy / denom
            vz = sfz / denom

            tqx = cpx - (ty * sfz - tz * sfy)
            tqy = cpy - (tz * sfx - tx * sfz)
            tqz = cpz - (tx * sfy - ty * sfx)

            mxx = sxx - 2.0 * tx * spx + cnt * tx * tx
            myy = syy - 2.0 * ty * spy + cnt * ty * ty
            mzz = szz - 2.0 * tz * spz + cnt * tz * tz
            mxy = sxy - tx * spy - ty * spx + cnt * tx * ty
            mxz = sxz - tx * spz - tz * spx + cnt * tx * tz
            myz = syz - ty * spz - tz * spy + cnt * ty * tz

            tr = mxx + myy + mzz
            a = tr - mxx + 1e-4
            bb = tr - myy + 1e-4
            cc = tr - mzz + 1e-4
            d = -mxy
            e = -mxz
            f = -myz

            c11 = bb * cc - f * f
            c12 = e * f - d * cc
            c13 = d * f - bb * e
            c22 = a * cc - e * e
            c23 = d * e - a * f
            c33 = a * bb - d * d
            det = a * c11 + d * c12 + e * c13
            rdet = 1.0 / det

            ox = (c11 * tqx + c12 * tqy + c13 * tqz) * rdet
            oy = (c12 * tqx + c22 * tqy + c23 * tqz) * rdet
            oz = (c13 * tqx + c23 * tqy + c33 * tqz) * rdet

            single = sz <= 1
            zf = jnp.zeros((16,), jnp.float32)
            ox = jnp.where(single, zf, ox)
            oy = jnp.where(single, zf, oy)
            oz = jnp.where(single, zf, oz)

            vstg[pl.ds(o, 16)] = vx
            vstg[pl.ds(FROWS + o, 16)] = vy
            vstg[pl.ds(2 * FROWS + o, 16)] = vz
            ostg[pl.ds(o, 16)] = ox
            ostg[pl.ds(FROWS + o, 16)] = oy
            ostg[pl.ds(2 * FROWS + o, 16)] = oz
            return 0
        lax.fori_loop(0, FGROUPS, group, 0)

        pltpu.sync_copy(vstg.at[pl.ds(0, FROWS)], v_hbm.at[pl.ds(r0, FROWS)])
        pltpu.sync_copy(vstg.at[pl.ds(FROWS, FROWS)],
                        v_hbm.at[pl.ds(pl.multiple_of(ACC_ROWS + r0, FROWS), FROWS)])
        pltpu.sync_copy(vstg.at[pl.ds(2 * FROWS, FROWS)],
                        v_hbm.at[pl.ds(pl.multiple_of(2 * ACC_ROWS + r0, FROWS), FROWS)])
        pltpu.sync_copy(ostg.at[pl.ds(0, FROWS)], o_hbm.at[pl.ds(r0, FROWS)])
        pltpu.sync_copy(ostg.at[pl.ds(FROWS, FROWS)],
                        o_hbm.at[pl.ds(pl.multiple_of(ACC_ROWS + r0, FROWS), FROWS)])
        pltpu.sync_copy(ostg.at[pl.ds(2 * FROWS, FROWS)],
                        o_hbm.at[pl.ds(pl.multiple_of(2 * ACC_ROWS + r0, FROWS), FROWS)])

    return k2(part, T_flat, fsz_pad)


def kernel(f_atom, atom_pos, T_frag, frag_id, n_frag, frag_sizes):
    del n_frag
    fid = frag_id.astype(jnp.int32).reshape(N_ATOM // SCAT, SCAT)
    part = _seg_accumulate(f_atom.T.reshape(-1), atom_pos.T.reshape(-1), fid)

    pad = ACC_ROWS - N_FRAG
    T_flat = jnp.pad(T_frag.T, ((0, 0), (0, pad))).reshape(-1)
    fsz_pad = jnp.pad(frag_sizes.astype(jnp.int32), (0, pad))
    v_flat, o_flat = _postprocess(part, T_flat, fsz_pad)
    return (v_flat.reshape(3, ACC_ROWS).T[:N_FRAG],
            o_flat.reshape(3, ACC_ROWS).T[:N_FRAG])

# --- scband reference (transcript-rebuilt; emitter-appended) ---
"""Pipeline reference for scband-unified-flow-frag-88776974008839 (READ-ONLY COPY).

The authoritative reference and input builder live on the scoring server;
editing this copy changes nothing except your own understanding.
"""

import jax, jax.numpy as jnp
import numpy as np

N_ATOM = 500000
N_FRAG = 25000


def setup_inputs(seed: int = 0) -> dict:
    key = jax.random.key(seed)
    k1, k2, k3, k4, k5 = jax.random.split(key, 5)
    f_atom = jax.random.normal(k1, (N_ATOM, 3), dtype=jnp.float32)
    atom_pos = jax.random.normal(k2, (N_ATOM, 3), dtype=jnp.float32) * 10.0
    T_frag = jax.random.normal(k3, (N_FRAG, 3), dtype=jnp.float32) * 10.0
    frag_id = jnp.sort(jax.random.randint(k4, (N_ATOM,), 0, N_FRAG, dtype=jnp.int32)).astype(jnp.int64)
    frag_sizes = jax.random.randint(k5, (N_FRAG,), 0, 40, dtype=jnp.int32).astype(jnp.int64)
    return {
        "f_atom": f_atom,
        "atom_pos": atom_pos,
        "T_frag": T_frag,
        "frag_id": frag_id,
        "n_frag": N_FRAG,
        "frag_sizes": frag_sizes,
    }


def reference(f_atom, atom_pos, T_frag, frag_id, n_frag, frag_sizes):
    n_frag_static = T_frag.shape[0]
    dep_zero = (jnp.asarray(n_frag) - n_frag_static).astype(f_atom.dtype) * 0

    # scatter_mean: per-fragment mean force -> translation velocity
    ones = jnp.ones((f_atom.shape[0],), dtype=f_atom.dtype) + dep_zero
    counts = jax.ops.segment_sum(ones, frag_id, num_segments=n_frag_static)
    v_frag = jax.ops.segment_sum(f_atom, frag_id, num_segments=n_frag_static) / jnp.clip(counts, 1.0)[:, None]

    # lever arm (gather of fragment centers)
    r_arm = atom_pos - T_frag[frag_id]

    # torque = sum_atoms r x f  (scatter-add)
    torque_per_atom = jnp.cross(r_arm, f_atom)
    torque = jax.ops.segment_sum(torque_per_atom, frag_id, num_segments=n_frag_static)

    # inertia tensor I = sum (r.r) I3 - r r^T  (scatter-add of scalars and 3x3 outer products)
    r2 = (r_arm * r_arm).sum(-1)
    I_diag = jax.ops.segment_sum(r2, frag_id, num_segments=n_frag_static)
    rr = r_arm[:, :, None] * r_arm[:, None, :]
    I_off = jax.ops.segment_sum(rr.reshape(-1, 9), frag_id, num_segments=n_frag_static).reshape(n_frag_static, 3, 3)
    eye = jnp.eye(3, dtype=f_atom.dtype)
    I_tensor = I_diag[:, None, None] * eye - I_off + 1e-4 * eye

    # omega = I^{-1} torque, batched 3x3 solve
    omega_frag = jnp.linalg.solve(I_tensor, torque[..., None])[..., 0]

    # zero angular velocity for singleton fragments
    single_mask = (frag_sizes <= 1)[:, None]
    omega_frag = jnp.where(single_mask, jnp.zeros_like(omega_frag), omega_frag)
    return v_frag, omega_frag

if __name__ == "__main__":
    import jax
    _d = setup_inputs()
    print(jax.jit(kernel)(*tuple(_d.values())))

</pallas_src>

<mosaic_0001>
#map = affine_map<(d0, d1) -> (0)>
#map1 = affine_map<(d0, d1) -> (0, 0)>
#map2 = affine_map<(d0, d1) -> (0, 0, 0)>
module attributes {stable_mosaic.version = 14 : i64} {
  func.func @k1(%arg0: i32, %arg1: i32, %arg2: memref<1500000xf32, #tpu.memory_space<hbm>>, %arg3: memref<1500000xf32, #tpu.memory_space<hbm>>, %arg4: memref<4000x125xi32, #tpu.memory_space<hbm>>, %arg5: memref<2x25088x16xf32, #tpu.memory_space<hbm>>, %arg6: memref<12000xf32, #tpu.memory_space<vmem>>, %arg7: memref<12000xf32, #tpu.memory_space<vmem>>, %arg8: memref<32x125xi32, #tpu.memory_space<vmem>>, %arg9: memref<4000x16xf32, #tpu.memory_space<vmem>>, %arg10: memref<25088x16xf32, #tpu.memory_space<vmem_shared>>, %arg11: memref<!tpu.dma_semaphore, #tpu.memory_space<semaphore_mem>>, %arg12: memref<!tpu.dma_semaphore, #tpu.memory_space<semaphore_mem>>) attributes {dimension_semantics = [#tpu.dimension_semantics<core_parallel>, #tpu.dimension_semantics<subcore_parallel>], iteration_bounds = array<i64: 2, 16>, scalar_prefetch = 0 : i64, scratch_operands = 7 : i64, tpu.core_type = #tpu.core_type<sc_vector_subcore>, window_params = [{transform_indices = #map}, {transform_indices = #map}, {transform_indices = #map1}, {transform_indices = #map2}]} {
    %mul3A = arith.constant 16 : i32
    %mul3A_0 = arith.muli %arg0, %mul3A : i32
    %add3A = arith.addi %mul3A_0, %arg1 : i32
    %iota3A = tpu.iota {dimensions = array<i32: 0>} : vector<16xi32>
    %broadcast_in_dim3A = arith.constant 0 : i32
    %broadcast_in_dim3A_1 = vector.broadcast %broadcast_in_dim3A : i32 to vector<16xi32>
    %broadcast_in_dim3A_2 = arith.constant 0.000000e+00 : f32
    %broadcast_in_dim3A_3 = vector.broadcast %broadcast_in_dim3A_2 : f32 to vector<16xf32>
    %broadcast_in_dim3A_4 = arith.constant 1.000000e+00 : f32
    %broadcast_in_dim3A_5 = vector.broadcast %broadcast_in_dim3A_4 : f32 to vector<16xf32>
    %scan3A = arith.constant 0 : i32
    %scan3A_6 = arith.constant 0 : i32
    %scan3A_7 = arith.constant 1568 : i32
    %scan3A_8 = arith.addi %scan3A_6, %scan3A_7 : i32
    %scan3A_9 = arith.constant 1 : i32
    %scan3A_10 = scf.for %scan3A_45 = %scan3A_6 to %scan3A_8 step %scan3A_9 iter_args(%scan3A_46 = %scan3A) -> (i32)  : i32 {
      %swap3A = arith.index_cast %scan3A_45 : i32 to index
      %swap3A_47 = arith.constant 0 : index
      %swap3A_48 = tpu.vector_load %arg9[%swap3A, %swap3A_47] {strides = array<i32>} : memref<4000x16xf32, #tpu.memory_space<vmem>>, vector<16xf32>,
      tpu.vector_store %arg9[%swap3A, %swap3A_47], %broadcast_in_dim3A_3 {strides = array<i32>} : memref<4000x16xf32, #tpu.memory_space<vmem>>, vector<16xf32>,
      %scan3A_49 = arith.constant 0 : i32
      scf.yield %scan3A_49 : i32
    }
    %scan3A_11 = arith.constant 1568 : i32
    %mul3A_12 = arith.constant 1568 : i32
    %mul3A_13 = arith.muli %arg1, %mul3A_12 : i32
    %multiple_of3A = tpu.assume_multiple %mul3A_13, 1568 : i32
    "tpu.region"() ({
      %run_scoped3A = tpu.sem_alloc : memref<!tpu.dma_semaphore, #tpu.memory_space<semaphore_mem>>
      %dma_start3A = arith.constant 0 : i32
      %dma_start3A_45 = arith.constant 0 : i32
      %dma_start3A_46 = tpu.memref_slice %arg9[%dma_start3A, %dma_start3A_45] : memref<4000x16xf32, #tpu.memory_space<vmem>> -> memref<1568x16xf32, #tpu.memory_space<vmem>>
      %dma_start3A_47 = arith.constant 0 : i32
      %dma_start3A_48 = tpu.memref_slice %arg10[%multiple_of3A, %dma_start3A_47] : memref<25088x16xf32, #tpu.memory_space<vmem_shared>> -> memref<1568x16xf32, #tpu.memory_space<vmem_shared>>
      %dma_start3A_49 = arith.constant 0 : i32
      %dma_start3A_50 = tpu.memref_slice %arg10[%multiple_of3A, %dma_start3A_49] : memref<25088x16xf32, #tpu.memory_space<vmem_shared>> -> memref<1568x16xf32, #tpu.memory_space<vmem_shared>>
      %dma_start3A_51 = arith.constant 0 : i32
      %dma_start3A_52 = arith.constant 0 : i32
      %dma_start3A_53 = tpu.memref_slice %arg9[%dma_start3A_51, %dma_start3A_52] : memref<4000x16xf32, #tpu.memory_space<vmem>> -> memref<1568x16xf32, #tpu.memory_space<vmem>>
      tpu.enqueue_dma source(%dma_start3A_53 : memref<1568x16xf32, #tpu.memory_space<vmem>>) target(%dma_start3A_50 : memref<1568x16xf32, #tpu.memory_space<vmem_shared>>) target_semaphore(%run_scoped3A : memref<!tpu.dma_semaphore, #tpu.memory_space<semaphore_mem>>)
      %dma_wait3A = arith.constant 0 : i32
      %dma_wait3A_54 = arith.constant 0 : i32
      %dma_wait3A_55 = tpu.memref_slice %arg9[%dma_wait3A, %dma_wait3A_54] : memref<4000x16xf32, #tpu.memory_space<vmem>> -> memref<1568x16xf32, #tpu.memory_space<vmem>>
      %dma_wait3A_56 = arith.constant 0 : i32
      %dma_wait3A_57 = tpu.memref_slice %arg10[%multiple_of3A, %dma_wait3A_56] : memref<25088x16xf32, #tpu.memory_space<vmem_shared>> -> memref<1568x16xf32, #tpu.memory_space<vmem_shared>>
      %dma_wait3A_58 = arith.constant 0 : i32
      %dma_wait3A_59 = tpu.memref_slice %arg10[%multiple_of3A, %dma_wait3A_58] : memref<25088x16xf32, #tpu.memory_space<vmem_shared>> -> memref<1568x16xf32, #tpu.memory_space<vmem_shared>>
      %dma_wait3A_60 = arith.constant 0 : i32
      %dma_wait3A_61 = arith.constant 0 : i32
      %dma_wait3A_62 = tpu.memref_slice %arg9[%dma_wait3A_60, %dma_wait3A_61] : memref<4000x16xf32, #tpu.memory_space<vmem>> -> memref<1568x16xf32, #tpu.memory_space<vmem>>
      tpu.wait_dma2 semaphore(%run_scoped3A : memref<!tpu.dma_semaphore, #tpu.memory_space<semaphore_mem>>) src(%dma_wait3A_62 : memref<1568x16xf32, #tpu.memory_space<vmem>>) dst(%dma_wait3A_59 : memref<1568x16xf32, #tpu.memory_space<vmem_shared>>)
      tpu.yield
    }) : () -> ()
    %scan3A_14 = arith.constant 0 : i32
    %scan3A_15 = arith.constant 0 : i32
    %scan3A_16 = arith.constant 250 : i32
    %scan3A_17 = arith.addi %scan3A_15, %scan3A_16 : i32
    %scan3A_18 = arith.constant 1 : i32
    %scan3A_19 = scf.for %scan3A_45 = %scan3A_15 to %scan3A_17 step %scan3A_18 iter_args(%scan3A_46 = %scan3A_14) -> (i32)  : i32 {
      %mul3A_47 = arith.constant 16 : i32
      %mul3A_48 = arith.muli %scan3A_45, %mul3A_47 : i32
      %add3A_49 = vector.broadcast %mul3A_48 : i32 to vector<16xi32>
      %add3A_50 = arith.addi %add3A_49, %iota3A : vector<16xi32>
      tpu.vector_store_idx %arg9[%add3A_50, %broadcast_in_dim3A_1], %broadcast_in_dim3A_5 : memref<4000x16xf32, #tpu.memory_space<vmem>>[vector<16xi32>, vector<16xi32>], vector<16xf32>,
      %scan3A_51 = arith.constant 0 : i32
      scf.yield %scan3A_51 : i32
    }
    %scan3A_20 = arith.constant 250 : i32
    %barrier3A = arith.constant 0 : index
    tpu.barrier barrier_id(%barrier3A)
    %lt3A = arith.constant 29 : i32
    %lt3A_21 = arith.cmpi slt, %add3A, %lt3A : i32
    %jit3A = arith.constant 4 : i32
    %jit3A_22 = arith.constant 3 : i32
    %select_n3A = arith.select %lt3A_21, %jit3A, %jit3A_22 : i32
    %mul3A_23 = arith.constant 16000 : i32
    %mul3A_24 = arith.muli %add3A, %mul3A_23 : i32
    %sub3A = arith.constant 29 : i32
    %sub3A_25 = arith.subi %add3A, %sub3A : i32
    %max3A = arith.constant 0 : i32
    %max3A_26 = arith.maxsi %sub3A_25, %max3A : i32
    %mul3A_27 = arith.constant 4000 : i32
    %mul3A_28 = arith.muli %max3A_26, %mul3A_27 : i32
    %sub3A_29 = arith.subi %mul3A_24, %mul3A_28 : i32
    %while3A = arith.constant 0 : i32
    %while3A_30 = arith.constant 0 : i32
    %while3A_31 = arith.subi %select_n3A, %while3A : i32
    %while3A_32 = arith.addi %while3A, %while3A_31 : i32
    %while3A_33 = arith.constant 1 : i32
    %while3A_34 = arith.divsi %while3A_31, %while3A_33 : i32
    %while3A_35 = arith.muli %while3A_34, %while3A_33 : i32
    %while3A_36 = arith.addi %while3A, %while3A_35 : i32
    %while3A_37 = arith.constant 1 : i32
    %while3A_38 = scf.for %while3A_45 = %while3A to %while3A_36 step %while3A_37 iter_args(%while3A_46 = %while3A_30) -> (i32)  : i32 {
      %mul3A_47 = arith.constant 4000 : i32
      %mul3A_48 = arith.muli %while3A_45, %mul3A_47 : i32
      %add3A_49 = arith.addi %sub3A_29, %mul3A_48 : i32
      %multiple_of3A_50 = tpu.assume_multiple %add3A_49, 4000 : i32
      %mul3A_51 = arith.constant 4000 : i32
      %mul3A_52 = arith.muli %while3A_45, %mul3A_51 : i32
      %add3A_53 = arith.addi %sub3A_29, %mul3A_52 : i32
      %jit3A_54 = arith.constant 125 : i32
      %div3A = arith.divsi %add3A_53, %jit3A_54 : i32
      %sign3A = arith.constant 0 : i32
      %sign3A_55 = arith.cmpi sgt, %add3A_53, %sign3A : i32
      %sign3A_56 = arith.extui %sign3A_55 : i1 to i32
      %sign3A_57 = arith.constant 0 : i32
      %sign3A_58 = arith.cmpi slt, %add3A_53, %sign3A_57 : i32
      %sign3A_59 = arith.extui %sign3A_58 : i1 to i32
      %sign3A_60 = arith.subi %sign3A_56, %sign3A_59 : i32
      %sign3A_61 = arith.constant 0 : i32
      %sign3A_62 = arith.cmpi sgt, %jit3A_54, %sign3A_61 : i32
      %sign3A_63 = arith.extui %sign3A_62 : i1 to i32
      %sign3A_64 = arith.constant 0 : i32
      %sign3A_65 = arith.cmpi slt, %jit3A_54, %sign3A_64 : i32
      %sign3A_66 = arith.extui %sign3A_65 : i1 to i32
      %sign3A_67 = arith.subi %sign3A_63, %sign3A_66 : i32
      %ne3A = arith.cmpi ne, %sign3A_60, %sign3A_67 : i32
      %rem3A = arith.remsi %add3A_53, %jit3A_54 : i32
      %ne3A_68 = arith.constant 0 : i32
      %ne3A_69 = arith.cmpi ne, %rem3A, %ne3A_68 : i32
      %and3A = arith.andi %ne3A, %ne3A_69 : i1
      %sub3A_70 = arith.constant 1 : i32
      %sub3A_71 = arith.subi %div3A, %sub3A_70 : i32
      %select_n3A_72 = arith.select %and3A, %sub3A_71, %div3A : i32
      %multiple_of3A_73 = tpu.assume_multiple %select_n3A_72, 32 : i32
      %add3A_74 = arith.constant 0 : i32
      %add3A_75 = arith.addi %add3A_74, %multiple_of3A_50 : i32
      %multiple_of3A_76 = tpu.assume_multiple %add3A_75, 4000 : i32
      %dma_start3A = arith.constant 0 : i32
      %dma_start3A_77 = tpu.memref_slice %arg6[%dma_start3A] : memref<12000xf32, #tpu.memory_space<vmem>> -> memref<4000xf32, #tpu.memory_space<vmem>>
      %dma_start3A_78 = tpu.memref_slice %arg2[%multiple_of3A_76] : memref<1500000xf32, #tpu.memory_space<hbm>> -> memref<4000xf32, #tpu.memory_space<hbm>>
      %dma_start3A_79 = arith.constant 0 : i32
      %dma_start3A_80 = tpu.memref_slice %arg6[%dma_start3A_79] : memref<12000xf32, #tpu.memory_space<vmem>> -> memref<4000xf32, #tpu.memory_space<vmem>>
      %dma_start3A_81 = tpu.memref_slice %arg2[%multiple_of3A_76] : memref<1500000xf32, #tpu.memory_space<hbm>> -> memref<4000xf32, #tpu.memory_space<hbm>>
      tpu.enqueue_dma source(%dma_start3A_81 : memref<4000xf32, #tpu.memory_space<hbm>>) target(%dma_start3A_80 : memref<4000xf32, #tpu.memory_space<vmem>>) target_semaphore(%arg11 : memref<!tpu.dma_semaphore, #tpu.memory_space<semaphore_mem>>)
      %dma_start3A_82 = arith.constant 0 : i32
      %dma_start3A_83 = tpu.memref_slice %arg7[%dma_start3A_82] : memref<12000xf32, #tpu.memory_space<vmem>> -> memref<4000xf32, #tpu.memory_space<vmem>>
      %dma_start3A_84 = tpu.memref_slice %arg3[%multiple_of3A_76] : memref<1500000xf32, #tpu.memory_space<hbm>> -> memref<4000xf32, #tpu.memory_space<hbm>>
      %dma_start3A_85 = arith.constant 0 : i32
      %dma_start3A_86 = tpu.memref_slice %arg7[%dma_start3A_85] : memref<12000xf32, #tpu.memory_space<vmem>> -> memref<4000xf32, #tpu.memory_space<vmem>>
      %dma_start3A_87 = tpu.memref_slice %arg3[%multiple_of3A_76] : memref<1500000xf32, #tpu.memory_space<hbm>> -> memref<4000xf32, #tpu.memory_space<hbm>>
      tpu.enqueue_dma source(%dma_start3A_87 : memref<4000xf32, #tpu.memory_space<hbm>>) target(%dma_start3A_86 : memref<4000xf32, #tpu.memory_space<vmem>>) target_semaphore(%arg11 : memref<!tpu.dma_semaphore, #tpu.memory_space<semaphore_mem>>)
      %add3A_88 = arith.constant 500000 : i32
      %add3A_89 = arith.addi %add3A_88, %multiple_of3A_50 : i32
      %multiple_of3A_90 = tpu.assume_multiple %add3A_89, 4000 : i32
      %dma_start3A_91 = arith.constant 4000 : i32
      %dma_start3A_92 = tpu.memref_slice %arg6[%dma_start3A_91] : memref<12000xf32, #tpu.memory_space<vmem>> -> memref<4000xf32, #tpu.memory_space<vmem>>
      %dma_start3A_93 = tpu.memref_slice %arg2[%multiple_of3A_90] : memref<1500000xf32, #tpu.memory_space<hbm>> -> memref<4000xf32, #tpu.memory_space<hbm>>
      %dma_start3A_94 = arith.constant 4000 : i32
      %dma_start3A_95 = tpu.memref_slice %arg6[%dma_start3A_94] : memref<12000xf32, #tpu.memory_space<vmem>> -> memref<4000xf32, #tpu.memory_space<vmem>>
      %dma_start3A_96 = tpu.memref_slice %arg2[%multiple_of3A_90] : memref<1500000xf32, #tpu.memory_space<hbm>> -> memref<4000xf32, #tpu.memory_space<hbm>>
      tpu.enqueue_dma source(%dma_start3A_96 : memref<4000xf32, #tpu.memory_space<hbm>>) target(%dma_start3A_95 : memref<4000xf32, #tpu.memory_space<vmem>>) target_semaphore(%arg11 : memref<!tpu.dma_semaphore, #tpu.memory_space<semaphore_mem>>)
      %dma_start3A_97 = arith.constant 4000 : i32
      %dma_start3A_98 = tpu.memref_slice %arg7[%dma_start3A_97] : memref<12000xf32, #tpu.memory_space<vmem>> -> memref<4000xf32, #tpu.memory_space<vmem>>
      %dma_start3A_99 = tpu.memref_slice %arg3[%multiple_of3A_90] : memref<1500000xf32, #tpu.memory_space<hbm>> -> memref<4000xf32, #tpu.memory_space<hbm>>
      %dma_start3A_100 = arith.constant 4000 : i32
      %dma_start3A_101 = tpu.memref_slice %arg7[%dma_start3A_100] : memref<12000xf32, #tpu.memory_space<vmem>> -> memref<4000xf32, #tpu.memory_space<vmem>>
      %dma_start3A_102 = tpu.memref_slice %arg3[%multiple_of3A_90] : memref<1500000xf32, #tpu.memory_space<hbm>> -> memref<4000xf32, #tpu.memory_space<hbm>>
      tpu.enqueue_dma source(%dma_start3A_102 : memref<4000xf32, #tpu.memory_space<hbm>>) target(%dma_start3A_101 : memref<4000xf32, #tpu.memory_space<vmem>>) target_semaphore(%arg11 : memref<!tpu.dma_semaphore, #tpu.memory_space<semaphore_mem>>)
      %add3A_103 = arith.constant 1000000 : i32
      %add3A_104 = arith.addi %add3A_103, %multiple_of3A_50 : i32
      %multiple_of3A_105 = tpu.assume_multiple %add3A_104, 4000 : i32
      %dma_start3A_106 = arith.constant 8000 : i32
      %dma_start3A_107 = tpu.memref_slice %arg6[%dma_start3A_106] : memref<12000xf32, #tpu.memory_space<vmem>> -> memref<4000xf32, #tpu.memory_space<vmem>>
      %dma_start3A_108 = tpu.memref_slice %arg2[%multiple_of3A_105] : memref<1500000xf32, #tpu.memory_space<hbm>> -> memref<4000xf32, #tpu.memory_space<hbm>>
      %dma_start3A_109 = arith.constant 8000 : i32
      %dma_start3A_110 = tpu.memref_slice %arg6[%dma_start3A_109] : memref<12000xf32, #tpu.memory_space<vmem>> -> memref<4000xf32, #tpu.memory_space<vmem>>
      %dma_start3A_111 = tpu.memref_slice %arg2[%multiple_of3A_105] : memref<1500000xf32, #tpu.memory_space<hbm>> -> memref<4000xf32, #tpu.memory_space<hbm>>
      tpu.enqueue_dma source(%dma_start3A_111 : memref<4000xf32, #tpu.memory_space<hbm>>) target(%dma_start3A_110 : memref<4000xf32, #tpu.memory_space<vmem>>) target_semaphore(%arg11 : memref<!tpu.dma_semaphore, #tpu.memory_space<semaphore_mem>>)
      %dma_start3A_112 = arith.constant 8000 : i32
      %dma_start3A_113 = tpu.memref_slice %arg7[%dma_start3A_112] : memref<12000xf32, #tpu.memory_space<vmem>> -> memref<4000xf32, #tpu.memory_space<vmem>>
      %dma_start3A_114 = tpu.memref_slice %arg3[%multiple_of3A_105] : memref<1500000xf32, #tpu.memory_space<hbm>> -> memref<4000xf32, #tpu.memory_space<hbm>>
      %dma_start3A_115 = arith.constant 8000 : i32
      %dma_start3A_116 = tpu.memref_slice %arg7[%dma_start3A_115] : memref<12000xf32, #tpu.memory_space<vmem>> -> memref<4000xf32, #tpu.memory_space<vmem>>
      %dma_start3A_117 = tpu.memref_slice %arg3[%multiple_of3A_105] : memref<1500000xf32, #tpu.memory_space<hbm>> -> memref<4000xf32, #tpu.memory_space<hbm>>
      tpu.enqueue_dma source(%dma_start3A_117 : memref<4000xf32, #tpu.memory_space<hbm>>) target(%dma_start3A_116 : memref<4000xf32, #tpu.memory_space<vmem>>) target_semaphore(%arg11 : memref<!tpu.dma_semaphore, #tpu.memory_space<semaphore_mem>>)
      %dma_start3A_118 = arith.constant 0 : i32
      %dma_start3A_119 = tpu.memref_slice %arg4[%multiple_of3A_73, %dma_start3A_118] : memref<4000x125xi32, #tpu.memory_space<hbm>> -> memref<32x125xi32, #tpu.memory_space<hbm>>
      %dma_start3A_120 = arith.constant 0 : i32
      %dma_start3A_121 = tpu.memref_slice %arg4[%multiple_of3A_73, %dma_start3A_120] : memref<4000x125xi32, #tpu.memory_space<hbm>> -> memref<32x125xi32, #tpu.memory_space<hbm>>
      tpu.enqueue_dma source(%dma_start3A_121 : memref<32x125xi32, #tpu.memory_space<hbm>>) target(%arg8 : memref<32x125xi32, #tpu.memory_space<vmem>>) target_semaphore(%arg11 : memref<!tpu.dma_semaphore, #tpu.memory_space<semaphore_mem>>)
      %dma_wait3A = arith.constant 0 : i32
      %dma_wait3A_122 = tpu.memref_slice %arg6[%dma_wait3A] : memref<12000xf32, #tpu.memory_space<vmem>> -> memref<4000xf32, #tpu.memory_space<vmem>>
      %dma_wait3A_123 = tpu.memref_slice %arg2[%multiple_of3A_76] : memref<1500000xf32, #tpu.memory_space<hbm>> -> memref<4000xf32, #tpu.memory_space<hbm>>
      %dma_wait3A_124 = arith.constant 0 : i32
      %dma_wait3A_125 = tpu.memref_slice %arg6[%dma_wait3A_124] : memref<12000xf32, #tpu.memory_space<vmem>> -> memref<4000xf32, #tpu.memory_space<vmem>>
      %dma_wait3A_126 = tpu.memref_slice %arg2[%multiple_of3A_76] : memref<1500000xf32, #tpu.memory_space<hbm>> -> memref<4000xf32, #tpu.memory_space<hbm>>
      tpu.wait_dma2 semaphore(%arg11 : memref<!tpu.dma_semaphore, #tpu.memory_space<semaphore_mem>>) src(%dma_wait3A_126 : memref<4000xf32, #tpu.memory_space<hbm>>) dst(%dma_wait3A_125 : memref<4000xf32, #tpu.memory_space<vmem>>)
      %dma_wait3A_127 = arith.constant 0 : i32
      %dma_wait3A_128 = tpu.memref_slice %arg7[%dma_wait3A_127] : memref<12000xf32, #tpu.memory_space<vmem>> -> memref<4000xf32, #tpu.memory_space<vmem>>
      %dma_wait3A_129 = tpu.memref_slice %arg3[%multiple_of3A_76] : memref<1500000xf32, #tpu.memory_space<hbm>> -> memref<4000xf32, #tpu.memory_space<hbm>>
      %dma_wait3A_130 = arith.constant 0 : i32
      %dma_wait3A_131 = tpu.memref_slice %arg7[%dma_wait3A_130] : memref<12000xf32, #tpu.memory_space<vmem>> -> memref<4000xf32, #tpu.memory_space<vmem>>
      %dma_wait3A_132 = tpu.memref_slice %arg3[%multiple_of3A_76] : memref<1500000xf32, #tpu.memory_space<hbm>> -> memref<4000xf32, #tpu.memory_space<hbm>>
      tpu.wait_dma2 semaphore(%arg11 : memref<!tpu.dma_semaphore, #tpu.memory_space<semaphore_mem>>) src(%dma_wait3A_132 : memref<4000xf32, #tpu.memory_space<hbm>>) dst(%dma_wait3A_131 : memref<4000xf32, #tpu.memory_space<vmem>>)
      %dma_wait3A_133 = arith.constant 4000 : i32
      %dma_wait3A_134 = tpu.memref_slice %arg6[%dma_wait3A_133] : memref<12000xf32, #tpu.memory_space<vmem>> -> memref<4000xf32, #tpu.memory_space<vmem>>
      %dma_wait3A_135 = tpu.memref_slice %arg2[%multiple_of3A_90] : memref<1500000xf32, #tpu.memory_space<hbm>> -> memref<4000xf32, #tpu.memory_space<hbm>>
      %dma_wait3A_136 = arith.constant 4000 : i32
      %dma_wait3A_137 = tpu.memref_slice %arg6[%dma_wait3A_136] : memref<12000xf32, #tpu.memory_space<vmem>> -> memref<4000xf32, #tpu.memory_space<vmem>>
      %dma_wait3A_138 = tpu.memref_slice %arg2[%multiple_of3A_90] : memref<1500000xf32, #tpu.memory_space<hbm>> -> memref<4000xf32, #tpu.memory_space<hbm>>
      tpu.wait_dma2 semaphore(%arg11 : memref<!tpu.dma_semaphore, #tpu.memory_space<semaphore_mem>>) src(%dma_wait3A_138 : memref<4000xf32, #tpu.memory_space<hbm>>) dst(%dma_wait3A_137 : memref<4000xf32, #tpu.memory_space<vmem>>)
      %dma_wait3A_139 = arith.constant 4000 : i32
      %dma_wait3A_140 = tpu.memref_slice %arg7[%dma_wait3A_139] : memref<12000xf32, #tpu.memory_space<vmem>> -> memref<4000xf32, #tpu.memory_space<vmem>>
      %dma_wait3A_141 = tpu.memref_slice %arg3[%multiple_of3A_90] : memref<1500000xf32, #tpu.memory_space<hbm>> -> memref<4000xf32, #tpu.memory_space<hbm>>
      %dma_wait3A_142 = arith.constant 4000 : i32
      %dma_wait3A_143 = tpu.memref_slice %arg7[%dma_wait3A_142] : memref<12000xf32, #tpu.memory_space<vmem>> -> memref<4000xf32, #tpu.memory_space<vmem>>
      %dma_wait3A_144 = tpu.memref_slice %arg3[%multiple_of3A_90] : memref<1500000xf32, #tpu.memory_space<hbm>> -> memref<4000xf32, #tpu.memory_space<hbm>>
      tpu.wait_dma2 semaphore(%arg11 : memref<!tpu.dma_semaphore, #tpu.memory_space<semaphore_mem>>) src(%dma_wait3A_144 : memref<4000xf32, #tpu.memory_space<hbm>>) dst(%dma_wait3A_143 : memref<4000xf32, #tpu.memory_space<vmem>>)
      %dma_wait3A_145 = arith.constant 8000 : i32
      %dma_wait3A_146 = tpu.memref_slice %arg6[%dma_wait3A_145] : memref<12000xf32, #tpu.memory_space<vmem>> -> memref<4000xf32, #tpu.memory_space<vmem>>
      %dma_wait3A_147 = tpu.memref_slice %arg2[%multiple_of3A_105] : memref<1500000xf32, #tpu.memory_space<hbm>> -> memref<4000xf32, #tpu.memory_space<hbm>>
      %dma_wait3A_148 = arith.constant 8000 : i32
      %dma_wait3A_149 = tpu.memref_slice %arg6[%dma_wait3A_148] : memref<12000xf32, #tpu.memory_space<vmem>> -> memref<4000xf32, #tpu.memory_space<vmem>>
      %dma_wait3A_150 = tpu.memref_slice %arg2[%multiple_of3A_105] : memref<1500000xf32, #tpu.memory_space<hbm>> -> memref<4000xf32, #tpu.memory_space<hbm>>
      tpu.wait_dma2 semaphore(%arg11 : memref<!tpu.dma_semaphore, #tpu.memory_space<semaphore_mem>>) src(%dma_wait3A_150 : memref<4000xf32, #tpu.memory_space<hbm>>) dst(%dma_wait3A_149 : memref<4000xf32, #tpu.memory_space<vmem>>)
      %dma_wait3A_151 = arith.constant 8000 : i32
      %dma_wait3A_152 = tpu.memref_slice %arg7[%dma_wait3A_151] : memref<12000xf32, #tpu.memory_space<vmem>> -> memref<4000xf32, #tpu.memory_space<vmem>>
      %dma_wait3A_153 = tpu.memref_slice %arg3[%multiple_of3A_105] : memref<1500000xf32, #tpu.memory_space<hbm>> -> memref<4000xf32, #tpu.memory_space<hbm>>
      %dma_wait3A_154 = arith.constant 8000 : i32
      %dma_wait3A_155 = tpu.memref_slice %arg7[%dma_wait3A_154] : memref<12000xf32, #tpu.memory_space<vmem>> -> memref<4000xf32, #tpu.memory_space<vmem>>
      %dma_wait3A_156 = tpu.memref_slice %arg3[%multiple_of3A_105] : memref<1500000xf32, #tpu.memory_space<hbm>> -> memref<4000xf32, #tpu.memory_space<hbm>>
      tpu.wait_dma2 semaphore(%arg11 : memref<!tpu.dma_semaphore, #tpu.memory_space<semaphore_mem>>) src(%dma_wait3A_156 : memref<4000xf32, #tpu.memory_space<hbm>>) dst(%dma_wait3A_155 : memref<4000xf32, #tpu.memory_space<vmem>>)
      %dma_wait3A_157 = arith.constant 0 : i32
      %dma_wait3A_158 = tpu.memref_slice %arg4[%multiple_of3A_73, %dma_wait3A_157] : memref<4000x125xi32, #tpu.memory_space<hbm>> -> memref<32x125xi32, #tpu.memory_space<hbm>>
      %dma_wait3A_159 = arith.constant 0 : i32
      %dma_wait3A_160 = tpu.memref_slice %arg4[%multiple_of3A_73, %dma_wait3A_159] : memref<4000x125xi32, #tpu.memory_space<hbm>> -> memref<32x125xi32, #tpu.memory_space<hbm>>
      tpu.wait_dma2 semaphore(%arg11 : memref<!tpu.dma_semaphore, #tpu.memory_space<semaphore_mem>>) src(%dma_wait3A_160 : memref<32x125xi32, #tpu.memory_space<hbm>>) dst(%arg8 : memref<32x125xi32, #tpu.memory_space<vmem>>)
      %parallel_loop3A = arith.constant 0 : i32
      %parallel_loop3A_161 = arith.constant 125 : i32
      %parallel_loop3A_162 = arith.constant 1 : i32
      scf.for %parallel_loop3A_807 = %parallel_loop3A to %parallel_loop3A_161 step %parallel_loop3A_162  : i32 {
        %parallel_loop3A_808 = arith.constant 16 : i32
        %parallel_loop3A_809 = arith.muli %parallel_loop3A_807, %parallel_loop3A_808 : i32
        %parallel_loop3A_810 = vector.broadcast %parallel_loop3A_809 : i32 to vector<16xi32>
        %parallel_loop3A_811 = arith.addi %parallel_loop3A_810, %iota3A : vector<16xi32>
        %parallel_loop3A_812 = arith.index_cast %parallel_loop3A_809 : i32 to index
        %parallel_loop3A_813 = tpu.vector_load %arg6[%parallel_loop3A_812] {strides = array<i32>} : memref<12000xf32, #tpu.memory_space<vmem>>, vector<16xf32>,
        %parallel_loop3A_814 = arith.constant 4000 : i32
        %parallel_loop3A_815 = arith.addi %parallel_loop3A_814, %parallel_loop3A_809 : i32
        %parallel_loop3A_816 = arith.index_cast %parallel_loop3A_815 : i32 to index
        %parallel_loop3A_817 = tpu.vector_load %arg6[%parallel_loop3A_816] {strides = array<i32>} : memref<12000xf32, #tpu.memory_space<vmem>>, vector<16xf32>,
        %parallel_loop3A_818 = arith.constant 8000 : i32
        %parallel_loop3A_819 = arith.addi %parallel_loop3A_818, %parallel_loop3A_809 : i32
        %parallel_loop3A_820 = arith.index_cast %parallel_loop3A_819 : i32 to index
        %parallel_loop3A_821 = tpu.vector_load %arg6[%parallel_loop3A_820] {strides = array<i32>} : memref<12000xf32, #tpu.memory_space<vmem>>, vector<16xf32>,
        %parallel_loop3A_822 = arith.index_cast %parallel_loop3A_809 : i32 to index
        %parallel_loop3A_823 = tpu.vector_load %arg7[%parallel_loop3A_822] {strides = array<i32>} : memref<12000xf32, #tpu.memory_space<vmem>>, vector<16xf32>,
        %parallel_loop3A_824 = arith.constant 4000 : i32
        %parallel_loop3A_825 = arith.addi %parallel_loop3A_824, %parallel_loop3A_809 : i32
        %parallel_loop3A_826 = arith.index_cast %parallel_loop3A_825 : i32 to index
        %parallel_loop3A_827 = tpu.vector_load %arg7[%parallel_loop3A_826] {strides = array<i32>} : memref<12000xf32, #tpu.memory_space<vmem>>, vector<16xf32>,
        %parallel_loop3A_828 = arith.constant 8000 : i32
        %parallel_loop3A_829 = arith.addi %parallel_loop3A_828, %parallel_loop3A_809 : i32
        %parallel_loop3A_830 = arith.index_cast %parallel_loop3A_829 : i32 to index
        %parallel_loop3A_831 = tpu.vector_load %arg7[%parallel_loop3A_830] {strides = array<i32>} : memref<12000xf32, #tpu.memory_space<vmem>>, vector<16xf32>,
        %parallel_loop3A_832 = arith.mulf %parallel_loop3A_827, %parallel_loop3A_821 : vector<16xf32>
        %parallel_loop3A_833 = arith.mulf %parallel_loop3A_831, %parallel_loop3A_817 : vector<16xf32>
        %parallel_loop3A_834 = arith.subf %parallel_loop3A_832, %parallel_loop3A_833 : vector<16xf32>
        %parallel_loop3A_835 = arith.mulf %parallel_loop3A_831, %parallel_loop3A_813 : vector<16xf32>
        %parallel_loop3A_836 = arith.mulf %parallel_loop3A_823, %parallel_loop3A_821 : vector<16xf32>
        %parallel_loop3A_837 = arith.subf %parallel_loop3A_835, %parallel_loop3A_836 : vector<16xf32>
        %parallel_loop3A_838 = arith.mulf %parallel_loop3A_823, %parallel_loop3A_817 : vector<16xf32>
        %parallel_loop3A_839 = arith.mulf %parallel_loop3A_827, %parallel_loop3A_813 : vector<16xf32>
        %parallel_loop3A_840 = arith.subf %parallel_loop3A_838, %parallel_loop3A_839 : vector<16xf32>
        %parallel_loop3A_841 = arith.mulf %parallel_loop3A_823, %parallel_loop3A_823 : vector<16xf32>
        %parallel_loop3A_842 = arith.mulf %parallel_loop3A_827, %parallel_loop3A_827 : vector<16xf32>
        %parallel_loop3A_843 = arith.mulf %parallel_loop3A_831, %parallel_loop3A_831 : vector<16xf32>
        %parallel_loop3A_844 = arith.mulf %parallel_loop3A_823, %parallel_loop3A_827 : vector<16xf32>
        %parallel_loop3A_845 = arith.mulf %parallel_loop3A_823, %parallel_loop3A_831 : vector<16xf32>
        %parallel_loop3A_846 = arith.mulf %parallel_loop3A_827, %parallel_loop3A_831 : vector<16xf32>
        %parallel_loop3A_847 = arith.constant 1 : i32
        %parallel_loop3A_848 = vector.broadcast %parallel_loop3A_847 : i32 to vector<16xi32>
        %parallel_loop3A_849 = arith.addi %broadcast_in_dim3A_1, %parallel_loop3A_848 : vector<16xi32>
        tpu.vector_store_idx %arg9[%parallel_loop3A_811, %parallel_loop3A_849], %parallel_loop3A_813 : memref<4000x16xf32, #tpu.memory_space<vmem>>[vector<16xi32>, vector<16xi32>], vector<16xf32>,
        %parallel_loop3A_850 = arith.constant 2 : i32
        %parallel_loop3A_851 = vector.broadcast %parallel_loop3A_850 : i32 to vector<16xi32>
        %parallel_loop3A_852 = arith.addi %broadcast_in_dim3A_1, %parallel_loop3A_851 : vector<16xi32>
        tpu.vector_store_idx %arg9[%parallel_loop3A_811, %parallel_loop3A_852], %parallel_loop3A_817 : memref<4000x16xf32, #tpu.memory_space<vmem>>[vector<16xi32>, vector<16xi32>], vector<16xf32>,
        %parallel_loop3A_853 = arith.constant 3 : i32
        %parallel_loop3A_854 = vector.broadcast %parallel_loop3A_853 : i32 to vector<16xi32>
        %parallel_loop3A_855 = arith.addi %broadcast_in_dim3A_1, %parallel_loop3A_854 : vector<16xi32>
        tpu.vector_store_idx %arg9[%parallel_loop3A_811, %parallel_loop3A_855], %parallel_loop3A_821 : memref<4000x16xf32, #tpu.memory_space<vmem>>[vector<16xi32>, vector<16xi32>], vector<16xf32>,
        %parallel_loop3A_856 = arith.constant 4 : i32
        %parallel_loop3A_857 = vector.broadcast %parallel_loop3A_856 : i32 to vector<16xi32>
        %parallel_loop3A_858 = arith.addi %broadcast_in_dim3A_1, %parallel_loop3A_857 : vector<16xi32>
        tpu.vector_store_idx %arg9[%parallel_loop3A_811, %parallel_loop3A_858], %parallel_loop3A_823 : memref<4000x16xf32, #tpu.memory_space<vmem>>[vector<16xi32>, vector<16xi32>], vector<16xf32>,
        %parallel_loop3A_859 = arith.constant 5 : i32
        %parallel_loop3A_860 = vector.broadcast %parallel_loop3A_859 : i32 to vector<16xi32>
        %parallel_loop3A_861 = arith.addi %broadcast_in_dim3A_1, %parallel_loop3A_860 : vector<16xi32>
        tpu.vector_store_idx %arg9[%parallel_loop3A_811, %parallel_loop3A_861], %parallel_loop3A_827 : memref<4000x16xf32, #tpu.memory_space<vmem>>[vector<16xi32>, vector<16xi32>], vector<16xf32>,
        %parallel_loop3A_862 = arith.constant 6 : i32
        %parallel_loop3A_863 = vector.broadcast %parallel_loop3A_862 : i32 to vector<16xi32>
        %parallel_loop3A_864 = arith.addi %broadcast_in_dim3A_1, %parallel_loop3A_863 : vector<16xi32>
        tpu.vector_store_idx %arg9[%parallel_loop3A_811, %parallel_loop3A_864], %parallel_loop3A_831 : memref<4000x16xf32, #tpu.memory_space<vmem>>[vector<16xi32>, vector<16xi32>], vector<16xf32>,
        %parallel_loop3A_865 = arith.constant 7 : i32
        %parallel_loop3A_866 = vector.broadcast %parallel_loop3A_865 : i32 to vector<16xi32>
        %parallel_loop3A_867 = arith.addi %broadcast_in_dim3A_1, %parallel_loop3A_866 : vector<16xi32>
        tpu.vector_store_idx %arg9[%parallel_loop3A_811, %parallel_loop3A_867], %parallel_loop3A_834 : memref<4000x16xf32, #tpu.memory_space<vmem>>[vector<16xi32>, vector<16xi32>], vector<16xf32>,
        %parallel_loop3A_868 = arith.constant 8 : i32
        %parallel_loop3A_869 = vector.broadcast %parallel_loop3A_868 : i32 to vector<16xi32>
        %parallel_loop3A_870 = arith.addi %broadcast_in_dim3A_1, %parallel_loop3A_869 : vector<16xi32>
        tpu.vector_store_idx %arg9[%parallel_loop3A_811, %parallel_loop3A_870], %parallel_loop3A_837 : memref<4000x16xf32, #tpu.memory_space<vmem>>[vector<16xi32>, vector<16xi32>], vector<16xf32>,
        %parallel_loop3A_871 = arith.constant 9 : i32
        %parallel_loop3A_872 = vector.broadcast %parallel_loop3A_871 : i32 to vector<16xi32>
        %parallel_loop3A_873 = arith.addi %broadcast_in_dim3A_1, %parallel_loop3A_872 : vector<16xi32>
        tpu.vector_store_idx %arg9[%parallel_loop3A_811, %parallel_loop3A_873], %parallel_loop3A_840 : memref<4000x16xf32, #tpu.memory_space<vmem>>[vector<16xi32>, vector<16xi32>], vector<16xf32>,
        %parallel_loop3A_874 = arith.constant 10 : i32
        %parallel_loop3A_875 = vector.broadcast %parallel_loop3A_874 : i32 to vector<16xi32>
        %parallel_loop3A_876 = arith.addi %broadcast_in_dim3A_1, %parallel_loop3A_875 : vector<16xi32>
        tpu.vector_store_idx %arg9[%parallel_loop3A_811, %parallel_loop3A_876], %parallel_loop3A_841 : memref<4000x16xf32, #tpu.memory_space<vmem>>[vector<16xi32>, vector<16xi32>], vector<16xf32>,
        %parallel_loop3A_877 = arith.constant 11 : i32
        %parallel_loop3A_878 = vector.broadcast %parallel_loop3A_877 : i32 to vector<16xi32>
        %parallel_loop3A_879 = arith.addi %broadcast_in_dim3A_1, %parallel_loop3A_878 : vector<16xi32>
        tpu.vector_store_idx %arg9[%parallel_loop3A_811, %parallel_loop3A_879], %parallel_loop3A_842 : memref<4000x16xf32, #tpu.memory_space<vmem>>[vector<16xi32>, vector<16xi32>], vector<16xf32>,
        %parallel_loop3A_880 = arith.constant 12 : i32
        %parallel_loop3A_881 = vector.broadcast %parallel_loop3A_880 : i32 to vector<16xi32>
        %parallel_loop3A_882 = arith.addi %broadcast_in_dim3A_1, %parallel_loop3A_881 : vector<16xi32>
        tpu.vector_store_idx %arg9[%parallel_loop3A_811, %parallel_loop3A_882], %parallel_loop3A_843 : memref<4000x16xf32, #tpu.memory_space<vmem>>[vector<16xi32>, vector<16xi32>], vector<16xf32>,
        %parallel_loop3A_883 = arith.constant 13 : i32
        %parallel_loop3A_884 = vector.broadcast %parallel_loop3A_883 : i32 to vector<16xi32>
        %parallel_loop3A_885 = arith.addi %broadcast_in_dim3A_1, %parallel_loop3A_884 : vector<16xi32>
        tpu.vector_store_idx %arg9[%parallel_loop3A_811, %parallel_loop3A_885], %parallel_loop3A_844 : memref<4000x16xf32, #tpu.memory_space<vmem>>[vector<16xi32>, vector<16xi32>], vector<16xf32>,
        %parallel_loop3A_886 = arith.constant 14 : i32
        %parallel_loop3A_887 = vector.broadcast %parallel_loop3A_886 : i32 to vector<16xi32>
        %parallel_loop3A_888 = arith.addi %broadcast_in_dim3A_1, %parallel_loop3A_887 : vector<16xi32>
        tpu.vector_store_idx %arg9[%parallel_loop3A_811, %parallel_loop3A_888], %parallel_loop3A_845 : memref<4000x16xf32, #tpu.memory_space<vmem>>[vector<16xi32>, vector<16xi32>], vector<16xf32>,
        %parallel_loop3A_889 = arith.constant 15 : i32
        %parallel_loop3A_890 = vector.broadcast %parallel_loop3A_889 : i32 to vector<16xi32>
        %parallel_loop3A_891 = arith.addi %broadcast_in_dim3A_1, %parallel_loop3A_890 : vector<16xi32>
        tpu.vector_store_idx %arg9[%parallel_loop3A_811, %parallel_loop3A_891], %parallel_loop3A_846 : memref<4000x16xf32, #tpu.memory_space<vmem>>[vector<16xi32>, vector<16xi32>], vector<16xf32>,
      } {sc.loop_unroll_factor = 1 : i64, sc.parallel_access}
      %dma_start3A_163 = arith.constant 0 : i32
      %dma_start3A_164 = arith.constant 0 : i32
      %dma_start3A_165 = arith.constant 0 : i32
      %dma_start3A_166 = tpu.memref_slice %arg9[%dma_start3A_164, %dma_start3A_165] : memref<4000x16xf32, #tpu.memory_space<vmem>> -> memref<125x16xf32, #tpu.memory_space<vmem>>
      %dma_start3A_167 = arith.constant 0 : i32
      %dma_start3A_168 = tpu.memref_slice %arg8[%dma_start3A_163, %dma_start3A_167] : memref<32x125xi32, #tpu.memory_space<vmem>> -> memref<1x125xi32, #tpu.memory_space<vmem>>
      %dma_start3A_169 = tpu.memref_squeeze %dma_start3A_168 : memref<1x125xi32, #tpu.memory_space<vmem>> -> memref<125xi32, #tpu.memory_space<vmem>>
      %dma_start3A_170 = arith.constant 0 : i32
      %dma_start3A_171 = arith.constant 0 : i32
      %dma_start3A_172 = tpu.memref_slice %arg10[%dma_start3A_170, %dma_start3A_171] : memref<25088x16xf32, #tpu.memory_space<vmem_shared>> -> memref<25088x16xf32, #tpu.memory_space<vmem_shared>>
      tpu.enqueue_indirect_dma source(%dma_start3A_166 : memref<125x16xf32, #tpu.memory_space<vmem>>) target(%dma_start3A_172 : memref<25088x16xf32, #tpu.memory_space<vmem_shared>>) offsets(%dma_start3A_169 : memref<125xi32, #tpu.memory_space<vmem>>) semaphore(%arg12 : memref<!tpu.dma_semaphore, #tpu.memory_space<semaphore_mem>>) {add = true}
      %dma_start3A_173 = arith.constant 1 : i32
      %dma_start3A_174 = arith.constant 125 : i32
      %dma_start3A_175 = arith.constant 0 : i32
      %dma_start3A_176 = tpu.memref_slice %arg9[%dma_start3A_174, %dma_start3A_175] : memref<4000x16xf32, #tpu.memory_space<vmem>> -> memref<125x16xf32, #tpu.memory_space<vmem>>
      %dma_start3A_177 = arith.constant 0 : i32
      %dma_start3A_178 = tpu.memref_slice %arg8[%dma_start3A_173, %dma_start3A_177] : memref<32x125xi32, #tpu.memory_space<vmem>> -> memref<1x125xi32, #tpu.memory_space<vmem>>
      %dma_start3A_179 = tpu.memref_squeeze %dma_start3A_178 : memref<1x125xi32, #tpu.memory_space<vmem>> -> memref<125xi32, #tpu.memory_space<vmem>>
      %dma_start3A_180 = arith.constant 0 : i32
      %dma_start3A_181 = arith.constant 0 : i32
      %dma_start3A_182 = tpu.memref_slice %arg10[%dma_start3A_180, %dma_start3A_181] : memref<25088x16xf32, #tpu.memory_space<vmem_shared>> -> memref<25088x16xf32, #tpu.memory_space<vmem_shared>>
      tpu.enqueue_indirect_dma source(%dma_start3A_176 : memref<125x16xf32, #tpu.memory_space<vmem>>) target(%dma_start3A_182 : memref<25088x16xf32, #tpu.memory_space<vmem_shared>>) offsets(%dma_start3A_179 : memref<125xi32, #tpu.memory_space<vmem>>) semaphore(%arg12 : memref<!tpu.dma_semaphore, #tpu.memory_space<semaphore_mem>>) {add = true}
      %dma_start3A_183 = arith.constant 2 : i32
      %dma_start3A_184 = arith.constant 250 : i32
      %dma_start3A_185 = arith.constant 0 : i32
      %dma_start3A_186 = tpu.memref_slice %arg9[%dma_start3A_184, %dma_start3A_185] : memref<4000x16xf32, #tpu.memory_space<vmem>> -> memref<125x16xf32, #tpu.memory_space<vmem>>
      %dma_start3A_187 = arith.constant 0 : i32
      %dma_start3A_188 = tpu.memref_slice %arg8[%dma_start3A_183, %dma_start3A_187] : memref<32x125xi32, #tpu.memory_space<vmem>> -> memref<1x125xi32, #tpu.memory_space<vmem>>
      %dma_start3A_189 = tpu.memref_squeeze %dma_start3A_188 : memref<1x125xi32, #tpu.memory_space<vmem>> -> memref<125xi32, #tpu.memory_space<vmem>>
      %dma_start3A_190 = arith.constant 0 : i32
      %dma_start3A_191 = arith.constant 0 : i32
      %dma_start3A_192 = tpu.memref_slice %arg10[%dma_start3A_190, %dma_start3A_191] : memref<25088x16xf32, #tpu.memory_space<vmem_shared>> -> memref<25088x16xf32, #tpu.memory_space<vmem_shared>>
      tpu.enqueue_indirect_dma source(%dma_start3A_186 : memref<125x16xf32, #tpu.memory_space<vmem>>) target(%dma_start3A_192 : memref<25088x16xf32, #tpu.memory_space<vmem_shared>>) offsets(%dma_start3A_189 : memref<125xi32, #tpu.memory_space<vmem>>) semaphore(%arg12 : memref<!tpu.dma_semaphore, #tpu.memory_space<semaphore_mem>>) {add = true}
      %dma_start3A_193 = arith.constant 3 : i32
      %dma_start3A_194 = arith.constant 375 : i32
      %dma_start3A_195 = arith.constant 0 : i32
      %dma_start3A_196 = tpu.memref_slice %arg9[%dma_start3A_194, %dma_start3A_195] : memref<4000x16xf32, #tpu.memory_space<vmem>> -> memref<125x16xf32, #tpu.memory_space<vmem>>
      %dma_start3A_197 = arith.constant 0 : i32
      %dma_start3A_198 = tpu.memref_slice %arg8[%dma_start3A_193, %dma_start3A_197] : memref<32x125xi32, #tpu.memory_space<vmem>> -> memref<1x125xi32, #tpu.memory_space<vmem>>
      %dma_start3A_199 = tpu.memref_squeeze %dma_start3A_198 : memref<1x125xi32, #tpu.memory_space<vmem>> -> memref<125xi32, #tpu.memory_space<vmem>>
      %dma_start3A_200 = arith.constant 0 : i32
      %dma_start3A_201 = arith.constant 0 : i32
      %dma_start3A_202 = tpu.memref_slice %arg10[%dma_start3A_200, %dma_start3A_201] : memref<25088x16xf32, #tpu.memory_space<vmem_shared>> -> memref<25088x16xf32, #tpu.memory_space<vmem_shared>>
      tpu.enqueue_indirect_dma source(%dma_start3A_196 : memref<125x16xf32, #tpu.memory_space<vmem>>) target(%dma_start3A_202 : memref<25088x16xf32, #tpu.memory_space<vmem_shared>>) offsets(%dma_start3A_199 : memref<125xi32, #tpu.memory_space<vmem>>) semaphore(%arg12 : memref<!tpu.dma_semaphore, #tpu.memory_space<semaphore_mem>>) {add = true}
      %dma_start3A_203 = arith.constant 4 : i32
      %dma_start3A_204 = arith.constant 500 : i32
      %dma_start3A_205 = arith.constant 0 : i32
      %dma_start3A_206 = tpu.memref_slice %arg9[%dma_start3A_204, %dma_start3A_205] : memref<4000x16xf32, #tpu.memory_space<vmem>> -> memref<125x16xf32, #tpu.memory_space<vmem>>
      %dma_start3A_207 = arith.constant 0 : i32
      %dma_start3A_208 = tpu.memref_slice %arg8[%dma_start3A_203, %dma_start3A_207] : memref<32x125xi32, #tpu.memory_space<vmem>> -> memref<1x125xi32, #tpu.memory_space<vmem>>
      %dma_start3A_209 = tpu.memref_squeeze %dma_start3A_208 : memref<1x125xi32, #tpu.memory_space<vmem>> -> memref<125xi32, #tpu.memory_space<vmem>>
      %dma_start3A_210 = arith.constant 0 : i32
      %dma_start3A_211 = arith.constant 0 : i32
      %dma_start3A_212 = tpu.memref_slice %arg10[%dma_start3A_210, %dma_start3A_211] : memref<25088x16xf32, #tpu.memory_space<vmem_shared>> -> memref<25088x16xf32, #tpu.memory_space<vmem_shared>>
      tpu.enqueue_indirect_dma source(%dma_start3A_206 : memref<125x16xf32, #tpu.memory_space<vmem>>) target(%dma_start3A_212 : memref<25088x16xf32, #tpu.memory_space<vmem_shared>>) offsets(%dma_start3A_209 : memref<125xi32, #tpu.memory_space<vmem>>) semaphore(%arg12 : memref<!tpu.dma_semaphore, #tpu.memory_space<semaphore_mem>>) {add = true}
      %dma_start3A_213 = arith.constant 5 : i32
      %dma_start3A_214 = arith.constant 625 : i32
      %dma_start3A_215 = arith.constant 0 : i32
      %dma_start3A_216 = tpu.memref_slice %arg9[%dma_start3A_214, %dma_start3A_215] : memref<4000x16xf32, #tpu.memory_space<vmem>> -> memref<125x16xf32, #tpu.memory_space<vmem>>
      %dma_start3A_217 = arith.constant 0 : i32
      %dma_start3A_218 = tpu.memref_slice %arg8[%dma_start3A_213, %dma_start3A_217] : memref<32x125xi32, #tpu.memory_space<vmem>> -> memref<1x125xi32, #tpu.memory_space<vmem>>
      %dma_start3A_219 = tpu.memref_squeeze %dma_start3A_218 : memref<1x125xi32, #tpu.memory_space<vmem>> -> memref<125xi32, #tpu.memory_space<vmem>>
      %dma_start3A_220 = arith.constant 0 : i32
      %dma_start3A_221 = arith.constant 0 : i32
      %dma_start3A_222 = tpu.memref_slice %arg10[%dma_start3A_220, %dma_start3A_221] : memref<25088x16xf32, #tpu.memory_space<vmem_shared>> -> memref<25088x16xf32, #tpu.memory_space<vmem_shared>>
      tpu.enqueue_indirect_dma source(%dma_start3A_216 : memref<125x16xf32, #tpu.memory_space<vmem>>) target(%dma_start3A_222 : memref<25088x16xf32, #tpu.memory_space<vmem_shared>>) offsets(%dma_start3A_219 : memref<125xi32, #tpu.memory_space<vmem>>) semaphore(%arg12 : memref<!tpu.dma_semaphore, #tpu.memory_space<semaphore_mem>>) {add = true}
      %dma_start3A_223 = arith.constant 6 : i32
      %dma_start3A_224 = arith.constant 750 : i32
      %dma_start3A_225 = arith.constant 0 : i32
      %dma_start3A_226 = tpu.memref_slice %arg9[%dma_start3A_224, %dma_start3A_225] : memref<4000x16xf32, #tpu.memory_space<vmem>> -> memref<125x16xf32, #tpu.memory_space<vmem>>
      %dma_start3A_227 = arith.constant 0 : i32
      %dma_start3A_228 = tpu.memref_slice %arg8[%dma_start3A_223, %dma_start3A_227] : memref<32x125xi32, #tpu.memory_space<vmem>> -> memref<1x125xi32, #tpu.memory_space<vmem>>
      %dma_start3A_229 = tpu.memref_squeeze %dma_start3A_228 : memref<1x125xi32, #tpu.memory_space<vmem>> -> memref<125xi32, #tpu.memory_space<vmem>>
      %dma_start3A_230 = arith.constant 0 : i32
      %dma_start3A_231 = arith.constant 0 : i32
      %dma_start3A_232 = tpu.memref_slice %arg10[%dma_start3A_230, %dma_start3A_231] : memref<25088x16xf32, #tpu.memory_space<vmem_shared>> -> memref<25088x16xf32, #tpu.memory_space<vmem_shared>>
      tpu.enqueue_indirect_dma source(%dma_start3A_226 : memref<125x16xf32, #tpu.memory_space<vmem>>) target(%dma_start3A_232 : memref<25088x16xf32, #tpu.memory_space<vmem_shared>>) offsets(%dma_start3A_229 : memref<125xi32, #tpu.memory_space<vmem>>) semaphore(%arg12 : memref<!tpu.dma_semaphore, #tpu.memory_space<semaphore_mem>>) {add = true}
      %dma_start3A_233 = arith.constant 7 : i32
      %dma_start3A_234 = arith.constant 875 : i32
      %dma_start3A_235 = arith.constant 0 : i32
      %dma_start3A_236 = tpu.memref_slice %arg9[%dma_start3A_234, %dma_start3A_235] : memref<4000x16xf32, #tpu.memory_space<vmem>> -> memref<125x16xf32, #tpu.memory_space<vmem>>
      %dma_start3A_237 = arith.constant 0 : i32
      %dma_start3A_238 = tpu.memref_slice %arg8[%dma_start3A_233, %dma_start3A_237] : memref<32x125xi32, #tpu.memory_space<vmem>> -> memref<1x125xi32, #tpu.memory_space<vmem>>
      %dma_start3A_239 = tpu.memref_squeeze %dma_start3A_238 : memref<1x125xi32, #tpu.memory_space<vmem>> -> memref<125xi32, #tpu.memory_space<vmem>>
      %dma_start3A_240 = arith.constant 0 : i32
      %dma_start3A_241 = arith.constant 0 : i32
      %dma_start3A_242 = tpu.memref_slice %arg10[%dma_start3A_240, %dma_start3A_241] : memref<25088x16xf32, #tpu.memory_space<vmem_shared>> -> memref<25088x16xf32, #tpu.memory_space<vmem_shared>>
      tpu.enqueue_indirect_dma source(%dma_start3A_236 : memref<125x16xf32, #tpu.memory_space<vmem>>) target(%dma_start3A_242 : memref<25088x16xf32, #tpu.memory_space<vmem_shared>>) offsets(%dma_start3A_239 : memref<125xi32, #tpu.memory_space<vmem>>) semaphore(%arg12 : memref<!tpu.dma_semaphore, #tpu.memory_space<semaphore_mem>>) {add = true}
      %dma_start3A_243 = arith.constant 8 : i32
      %dma_start3A_244 = arith.constant 1000 : i32
      %dma_start3A_245 = arith.constant 0 : i32
      %dma_start3A_246 = tpu.memref_slice %arg9[%dma_start3A_244, %dma_start3A_245] : memref<4000x16xf32, #tpu.memory_space<vmem>> -> memref<125x16xf32, #tpu.memory_space<vmem>>
      %dma_start3A_247 = arith.constant 0 : i32
      %dma_start3A_248 = tpu.memref_slice %arg8[%dma_start3A_243, %dma_start3A_247] : memref<32x125xi32, #tpu.memory_space<vmem>> -> memref<1x125xi32, #tpu.memory_space<vmem>>
      %dma_start3A_249 = tpu.memref_squeeze %dma_start3A_248 : memref<1x125xi32, #tpu.memory_space<vmem>> -> memref<125xi32, #tpu.memory_space<vmem>>
      %dma_start3A_250 = arith.constant 0 : i32
      %dma_start3A_251 = arith.constant 0 : i32
      %dma_start3A_252 = tpu.memref_slice %arg10[%dma_start3A_250, %dma_start3A_251] : memref<25088x16xf32, #tpu.memory_space<vmem_shared>> -> memref<25088x16xf32, #tpu.memory_space<vmem_shared>>
      tpu.enqueue_indirect_dma source(%dma_start3A_246 : memref<125x16xf32, #tpu.memory_space<vmem>>) target(%dma_start3A_252 : memref<25088x16xf32, #tpu.memory_space<vmem_shared>>) offsets(%dma_start3A_249 : memref<125xi32, #tpu.memory_space<vmem>>) semaphore(%arg12 : memref<!tpu.dma_semaphore, #tpu.memory_space<semaphore_mem>>) {add = true}
      %dma_start3A_253 = arith.constant 9 : i32
      %dma_start3A_254 = arith.constant 1125 : i32
      %dma_start3A_255 = arith.constant 0 : i32
      %dma_start3A_256 = tpu.memref_slice %arg9[%dma_start3A_254, %dma_start3A_255] : memref<4000x16xf32, #tpu.memory_space<vmem>> -> memref<125x16xf32, #tpu.memory_space<vmem>>
      %dma_start3A_257 = arith.constant 0 : i32
      %dma_start3A_258 = tpu.memref_slice %arg8[%dma_start3A_253, %dma_start3A_257] : memref<32x125xi32, #tpu.memory_space<vmem>> -> memref<1x125xi32, #tpu.memory_space<vmem>>
      %dma_start3A_259 = tpu.memref_squeeze %dma_start3A_258 : memref<1x125xi32, #tpu.memory_space<vmem>> -> memref<125xi32, #tpu.memory_space<vmem>>
      %dma_start3A_260 = arith.constant 0 : i32
      %dma_start3A_261 = arith.constant 0 : i32
      %dma_start3A_262 = tpu.memref_slice %arg10[%dma_start3A_260, %dma_start3A_261] : memref<25088x16xf32, #tpu.memory_space<vmem_shared>> -> memref<25088x16xf32, #tpu.memory_space<vmem_shared>>
      tpu.enqueue_indirect_dma source(%dma_start3A_256 : memref<125x16xf32, #tpu.memory_space<vmem>>) target(%dma_start3A_262 : memref<25088x16xf32, #tpu.memory_space<vmem_shared>>) offsets(%dma_start3A_259 : memref<125xi32, #tpu.memory_space<vmem>>) semaphore(%arg12 : memref<!tpu.dma_semaphore, #tpu.memory_space<semaphore_mem>>) {add = true}
      %dma_start3A_263 = arith.constant 10 : i32
      %dma_start3A_264 = arith.constant 1250 : i32
      %dma_start3A_265 = arith.constant 0 : i32
      %dma_start3A_266 = tpu.memref_slice %arg9[%dma_start3A_264, %dma_start3A_265] : memref<4000x16xf32, #tpu.memory_space<vmem>> -> memref<125x16xf32, #tpu.memory_space<vmem>>
      %dma_start3A_267 = arith.constant 0 : i32
      %dma_start3A_268 = tpu.memref_slice %arg8[%dma_start3A_263, %dma_start3A_267] : memref<32x125xi32, #tpu.memory_space<vmem>> -> memref<1x125xi32, #tpu.memory_space<vmem>>
      %dma_start3A_269 = tpu.memref_squeeze %dma_start3A_268 : memref<1x125xi32, #tpu.memory_space<vmem>> -> memref<125xi32, #tpu.memory_space<vmem>>
      %dma_start3A_270 = arith.constant 0 : i32
      %dma_start3A_271 = arith.constant 0 : i32
      %dma_start3A_272 = tpu.memref_slice %arg10[%dma_start3A_270, %dma_start3A_271] : memref<25088x16xf32, #tpu.memory_space<vmem_shared>> -> memref<25088x16xf32, #tpu.memory_space<vmem_shared>>
      tpu.enqueue_indirect_dma source(%dma_start3A_266 : memref<125x16xf32, #tpu.memory_space<vmem>>) target(%dma_start3A_272 : memref<25088x16xf32, #tpu.memory_space<vmem_shared>>) offsets(%dma_start3A_269 : memref<125xi32, #tpu.memory_space<vmem>>) semaphore(%arg12 : memref<!tpu.dma_semaphore, #tpu.memory_space<semaphore_mem>>) {add = true}
      %dma_start3A_273 = arith.constant 11 : i32
      %dma_start3A_274 = arith.constant 1375 : i32
      %dma_start3A_275 = arith.constant 0 : i32
      %dma_start3A_276 = tpu.memref_slice %arg9[%dma_start3A_274, %dma_start3A_275] : memref<4000x16xf32, #tpu.memory_space<vmem>> -> memref<125x16xf32, #tpu.memory_space<vmem>>
      %dma_start3A_277 = arith.constant 0 : i32
      %dma_start3A_278 = tpu.memref_slice %arg8[%dma_start3A_273, %dma_start3A_277] : memref<32x125xi32, #tpu.memory_space<vmem>> -> memref<1x125xi32, #tpu.memory_space<vmem>>
      %dma_start3A_279 = tpu.memref_squeeze %dma_start3A_278 : memref<1x125xi32, #tpu.memory_space<vmem>> -> memref<125xi32, #tpu.memory_space<vmem>>
      %dma_start3A_280 = arith.constant 0 : i32
      %dma_start3A_281 = arith.constant 0 : i32
      %dma_start3A_282 = tpu.memref_slice %arg10[%dma_start3A_280, %dma_start3A_281] : memref<25088x16xf32, #tpu.memory_space<vmem_shared>> -> memref<25088x16xf32, #tpu.memory_space<vmem_shared>>
      tpu.enqueue_indirect_dma source(%dma_start3A_276 : memref<125x16xf32, #tpu.memory_space<vmem>>) target(%dma_start3A_282 : memref<25088x16xf32, #tpu.memory_space<vmem_shared>>) offsets(%dma_start3A_279 : memref<125xi32, #tpu.memory_space<vmem>>) semaphore(%arg12 : memref<!tpu.dma_semaphore, #tpu.memory_space<semaphore_mem>>) {add = true}
      %dma_start3A_283 = arith.constant 12 : i32
      %dma_start3A_284 = arith.constant 1500 : i32
      %dma_start3A_285 = arith.constant 0 : i32
      %dma_start3A_286 = tpu.memref_slice %arg9[%dma_start3A_284, %dma_start3A_285] : memref<4000x16xf32, #tpu.memory_space<vmem>> -> memref<125x16xf32, #tpu.memory_space<vmem>>
      %dma_start3A_287 = arith.constant 0 : i32
      %dma_start3A_288 = tpu.memref_slice %arg8[%dma_start3A_283, %dma_start3A_287] : memref<32x125xi32, #tpu.memory_space<vmem>> -> memref<1x125xi32, #tpu.memory_space<vmem>>
      %dma_start3A_289 = tpu.memref_squeeze %dma_start3A_288 : memref<1x125xi32, #tpu.memory_space<vmem>> -> memref<125xi32, #tpu.memory_space<vmem>>
      %dma_start3A_290 = arith.constant 0 : i32
      %dma_start3A_291 = arith.constant 0 : i32
      %dma_start3A_292 = tpu.memref_slice %arg10[%dma_start3A_290, %dma_start3A_291] : memref<25088x16xf32, #tpu.memory_space<vmem_shared>> -> memref<25088x16xf32, #tpu.memory_space<vmem_shared>>
      tpu.enqueue_indirect_dma source(%dma_start3A_286 : memref<125x16xf32, #tpu.memory_space<vmem>>) target(%dma_start3A_292 : memref<25088x16xf32, #tpu.memory_space<vmem_shared>>) offsets(%dma_start3A_289 : memref<125xi32, #tpu.memory_space<vmem>>) semaphore(%arg12 : memref<!tpu.dma_semaphore, #tpu.memory_space<semaphore_mem>>) {add = true}
      %dma_start3A_293 = arith.constant 13 : i32
      %dma_start3A_294 = arith.constant 1625 : i32
      %dma_start3A_295 = arith.constant 0 : i32
      %dma_start3A_296 = tpu.memref_slice %arg9[%dma_start3A_294, %dma_start3A_295] : memref<4000x16xf32, #tpu.memory_space<vmem>> -> memref<125x16xf32, #tpu.memory_space<vmem>>
      %dma_start3A_297 = arith.constant 0 : i32
      %dma_start3A_298 = tpu.memref_slice %arg8[%dma_start3A_293, %dma_start3A_297] : memref<32x125xi32, #tpu.memory_space<vmem>> -> memref<1x125xi32, #tpu.memory_space<vmem>>
      %dma_start3A_299 = tpu.memref_squeeze %dma_start3A_298 : memref<1x125xi32, #tpu.memory_space<vmem>> -> memref<125xi32, #tpu.memory_space<vmem>>
      %dma_start3A_300 = arith.constant 0 : i32
      %dma_start3A_301 = arith.constant 0 : i32
      %dma_start3A_302 = tpu.memref_slice %arg10[%dma_start3A_300, %dma_start3A_301] : memref<25088x16xf32, #tpu.memory_space<vmem_shared>> -> memref<25088x16xf32, #tpu.memory_space<vmem_shared>>
      tpu.enqueue_indirect_dma source(%dma_start3A_296 : memref<125x16xf32, #tpu.memory_space<vmem>>) target(%dma_start3A_302 : memref<25088x16xf32, #tpu.memory_space<vmem_shared>>) offsets(%dma_start3A_299 : memref<125xi32, #tpu.memory_space<vmem>>) semaphore(%arg12 : memref<!tpu.dma_semaphore, #tpu.memory_space<semaphore_mem>>) {add = true}
      %dma_start3A_303 = arith.constant 14 : i32
      %dma_start3A_304 = arith.constant 1750 : i32
      %dma_start3A_305 = arith.constant 0 : i32
      %dma_start3A_306 = tpu.memref_slice %arg9[%dma_start3A_304, %dma_start3A_305] : memref<4000x16xf32, #tpu.memory_space<vmem>> -> memref<125x16xf32, #tpu.memory_space<vmem>>
      %dma_start3A_307 = arith.constant 0 : i32
      %dma_start3A_308 = tpu.memref_slice %arg8[%dma_start3A_303, %dma_start3A_307] : memref<32x125xi32, #tpu.memory_space<vmem>> -> memref<1x125xi32, #tpu.memory_space<vmem>>
      %dma_start3A_309 = tpu.memref_squeeze %dma_start3A_308 : memref<1x125xi32, #tpu.memory_space<vmem>> -> memref<125xi32, #tpu.memory_space<vmem>>
      %dma_start3A_310 = arith.constant 0 : i32
      %dma_start3A_311 = arith.constant 0 : i32
      %dma_start3A_312 = tpu.memref_slice %arg10[%dma_start3A_310, %dma_start3A_311] : memref<25088x16xf32, #tpu.memory_space<vmem_shared>> -> memref<25088x16xf32, #tpu.memory_space<vmem_shared>>
      tpu.enqueue_indirect_dma source(%dma_start3A_306 : memref<125x16xf32, #tpu.memory_space<vmem>>) target(%dma_start3A_312 : memref<25088x16xf32, #tpu.memory_space<vmem_shared>>) offsets(%dma_start3A_309 : memref<125xi32, #tpu.memory_space<vmem>>) semaphore(%arg12 : memref<!tpu.dma_semaphore, #tpu.memory_space<semaphore_mem>>) {add = true}
      %dma_start3A_313 = arith.constant 15 : i32
      %dma_start3A_314 = arith.constant 1875 : i32
      %dma_start3A_315 = arith.constant 0 : i32
      %dma_start3A_316 = tpu.memref_slice %arg9[%dma_start3A_314, %dma_start3A_315] : memref<4000x16xf32, #tpu.memory_space<vmem>> -> memref<125x16xf32, #tpu.memory_space<vmem>>
      %dma_start3A_317 = arith.constant 0 : i32
      %dma_start3A_318 = tpu.memref_slice %arg8[%dma_start3A_313, %dma_start3A_317] : memref<32x125xi32, #tpu.memory_space<vmem>> -> memref<1x125xi32, #tpu.memory_space<vmem>>
      %dma_start3A_319 = tpu.memref_squeeze %dma_start3A_318 : memref<1x125xi32, #tpu.memory_space<vmem>> -> memref<125xi32, #tpu.memory_space<vmem>>
      %dma_start3A_320 = arith.constant 0 : i32
      %dma_start3A_321 = arith.constant 0 : i32
      %dma_start3A_322 = tpu.memref_slice %arg10[%dma_start3A_320, %dma_start3A_321] : memref<25088x16xf32, #tpu.memory_space<vmem_shared>> -> memref<25088x16xf32, #tpu.memory_space<vmem_shared>>
      tpu.enqueue_indirect_dma source(%dma_start3A_316 : memref<125x16xf32, #tpu.memory_space<vmem>>) target(%dma_start3A_322 : memref<25088x16xf32, #tpu.memory_space<vmem_shared>>) offsets(%dma_start3A_319 : memref<125xi32, #tpu.memory_space<vmem>>) semaphore(%arg12 : memref<!tpu.dma_semaphore, #tpu.memory_space<semaphore_mem>>) {add = true}
      %parallel_loop3A_323 = arith.constant 125 : i32
      %parallel_loop3A_324 = arith.constant 250 : i32
      %parallel_loop3A_325 = arith.constant 1 : i32
      scf.for %parallel_loop3A_807 = %parallel_loop3A_323 to %parallel_loop3A_324 step %parallel_loop3A_325  : i32 {
        %parallel_loop3A_808 = arith.constant 16 : i32
        %parallel_loop3A_809 = arith.muli %parallel_loop3A_807, %parallel_loop3A_808 : i32
        %parallel_loop3A_810 = vector.broadcast %parallel_loop3A_809 : i32 to vector<16xi32>
        %parallel_loop3A_811 = arith.addi %parallel_loop3A_810, %iota3A : vector<16xi32>
        %parallel_loop3A_812 = arith.index_cast %parallel_loop3A_809 : i32 to index
        %parallel_loop3A_813 = tpu.vector_load %arg6[%parallel_loop3A_812] {strides = array<i32>} : memref<12000xf32, #tpu.memory_space<vmem>>, vector<16xf32>,
        %parallel_loop3A_814 = arith.constant 4000 : i32
        %parallel_loop3A_815 = arith.addi %parallel_loop3A_814, %parallel_loop3A_809 : i32
        %parallel_loop3A_816 = arith.index_cast %parallel_loop3A_815 : i32 to index
        %parallel_loop3A_817 = tpu.vector_load %arg6[%parallel_loop3A_816] {strides = array<i32>} : memref<12000xf32, #tpu.memory_space<vmem>>, vector<16xf32>,
        %parallel_loop3A_818 = arith.constant 8000 : i32
        %parallel_loop3A_819 = arith.addi %parallel_loop3A_818, %parallel_loop3A_809 : i32
        %parallel_loop3A_820 = arith.index_cast %parallel_loop3A_819 : i32 to index
        %parallel_loop3A_821 = tpu.vector_load %arg6[%parallel_loop3A_820] {strides = array<i32>} : memref<12000xf32, #tpu.memory_space<vmem>>, vector<16xf32>,
        %parallel_loop3A_822 = arith.index_cast %parallel_loop3A_809 : i32 to index
        %parallel_loop3A_823 = tpu.vector_load %arg7[%parallel_loop3A_822] {strides = array<i32>} : memref<12000xf32, #tpu.memory_space<vmem>>, vector<16xf32>,
        %parallel_loop3A_824 = arith.constant 4000 : i32
        %parallel_loop3A_825 = arith.addi %parallel_loop3A_824, %parallel_loop3A_809 : i32
        %parallel_loop3A_826 = arith.index_cast %parallel_loop3A_825 : i32 to index
        %parallel_loop3A_827 = tpu.vector_load %arg7[%parallel_loop3A_826] {strides = array<i32>} : memref<12000xf32, #tpu.memory_space<vmem>>, vector<16xf32>,
        %parallel_loop3A_828 = arith.constant 8000 : i32
        %parallel_loop3A_829 = arith.addi %parallel_loop3A_828, %parallel_loop3A_809 : i32
        %parallel_loop3A_830 = arith.index_cast %parallel_loop3A_829 : i32 to index
        %parallel_loop3A_831 = tpu.vector_load %arg7[%parallel_loop3A_830] {strides = array<i32>} : memref<12000xf32, #tpu.memory_space<vmem>>, vector<16xf32>,
        %parallel_loop3A_832 = arith.mulf %parallel_loop3A_827, %parallel_loop3A_821 : vector<16xf32>
        %parallel_loop3A_833 = arith.mulf %parallel_loop3A_831, %parallel_loop3A_817 : vector<16xf32>
        %parallel_loop3A_834 = arith.subf %parallel_loop3A_832, %parallel_loop3A_833 : vector<16xf32>
        %parallel_loop3A_835 = arith.mulf %parallel_loop3A_831, %parallel_loop3A_813 : vector<16xf32>
        %parallel_loop3A_836 = arith.mulf %parallel_loop3A_823, %parallel_loop3A_821 : vector<16xf32>
        %parallel_loop3A_837 = arith.subf %parallel_loop3A_835, %parallel_loop3A_836 : vector<16xf32>
        %parallel_loop3A_838 = arith.mulf %parallel_loop3A_823, %parallel_loop3A_817 : vector<16xf32>
        %parallel_loop3A_839 = arith.mulf %parallel_loop3A_827, %parallel_loop3A_813 : vector<16xf32>
        %parallel_loop3A_840 = arith.subf %parallel_loop3A_838, %parallel_loop3A_839 : vector<16xf32>
        %parallel_loop3A_841 = arith.mulf %parallel_loop3A_823, %parallel_loop3A_823 : vector<16xf32>
        %parallel_loop3A_842 = arith.mulf %parallel_loop3A_827, %parallel_loop3A_827 : vector<16xf32>
        %parallel_loop3A_843 = arith.mulf %parallel_loop3A_831, %parallel_loop3A_831 : vector<16xf32>
        %parallel_loop3A_844 = arith.mulf %parallel_loop3A_823, %parallel_loop3A_827 : vector<16xf32>
        %parallel_loop3A_845 = arith.mulf %parallel_loop3A_823, %parallel_loop3A_831 : vector<16xf32>
        %parallel_loop3A_846 = arith.mulf %parallel_loop3A_827, %parallel_loop3A_831 : vector<16xf32>
        %parallel_loop3A_847 = arith.constant 1 : i32
        %parallel_loop3A_848 = vector.broadcast %parallel_loop3A_847 : i32 to vector<16xi32>
        %parallel_loop3A_849 = arith.addi %broadcast_in_dim3A_1, %parallel_loop3A_848 : vector<16xi32>
        tpu.vector_store_idx %arg9[%parallel_loop3A_811, %parallel_loop3A_849], %parallel_loop3A_813 : memref<4000x16xf32, #tpu.memory_space<vmem>>[vector<16xi32>, vector<16xi32>], vector<16xf32>,
        %parallel_loop3A_850 = arith.constant 2 : i32
        %parallel_loop3A_851 = vector.broadcast %parallel_loop3A_850 : i32 to vector<16xi32>
        %parallel_loop3A_852 = arith.addi %broadcast_in_dim3A_1, %parallel_loop3A_851 : vector<16xi32>
        tpu.vector_store_idx %arg9[%parallel_loop3A_811, %parallel_loop3A_852], %parallel_loop3A_817 : memref<4000x16xf32, #tpu.memory_space<vmem>>[vector<16xi32>, vector<16xi32>], vector<16xf32>,
        %parallel_loop3A_853 = arith.constant 3 : i32
        %parallel_loop3A_854 = vector.broadcast %parallel_loop3A_853 : i32 to vector<16xi32>
        %parallel_loop3A_855 = arith.addi %broadcast_in_dim3A_1, %parallel_loop3A_854 : vector<16xi32>
        tpu.vector_store_idx %arg9[%parallel_loop3A_811, %parallel_loop3A_855], %parallel_loop3A_821 : memref<4000x16xf32, #tpu.memory_space<vmem>>[vector<16xi32>, vector<16xi32>], vector<16xf32>,
        %parallel_loop3A_856 = arith.constant 4 : i32
        %parallel_loop3A_857 = vector.broadcast %parallel_loop3A_856 : i32 to vector<16xi32>
        %parallel_loop3A_858 = arith.addi %broadcast_in_dim3A_1, %parallel_loop3A_857 : vector<16xi32>
        tpu.vector_store_idx %arg9[%parallel_loop3A_811, %parallel_loop3A_858], %parallel_loop3A_823 : memref<4000x16xf32, #tpu.memory_space<vmem>>[vector<16xi32>, vector<16xi32>], vector<16xf32>,
        %parallel_loop3A_859 = arith.constant 5 : i32
        %parallel_loop3A_860 = vector.broadcast %parallel_loop3A_859 : i32 to vector<16xi32>
        %parallel_loop3A_861 = arith.addi %broadcast_in_dim3A_1, %parallel_loop3A_860 : vector<16xi32>
        tpu.vector_store_idx %arg9[%parallel_loop3A_811, %parallel_loop3A_861], %parallel_loop3A_827 : memref<4000x16xf32, #tpu.memory_space<vmem>>[vector<16xi32>, vector<16xi32>], vector<16xf32>,
        %parallel_loop3A_862 = arith.constant 6 : i32
        %parallel_loop3A_863 = vector.broadcast %parallel_loop3A_862 : i32 to vector<16xi32>
        %parallel_loop3A_864 = arith.addi %broadcast_in_dim3A_1, %parallel_loop3A_863 : vector<16xi32>
        tpu.vector_store_idx %arg9[%parallel_loop3A_811, %parallel_loop3A_864], %parallel_loop3A_831 : memref<4000x16xf32, #tpu.memory_space<vmem>>[vector<16xi32>, vector<16xi32>], vector<16xf32>,
        %parallel_loop3A_865 = arith.constant 7 : i32
        %parallel_loop3A_866 = vector.broadcast %parallel_loop3A_865 : i32 to vector<16xi32>
        %parallel_loop3A_867 = arith.addi %broadcast_in_dim3A_1, %parallel_loop3A_866 : vector<16xi32>
        tpu.vector_store_idx %arg9[%parallel_loop3A_811, %parallel_loop3A_867], %parallel_loop3A_834 : memref<4000x16xf32, #tpu.memory_space<vmem>>[vector<16xi32>, vector<16xi32>], vector<16xf32>,
        %parallel_loop3A_868 = arith.constant 8 : i32
        %parallel_loop3A_869 = vector.broadcast %parallel_loop3A_868 : i32 to vector<16xi32>
        %parallel_loop3A_870 = arith.addi %broadcast_in_dim3A_1, %parallel_loop3A_869 : vector<16xi32>
        tpu.vector_store_idx %arg9[%parallel_loop3A_811, %parallel_loop3A_870], %parallel_loop3A_837 : memref<4000x16xf32, #tpu.memory_space<vmem>>[vector<16xi32>, vector<16xi32>], vector<16xf32>,
        %parallel_loop3A_871 = arith.constant 9 : i32
        %parallel_loop3A_872 = vector.broadcast %parallel_loop3A_871 : i32 to vector<16xi32>
        %parallel_loop3A_873 = arith.addi %broadcast_in_dim3A_1, %parallel_loop3A_872 : vector<16xi32>
        tpu.vector_store_idx %arg9[%parallel_loop3A_811, %parallel_loop3A_873], %parallel_loop3A_840 : memref<4000x16xf32, #tpu.memory_space<vmem>>[vector<16xi32>, vector<16xi32>], vector<16xf32>,
        %parallel_loop3A_874 = arith.constant 10 : i32
        %parallel_loop3A_875 = vector.broadcast %parallel_loop3A_874 : i32 to vector<16xi32>
        %parallel_loop3A_876 = arith.addi %broadcast_in_dim3A_1, %parallel_loop3A_875 : vector<16xi32>
        tpu.vector_store_idx %arg9[%parallel_loop3A_811, %parallel_loop3A_876], %parallel_loop3A_841 : memref<4000x16xf32, #tpu.memory_space<vmem>>[vector<16xi32>, vector<16xi32>], vector<16xf32>,
        %parallel_loop3A_877 = arith.constant 11 : i32
        %parallel_loop3A_878 = vector.broadcast %parallel_loop3A_877 : i32 to vector<16xi32>
        %parallel_loop3A_879 = arith.addi %broadcast_in_dim3A_1, %parallel_loop3A_878 : vector<16xi32>
        tpu.vector_store_idx %arg9[%parallel_loop3A_811, %parallel_loop3A_879], %parallel_loop3A_842 : memref<4000x16xf32, #tpu.memory_space<vmem>>[vector<16xi32>, vector<16xi32>], vector<16xf32>,
        %parallel_loop3A_880 = arith.constant 12 : i32
        %parallel_loop3A_881 = vector.broadcast %parallel_loop3A_880 : i32 to vector<16xi32>
        %parallel_loop3A_882 = arith.addi %broadcast_in_dim3A_1, %parallel_loop3A_881 : vector<16xi32>
        tpu.vector_store_idx %arg9[%parallel_loop3A_811, %parallel_loop3A_882], %parallel_loop3A_843 : memref<4000x16xf32, #tpu.memory_space<vmem>>[vector<16xi32>, vector<16xi32>], vector<16xf32>,
        %parallel_loop3A_883 = arith.constant 13 : i32
        %parallel_loop3A_884 = vector.broadcast %parallel_loop3A_883 : i32 to vector<16xi32>
        %parallel_loop3A_885 = arith.addi %broadcast_in_dim3A_1, %parallel_loop3A_884 : vector<16xi32>
        tpu.vector_store_idx %arg9[%parallel_loop3A_811, %parallel_loop3A_885], %parallel_loop3A_844 : memref<4000x16xf32, #tpu.memory_space<vmem>>[vector<16xi32>, vector<16xi32>], vector<16xf32>,
        %parallel_loop3A_886 = arith.constant 14 : i32
        %parallel_loop3A_887 = vector.broadcast %parallel_loop3A_886 : i32 to vector<16xi32>
        %parallel_loop3A_888 = arith.addi %broadcast_in_dim3A_1, %parallel_loop3A_887 : vector<16xi32>
        tpu.vector_store_idx %arg9[%parallel_loop3A_811, %parallel_loop3A_888], %parallel_loop3A_845 : memref<4000x16xf32, #tpu.memory_space<vmem>>[vector<16xi32>, vector<16xi32>], vector<16xf32>,
        %parallel_loop3A_889 = arith.constant 15 : i32
        %parallel_loop3A_890 = vector.broadcast %parallel_loop3A_889 : i32 to vector<16xi32>
        %parallel_loop3A_891 = arith.addi %broadcast_in_dim3A_1, %parallel_loop3A_890 : vector<16xi32>
        tpu.vector_store_idx %arg9[%parallel_loop3A_811, %parallel_loop3A_891], %parallel_loop3A_846 : memref<4000x16xf32, #tpu.memory_space<vmem>>[vector<16xi32>, vector<16xi32>], vector<16xf32>,
      } {sc.loop_unroll_factor = 1 : i64, sc.parallel_access}
      %dma_start3A_326 = arith.constant 16 : i32
      %dma_start3A_327 = arith.constant 2000 : i32
      %dma_start3A_328 = arith.constant 0 : i32
      %dma_start3A_329 = tpu.memref_slice %arg9[%dma_start3A_327, %dma_start3A_328] : memref<4000x16xf32, #tpu.memory_space<vmem>> -> memref<125x16xf32, #tpu.memory_space<vmem>>
      %dma_start3A_330 = arith.constant 0 : i32
      %dma_start3A_331 = tpu.memref_slice %arg8[%dma_start3A_326, %dma_start3A_330] : memref<32x125xi32, #tpu.memory_space<vmem>> -> memref<1x125xi32, #tpu.memory_space<vmem>>
      %dma_start3A_332 = tpu.memref_squeeze %dma_start3A_331 : memref<1x125xi32, #tpu.memory_space<vmem>> -> memref<125xi32, #tpu.memory_space<vmem>>
      %dma_start3A_333 = arith.constant 0 : i32
      %dma_start3A_334 = arith.constant 0 : i32
      %dma_start3A_335 = tpu.memref_slice %arg10[%dma_start3A_333, %dma_start3A_334] : memref<25088x16xf32, #tpu.memory_space<vmem_shared>> -> memref<25088x16xf32, #tpu.memory_space<vmem_shared>>
      tpu.enqueue_indirect_dma source(%dma_start3A_329 : memref<125x16xf32, #tpu.memory_space<vmem>>) target(%dma_start3A_335 : memref<25088x16xf32, #tpu.memory_space<vmem_shared>>) offsets(%dma_start3A_332 : memref<125xi32, #tpu.memory_space<vmem>>) semaphore(%arg12 : memref<!tpu.dma_semaphore, #tpu.memory_space<semaphore_mem>>) {add = true}
      %dma_start3A_336 = arith.constant 17 : i32
      %dma_start3A_337 = arith.constant 2125 : i32
      %dma_start3A_338 = arith.constant 0 : i32
      %dma_start3A_339 = tpu.memref_slice %arg9[%dma_start3A_337, %dma_start3A_338] : memref<4000x16xf32, #tpu.memory_space<vmem>> -> memref<125x16xf32, #tpu.memory_space<vmem>>
      %dma_start3A_340 = arith.constant 0 : i32
      %dma_start3A_341 = tpu.memref_slice %arg8[%dma_start3A_336, %dma_start3A_340] : memref<32x125xi32, #tpu.memory_space<vmem>> -> memref<1x125xi32, #tpu.memory_space<vmem>>
      %dma_start3A_342 = tpu.memref_squeeze %dma_start3A_341 : memref<1x125xi32, #tpu.memory_space<vmem>> -> memref<125xi32, #tpu.memory_space<vmem>>
      %dma_start3A_343 = arith.constant 0 : i32
      %dma_start3A_344 = arith.constant 0 : i32
      %dma_start3A_345 = tpu.memref_slice %arg10[%dma_start3A_343, %dma_start3A_344] : memref<25088x16xf32, #tpu.memory_space<vmem_shared>> -> memref<25088x16xf32, #tpu.memory_space<vmem_shared>>
      tpu.enqueue_indirect_dma source(%dma_start3A_339 : memref<125x16xf32, #tpu.memory_space<vmem>>) target(%dma_start3A_345 : memref<25088x16xf32, #tpu.memory_space<vmem_shared>>) offsets(%dma_start3A_342 : memref<125xi32, #tpu.memory_space<vmem>>) semaphore(%arg12 : memref<!tpu.dma_semaphore, #tpu.memory_space<semaphore_mem>>) {add = true}
      %dma_start3A_346 = arith.constant 18 : i32
      %dma_start3A_347 = arith.constant 2250 : i32
      %dma_start3A_348 = arith.constant 0 : i32
      %dma_start3A_349 = tpu.memref_slice %arg9[%dma_start3A_347, %dma_start3A_348] : memref<4000x16xf32, #tpu.memory_space<vmem>> -> memref<125x16xf32, #tpu.memory_space<vmem>>
      %dma_start3A_350 = arith.constant 0 : i32
      %dma_start3A_351 = tpu.memref_slice %arg8[%dma_start3A_346, %dma_start3A_350] : memref<32x125xi32, #tpu.memory_space<vmem>> -> memref<1x125xi32, #tpu.memory_space<vmem>>
      %dma_start3A_352 = tpu.memref_squeeze %dma_start3A_351 : memref<1x125xi32, #tpu.memory_space<vmem>> -> memref<125xi32, #tpu.memory_space<vmem>>
      %dma_start3A_353 = arith.constant 0 : i32
      %dma_start3A_354 = arith.constant 0 : i32
      %dma_start3A_355 = tpu.memref_slice %arg10[%dma_start3A_353, %dma_start3A_354] : memref<25088x16xf32, #tpu.memory_space<vmem_shared>> -> memref<25088x16xf32, #tpu.memory_space<vmem_shared>>
      tpu.enqueue_indirect_dma source(%dma_start3A_349 : memref<125x16xf32, #tpu.memory_space<vmem>>) target(%dma_start3A_355 : memref<25088x16xf32, #tpu.memory_space<vmem_shared>>) offsets(%dma_start3A_352 : memref<125xi32, #tpu.memory_space<vmem>>) semaphore(%arg12 : memref<!tpu.dma_semaphore, #tpu.memory_space<semaphore_mem>>) {add = true}
      %dma_start3A_356 = arith.constant 19 : i32
      %dma_start3A_357 = arith.constant 2375 : i32
      %dma_start3A_358 = arith.constant 0 : i32
      %dma_start3A_359 = tpu.memref_slice %arg9[%dma_start3A_357, %dma_start3A_358] : memref<4000x16xf32, #tpu.memory_space<vmem>> -> memref<125x16xf32, #tpu.memory_space<vmem>>
      %dma_start3A_360 = arith.constant 0 : i32
      %dma_start3A_361 = tpu.memref_slice %arg8[%dma_start3A_356, %dma_start3A_360] : memref<32x125xi32, #tpu.memory_space<vmem>> -> memref<1x125xi32, #tpu.memory_space<vmem>>
      %dma_start3A_362 = tpu.memref_squeeze %dma_start3A_361 : memref<1x125xi32, #tpu.memory_space<vmem>> -> memref<125xi32, #tpu.memory_space<vmem>>
      %dma_start3A_363 = arith.constant 0 : i32
      %dma_start3A_364 = arith.constant 0 : i32
      %dma_start3A_365 = tpu.memref_slice %arg10[%dma_start3A_363, %dma_start3A_364] : memref<25088x16xf32, #tpu.memory_space<vmem_shared>> -> memref<25088x16xf32, #tpu.memory_space<vmem_shared>>
      tpu.enqueue_indirect_dma source(%dma_start3A_359 : memref<125x16xf32, #tpu.memory_space<vmem>>) target(%dma_start3A_365 : memref<25088x16xf32, #tpu.memory_space<vmem_shared>>) offsets(%dma_start3A_362 : memref<125xi32, #tpu.memory_space<vmem>>) semaphore(%arg12 : memref<!tpu.dma_semaphore, #tpu.memory_space<semaphore_mem>>) {add = true}
      %dma_start3A_366 = arith.constant 20 : i32
      %dma_start3A_367 = arith.constant 2500 : i32
      %dma_start3A_368 = arith.constant 0 : i32
      %dma_start3A_369 = tpu.memref_slice %arg9[%dma_start3A_367, %dma_start3A_368] : memref<4000x16xf32, #tpu.memory_space<vmem>> -> memref<125x16xf32, #tpu.memory_space<vmem>>
      %dma_start3A_370 = arith.constant 0 : i32
      %dma_start3A_371 = tpu.memref_slice %arg8[%dma_start3A_366, %dma_start3A_370] : memref<32x125xi32, #tpu.memory_space<vmem>> -> memref<1x125xi32, #tpu.memory_space<vmem>>
      %dma_start3A_372 = tpu.memref_squeeze %dma_start3A_371 : memref<1x125xi32, #tpu.memory_space<vmem>> -> memref<125xi32, #tpu.memory_space<vmem>>
      %dma_start3A_373 = arith.constant 0 : i32
      %dma_start3A_374 = arith.constant 0 : i32
      %dma_start3A_375 = tpu.memref_slice %arg10[%dma_start3A_373, %dma_start3A_374] : memref<25088x16xf32, #tpu.memory_space<vmem_shared>> -> memref<25088x16xf32, #tpu.memory_space<vmem_shared>>
      tpu.enqueue_indirect_dma source(%dma_start3A_369 : memref<125x16xf32, #tpu.memory_space<vmem>>) target(%dma_start3A_375 : memref<25088x16xf32, #tpu.memory_space<vmem_shared>>) offsets(%dma_start3A_372 : memref<125xi32, #tpu.memory_space<vmem>>) semaphore(%arg12 : memref<!tpu.dma_semaphore, #tpu.memory_space<semaphore_mem>>) {add = true}
      %dma_start3A_376 = arith.constant 21 : i32
      %dma_start3A_377 = arith.constant 2625 : i32
      %dma_start3A_378 = arith.constant 0 : i32
      %dma_start3A_379 = tpu.memref_slice %arg9[%dma_start3A_377, %dma_start3A_378] : memref<4000x16xf32, #tpu.memory_space<vmem>> -> memref<125x16xf32, #tpu.memory_space<vmem>>
      %dma_start3A_380 = arith.constant 0 : i32
      %dma_start3A_381 = tpu.memref_slice %arg8[%dma_start3A_376, %dma_start3A_380] : memref<32x125xi32, #tpu.memory_space<vmem>> -> memref<1x125xi32, #tpu.memory_space<vmem>>
      %dma_start3A_382 = tpu.memref_squeeze %dma_start3A_381 : memref<1x125xi32, #tpu.memory_space<vmem>> -> memref<125xi32, #tpu.memory_space<vmem>>
      %dma_start3A_383 = arith.constant 0 : i32
      %dma_start3A_384 = arith.constant 0 : i32
      %dma_start3A_385 = tpu.memref_slice %arg10[%dma_start3A_383, %dma_start3A_384] : memref<25088x16xf32, #tpu.memory_space<vmem_shared>> -> memref<25088x16xf32, #tpu.memory_space<vmem_shared>>
      tpu.enqueue_indirect_dma source(%dma_start3A_379 : memref<125x16xf32, #tpu.memory_space<vmem>>) target(%dma_start3A_385 : memref<25088x16xf32, #tpu.memory_space<vmem_shared>>) offsets(%dma_start3A_382 : memref<125xi32, #tpu.memory_space<vmem>>) semaphore(%arg12 : memref<!tpu.dma_semaphore, #tpu.memory_space<semaphore_mem>>) {add = true}
      %dma_start3A_386 = arith.constant 22 : i32
      %dma_start3A_387 = arith.constant 2750 : i32
      %dma_start3A_388 = arith.constant 0 : i32
      %dma_start3A_389 = tpu.memref_slice %arg9[%dma_start3A_387, %dma_start3A_388] : memref<4000x16xf32, #tpu.memory_space<vmem>> -> memref<125x16xf32, #tpu.memory_space<vmem>>
      %dma_start3A_390 = arith.constant 0 : i32
      %dma_start3A_391 = tpu.memref_slice %arg8[%dma_start3A_386, %dma_start3A_390] : memref<32x125xi32, #tpu.memory_space<vmem>> -> memref<1x125xi32, #tpu.memory_space<vmem>>
      %dma_start3A_392 = tpu.memref_squeeze %dma_start3A_391 : memref<1x125xi32, #tpu.memory_space<vmem>> -> memref<125xi32, #tpu.memory_space<vmem>>
      %dma_start3A_393 = arith.constant 0 : i32
      %dma_start3A_394 = arith.constant 0 : i32
      %dma_start3A_395 = tpu.memref_slice %arg10[%dma_start3A_393, %dma_start3A_394] : memref<25088x16xf32, #tpu.memory_space<vmem_shared>> -> memref<25088x16xf32, #tpu.memory_space<vmem_shared>>
      tpu.enqueue_indirect_dma source(%dma_start3A_389 : memref<125x16xf32, #tpu.memory_space<vmem>>) target(%dma_start3A_395 : memref<25088x16xf32, #tpu.memory_space<vmem_shared>>) offsets(%dma_start3A_392 : memref<125xi32, #tpu.memory_space<vmem>>) semaphore(%arg12 : memref<!tpu.dma_semaphore, #tpu.memory_space<semaphore_mem>>) {add = true}
      %dma_start3A_396 = arith.constant 23 : i32
      %dma_start3A_397 = arith.constant 2875 : i32
      %dma_start3A_398 = arith.constant 0 : i32
      %dma_start3A_399 = tpu.memref_slice %arg9[%dma_start3A_397, %dma_start3A_398] : memref<4000x16xf32, #tpu.memory_space<vmem>> -> memref<125x16xf32, #tpu.memory_space<vmem>>
      %dma_start3A_400 = arith.constant 0 : i32
      %dma_start3A_401 = tpu.memref_slice %arg8[%dma_start3A_396, %dma_start3A_400] : memref<32x125xi32, #tpu.memory_space<vmem>> -> memref<1x125xi32, #tpu.memory_space<vmem>>
      %dma_start3A_402 = tpu.memref_squeeze %dma_start3A_401 : memref<1x125xi32, #tpu.memory_space<vmem>> -> memref<125xi32, #tpu.memory_space<vmem>>
      %dma_start3A_403 = arith.constant 0 : i32
      %dma_start3A_404 = arith.constant 0 : i32
      %dma_start3A_405 = tpu.memref_slice %arg10[%dma_start3A_403, %dma_start3A_404] : memref<25088x16xf32, #tpu.memory_space<vmem_shared>> -> memref<25088x16xf32, #tpu.memory_space<vmem_shared>>
      tpu.enqueue_indirect_dma source(%dma_start3A_399 : memref<125x16xf32, #tpu.memory_space<vmem>>) target(%dma_start3A_405 : memref<25088x16xf32, #tpu.memory_space<vmem_shared>>) offsets(%dma_start3A_402 : memref<125xi32, #tpu.memory_space<vmem>>) semaphore(%arg12 : memref<!tpu.dma_semaphore, #tpu.memory_space<semaphore_mem>>) {add = true}
      %dma_start3A_406 = arith.constant 24 : i32
      %dma_start3A_407 = arith.constant 3000 : i32
      %dma_start3A_408 = arith.constant 0 : i32
      %dma_start3A_409 = tpu.memref_slice %arg9[%dma_start3A_407, %dma_start3A_408] : memref<4000x16xf32, #tpu.memory_space<vmem>> -> memref<125x16xf32, #tpu.memory_space<vmem>>
      %dma_start3A_410 = arith.constant 0 : i32
      %dma_start3A_411 = tpu.memref_slice %arg8[%dma_start3A_406, %dma_start3A_410] : memref<32x125xi32, #tpu.memory_space<vmem>> -> memref<1x125xi32, #tpu.memory_space<vmem>>
      %dma_start3A_412 = tpu.memref_squeeze %dma_start3A_411 : memref<1x125xi32, #tpu.memory_space<vmem>> -> memref<125xi32, #tpu.memory_space<vmem>>
      %dma_start3A_413 = arith.constant 0 : i32
      %dma_start3A_414 = arith.constant 0 : i32
      %dma_start3A_415 = tpu.memref_slice %arg10[%dma_start3A_413, %dma_start3A_414] : memref<25088x16xf32, #tpu.memory_space<vmem_shared>> -> memref<25088x16xf32, #tpu.memory_space<vmem_shared>>
      tpu.enqueue_indirect_dma source(%dma_start3A_409 : memref<125x16xf32, #tpu.memory_space<vmem>>) target(%dma_start3A_415 : memref<25088x16xf32, #tpu.memory_space<vmem_shared>>) offsets(%dma_start3A_412 : memref<125xi32, #tpu.memory_space<vmem>>) semaphore(%arg12 : memref<!tpu.dma_semaphore, #tpu.memory_space<semaphore_mem>>) {add = true}
      %dma_start3A_416 = arith.constant 25 : i32
      %dma_start3A_417 = arith.constant 3125 : i32
      %dma_start3A_418 = arith.constant 0 : i32
      %dma_start3A_419 = tpu.memref_slice %arg9[%dma_start3A_417, %dma_start3A_418] : memref<4000x16xf32, #tpu.memory_space<vmem>> -> memref<125x16xf32, #tpu.memory_space<vmem>>
      %dma_start3A_420 = arith.constant 0 : i32
      %dma_start3A_421 = tpu.memref_slice %arg8[%dma_start3A_416, %dma_start3A_420] : memref<32x125xi32, #tpu.memory_space<vmem>> -> memref<1x125xi32, #tpu.memory_space<vmem>>
      %dma_start3A_422 = tpu.memref_squeeze %dma_start3A_421 : memref<1x125xi32, #tpu.memory_space<vmem>> -> memref<125xi32, #tpu.memory_space<vmem>>
      %dma_start3A_423 = arith.constant 0 : i32
      %dma_start3A_424 = arith.constant 0 : i32
      %dma_start3A_425 = tpu.memref_slice %arg10[%dma_start3A_423, %dma_start3A_424] : memref<25088x16xf32, #tpu.memory_space<vmem_shared>> -> memref<25088x16xf32, #tpu.memory_space<vmem_shared>>
      tpu.enqueue_indirect_dma source(%dma_start3A_419 : memref<125x16xf32, #tpu.memory_space<vmem>>) target(%dma_start3A_425 : memref<25088x16xf32, #tpu.memory_space<vmem_shared>>) offsets(%dma_start3A_422 : memref<125xi32, #tpu.memory_space<vmem>>) semaphore(%arg12 : memref<!tpu.dma_semaphore, #tpu.memory_space<semaphore_mem>>) {add = true}
      %dma_start3A_426 = arith.constant 26 : i32
      %dma_start3A_427 = arith.constant 3250 : i32
      %dma_start3A_428 = arith.constant 0 : i32
      %dma_start3A_429 = tpu.memref_slice %arg9[%dma_start3A_427, %dma_start3A_428] : memref<4000x16xf32, #tpu.memory_space<vmem>> -> memref<125x16xf32, #tpu.memory_space<vmem>>
      %dma_start3A_430 = arith.constant 0 : i32
      %dma_start3A_431 = tpu.memref_slice %arg8[%dma_start3A_426, %dma_start3A_430] : memref<32x125xi32, #tpu.memory_space<vmem>> -> memref<1x125xi32, #tpu.memory_space<vmem>>
      %dma_start3A_432 = tpu.memref_squeeze %dma_start3A_431 : memref<1x125xi32, #tpu.memory_space<vmem>> -> memref<125xi32, #tpu.memory_space<vmem>>
      %dma_start3A_433 = arith.constant 0 : i32
      %dma_start3A_434 = arith.constant 0 : i32
      %dma_start3A_435 = tpu.memref_slice %arg10[%dma_start3A_433, %dma_start3A_434] : memref<25088x16xf32, #tpu.memory_space<vmem_shared>> -> memref<25088x16xf32, #tpu.memory_space<vmem_shared>>
      tpu.enqueue_indirect_dma source(%dma_start3A_429 : memref<125x16xf32, #tpu.memory_space<vmem>>) target(%dma_start3A_435 : memref<25088x16xf32, #tpu.memory_space<vmem_shared>>) offsets(%dma_start3A_432 : memref<125xi32, #tpu.memory_space<vmem>>) semaphore(%arg12 : memref<!tpu.dma_semaphore, #tpu.memory_space<semaphore_mem>>) {add = true}
      %dma_start3A_436 = arith.constant 27 : i32
      %dma_start3A_437 = arith.constant 3375 : i32
      %dma_start3A_438 = arith.constant 0 : i32
      %dma_start3A_439 = tpu.memref_slice %arg9[%dma_start3A_437, %dma_start3A_438] : memref<4000x16xf32, #tpu.memory_space<vmem>> -> memref<125x16xf32, #tpu.memory_space<vmem>>
      %dma_start3A_440 = arith.constant 0 : i32
      %dma_start3A_441 = tpu.memref_slice %arg8[%dma_start3A_436, %dma_start3A_440] : memref<32x125xi32, #tpu.memory_space<vmem>> -> memref<1x125xi32, #tpu.memory_space<vmem>>
      %dma_start3A_442 = tpu.memref_squeeze %dma_start3A_441 : memref<1x125xi32, #tpu.memory_space<vmem>> -> memref<125xi32, #tpu.memory_space<vmem>>
      %dma_start3A_443 = arith.constant 0 : i32
      %dma_start3A_444 = arith.constant 0 : i32
      %dma_start3A_445 = tpu.memref_slice %arg10[%dma_start3A_443, %dma_start3A_444] : memref<25088x16xf32, #tpu.memory_space<vmem_shared>> -> memref<25088x16xf32, #tpu.memory_space<vmem_shared>>
      tpu.enqueue_indirect_dma source(%dma_start3A_439 : memref<125x16xf32, #tpu.memory_space<vmem>>) target(%dma_start3A_445 : memref<25088x16xf32, #tpu.memory_space<vmem_shared>>) offsets(%dma_start3A_442 : memref<125xi32, #tpu.memory_space<vmem>>) semaphore(%arg12 : memref<!tpu.dma_semaphore, #tpu.memory_space<semaphore_mem>>) {add = true}
      %dma_start3A_446 = arith.constant 28 : i32
      %dma_start3A_447 = arith.constant 3500 : i32
      %dma_start3A_448 = arith.constant 0 : i32
      %dma_start3A_449 = tpu.memref_slice %arg9[%dma_start3A_447, %dma_start3A_448] : memref<4000x16xf32, #tpu.memory_space<vmem>> -> memref<125x16xf32, #tpu.memory_space<vmem>>
      %dma_start3A_450 = arith.constant 0 : i32
      %dma_start3A_451 = tpu.memref_slice %arg8[%dma_start3A_446, %dma_start3A_450] : memref<32x125xi32, #tpu.memory_space<vmem>> -> memref<1x125xi32, #tpu.memory_space<vmem>>
      %dma_start3A_452 = tpu.memref_squeeze %dma_start3A_451 : memref<1x125xi32, #tpu.memory_space<vmem>> -> memref<125xi32, #tpu.memory_space<vmem>>
      %dma_start3A_453 = arith.constant 0 : i32
      %dma_start3A_454 = arith.constant 0 : i32
      %dma_start3A_455 = tpu.memref_slice %arg10[%dma_start3A_453, %dma_start3A_454] : memref<25088x16xf32, #tpu.memory_space<vmem_shared>> -> memref<25088x16xf32, #tpu.memory_space<vmem_shared>>
      tpu.enqueue_indirect_dma source(%dma_start3A_449 : memref<125x16xf32, #tpu.memory_space<vmem>>) target(%dma_start3A_455 : memref<25088x16xf32, #tpu.memory_space<vmem_shared>>) offsets(%dma_start3A_452 : memref<125xi32, #tpu.memory_space<vmem>>) semaphore(%arg12 : memref<!tpu.dma_semaphore, #tpu.memory_space<semaphore_mem>>) {add = true}
      %dma_start3A_456 = arith.constant 29 : i32
      %dma_start3A_457 = arith.constant 3625 : i32
      %dma_start3A_458 = arith.constant 0 : i32
      %dma_start3A_459 = tpu.memref_slice %arg9[%dma_start3A_457, %dma_start3A_458] : memref<4000x16xf32, #tpu.memory_space<vmem>> -> memref<125x16xf32, #tpu.memory_space<vmem>>
      %dma_start3A_460 = arith.constant 0 : i32
      %dma_start3A_461 = tpu.memref_slice %arg8[%dma_start3A_456, %dma_start3A_460] : memref<32x125xi32, #tpu.memory_space<vmem>> -> memref<1x125xi32, #tpu.memory_space<vmem>>
      %dma_start3A_462 = tpu.memref_squeeze %dma_start3A_461 : memref<1x125xi32, #tpu.memory_space<vmem>> -> memref<125xi32, #tpu.memory_space<vmem>>
      %dma_start3A_463 = arith.constant 0 : i32
      %dma_start3A_464 = arith.constant 0 : i32
      %dma_start3A_465 = tpu.memref_slice %arg10[%dma_start3A_463, %dma_start3A_464] : memref<25088x16xf32, #tpu.memory_space<vmem_shared>> -> memref<25088x16xf32, #tpu.memory_space<vmem_shared>>
      tpu.enqueue_indirect_dma source(%dma_start3A_459 : memref<125x16xf32, #tpu.memory_space<vmem>>) target(%dma_start3A_465 : memref<25088x16xf32, #tpu.memory_space<vmem_shared>>) offsets(%dma_start3A_462 : memref<125xi32, #tpu.memory_space<vmem>>) semaphore(%arg12 : memref<!tpu.dma_semaphore, #tpu.memory_space<semaphore_mem>>) {add = true}
      %dma_start3A_466 = arith.constant 30 : i32
      %dma_start3A_467 = arith.constant 3750 : i32
      %dma_start3A_468 = arith.constant 0 : i32
      %dma_start3A_469 = tpu.memref_slice %arg9[%dma_start3A_467, %dma_start3A_468] : memref<4000x16xf32, #tpu.memory_space<vmem>> -> memref<125x16xf32, #tpu.memory_space<vmem>>
      %dma_start3A_470 = arith.constant 0 : i32
      %dma_start3A_471 = tpu.memref_slice %arg8[%dma_start3A_466, %dma_start3A_470] : memref<32x125xi32, #tpu.memory_space<vmem>> -> memref<1x125xi32, #tpu.memory_space<vmem>>
      %dma_start3A_472 = tpu.memref_squeeze %dma_start3A_471 : memref<1x125xi32, #tpu.memory_space<vmem>> -> memref<125xi32, #tpu.memory_space<vmem>>
      %dma_start3A_473 = arith.constant 0 : i32
      %dma_start3A_474 = arith.constant 0 : i32
      %dma_start3A_475 = tpu.memref_slice %arg10[%dma_start3A_473, %dma_start3A_474] : memref<25088x16xf32, #tpu.memory_space<vmem_shared>> -> memref<25088x16xf32, #tpu.memory_space<vmem_shared>>
      tpu.enqueue_indirect_dma source(%dma_start3A_469 : memref<125x16xf32, #tpu.memory_space<vmem>>) target(%dma_start3A_475 : memref<25088x16xf32, #tpu.memory_space<vmem_shared>>) offsets(%dma_start3A_472 : memref<125xi32, #tpu.memory_space<vmem>>) semaphore(%arg12 : memref<!tpu.dma_semaphore, #tpu.memory_space<semaphore_mem>>) {add = true}
      %dma_start3A_476 = arith.constant 31 : i32
      %dma_start3A_477 = arith.constant 3875 : i32
      %dma_start3A_478 = arith.constant 0 : i32
      %dma_start3A_479 = tpu.memref_slice %arg9[%dma_start3A_477, %dma_start3A_478] : memref<4000x16xf32, #tpu.memory_space<vmem>> -> memref<125x16xf32, #tpu.memory_space<vmem>>
      %dma_start3A_480 = arith.constant 0 : i32
      %dma_start3A_481 = tpu.memref_slice %arg8[%dma_start3A_476, %dma_start3A_480] : memref<32x125xi32, #tpu.memory_space<vmem>> -> memref<1x125xi32, #tpu.memory_space<vmem>>
      %dma_start3A_482 = tpu.memref_squeeze %dma_start3A_481 : memref<1x125xi32, #tpu.memory_space<vmem>> -> memref<125xi32, #tpu.memory_space<vmem>>
      %dma_start3A_483 = arith.constant 0 : i32
      %dma_start3A_484 = arith.constant 0 : i32
      %dma_start3A_485 = tpu.memref_slice %arg10[%dma_start3A_483, %dma_start3A_484] : memref<25088x16xf32, #tpu.memory_space<vmem_shared>> -> memref<25088x16xf32, #tpu.memory_space<vmem_shared>>
      tpu.enqueue_indirect_dma source(%dma_start3A_479 : memref<125x16xf32, #tpu.memory_space<vmem>>) target(%dma_start3A_485 : memref<25088x16xf32, #tpu.memory_space<vmem_shared>>) offsets(%dma_start3A_482 : memref<125xi32, #tpu.memory_space<vmem>>) semaphore(%arg12 : memref<!tpu.dma_semaphore, #tpu.memory_space<semaphore_mem>>) {add = true}
      %dma_wait3A_486 = arith.constant 0 : i32
      %dma_wait3A_487 = arith.constant 0 : i32
      %dma_wait3A_488 = arith.constant 0 : i32
      %dma_wait3A_489 = tpu.memref_slice %arg9[%dma_wait3A_487, %dma_wait3A_488] : memref<4000x16xf32, #tpu.memory_space<vmem>> -> memref<125x16xf32, #tpu.memory_space<vmem>>
      %dma_wait3A_490 = arith.constant 0 : i32
      %dma_wait3A_491 = tpu.memref_slice %arg8[%dma_wait3A_486, %dma_wait3A_490] : memref<32x125xi32, #tpu.memory_space<vmem>> -> memref<1x125xi32, #tpu.memory_space<vmem>>
      %dma_wait3A_492 = tpu.memref_squeeze %dma_wait3A_491 : memref<1x125xi32, #tpu.memory_space<vmem>> -> memref<125xi32, #tpu.memory_space<vmem>>
      %dma_wait3A_493 = arith.constant 0 : i32
      %dma_wait3A_494 = arith.constant 0 : i32
      %dma_wait3A_495 = tpu.memref_slice %arg10[%dma_wait3A_493, %dma_wait3A_494] : memref<25088x16xf32, #tpu.memory_space<vmem_shared>> -> memref<25088x16xf32, #tpu.memory_space<vmem_shared>>
      tpu.wait_indirect_dma semaphore(%arg12 : memref<!tpu.dma_semaphore, #tpu.memory_space<semaphore_mem>>) src(%dma_wait3A_489 : memref<125x16xf32, #tpu.memory_space<vmem>>) dst(%dma_wait3A_495 : memref<25088x16xf32, #tpu.memory_space<vmem_shared>>)
      %dma_wait3A_496 = arith.constant 1 : i32
      %dma_wait3A_497 = arith.constant 125 : i32
      %dma_wait3A_498 = arith.constant 0 : i32
      %dma_wait3A_499 = tpu.memref_slice %arg9[%dma_wait3A_497, %dma_wait3A_498] : memref<4000x16xf32, #tpu.memory_space<vmem>> -> memref<125x16xf32, #tpu.memory_space<vmem>>
      %dma_wait3A_500 = arith.constant 0 : i32
      %dma_wait3A_501 = tpu.memref_slice %arg8[%dma_wait3A_496, %dma_wait3A_500] : memref<32x125xi32, #tpu.memory_space<vmem>> -> memref<1x125xi32, #tpu.memory_space<vmem>>
      %dma_wait3A_502 = tpu.memref_squeeze %dma_wait3A_501 : memref<1x125xi32, #tpu.memory_space<vmem>> -> memref<125xi32, #tpu.memory_space<vmem>>
      %dma_wait3A_503 = arith.constant 0 : i32
      %dma_wait3A_504 = arith.constant 0 : i32
      %dma_wait3A_505 = tpu.memref_slice %arg10[%dma_wait3A_503, %dma_wait3A_504] : memref<25088x16xf32, #tpu.memory_space<vmem_shared>> -> memref<25088x16xf32, #tpu.memory_space<vmem_shared>>
      tpu.wait_indirect_dma semaphore(%arg12 : memref<!tpu.dma_semaphore, #tpu.memory_space<semaphore_mem>>) src(%dma_wait3A_499 : memref<125x16xf32, #tpu.memory_space<vmem>>) dst(%dma_wait3A_505 : memref<25088x16xf32, #tpu.memory_space<vmem_shared>>)
      %dma_wait3A_506 = arith.constant 2 : i32
      %dma_wait3A_507 = arith.constant 250 : i32
      %dma_wait3A_508 = arith.constant 0 : i32
      %dma_wait3A_509 = tpu.memref_slice %arg9[%dma_wait3A_507, %dma_wait3A_508] : memref<4000x16xf32, #tpu.memory_space<vmem>> -> memref<125x16xf32, #tpu.memory_space<vmem>>
      %dma_wait3A_510 = arith.constant 0 : i32
      %dma_wait3A_511 = tpu.memref_slice %arg8[%dma_wait3A_506, %dma_wait3A_510] : memref<32x125xi32, #tpu.memory_space<vmem>> -> memref<1x125xi32, #tpu.memory_space<vmem>>
      %dma_wait3A_512 = tpu.memref_squeeze %dma_wait3A_511 : memref<1x125xi32, #tpu.memory_space<vmem>> -> memref<125xi32, #tpu.memory_space<vmem>>
      %dma_wait3A_513 = arith.constant 0 : i32
      %dma_wait3A_514 = arith.constant 0 : i32
      %dma_wait3A_515 = tpu.memref_slice %arg10[%dma_wait3A_513, %dma_wait3A_514] : memref<25088x16xf32, #tpu.memory_space<vmem_shared>> -> memref<25088x16xf32, #tpu.memory_space<vmem_shared>>
      tpu.wait_indirect_dma semaphore(%arg12 : memref<!tpu.dma_semaphore, #tpu.memory_space<semaphore_mem>>) src(%dma_wait3A_509 : memref<125x16xf32, #tpu.memory_space<vmem>>) dst(%dma_wait3A_515 : memref<25088x16xf32, #tpu.memory_space<vmem_shared>>)
      %dma_wait3A_516 = arith.constant 3 : i32
      %dma_wait3A_517 = arith.constant 375 : i32
      %dma_wait3A_518 = arith.constant 0 : i32
      %dma_wait3A_519 = tpu.memref_slice %arg9[%dma_wait3A_517, %dma_wait3A_518] : memref<4000x16xf32, #tpu.memory_space<vmem>> -> memref<125x16xf32, #tpu.memory_space<vmem>>
      %dma_wait3A_520 = arith.constant 0 : i32
      %dma_wait3A_521 = tpu.memref_slice %arg8[%dma_wait3A_516, %dma_wait3A_520] : memref<32x125xi32, #tpu.memory_space<vmem>> -> memref<1x125xi32, #tpu.memory_space<vmem>>
      %dma_wait3A_522 = tpu.memref_squeeze %dma_wait3A_521 : memref<1x125xi32, #tpu.memory_space<vmem>> -> memref<125xi32, #tpu.memory_space<vmem>>
      %dma_wait3A_523 = arith.constant 0 : i32
      %dma_wait3A_524 = arith.constant 0 : i32
      %dma_wait3A_525 = tpu.memref_slice %arg10[%dma_wait3A_523, %dma_wait3A_524] : memref<25088x16xf32, #tpu.memory_space<vmem_shared>> -> memref<25088x16xf32, #tpu.memory_space<vmem_shared>>
      tpu.wait_indirect_dma semaphore(%arg12 : memref<!tpu.dma_semaphore, #tpu.memory_space<semaphore_mem>>) src(%dma_wait3A_519 : memref<125x16xf32, #tpu.memory_space<vmem>>) dst(%dma_wait3A_525 : memref<25088x16xf32, #tpu.memory_space<vmem_shared>>)
      %dma_wait3A_526 = arith.constant 4 : i32
      %dma_wait3A_527 = arith.constant 500 : i32
      %dma_wait3A_528 = arith.constant 0 : i32
      %dma_wait3A_529 = tpu.memref_slice %arg9[%dma_wait3A_527, %dma_wait3A_528] : memref<4000x16xf32, #tpu.memory_space<vmem>> -> memref<125x16xf32, #tpu.memory_space<vmem>>
      %dma_wait3A_530 = arith.constant 0 : i32
      %dma_wait3A_531 = tpu.memref_slice %arg8[%dma_wait3A_526, %dma_wait3A_530] : memref<32x125xi32, #tpu.memory_space<vmem>> -> memref<1x125xi32, #tpu.memory_space<vmem>>
      %dma_wait3A_532 = tpu.memref_squeeze %dma_wait3A_531 : memref<1x125xi32, #tpu.memory_space<vmem>> -> memref<125xi32, #tpu.memory_space<vmem>>
      %dma_wait3A_533 = arith.constant 0 : i32
      %dma_wait3A_534 = arith.constant 0 : i32
      %dma_wait3A_535 = tpu.memref_slice %arg10[%dma_wait3A_533, %dma_wait3A_534] : memref<25088x16xf32, #tpu.memory_space<vmem_shared>> -> memref<25088x16xf32, #tpu.memory_space<vmem_shared>>
      tpu.wait_indirect_dma semaphore(%arg12 : memref<!tpu.dma_semaphore, #tpu.memory_space<semaphore_mem>>) src(%dma_wait3A_529 : memref<125x16xf32, #tpu.memory_space<vmem>>) dst(%dma_wait3A_535 : memref<25088x16xf32, #tpu.memory_space<vmem_shared>>)
      %dma_wait3A_536 = arith.constant 5 : i32
      %dma_wait3A_537 = arith.constant 625 : i32
      %dma_wait3A_538 = arith.constant 0 : i32
      %dma_wait3A_539 = tpu.memref_slice %arg9[%dma_wait3A_537, %dma_wait3A_538] : memref<4000x16xf32, #tpu.memory_space<vmem>> -> memref<125x16xf32, #tpu.memory_space<vmem>>
      %dma_wait3A_540 = arith.constant 0 : i32
      %dma_wait3A_541 = tpu.memref_slice %arg8[%dma_wait3A_536, %dma_wait3A_540] : memref<32x125xi32, #tpu.memory_space<vmem>> -> memref<1x125xi32, #tpu.memory_space<vmem>>
      %dma_wait3A_542 = tpu.memref_squeeze %dma_wait3A_541 : memref<1x125xi32, #tpu.memory_space<vmem>> -> memref<125xi32, #tpu.memory_space<vmem>>
      %dma_wait3A_543 = arith.constant 0 : i32
      %dma_wait3A_544 = arith.constant 0 : i32
      %dma_wait3A_545 = tpu.memref_slice %arg10[%dma_wait3A_543, %dma_wait3A_544] : memref<25088x16xf32, #tpu.memory_space<vmem_shared>> -> memref<25088x16xf32, #tpu.memory_space<vmem_shared>>
      tpu.wait_indirect_dma semaphore(%arg12 : memref<!tpu.dma_semaphore, #tpu.memory_space<semaphore_mem>>) src(%dma_wait3A_539 : memref<125x16xf32, #tpu.memory_space<vmem>>) dst(%dma_wait3A_545 : memref<25088x16xf32, #tpu.memory_space<vmem_shared>>)
      %dma_wait3A_546 = arith.constant 6 : i32
      %dma_wait3A_547 = arith.constant 750 : i32
      %dma_wait3A_548 = arith.constant 0 : i32
      %dma_wait3A_549 = tpu.memref_slice %arg9[%dma_wait3A_547, %dma_wait3A_548] : memref<4000x16xf32, #tpu.memory_space<vmem>> -> memref<125x16xf32, #tpu.memory_space<vmem>>
      %dma_wait3A_550 = arith.constant 0 : i32
      %dma_wait3A_551 = tpu.memref_slice %arg8[%dma_wait3A_546, %dma_wait3A_550] : memref<32x125xi32, #tpu.memory_space<vmem>> -> memref<1x125xi32, #tpu.memory_space<vmem>>
      %dma_wait3A_552 = tpu.memref_squeeze %dma_wait3A_551 : memref<1x125xi32, #tpu.memory_space<vmem>> -> memref<125xi32, #tpu.memory_space<vmem>>
      %dma_wait3A_553 = arith.constant 0 : i32
      %dma_wait3A_554 = arith.constant 0 : i32
      %dma_wait3A_555 = tpu.memref_slice %arg10[%dma_wait3A_553, %dma_wait3A_554] : memref<25088x16xf32, #tpu.memory_space<vmem_shared>> -> memref<25088x16xf32, #tpu.memory_space<vmem_shared>>
      tpu.wait_indirect_dma semaphore(%arg12 : memref<!tpu.dma_semaphore, #tpu.memory_space<semaphore_mem>>) src(%dma_wait3A_549 : memref<125x16xf32, #tpu.memory_space<vmem>>) dst(%dma_wait3A_555 : memref<25088x16xf32, #tpu.memory_space<vmem_shared>>)
      %dma_wait3A_556 = arith.constant 7 : i32
      %dma_wait3A_557 = arith.constant 875 : i32
      %dma_wait3A_558 = arith.constant 0 : i32
      %dma_wait3A_559 = tpu.memref_slice %arg9[%dma_wait3A_557, %dma_wait3A_558] : memref<4000x16xf32, #tpu.memory_space<vmem>> -> memref<125x16xf32, #tpu.memory_space<vmem>>
      %dma_wait3A_560 = arith.constant 0 : i32
      %dma_wait3A_561 = tpu.memref_slice %arg8[%dma_wait3A_556, %dma_wait3A_560] : memref<32x125xi32, #tpu.memory_space<vmem>> -> memref<1x125xi32, #tpu.memory_space<vmem>>
      %dma_wait3A_562 = tpu.memref_squeeze %dma_wait3A_561 : memref<1x125xi32, #tpu.memory_space<vmem>> -> memref<125xi32, #tpu.memory_space<vmem>>
      %dma_wait3A_563 = arith.constant 0 : i32
      %dma_wait3A_564 = arith.constant 0 : i32
      %dma_wait3A_565 = tpu.memref_slice %arg10[%dma_wait3A_563, %dma_wait3A_564] : memref<25088x16xf32, #tpu.memory_space<vmem_shared>> -> memref<25088x16xf32, #tpu.memory_space<vmem_shared>>
      tpu.wait_indirect_dma semaphore(%arg12 : memref<!tpu.dma_semaphore, #tpu.memory_space<semaphore_mem>>) src(%dma_wait3A_559 : memref<125x16xf32, #tpu.memory_space<vmem>>) dst(%dma_wait3A_565 : memref<25088x16xf32, #tpu.memory_space<vmem_shared>>)
      %dma_wait3A_566 = arith.constant 8 : i32
      %dma_wait3A_567 = arith.constant 1000 : i32
      %dma_wait3A_568 = arith.constant 0 : i32
      %dma_wait3A_569 = tpu.memref_slice %arg9[%dma_wait3A_567, %dma_wait3A_568] : memref<4000x16xf32, #tpu.memory_space<vmem>> -> memref<125x16xf32, #tpu.memory_space<vmem>>
      %dma_wait3A_570 = arith.constant 0 : i32
      %dma_wait3A_571 = tpu.memref_slice %arg8[%dma_wait3A_566, %dma_wait3A_570] : memref<32x125xi32, #tpu.memory_space<vmem>> -> memref<1x125xi32, #tpu.memory_space<vmem>>
      %dma_wait3A_572 = tpu.memref_squeeze %dma_wait3A_571 : memref<1x125xi32, #tpu.memory_space<vmem>> -> memref<125xi32, #tpu.memory_space<vmem>>
      %dma_wait3A_573 = arith.constant 0 : i32
      %dma_wait3A_574 = arith.constant 0 : i32
      %dma_wait3A_575 = tpu.memref_slice %arg10[%dma_wait3A_573, %dma_wait3A_574] : memref<25088x16xf32, #tpu.memory_space<vmem_shared>> -> memref<25088x16xf32, #tpu.memory_space<vmem_shared>>
      tpu.wait_indirect_dma semaphore(%arg12 : memref<!tpu.dma_semaphore, #tpu.memory_space<semaphore_mem>>) src(%dma_wait3A_569 : memref<125x16xf32, #tpu.memory_space<vmem>>) dst(%dma_wait3A_575 : memref<25088x16xf32, #tpu.memory_space<vmem_shared>>)
      %dma_wait3A_576 = arith.constant 9 : i32
      %dma_wait3A_577 = arith.constant 1125 : i32
      %dma_wait3A_578 = arith.constant 0 : i32
      %dma_wait3A_579 = tpu.memref_slice %arg9[%dma_wait3A_577, %dma_wait3A_578] : memref<4000x16xf32, #tpu.memory_space<vmem>> -> memref<125x16xf32, #tpu.memory_space<vmem>>
      %dma_wait3A_580 = arith.constant 0 : i32
      %dma_wait3A_581 = tpu.memref_slice %arg8[%dma_wait3A_576, %dma_wait3A_580] : memref<32x125xi32, #tpu.memory_space<vmem>> -> memref<1x125xi32, #tpu.memory_space<vmem>>
      %dma_wait3A_582 = tpu.memref_squeeze %dma_wait3A_581 : memref<1x125xi32, #tpu.memory_space<vmem>> -> memref<125xi32, #tpu.memory_space<vmem>>
      %dma_wait3A_583 = arith.constant 0 : i32
      %dma_wait3A_584 = arith.constant 0 : i32
      %dma_wait3A_585 = tpu.memref_slice %arg10[%dma_wait3A_583, %dma_wait3A_584] : memref<25088x16xf32, #tpu.memory_space<vmem_shared>> -> memref<25088x16xf32, #tpu.memory_space<vmem_shared>>
      tpu.wait_indirect_dma semaphore(%arg12 : memref<!tpu.dma_semaphore, #tpu.memory_space<semaphore_mem>>) src(%dma_wait3A_579 : memref<125x16xf32, #tpu.memory_space<vmem>>) dst(%dma_wait3A_585 : memref<25088x16xf32, #tpu.memory_space<vmem_shared>>)
      %dma_wait3A_586 = arith.constant 10 : i32
      %dma_wait3A_587 = arith.constant 1250 : i32
      %dma_wait3A_588 = arith.constant 0 : i32
      %dma_wait3A_589 = tpu.memref_slice %arg9[%dma_wait3A_587, %dma_wait3A_588] : memref<4000x16xf32, #tpu.memory_space<vmem>> -> memref<125x16xf32, #tpu.memory_space<vmem>>
      %dma_wait3A_590 = arith.constant 0 : i32
      %dma_wait3A_591 = tpu.memref_slice %arg8[%dma_wait3A_586, %dma_wait3A_590] : memref<32x125xi32, #tpu.memory_space<vmem>> -> memref<1x125xi32, #tpu.memory_space<vmem>>
      %dma_wait3A_592 = tpu.memref_squeeze %dma_wait3A_591 : memref<1x125xi32, #tpu.memory_space<vmem>> -> memref<125xi32, #tpu.memory_space<vmem>>
      %dma_wait3A_593 = arith.constant 0 : i32
      %dma_wait3A_594 = arith.constant 0 : i32
      %dma_wait3A_595 = tpu.memref_slice %arg10[%dma_wait3A_593, %dma_wait3A_594] : memref<25088x16xf32, #tpu.memory_space<vmem_shared>> -> memref<25088x16xf32, #tpu.memory_space<vmem_shared>>
      tpu.wait_indirect_dma semaphore(%arg12 : memref<!tpu.dma_semaphore, #tpu.memory_space<semaphore_mem>>) src(%dma_wait3A_589 : memref<125x16xf32, #tpu.memory_space<vmem>>) dst(%dma_wait3A_595 : memref<25088x16xf32, #tpu.memory_space<vmem_shared>>)
      %dma_wait3A_596 = arith.constant 11 : i32
      %dma_wait3A_597 = arith.constant 1375 : i32
      %dma_wait3A_598 = arith.constant 0 : i32
      %dma_wait3A_599 = tpu.memref_slice %arg9[%dma_wait3A_597, %dma_wait3A_598] : memref<4000x16xf32, #tpu.memory_space<vmem>> -> memref<125x16xf32, #tpu.memory_space<vmem>>
      %dma_wait3A_600 = arith.constant 0 : i32
      %dma_wait3A_601 = tpu.memref_slice %arg8[%dma_wait3A_596, %dma_wait3A_600] : memref<32x125xi32, #tpu.memory_space<vmem>> -> memref<1x125xi32, #tpu.memory_space<vmem>>
      %dma_wait3A_602 = tpu.memref_squeeze %dma_wait3A_601 : memref<1x125xi32, #tpu.memory_space<vmem>> -> memref<125xi32, #tpu.memory_space<vmem>>
      %dma_wait3A_603 = arith.constant 0 : i32
      %dma_wait3A_604 = arith.constant 0 : i32
      %dma_wait3A_605 = tpu.memref_slice %arg10[%dma_wait3A_603, %dma_wait3A_604] : memref<25088x16xf32, #tpu.memory_space<vmem_shared>> -> memref<25088x16xf32, #tpu.memory_space<vmem_shared>>
      tpu.wait_indirect_dma semaphore(%arg12 : memref<!tpu.dma_semaphore, #tpu.memory_space<semaphore_mem>>) src(%dma_wait3A_599 : memref<125x16xf32, #tpu.memory_space<vmem>>) dst(%dma_wait3A_605 : memref<25088x16xf32, #tpu.memory_space<vmem_shared>>)
      %dma_wait3A_606 = arith.constant 12 : i32
      %dma_wait3A_607 = arith.constant 1500 : i32
      %dma_wait3A_608 = arith.constant 0 : i32
      %dma_wait3A_609 = tpu.memref_slice %arg9[%dma_wait3A_607, %dma_wait3A_608] : memref<4000x16xf32, #tpu.memory_space<vmem>> -> memref<125x16xf32, #tpu.memory_space<vmem>>
      %dma_wait3A_610 = arith.constant 0 : i32
      %dma_wait3A_611 = tpu.memref_slice %arg8[%dma_wait3A_606, %dma_wait3A_610] : memref<32x125xi32, #tpu.memory_space<vmem>> -> memref<1x125xi32, #tpu.memory_space<vmem>>
      %dma_wait3A_612 = tpu.memref_squeeze %dma_wait3A_611 : memref<1x125xi32, #tpu.memory_space<vmem>> -> memref<125xi32, #tpu.memory_space<vmem>>
      %dma_wait3A_613 = arith.constant 0 : i32
      %dma_wait3A_614 = arith.constant 0 : i32
      %dma_wait3A_615 = tpu.memref_slice %arg10[%dma_wait3A_613, %dma_wait3A_614] : memref<25088x16xf32, #tpu.memory_space<vmem_shared>> -> memref<25088x16xf32, #tpu.memory_space<vmem_shared>>
      tpu.wait_indirect_dma semaphore(%arg12 : memref<!tpu.dma_semaphore, #tpu.memory_space<semaphore_mem>>) src(%dma_wait3A_609 : memref<125x16xf32, #tpu.memory_space<vmem>>) dst(%dma_wait3A_615 : memref<25088x16xf32, #tpu.memory_space<vmem_shared>>)
      %dma_wait3A_616 = arith.constant 13 : i32
      %dma_wait3A_617 = arith.constant 1625 : i32
      %dma_wait3A_618 = arith.constant 0 : i32
      %dma_wait3A_619 = tpu.memref_slice %arg9[%dma_wait3A_617, %dma_wait3A_618] : memref<4000x16xf32, #tpu.memory_space<vmem>> -> memref<125x16xf32, #tpu.memory_space<vmem>>
      %dma_wait3A_620 = arith.constant 0 : i32
      %dma_wait3A_621 = tpu.memref_slice %arg8[%dma_wait3A_616, %dma_wait3A_620] : memref<32x125xi32, #tpu.memory_space<vmem>> -> memref<1x125xi32, #tpu.memory_space<vmem>>
      %dma_wait3A_622 = tpu.memref_squeeze %dma_wait3A_621 : memref<1x125xi32, #tpu.memory_space<vmem>> -> memref<125xi32, #tpu.memory_space<vmem>>
      %dma_wait3A_623 = arith.constant 0 : i32
      %dma_wait3A_624 = arith.constant 0 : i32
      %dma_wait3A_625 = tpu.memref_slice %arg10[%dma_wait3A_623, %dma_wait3A_624] : memref<25088x16xf32, #tpu.memory_space<vmem_shared>> -> memref<25088x16xf32, #tpu.memory_space<vmem_shared>>
      tpu.wait_indirect_dma semaphore(%arg12 : memref<!tpu.dma_semaphore, #tpu.memory_space<semaphore_mem>>) src(%dma_wait3A_619 : memref<125x16xf32, #tpu.memory_space<vmem>>) dst(%dma_wait3A_625 : memref<25088x16xf32, #tpu.memory_space<vmem_shared>>)
      %dma_wait3A_626 = arith.constant 14 : i32
      %dma_wait3A_627 = arith.constant 1750 : i32
      %dma_wait3A_628 = arith.constant 0 : i32
      %dma_wait3A_629 = tpu.memref_slice %arg9[%dma_wait3A_627, %dma_wait3A_628] : memref<4000x16xf32, #tpu.memory_space<vmem>> -> memref<125x16xf32, #tpu.memory_space<vmem>>
      %dma_wait3A_630 = arith.constant 0 : i32
      %dma_wait3A_631 = tpu.memref_slice %arg8[%dma_wait3A_626, %dma_wait3A_630] : memref<32x125xi32, #tpu.memory_space<vmem>> -> memref<1x125xi32, #tpu.memory_space<vmem>>
      %dma_wait3A_632 = tpu.memref_squeeze %dma_wait3A_631 : memref<1x125xi32, #tpu.memory_space<vmem>> -> memref<125xi32, #tpu.memory_space<vmem>>
      %dma_wait3A_633 = arith.constant 0 : i32
      %dma_wait3A_634 = arith.constant 0 : i32
      %dma_wait3A_635 = tpu.memref_slice %arg10[%dma_wait3A_633, %dma_wait3A_634] : memref<25088x16xf32, #tpu.memory_space<vmem_shared>> -> memref<25088x16xf32, #tpu.memory_space<vmem_shared>>
      tpu.wait_indirect_dma semaphore(%arg12 : memref<!tpu.dma_semaphore, #tpu.memory_space<semaphore_mem>>) src(%dma_wait3A_629 : memref<125x16xf32, #tpu.memory_space<vmem>>) dst(%dma_wait3A_635 : memref<25088x16xf32, #tpu.memory_space<vmem_shared>>)
      %dma_wait3A_636 = arith.constant 15 : i32
      %dma_wait3A_637 = arith.constant 1875 : i32
      %dma_wait3A_638 = arith.constant 0 : i32
      %dma_wait3A_639 = tpu.memref_slice %arg9[%dma_wait3A_637, %dma_wait3A_638] : memref<4000x16xf32, #tpu.memory_space<vmem>> -> memref<125x16xf32, #tpu.memory_space<vmem>>
      %dma_wait3A_640 = arith.constant 0 : i32
      %dma_wait3A_641 = tpu.memref_slice %arg8[%dma_wait3A_636, %dma_wait3A_640] : memref<32x125xi32, #tpu.memory_space<vmem>> -> memref<1x125xi32, #tpu.memory_space<vmem>>
      %dma_wait3A_642 = tpu.memref_squeeze %dma_wait3A_641 : memref<1x125xi32, #tpu.memory_space<vmem>> -> memref<125xi32, #tpu.memory_space<vmem>>
      %dma_wait3A_643 = arith.constant 0 : i32
      %dma_wait3A_644 = arith.constant 0 : i32
      %dma_wait3A_645 = tpu.memref_slice %arg10[%dma_wait3A_643, %dma_wait3A_644] : memref<25088x16xf32, #tpu.memory_space<vmem_shared>> -> memref<25088x16xf32, #tpu.memory_space<vmem_shared>>
      tpu.wait_indirect_dma semaphore(%arg12 : memref<!tpu.dma_semaphore, #tpu.memory_space<semaphore_mem>>) src(%dma_wait3A_639 : memref<125x16xf32, #tpu.memory_space<vmem>>) dst(%dma_wait3A_645 : memref<25088x16xf32, #tpu.memory_space<vmem_shared>>)
      %dma_wait3A_646 = arith.constant 16 : i32
      %dma_wait3A_647 = arith.constant 2000 : i32
      %dma_wait3A_648 = arith.constant 0 : i32
      %dma_wait3A_649 = tpu.memref_slice %arg9[%dma_wait3A_647, %dma_wait3A_648] : memref<4000x16xf32, #tpu.memory_space<vmem>> -> memref<125x16xf32, #tpu.memory_space<vmem>>
      %dma_wait3A_650 = arith.constant 0 : i32
      %dma_wait3A_651 = tpu.memref_slice %arg8[%dma_wait3A_646, %dma_wait3A_650] : memref<32x125xi32, #tpu.memory_space<vmem>> -> memref<1x125xi32, #tpu.memory_space<vmem>>
      %dma_wait3A_652 = tpu.memref_squeeze %dma_wait3A_651 : memref<1x125xi32, #tpu.memory_space<vmem>> -> memref<125xi32, #tpu.memory_space<vmem>>
      %dma_wait3A_653 = arith.constant 0 : i32
      %dma_wait3A_654 = arith.constant 0 : i32
      %dma_wait3A_655 = tpu.memref_slice %arg10[%dma_wait3A_653, %dma_wait3A_654] : memref<25088x16xf32, #tpu.memory_space<vmem_shared>> -> memref<25088x16xf32, #tpu.memory_space<vmem_shared>>
      tpu.wait_indirect_dma semaphore(%arg12 : memref<!tpu.dma_semaphore, #tpu.memory_space<semaphore_mem>>) src(%dma_wait3A_649 : memref<125x16xf32, #tpu.memory_space<vmem>>) dst(%dma_wait3A_655 : memref<25088x16xf32, #tpu.memory_space<vmem_shared>>)
      %dma_wait3A_656 = arith.constant 17 : i32
      %dma_wait3A_657 = arith.constant 2125 : i32
      %dma_wait3A_658 = arith.constant 0 : i32
      %dma_wait3A_659 = tpu.memref_slice %arg9[%dma_wait3A_657, %dma_wait3A_658] : memref<4000x16xf32, #tpu.memory_space<vmem>> -> memref<125x16xf32, #tpu.memory_space<vmem>>
      %dma_wait3A_660 = arith.constant 0 : i32
      %dma_wait3A_661 = tpu.memref_slice %arg8[%dma_wait3A_656, %dma_wait3A_660] : memref<32x125xi32, #tpu.memory_space<vmem>> -> memref<1x125xi32, #tpu.memory_space<vmem>>
      %dma_wait3A_662 = tpu.memref_squeeze %dma_wait3A_661 : memref<1x125xi32, #tpu.memory_space<vmem>> -> memref<125xi32, #tpu.memory_space<vmem>>
      %dma_wait3A_663 = arith.constant 0 : i32
      %dma_wait3A_664 = arith.constant 0 : i32
      %dma_wait3A_665 = tpu.memref_slice %arg10[%dma_wait3A_663, %dma_wait3A_664] : memref<25088x16xf32, #tpu.memory_space<vmem_shared>> -> memref<25088x16xf32, #tpu.memory_space<vmem_shared>>
      tpu.wait_indirect_dma semaphore(%arg12 : memref<!tpu.dma_semaphore, #tpu.memory_space<semaphore_mem>>) src(%dma_wait3A_659 : memref<125x16xf32, #tpu.memory_space<vmem>>) dst(%dma_wait3A_665 : memref<25088x16xf32, #tpu.memory_space<vmem_shared>>)
      %dma_wait3A_666 = arith.constant 18 : i32
      %dma_wait3A_667 = arith.constant 2250 : i32
      %dma_wait3A_668 = arith.constant 0 : i32
      %dma_wait3A_669 = tpu.memref_slice %arg9[%dma_wait3A_667, %dma_wait3A_668] : memref<4000x16xf32, #tpu.memory_space<vmem>> -> memref<125x16xf32, #tpu.memory_space<vmem>>
      %dma_wait3A_670 = arith.constant 0 : i32
      %dma_wait3A_671 = tpu.memref_slice %arg8[%dma_wait3A_666, %dma_wait3A_670] : memref<32x125xi32, #tpu.memory_space<vmem>> -> memref<1x125xi32, #tpu.memory_space<vmem>>
      %dma_wait3A_672 = tpu.memref_squeeze %dma_wait3A_671 : memref<1x125xi32, #tpu.memory_space<vmem>> -> memref<125xi32, #tpu.memory_space<vmem>>
      %dma_wait3A_673 = arith.constant 0 : i32
      %dma_wait3A_674 = arith.constant 0 : i32
      %dma_wait3A_675 = tpu.memref_slice %arg10[%dma_wait3A_673, %dma_wait3A_674] : memref<25088x16xf32, #tpu.memory_space<vmem_shared>> -> memref<25088x16xf32, #tpu.memory_space<vmem_shared>>
      tpu.wait_indirect_dma semaphore(%arg12 : memref<!tpu.dma_semaphore, #tpu.memory_space<semaphore_mem>>) src(%dma_wait3A_669 : memref<125x16xf32, #tpu.memory_space<vmem>>) dst(%dma_wait3A_675 : memref<25088x16xf32, #tpu.memory_space<vmem_shared>>)
      %dma_wait3A_676 = arith.constant 19 : i32
      %dma_wait3A_677 = arith.constant 2375 : i32
      %dma_wait3A_678 = arith.constant 0 : i32
      %dma_wait3A_679 = tpu.memref_slice %arg9[%dma_wait3A_677, %dma_wait3A_678] : memref<4000x16xf32, #tpu.memory_space<vmem>> -> memref<125x16xf32, #tpu.memory_space<vmem>>
      %dma_wait3A_680 = arith.constant 0 : i32
      %dma_wait3A_681 = tpu.memref_slice %arg8[%dma_wait3A_676, %dma_wait3A_680] : memref<32x125xi32, #tpu.memory_space<vmem>> -> memref<1x125xi32, #tpu.memory_space<vmem>>
      %dma_wait3A_682 = tpu.memref_squeeze %dma_wait3A_681 : memref<1x125xi32, #tpu.memory_space<vmem>> -> memref<125xi32, #tpu.memory_space<vmem>>
      %dma_wait3A_683 = arith.constant 0 : i32
      %dma_wait3A_684 = arith.constant 0 : i32
      %dma_wait3A_685 = tpu.memref_slice %arg10[%dma_wait3A_683, %dma_wait3A_684] : memref<25088x16xf32, #tpu.memory_space<vmem_shared>> -> memref<25088x16xf32, #tpu.memory_space<vmem_shared>>
      tpu.wait_indirect_dma semaphore(%arg12 : memref<!tpu.dma_semaphore, #tpu.memory_space<semaphore_mem>>) src(%dma_wait3A_679 : memref<125x16xf32, #tpu.memory_space<vmem>>) dst(%dma_wait3A_685 : memref<25088x16xf32, #tpu.memory_space<vmem_shared>>)
      %dma_wait3A_686 = arith.constant 20 : i32
      %dma_wait3A_687 = arith.constant 2500 : i32
      %dma_wait3A_688 = arith.constant 0 : i32
      %dma_wait3A_689 = tpu.memref_slice %arg9[%dma_wait3A_687, %dma_wait3A_688] : memref<4000x16xf32, #tpu.memory_space<vmem>> -> memref<125x16xf32, #tpu.memory_space<vmem>>
      %dma_wait3A_690 = arith.constant 0 : i32
      %dma_wait3A_691 = tpu.memref_slice %arg8[%dma_wait3A_686, %dma_wait3A_690] : memref<32x125xi32, #tpu.memory_space<vmem>> -> memref<1x125xi32, #tpu.memory_space<vmem>>
      %dma_wait3A_692 = tpu.memref_squeeze %dma_wait3A_691 : memref<1x125xi32, #tpu.memory_space<vmem>> -> memref<125xi32, #tpu.memory_space<vmem>>
      %dma_wait3A_693 = arith.constant 0 : i32
      %dma_wait3A_694 = arith.constant 0 : i32
      %dma_wait3A_695 = tpu.memref_slice %arg10[%dma_wait3A_693, %dma_wait3A_694] : memref<25088x16xf32, #tpu.memory_space<vmem_shared>> -> memref<25088x16xf32, #tpu.memory_space<vmem_shared>>
      tpu.wait_indirect_dma semaphore(%arg12 : memref<!tpu.dma_semaphore, #tpu.memory_space<semaphore_mem>>) src(%dma_wait3A_689 : memref<125x16xf32, #tpu.memory_space<vmem>>) dst(%dma_wait3A_695 : memref<25088x16xf32, #tpu.memory_space<vmem_shared>>)
      %dma_wait3A_696 = arith.constant 21 : i32
      %dma_wait3A_697 = arith.constant 2625 : i32
      %dma_wait3A_698 = arith.constant 0 : i32
      %dma_wait3A_699 = tpu.memref_slice %arg9[%dma_wait3A_697, %dma_wait3A_698] : memref<4000x16xf32, #tpu.memory_space<vmem>> -> memref<125x16xf32, #tpu.memory_space<vmem>>
      %dma_wait3A_700 = arith.constant 0 : i32
      %dma_wait3A_701 = tpu.memref_slice %arg8[%dma_wait3A_696, %dma_wait3A_700] : memref<32x125xi32, #tpu.memory_space<vmem>> -> memref<1x125xi32, #tpu.memory_space<vmem>>
      %dma_wait3A_702 = tpu.memref_squeeze %dma_wait3A_701 : memref<1x125xi32, #tpu.memory_space<vmem>> -> memref<125xi32, #tpu.memory_space<vmem>>
      %dma_wait3A_703 = arith.constant 0 : i32
      %dma_wait3A_704 = arith.constant 0 : i32
      %dma_wait3A_705 = tpu.memref_slice %arg10[%dma_wait3A_703, %dma_wait3A_704] : memref<25088x16xf32, #tpu.memory_space<vmem_shared>> -> memref<25088x16xf32, #tpu.memory_space<vmem_shared>>
      tpu.wait_indirect_dma semaphore(%arg12 : memref<!tpu.dma_semaphore, #tpu.memory_space<semaphore_mem>>) src(%dma_wait3A_699 : memref<125x16xf32, #tpu.memory_space<vmem>>) dst(%dma_wait3A_705 : memref<25088x16xf32, #tpu.memory_space<vmem_shared>>)
      %dma_wait3A_706 = arith.constant 22 : i32
      %dma_wait3A_707 = arith.constant 2750 : i32
      %dma_wait3A_708 = arith.constant 0 : i32
      %dma_wait3A_709 = tpu.memref_slice %arg9[%dma_wait3A_707, %dma_wait3A_708] : memref<4000x16xf32, #tpu.memory_space<vmem>> -> memref<125x16xf32, #tpu.memory_space<vmem>>
      %dma_wait3A_710 = arith.constant 0 : i32
      %dma_wait3A_711 = tpu.memref_slice %arg8[%dma_wait3A_706, %dma_wait3A_710] : memref<32x125xi32, #tpu.memory_space<vmem>> -> memref<1x125xi32, #tpu.memory_space<vmem>>
      %dma_wait3A_712 = tpu.memref_squeeze %dma_wait3A_711 : memref<1x125xi32, #tpu.memory_space<vmem>> -> memref<125xi32, #tpu.memory_space<vmem>>
      %dma_wait3A_713 = arith.constant 0 : i32
      %dma_wait3A_714 = arith.constant 0 : i32
      %dma_wait3A_715 = tpu.memref_slice %arg10[%dma_wait3A_713, %dma_wait3A_714] : memref<25088x16xf32, #tpu.memory_space<vmem_shared>> -> memref<25088x16xf32, #tpu.memory_space<vmem_shared>>
      tpu.wait_indirect_dma semaphore(%arg12 : memref<!tpu.dma_semaphore, #tpu.memory_space<semaphore_mem>>) src(%dma_wait3A_709 : memref<125x16xf32, #tpu.memory_space<vmem>>) dst(%dma_wait3A_715 : memref<25088x16xf32, #tpu.memory_space<vmem_shared>>)
      %dma_wait3A_716 = arith.constant 23 : i32
      %dma_wait3A_717 = arith.constant 2875 : i32
      %dma_wait3A_718 = arith.constant 0 : i32
      %dma_wait3A_719 = tpu.memref_slice %arg9[%dma_wait3A_717, %dma_wait3A_718] : memref<4000x16xf32, #tpu.memory_space<vmem>> -> memref<125x16xf32, #tpu.memory_space<vmem>>
      %dma_wait3A_720 = arith.constant 0 : i32
      %dma_wait3A_721 = tpu.memref_slice %arg8[%dma_wait3A_716, %dma_wait3A_720] : memref<32x125xi32, #tpu.memory_space<vmem>> -> memref<1x125xi32, #tpu.memory_space<vmem>>
      %dma_wait3A_722 = tpu.memref_squeeze %dma_wait3A_721 : memref<1x125xi32, #tpu.memory_space<vmem>> -> memref<125xi32, #tpu.memory_space<vmem>>
      %dma_wait3A_723 = arith.constant 0 : i32
      %dma_wait3A_724 = arith.constant 0 : i32
      %dma_wait3A_725 = tpu.memref_slice %arg10[%dma_wait3A_723, %dma_wait3A_724] : memref<25088x16xf32, #tpu.memory_space<vmem_shared>> -> memref<25088x16xf32, #tpu.memory_space<vmem_shared>>
      tpu.wait_indirect_dma semaphore(%arg12 : memref<!tpu.dma_semaphore, #tpu.memory_space<semaphore_mem>>) src(%dma_wait3A_719 : memref<125x16xf32, #tpu.memory_space<vmem>>) dst(%dma_wait3A_725 : memref<25088x16xf32, #tpu.memory_space<vmem_shared>>)
      %dma_wait3A_726 = arith.constant 24 : i32
      %dma_wait3A_727 = arith.constant 3000 : i32
      %dma_wait3A_728 = arith.constant 0 : i32
      %dma_wait3A_729 = tpu.memref_slice %arg9[%dma_wait3A_727, %dma_wait3A_728] : memref<4000x16xf32, #tpu.memory_space<vmem>> -> memref<125x16xf32, #tpu.memory_space<vmem>>
      %dma_wait3A_730 = arith.constant 0 : i32
      %dma_wait3A_731 = tpu.memref_slice %arg8[%dma_wait3A_726, %dma_wait3A_730] : memref<32x125xi32, #tpu.memory_space<vmem>> -> memref<1x125xi32, #tpu.memory_space<vmem>>
      %dma_wait3A_732 = tpu.memref_squeeze %dma_wait3A_731 : memref<1x125xi32, #tpu.memory_space<vmem>> -> memref<125xi32, #tpu.memory_space<vmem>>
      %dma_wait3A_733 = arith.constant 0 : i32
      %dma_wait3A_734 = arith.constant 0 : i32
      %dma_wait3A_735 = tpu.memref_slice %arg10[%dma_wait3A_733, %dma_wait3A_734] : memref<25088x16xf32, #tpu.memory_space<vmem_shared>> -> memref<25088x16xf32, #tpu.memory_space<vmem_shared>>
      tpu.wait_indirect_dma semaphore(%arg12 : memref<!tpu.dma_semaphore, #tpu.memory_space<semaphore_mem>>) src(%dma_wait3A_729 : memref<125x16xf32, #tpu.memory_space<vmem>>) dst(%dma_wait3A_735 : memref<25088x16xf32, #tpu.memory_space<vmem_shared>>)
      %dma_wait3A_736 = arith.constant 25 : i32
      %dma_wait3A_737 = arith.constant 3125 : i32
      %dma_wait3A_738 = arith.constant 0 : i32
      %dma_wait3A_739 = tpu.memref_slice %arg9[%dma_wait3A_737, %dma_wait3A_738] : memref<4000x16xf32, #tpu.memory_space<vmem>> -> memref<125x16xf32, #tpu.memory_space<vmem>>
      %dma_wait3A_740 = arith.constant 0 : i32
      %dma_wait3A_741 = tpu.memref_slice %arg8[%dma_wait3A_736, %dma_wait3A_740] : memref<32x125xi32, #tpu.memory_space<vmem>> -> memref<1x125xi32, #tpu.memory_space<vmem>>
      %dma_wait3A_742 = tpu.memref_squeeze %dma_wait3A_741 : memref<1x125xi32, #tpu.memory_space<vmem>> -> memref<125xi32, #tpu.memory_space<vmem>>
      %dma_wait3A_743 = arith.constant 0 : i32
      %dma_wait3A_744 = arith.constant 0 : i32
      %dma_wait3A_745 = tpu.memref_slice %arg10[%dma_wait3A_743, %dma_wait3A_744] : memref<25088x16xf32, #tpu.memory_space<vmem_shared>> -> memref<25088x16xf32, #tpu.memory_space<vmem_shared>>
      tpu.wait_indirect_dma semaphore(%arg12 : memref<!tpu.dma_semaphore, #tpu.memory_space<semaphore_mem>>) src(%dma_wait3A_739 : memref<125x16xf32, #tpu.memory_space<vmem>>) dst(%dma_wait3A_745 : memref<25088x16xf32, #tpu.memory_space<vmem_shared>>)
      %dma_wait3A_746 = arith.constant 26 : i32
      %dma_wait3A_747 = arith.constant 3250 : i32
      %dma_wait3A_748 = arith.constant 0 : i32
      %dma_wait3A_749 = tpu.memref_slice %arg9[%dma_wait3A_747, %dma_wait3A_748] : memref<4000x16xf32, #tpu.memory_space<vmem>> -> memref<125x16xf32, #tpu.memory_space<vmem>>
      %dma_wait3A_750 = arith.constant 0 : i32
      %dma_wait3A_751 = tpu.memref_slice %arg8[%dma_wait3A_746, %dma_wait3A_750] : memref<32x125xi32, #tpu.memory_space<vmem>> -> memref<1x125xi32, #tpu.memory_space<vmem>>
      %dma_wait3A_752 = tpu.memref_squeeze %dma_wait3A_751 : memref<1x125xi32, #tpu.memory_space<vmem>> -> memref<125xi32, #tpu.memory_space<vmem>>
      %dma_wait3A_753 = arith.constant 0 : i32
      %dma_wait3A_754 = arith.constant 0 : i32
      %dma_wait3A_755 = tpu.memref_slice %arg10[%dma_wait3A_753, %dma_wait3A_754] : memref<25088x16xf32, #tpu.memory_space<vmem_shared>> -> memref<25088x16xf32, #tpu.memory_space<vmem_shared>>
      tpu.wait_indirect_dma semaphore(%arg12 : memref<!tpu.dma_semaphore, #tpu.memory_space<semaphore_mem>>) src(%dma_wait3A_749 : memref<125x16xf32, #tpu.memory_space<vmem>>) dst(%dma_wait3A_755 : memref<25088x16xf32, #tpu.memory_space<vmem_shared>>)
      %dma_wait3A_756 = arith.constant 27 : i32
      %dma_wait3A_757 = arith.constant 3375 : i32
      %dma_wait3A_758 = arith.constant 0 : i32
      %dma_wait3A_759 = tpu.memref_slice %arg9[%dma_wait3A_757, %dma_wait3A_758] : memref<4000x16xf32, #tpu.memory_space<vmem>> -> memref<125x16xf32, #tpu.memory_space<vmem>>
      %dma_wait3A_760 = arith.constant 0 : i32
      %dma_wait3A_761 = tpu.memref_slice %arg8[%dma_wait3A_756, %dma_wait3A_760] : memref<32x125xi32, #tpu.memory_space<vmem>> -> memref<1x125xi32, #tpu.memory_space<vmem>>
      %dma_wait3A_762 = tpu.memref_squeeze %dma_wait3A_761 : memref<1x125xi32, #tpu.memory_space<vmem>> -> memref<125xi32, #tpu.memory_space<vmem>>
      %dma_wait3A_763 = arith.constant 0 : i32
      %dma_wait3A_764 = arith.constant 0 : i32
      %dma_wait3A_765 = tpu.memref_slice %arg10[%dma_wait3A_763, %dma_wait3A_764] : memref<25088x16xf32, #tpu.memory_space<vmem_shared>> -> memref<25088x16xf32, #tpu.memory_space<vmem_shared>>
      tpu.wait_indirect_dma semaphore(%arg12 : memref<!tpu.dma_semaphore, #tpu.memory_space<semaphore_mem>>) src(%dma_wait3A_759 : memref<125x16xf32, #tpu.memory_space<vmem>>) dst(%dma_wait3A_765 : memref<25088x16xf32, #tpu.memory_space<vmem_shared>>)
      %dma_wait3A_766 = arith.constant 28 : i32
      %dma_wait3A_767 = arith.constant 3500 : i32
      %dma_wait3A_768 = arith.constant 0 : i32
      %dma_wait3A_769 = tpu.memref_slice %arg9[%dma_wait3A_767, %dma_wait3A_768] : memref<4000x16xf32, #tpu.memory_space<vmem>> -> memref<125x16xf32, #tpu.memory_space<vmem>>
      %dma_wait3A_770 = arith.constant 0 : i32
      %dma_wait3A_771 = tpu.memref_slice %arg8[%dma_wait3A_766, %dma_wait3A_770] : memref<32x125xi32, #tpu.memory_space<vmem>> -> memref<1x125xi32, #tpu.memory_space<vmem>>
      %dma_wait3A_772 = tpu.memref_squeeze %dma_wait3A_771 : memref<1x125xi32, #tpu.memory_space<vmem>> -> memref<125xi32, #tpu.memory_space<vmem>>
      %dma_wait3A_773 = arith.constant 0 : i32
      %dma_wait3A_774 = arith.constant 0 : i32
      %dma_wait3A_775 = tpu.memref_slice %arg10[%dma_wait3A_773, %dma_wait3A_774] : memref<25088x16xf32, #tpu.memory_space<vmem_shared>> -> memref<25088x16xf32, #tpu.memory_space<vmem_shared>>
      tpu.wait_indirect_dma semaphore(%arg12 : memref<!tpu.dma_semaphore, #tpu.memory_space<semaphore_mem>>) src(%dma_wait3A_769 : memref<125x16xf32, #tpu.memory_space<vmem>>) dst(%dma_wait3A_775 : memref<25088x16xf32, #tpu.memory_space<vmem_shared>>)
      %dma_wait3A_776 = arith.constant 29 : i32
      %dma_wait3A_777 = arith.constant 3625 : i32
      %dma_wait3A_778 = arith.constant 0 : i32
      %dma_wait3A_779 = tpu.memref_slice %arg9[%dma_wait3A_777, %dma_wait3A_778] : memref<4000x16xf32, #tpu.memory_space<vmem>> -> memref<125x16xf32, #tpu.memory_space<vmem>>
      %dma_wait3A_780 = arith.constant 0 : i32
      %dma_wait3A_781 = tpu.memref_slice %arg8[%dma_wait3A_776, %dma_wait3A_780] : memref<32x125xi32, #tpu.memory_space<vmem>> -> memref<1x125xi32, #tpu.memory_space<vmem>>
      %dma_wait3A_782 = tpu.memref_squeeze %dma_wait3A_781 : memref<1x125xi32, #tpu.memory_space<vmem>> -> memref<125xi32, #tpu.memory_space<vmem>>
      %dma_wait3A_783 = arith.constant 0 : i32
      %dma_wait3A_784 = arith.constant 0 : i32
      %dma_wait3A_785 = tpu.memref_slice %arg10[%dma_wait3A_783, %dma_wait3A_784] : memref<25088x16xf32, #tpu.memory_space<vmem_shared>> -> memref<25088x16xf32, #tpu.memory_space<vmem_shared>>
      tpu.wait_indirect_dma semaphore(%arg12 : memref<!tpu.dma_semaphore, #tpu.memory_space<semaphore_mem>>) src(%dma_wait3A_779 : memref<125x16xf32, #tpu.memory_space<vmem>>) dst(%dma_wait3A_785 : memref<25088x16xf32, #tpu.memory_space<vmem_shared>>)
      %dma_wait3A_786 = arith.constant 30 : i32
      %dma_wait3A_787 = arith.constant 3750 : i32
      %dma_wait3A_788 = arith.constant 0 : i32
      %dma_wait3A_789 = tpu.memref_slice %arg9[%dma_wait3A_787, %dma_wait3A_788] : memref<4000x16xf32, #tpu.memory_space<vmem>> -> memref<125x16xf32, #tpu.memory_space<vmem>>
      %dma_wait3A_790 = arith.constant 0 : i32
      %dma_wait3A_791 = tpu.memref_slice %arg8[%dma_wait3A_786, %dma_wait3A_790] : memref<32x125xi32, #tpu.memory_space<vmem>> -> memref<1x125xi32, #tpu.memory_space<vmem>>
      %dma_wait3A_792 = tpu.memref_squeeze %dma_wait3A_791 : memref<1x125xi32, #tpu.memory_space<vmem>> -> memref<125xi32, #tpu.memory_space<vmem>>
      %dma_wait3A_793 = arith.constant 0 : i32
      %dma_wait3A_794 = arith.constant 0 : i32
      %dma_wait3A_795 = tpu.memref_slice %arg10[%dma_wait3A_793, %dma_wait3A_794] : memref<25088x16xf32, #tpu.memory_space<vmem_shared>> -> memref<25088x16xf32, #tpu.memory_space<vmem_shared>>
      tpu.wait_indirect_dma semaphore(%arg12 : memref<!tpu.dma_semaphore, #tpu.memory_space<semaphore_mem>>) src(%dma_wait3A_789 : memref<125x16xf32, #tpu.memory_space<vmem>>) dst(%dma_wait3A_795 : memref<25088x16xf32, #tpu.memory_space<vmem_shared>>)
      %dma_wait3A_796 = arith.constant 31 : i32
      %dma_wait3A_797 = arith.constant 3875 : i32
      %dma_wait3A_798 = arith.constant 0 : i32
      %dma_wait3A_799 = tpu.memref_slice %arg9[%dma_wait3A_797, %dma_wait3A_798] : memref<4000x16xf32, #tpu.memory_space<vmem>> -> memref<125x16xf32, #tpu.memory_space<vmem>>
      %dma_wait3A_800 = arith.constant 0 : i32
      %dma_wait3A_801 = tpu.memref_slice %arg8[%dma_wait3A_796, %dma_wait3A_800] : memref<32x125xi32, #tpu.memory_space<vmem>> -> memref<1x125xi32, #tpu.memory_space<vmem>>
      %dma_wait3A_802 = tpu.memref_squeeze %dma_wait3A_801 : memref<1x125xi32, #tpu.memory_space<vmem>> -> memref<125xi32, #tpu.memory_space<vmem>>
      %dma_wait3A_803 = arith.constant 0 : i32
      %dma_wait3A_804 = arith.constant 0 : i32
      %dma_wait3A_805 = tpu.memref_slice %arg10[%dma_wait3A_803, %dma_wait3A_804] : memref<25088x16xf32, #tpu.memory_space<vmem_shared>> -> memref<25088x16xf32, #tpu.memory_space<vmem_shared>>
      tpu.wait_indirect_dma semaphore(%arg12 : memref<!tpu.dma_semaphore, #tpu.memory_space<semaphore_mem>>) src(%dma_wait3A_799 : memref<125x16xf32, #tpu.memory_space<vmem>>) dst(%dma_wait3A_805 : memref<25088x16xf32, #tpu.memory_space<vmem_shared>>)
      %while3A_806 = arith.constant 0 : i32
      scf.yield %while3A_806 : i32
    }
    %while3A_39 = arith.constant 1 : i32
    %while3A_40 = scf.for %while3A_45 = %while3A_36 to %while3A_32 step %while3A_39 iter_args(%while3A_46 = %while3A_38) -> (i32)  : i32 {
      %mul3A_47 = arith.constant 4000 : i32
      %mul3A_48 = arith.muli %while3A_45, %mul3A_47 : i32
      %add3A_49 = arith.addi %sub3A_29, %mul3A_48 : i32
      %multiple_of3A_50 = tpu.assume_multiple %add3A_49, 4000 : i32
      %mul3A_51 = arith.constant 4000 : i32
      %mul3A_52 = arith.muli %while3A_45, %mul3A_51 : i32
      %add3A_53 = arith.addi %sub3A_29, %mul3A_52 : i32
      %jit3A_54 = arith.constant 125 : i32
      %div3A = arith.divsi %add3A_53, %jit3A_54 : i32
      %sign3A = arith.constant 0 : i32
      %sign3A_55 = arith.cmpi sgt, %add3A_53, %sign3A : i32
      %sign3A_56 = arith.extui %sign3A_55 : i1 to i32
      %sign3A_57 = arith.constant 0 : i32
      %sign3A_58 = arith.cmpi slt, %add3A_53, %sign3A_57 : i32
      %sign3A_59 = arith.extui %sign3A_58 : i1 to i32
      %sign3A_60 = arith.subi %sign3A_56, %sign3A_59 : i32
      %sign3A_61 = arith.constant 0 : i32
      %sign3A_62 = arith.cmpi sgt, %jit3A_54, %sign3A_61 : i32
      %sign3A_63 = arith.extui %sign3A_62 : i1 to i32
      %sign3A_64 = arith.constant 0 : i32
      %sign3A_65 = arith.cmpi slt, %jit3A_54, %sign3A_64 : i32
      %sign3A_66 = arith.extui %sign3A_65 : i1 to i32
      %sign3A_67 = arith.subi %sign3A_63, %sign3A_66 : i32
      %ne3A = arith.cmpi ne, %sign3A_60, %sign3A_67 : i32
      %rem3A = arith.remsi %add3A_53, %jit3A_54 : i32
      %ne3A_68 = arith.constant 0 : i32
      %ne3A_69 = arith.cmpi ne, %rem3A, %ne3A_68 : i32
      %and3A = arith.andi %ne3A, %ne3A_69 : i1
      %sub3A_70 = arith.constant 1 : i32
      %sub3A_71 = arith.subi %div3A, %sub3A_70 : i32
      %select_n3A_72 = arith.select %and3A, %sub3A_71, %div3A : i32
      %multiple_of3A_73 = tpu.assume_multiple %select_n3A_72, 32 : i32
      %add3A_74 = arith.constant 0 : i32
      %add3A_75 = arith.addi %add3A_74, %multiple_of3A_50 : i32
      %multiple_of3A_76 = tpu.assume_multiple %add3A_75, 4000 : i32
      %dma_start3A = arith.constant 0 : i32
      %dma_start3A_77 = tpu.memref_slice %arg6[%dma_start3A] : memref<12000xf32, #tpu.memory_space<vmem>> -> memref<4000xf32, #tpu.memory_space<vmem>>
      %dma_start3A_78 = tpu.memref_slice %arg2[%multiple_of3A_76] : memref<1500000xf32, #tpu.memory_space<hbm>> -> memref<4000xf32, #tpu.memory_space<hbm>>
      %dma_start3A_79 = arith.constant 0 : i32
      %dma_start3A_80 = tpu.memref_slice %arg6[%dma_start3A_79] : memref<12000xf32, #tpu.memory_space<vmem>> -> memref<4000xf32, #tpu.memory_space<vmem>>
      %dma_start3A_81 = tpu.memref_slice %arg2[%multiple_of3A_76] : memref<1500000xf32, #tpu.memory_space<hbm>> -> memref<4000xf32, #tpu.memory_space<hbm>>
      tpu.enqueue_dma source(%dma_start3A_81 : memref<4000xf32, #tpu.memory_space<hbm>>) target(%dma_start3A_80 : memref<4000xf32, #tpu.memory_space<vmem>>) target_semaphore(%arg11 : memref<!tpu.dma_semaphore, #tpu.memory_space<semaphore_mem>>)
      %dma_start3A_82 = arith.constant 0 : i32
      %dma_start3A_83 = tpu.memref_slice %arg7[%dma_start3A_82] : memref<12000xf32, #tpu.memory_space<vmem>> -> memref<4000xf32, #tpu.memory_space<vmem>>
      %dma_start3A_84 = tpu.memref_slice %arg3[%multiple_of3A_76] : memref<1500000xf32, #tpu.memory_space<hbm>> -> memref<4000xf32, #tpu.memory_space<hbm>>
      %dma_start3A_85 = arith.constant 0 : i32
      %dma_start3A_86 = tpu.memref_slice %arg7[%dma_start3A_85] : memref<12000xf32, #tpu.memory_space<vmem>> -> memref<4000xf32, #tpu.memory_space<vmem>>
      %dma_start3A_87 = tpu.memref_slice %arg3[%multiple_of3A_76] : memref<1500000xf32, #tpu.memory_space<hbm>> -> memref<4000xf32, #tpu.memory_space<hbm>>
      tpu.enqueue_dma source(%dma_start3A_87 : memref<4000xf32, #tpu.memory_space<hbm>>) target(%dma_start3A_86 : memref<4000xf32, #tpu.memory_space<vmem>>) target_semaphore(%arg11 : memref<!tpu.dma_semaphore, #tpu.memory_space<semaphore_mem>>)
      %add3A_88 = arith.constant 500000 : i32
      %add3A_89 = arith.addi %add3A_88, %multiple_of3A_50 : i32
      %multiple_of3A_90 = tpu.assume_multiple %add3A_89, 4000 : i32
      %dma_start3A_91 = arith.constant 4000 : i32
      %dma_start3A_92 = tpu.memref_slice %arg6[%dma_start3A_91] : memref<12000xf32, #tpu.memory_space<vmem>> -> memref<4000xf32, #tpu.memory_space<vmem>>
      %dma_start3A_93 = tpu.memref_slice %arg2[%multiple_of3A_90] : memref<1500000xf32, #tpu.memory_space<hbm>> -> memref<4000xf32, #tpu.memory_space<hbm>>
      %dma_start3A_94 = arith.constant 4000 : i32
      %dma_start3A_95 = tpu.memref_slice %arg6[%dma_start3A_94] : memref<12000xf32, #tpu.memory_space<vmem>> -> memref<4000xf32, #tpu.memory_space<vmem>>
      %dma_start3A_96 = tpu.memref_slice %arg2[%multiple_of3A_90] : memref<1500000xf32, #tpu.memory_space<hbm>> -> memref<4000xf32, #tpu.memory_space<hbm>>
      tpu.enqueue_dma source(%dma_start3A_96 : memref<4000xf32, #tpu.memory_space<hbm>>) target(%dma_start3A_95 : memref<4000xf32, #tpu.memory_space<vmem>>) target_semaphore(%arg11 : memref<!tpu.dma_semaphore, #tpu.memory_space<semaphore_mem>>)
      %dma_start3A_97 = arith.constant 4000 : i32
      %dma_start3A_98 = tpu.memref_slice %arg7[%dma_start3A_97] : memref<12000xf32, #tpu.memory_space<vmem>> -> memref<4000xf32, #tpu.memory_space<vmem>>
      %dma_start3A_99 = tpu.memref_slice %arg3[%multiple_of3A_90] : memref<1500000xf32, #tpu.memory_space<hbm>> -> memref<4000xf32, #tpu.memory_space<hbm>>
      %dma_start3A_100 = arith.constant 4000 : i32
      %dma_start3A_101 = tpu.memref_slice %arg7[%dma_start3A_100] : memref<12000xf32, #tpu.memory_space<vmem>> -> memref<4000xf32, #tpu.memory_space<vmem>>
      %dma_start3A_102 = tpu.memref_slice %arg3[%multiple_of3A_90] : memref<1500000xf32, #tpu.memory_space<hbm>> -> memref<4000xf32, #tpu.memory_space<hbm>>
      tpu.enqueue_dma source(%dma_start3A_102 : memref<4000xf32, #tpu.memory_space<hbm>>) target(%dma_start3A_101 : memref<4000xf32, #tpu.memory_space<vmem>>) target_semaphore(%arg11 : memref<!tpu.dma_semaphore, #tpu.memory_space<semaphore_mem>>)
      %add3A_103 = arith.constant 1000000 : i32
      %add3A_104 = arith.addi %add3A_103, %multiple_of3A_50 : i32
      %multiple_of3A_105 = tpu.assume_multiple %add3A_104, 4000 : i32
      %dma_start3A_106 = arith.constant 8000 : i32
      %dma_start3A_107 = tpu.memref_slice %arg6[%dma_start3A_106] : memref<12000xf32, #tpu.memory_space<vmem>> -> memref<4000xf32, #tpu.memory_space<vmem>>
      %dma_start3A_108 = tpu.memref_slice %arg2[%multiple_of3A_105] : memref<1500000xf32, #tpu.memory_space<hbm>> -> memref<4000xf32, #tpu.memory_space<hbm>>
      %dma_start3A_109 = arith.constant 8000 : i32
      %dma_start3A_110 = tpu.memref_slice %arg6[%dma_start3A_109] : memref<12000xf32, #tpu.memory_space<vmem>> -> memref<4000xf32, #tpu.memory_space<vmem>>
      %dma_start3A_111 = tpu.memref_slice %arg2[%multiple_of3A_105] : memref<1500000xf32, #tpu.memory_space<hbm>> -> memref<4000xf32, #tpu.memory_space<hbm>>
      tpu.enqueue_dma source(%dma_start3A_111 : memref<4000xf32, #tpu.memory_space<hbm>>) target(%dma_start3A_110 : memref<4000xf32, #tpu.memory_space<vmem>>) target_semaphore(%arg11 : memref<!tpu.dma_semaphore, #tpu.memory_space<semaphore_mem>>)
      %dma_start3A_112 = arith.constant 8000 : i32
      %dma_start3A_113 = tpu.memref_slice %arg7[%dma_start3A_112] : memref<12000xf32, #tpu.memory_space<vmem>> -> memref<4000xf32, #tpu.memory_space<vmem>>
      %dma_start3A_114 = tpu.memref_slice %arg3[%multiple_of3A_105] : memref<1500000xf32, #tpu.memory_space<hbm>> -> memref<4000xf32, #tpu.memory_space<hbm>>
      %dma_start3A_115 = arith.constant 8000 : i32
      %dma_start3A_116 = tpu.memref_slice %arg7[%dma_start3A_115] : memref<12000xf32, #tpu.memory_space<vmem>> -> memref<4000xf32, #tpu.memory_space<vmem>>
      %dma_start3A_117 = tpu.memref_slice %arg3[%multiple_of3A_105] : memref<1500000xf32, #tpu.memory_space<hbm>> -> memref<4000xf32, #tpu.memory_space<hbm>>
      tpu.enqueue_dma source(%dma_start3A_117 : memref<4000xf32, #tpu.memory_space<hbm>>) target(%dma_start3A_116 : memref<4000xf32, #tpu.memory_space<vmem>>) target_semaphore(%arg11 : memref<!tpu.dma_semaphore, #tpu.memory_space<semaphore_mem>>)
      %dma_start3A_118 = arith.constant 0 : i32
      %dma_start3A_119 = tpu.memref_slice %arg4[%multiple_of3A_73, %dma_start3A_118] : memref<4000x125xi32, #tpu.memory_space<hbm>> -> memref<32x125xi32, #tpu.memory_space<hbm>>
      %dma_start3A_120 = arith.constant 0 : i32
      %dma_start3A_121 = tpu.memref_slice %arg4[%multiple_of3A_73, %dma_start3A_120] : memref<4000x125xi32, #tpu.memory_space<hbm>> -> memref<32x125xi32, #tpu.memory_space<hbm>>
      tpu.enqueue_dma source(%dma_start3A_121 : memref<32x125xi32, #tpu.memory_space<hbm>>) target(%arg8 : memref<32x125xi32, #tpu.memory_space<vmem>>) target_semaphore(%arg11 : memref<!tpu.dma_semaphore, #tpu.memory_space<semaphore_mem>>)
      %dma_wait3A = arith.constant 0 : i32
      %dma_wait3A_122 = tpu.memref_slice %arg6[%dma_wait3A] : memref<12000xf32, #tpu.memory_space<vmem>> -> memref<4000xf32, #tpu.memory_space<vmem>>
      %dma_wait3A_123 = tpu.memref_slice %arg2[%multiple_of3A_76] : memref<1500000xf32, #tpu.memory_space<hbm>> -> memref<4000xf32, #tpu.memory_space<hbm>>
      %dma_wait3A_124 = arith.constant 0 : i32
      %dma_wait3A_125 = tpu.memref_slice %arg6[%dma_wait3A_124] : memref<12000xf32, #tpu.memory_space<vmem>> -> memref<4000xf32, #tpu.memory_space<vmem>>
      %dma_wait3A_126 = tpu.memref_slice %arg2[%multiple_of3A_76] : memref<1500000xf32, #tpu.memory_space<hbm>> -> memref<4000xf32, #tpu.memory_space<hbm>>
      tpu.wait_dma2 semaphore(%arg11 : memref<!tpu.dma_semaphore, #tpu.memory_space<semaphore_mem>>) src(%dma_wait3A_126 : memref<4000xf32, #tpu.memory_space<hbm>>) dst(%dma_wait3A_125 : memref<4000xf32, #tpu.memory_space<vmem>>)
      %dma_wait3A_127 = arith.constant 0 : i32
      %dma_wait3A_128 = tpu.memref_slice %arg7[%dma_wait3A_127] : memref<12000xf32, #tpu.memory_space<vmem>> -> memref<4000xf32, #tpu.memory_space<vmem>>
      %dma_wait3A_129 = tpu.memref_slice %arg3[%multiple_of3A_76] : memref<1500000xf32, #tpu.memory_space<hbm>> -> memref<4000xf32, #tpu.memory_space<hbm>>
      %dma_wait3A_130 = arith.constant 0 : i32
      %dma_wait3A_131 = tpu.memref_slice %arg7[%dma_wait3A_130] : memref<12000xf32, #tpu.memory_space<vmem>> -> memref<4000xf32, #tpu.memory_space<vmem>>
      %dma_wait3A_132 = tpu.memref_slice %arg3[%multiple_of3A_76] : memref<1500000xf32, #tpu.memory_space<hbm>> -> memref<4000xf32, #tpu.memory_space<hbm>>
      tpu.wait_dma2 semaphore(%arg11 : memref<!tpu.dma_semaphore, #tpu.memory_space<semaphore_mem>>) src(%dma_wait3A_132 : memref<4000xf32, #tpu.memory_space<hbm>>) dst(%dma_wait3A_131 : memref<4000xf32, #tpu.memory_space<vmem>>)
      %dma_wait3A_133 = arith.constant 4000 : i32
      %dma_wait3A_134 = tpu.memref_slice %arg6[%dma_wait3A_133] : memref<12000xf32, #tpu.memory_space<vmem>> -> memref<4000xf32, #tpu.memory_space<vmem>>
      %dma_wait3A_135 = tpu.memref_slice %arg2[%multiple_of3A_90] : memref<1500000xf32, #tpu.memory_space<hbm>> -> memref<4000xf32, #tpu.memory_space<hbm>>
      %dma_wait3A_136 = arith.constant 4000 : i32
      %dma_wait3A_137 = tpu.memref_slice %arg6[%dma_wait3A_136] : memref<12000xf32, #tpu.memory_space<vmem>> -> memref<4000xf32, #tpu.memory_space<vmem>>
      %dma_wait3A_138 = tpu.memref_slice %arg2[%multiple_of3A_90] : memref<1500000xf32, #tpu.memory_space<hbm>> -> memref<4000xf32, #tpu.memory_space<hbm>>
      tpu.wait_dma2 semaphore(%arg11 : memref<!tpu.dma_semaphore, #tpu.memory_space<semaphore_mem>>) src(%dma_wait3A_138 : memref<4000xf32, #tpu.memory_space<hbm>>) dst(%dma_wait3A_137 : memref<4000xf32, #tpu.memory_space<vmem>>)
      %dma_wait3A_139 = arith.constant 4000 : i32
      %dma_wait3A_140 = tpu.memref_slice %arg7[%dma_wait3A_139] : memref<12000xf32, #tpu.memory_space<vmem>> -> memref<4000xf32, #tpu.memory_space<vmem>>
      %dma_wait3A_141 = tpu.memref_slice %arg3[%multiple_of3A_90] : memref<1500000xf32, #tpu.memory_space<hbm>> -> memref<4000xf32, #tpu.memory_space<hbm>>
      %dma_wait3A_142 = arith.constant 4000 : i32
      %dma_wait3A_143 = tpu.memref_slice %arg7[%dma_wait3A_142] : memref<12000xf32, #tpu.memory_space<vmem>> -> memref<4000xf32, #tpu.memory_space<vmem>>
      %dma_wait3A_144 = tpu.memref_slice %arg3[%multiple_of3A_90] : memref<1500000xf32, #tpu.memory_space<hbm>> -> memref<4000xf32, #tpu.memory_space<hbm>>
      tpu.wait_dma2 semaphore(%arg11 : memref<!tpu.dma_semaphore, #tpu.memory_space<semaphore_mem>>) src(%dma_wait3A_144 : memref<4000xf32, #tpu.memory_space<hbm>>) dst(%dma_wait3A_143 : memref<4000xf32, #tpu.memory_space<vmem>>)
      %dma_wait3A_145 = arith.constant 8000 : i32
      %dma_wait3A_146 = tpu.memref_slice %arg6[%dma_wait3A_145] : memref<12000xf32, #tpu.memory_space<vmem>> -> memref<4000xf32, #tpu.memory_space<vmem>>
      %dma_wait3A_147 = tpu.memref_slice %arg2[%multiple_of3A_105] : memref<1500000xf32, #tpu.memory_space<hbm>> -> memref<4000xf32, #tpu.memory_space<hbm>>
      %dma_wait3A_148 = arith.constant 8000 : i32
      %dma_wait3A_149 = tpu.memref_slice %arg6[%dma_wait3A_148] : memref<12000xf32, #tpu.memory_space<vmem>> -> memref<4000xf32, #tpu.memory_space<vmem>>
      %dma_wait3A_150 = tpu.memref_slice %arg2[%multiple_of3A_105] : memref<1500000xf32, #tpu.memory_space<hbm>> -> memref<4000xf32, #tpu.memory_space<hbm>>
      tpu.wait_dma2 semaphore(%arg11 : memref<!tpu.dma_semaphore, #tpu.memory_space<semaphore_mem>>) src(%dma_wait3A_150 : memref<4000xf32, #tpu.memory_space<hbm>>) dst(%dma_wait3A_149 : memref<4000xf32, #tpu.memory_space<vmem>>)
      %dma_wait3A_151 = arith.constant 8000 : i32
      %dma_wait3A_152 = tpu.memref_slice %arg7[%dma_wait3A_151] : memref<12000xf32, #tpu.memory_space<vmem>> -> memref<4000xf32, #tpu.memory_space<vmem>>
      %dma_wait3A_153 = tpu.memref_slice %arg3[%multiple_of3A_105] : memref<1500000xf32, #tpu.memory_space<hbm>> -> memref<4000xf32, #tpu.memory_space<hbm>>
      %dma_wait3A_154 = arith.constant 8000 : i32
      %dma_wait3A_155 = tpu.memref_slice %arg7[%dma_wait3A_154] : memref<12000xf32, #tpu.memory_space<vmem>> -> memref<4000xf32, #tpu.memory_space<vmem>>
      %dma_wait3A_156 = tpu.memref_slice %arg3[%multiple_of3A_105] : memref<1500000xf32, #tpu.memory_space<hbm>> -> memref<4000xf32, #tpu.memory_space<hbm>>
      tpu.wait_dma2 semaphore(%arg11 : memref<!tpu.dma_semaphore, #tpu.memory_space<semaphore_mem>>) src(%dma_wait3A_156 : memref<4000xf32, #tpu.memory_space<hbm>>) dst(%dma_wait3A_155 : memref<4000xf32, #tpu.memory_space<vmem>>)
      %dma_wait3A_157 = arith.constant 0 : i32
      %dma_wait3A_158 = tpu.memref_slice %arg4[%multiple_of3A_73, %dma_wait3A_157] : memref<4000x125xi32, #tpu.memory_space<hbm>> -> memref<32x125xi32, #tpu.memory_space<hbm>>
      %dma_wait3A_159 = arith.constant 0 : i32
      %dma_wait3A_160 = tpu.memref_slice %arg4[%multiple_of3A_73, %dma_wait3A_159] : memref<4000x125xi32, #tpu.memory_space<hbm>> -> memref<32x125xi32, #tpu.memory_space<hbm>>
      tpu.wait_dma2 semaphore(%arg11 : memref<!tpu.dma_semaphore, #tpu.memory_space<semaphore_mem>>) src(%dma_wait3A_160 : memref<32x125xi32, #tpu.memory_space<hbm>>) dst(%arg8 : memref<32x125xi32, #tpu.memory_space<vmem>>)
      %parallel_loop3A = arith.constant 0 : i32
      %parallel_loop3A_161 = arith.constant 125 : i32
      %parallel_loop3A_162 = arith.constant 1 : i32
      scf.for %parallel_loop3A_807 = %parallel_loop3A to %parallel_loop3A_161 step %parallel_loop3A_162  : i32 {
        %parallel_loop3A_808 = arith.constant 16 : i32
        %parallel_loop3A_809 = arith.muli %parallel_loop3A_807, %parallel_loop3A_808 : i32
        %parallel_loop3A_810 = vector.broadcast %parallel_loop3A_809 : i32 to vector<16xi32>
        %parallel_loop3A_811 = arith.addi %parallel_loop3A_810, %iota3A : vector<16xi32>
        %parallel_loop3A_812 = arith.index_cast %parallel_loop3A_809 : i32 to index
        %parallel_loop3A_813 = tpu.vector_load %arg6[%parallel_loop3A_812] {strides = array<i32>} : memref<12000xf32, #tpu.memory_space<vmem>>, vector<16xf32>,
        %parallel_loop3A_814 = arith.constant 4000 : i32
        %parallel_loop3A_815 = arith.addi %parallel_loop3A_814, %parallel_loop3A_809 : i32
        %parallel_loop3A_816 = arith.index_cast %parallel_loop3A_815 : i32 to index
        %parallel_loop3A_817 = tpu.vector_load %arg6[%parallel_loop3A_816] {strides = array<i32>} : memref<12000xf32, #tpu.memory_space<vmem>>, vector<16xf32>,
        %parallel_loop3A_818 = arith.constant 8000 : i32
        %parallel_loop3A_819 = arith.addi %parallel_loop3A_818, %parallel_loop3A_809 : i32
        %parallel_loop3A_820 = arith.index_cast %parallel_loop3A_819 : i32 to index
        %parallel_loop3A_821 = tpu.vector_load %arg6[%parallel_loop3A_820] {strides = array<i32>} : memref<12000xf32, #tpu.memory_space<vmem>>, vector<16xf32>,
        %parallel_loop3A_822 = arith.index_cast %parallel_loop3A_809 : i32 to index
        %parallel_loop3A_823 = tpu.vector_load %arg7[%parallel_loop3A_822] {strides = array<i32>} : memref<12000xf32, #tpu.memory_space<vmem>>, vector<16xf32>,
        %parallel_loop3A_824 = arith.constant 4000 : i32
        %parallel_loop3A_825 = arith.addi %parallel_loop3A_824, %parallel_loop3A_809 : i32
        %parallel_loop3A_826 = arith.index_cast %parallel_loop3A_825 : i32 to index
        %parallel_loop3A_827 = tpu.vector_load %arg7[%parallel_loop3A_826] {strides = array<i32>} : memref<12000xf32, #tpu.memory_space<vmem>>, vector<16xf32>,
        %parallel_loop3A_828 = arith.constant 8000 : i32
        %parallel_loop3A_829 = arith.addi %parallel_loop3A_828, %parallel_loop3A_809 : i32
        %parallel_loop3A_830 = arith.index_cast %parallel_loop3A_829 : i32 to index
        %parallel_loop3A_831 = tpu.vector_load %arg7[%parallel_loop3A_830] {strides = array<i32>} : memref<12000xf32, #tpu.memory_space<vmem>>, vector<16xf32>,
        %parallel_loop3A_832 = arith.mulf %parallel_loop3A_827, %parallel_loop3A_821 : vector<16xf32>
        %parallel_loop3A_833 = arith.mulf %parallel_loop3A_831, %parallel_loop3A_817 : vector<16xf32>
        %parallel_loop3A_834 = arith.subf %parallel_loop3A_832, %parallel_loop3A_833 : vector<16xf32>
        %parallel_loop3A_835 = arith.mulf %parallel_loop3A_831, %parallel_loop3A_813 : vector<16xf32>
        %parallel_loop3A_836 = arith.mulf %parallel_loop3A_823, %parallel_loop3A_821 : vector<16xf32>
        %parallel_loop3A_837 = arith.subf %parallel_loop3A_835, %parallel_loop3A_836 : vector<16xf32>
        %parallel_loop3A_838 = arith.mulf %parallel_loop3A_823, %parallel_loop3A_817 : vector<16xf32>
        %parallel_loop3A_839 = arith.mulf %parallel_loop3A_827, %parallel_loop3A_813 : vector<16xf32>
        %parallel_loop3A_840 = arith.subf %parallel_loop3A_838, %parallel_loop3A_839 : vector<16xf32>
        %parallel_loop3A_841 = arith.mulf %parallel_loop3A_823, %parallel_loop3A_823 : vector<16xf32>
        %parallel_loop3A_842 = arith.mulf %parallel_loop3A_827, %parallel_loop3A_827 : vector<16xf32>
        %parallel_loop3A_843 = arith.mulf %parallel_loop3A_831, %parallel_loop3A_831 : vector<16xf32>
        %parallel_loop3A_844 = arith.mulf %parallel_loop3A_823, %parallel_loop3A_827 : vector<16xf32>
        %parallel_loop3A_845 = arith.mulf %parallel_loop3A_823, %parallel_loop3A_831 : vector<16xf32>
        %parallel_loop3A_846 = arith.mulf %parallel_loop3A_827, %parallel_loop3A_831 : vector<16xf32>
        %parallel_loop3A_847 = arith.constant 1 : i32
        %parallel_loop3A_848 = vector.broadcast %parallel_loop3A_847 : i32 to vector<16xi32>
        %parallel_loop3A_849 = arith.addi %broadcast_in_dim3A_1, %parallel_loop3A_848 : vector<16xi32>
        tpu.vector_store_idx %arg9[%parallel_loop3A_811, %parallel_loop3A_849], %parallel_loop3A_813 : memref<4000x16xf32, #tpu.memory_space<vmem>>[vector<16xi32>, vector<16xi32>], vector<16xf32>,
        %parallel_loop3A_850 = arith.constant 2 : i32
        %parallel_loop3A_851 = vector.broadcast %parallel_loop3A_850 : i32 to vector<16xi32>
        %parallel_loop3A_852 = arith.addi %broadcast_in_dim3A_1, %parallel_loop3A_851 : vector<16xi32>
        tpu.vector_store_idx %arg9[%parallel_loop3A_811, %parallel_loop3A_852], %parallel_loop3A_817 : memref<4000x16xf32, #tpu.memory_space<vmem>>[vector<16xi32>, vector<16xi32>], vector<16xf32>,
        %parallel_loop3A_853 = arith.constant 3 : i32
        %parallel_loop3A_854 = vector.broadcast %parallel_loop3A_853 : i32 to vector<16xi32>
        %parallel_loop3A_855 = arith.addi %broadcast_in_dim3A_1, %parallel_loop3A_854 : vector<16xi32>
        tpu.vector_store_idx %arg9[%parallel_loop3A_811, %parallel_loop3A_855], %parallel_loop3A_821 : memref<4000x16xf32, #tpu.memory_space<vmem>>[vector<16xi32>, vector<16xi32>], vector<16xf32>,
        %parallel_loop3A_856 = arith.constant 4 : i32
        %parallel_loop3A_857 = vector.broadcast %parallel_loop3A_856 : i32 to vector<16xi32>
        %parallel_loop3A_858 = arith.addi %broadcast_in_dim3A_1, %parallel_loop3A_857 : vector<16xi32>
        tpu.vector_store_idx %arg9[%parallel_loop3A_811, %parallel_loop3A_858], %parallel_loop3A_823 : memref<4000x16xf32, #tpu.memory_space<vmem>>[vector<16xi32>, vector<16xi32>], vector<16xf32>,
        %parallel_loop3A_859 = arith.constant 5 : i32
        %parallel_loop3A_860 = vector.broadcast %parallel_loop3A_859 : i32 to vector<16xi32>
        %parallel_loop3A_861 = arith.addi %broadcast_in_dim3A_1, %parallel_loop3A_860 : vector<16xi32>
        tpu.vector_store_idx %arg9[%parallel_loop3A_811, %parallel_loop3A_861], %parallel_loop3A_827 : memref<4000x16xf32, #tpu.memory_space<vmem>>[vector<16xi32>, vector<16xi32>], vector<16xf32>,
        %parallel_loop3A_862 = arith.constant 6 : i32
        %parallel_loop3A_863 = vector.broadcast %parallel_loop3A_862 : i32 to vector<16xi32>
        %parallel_loop3A_864 = arith.addi %broadcast_in_dim3A_1, %parallel_loop3A_863 : vector<16xi32>
        tpu.vector_store_idx %arg9[%parallel_loop3A_811, %parallel_loop3A_864], %parallel_loop3A_831 : memref<4000x16xf32, #tpu.memory_space<vmem>>[vector<16xi32>, vector<16xi32>], vector<16xf32>,
        %parallel_loop3A_865 = arith.constant 7 : i32
        %parallel_loop3A_866 = vector.broadcast %parallel_loop3A_865 : i32 to vector<16xi32>
        %parallel_loop3A_867 = arith.addi %broadcast_in_dim3A_1, %parallel_loop3A_866 : vector<16xi32>
        tpu.vector_store_idx %arg9[%parallel_loop3A_811, %parallel_loop3A_867], %parallel_loop3A_834 : memref<4000x16xf32, #tpu.memory_space<vmem>>[vector<16xi32>, vector<16xi32>], vector<16xf32>,
        %parallel_loop3A_868 = arith.constant 8 : i32
        %parallel_loop3A_869 = vector.broadcast %parallel_loop3A_868 : i32 to vector<16xi32>
        %parallel_loop3A_870 = arith.addi %broadcast_in_dim3A_1, %parallel_loop3A_869 : vector<16xi32>
        tpu.vector_store_idx %arg9[%parallel_loop3A_811, %parallel_loop3A_870], %parallel_loop3A_837 : memref<4000x16xf32, #tpu.memory_space<vmem>>[vector<16xi32>, vector<16xi32>], vector<16xf32>,
        %parallel_loop3A_871 = arith.constant 9 : i32
        %parallel_loop3A_872 = vector.broadcast %parallel_loop3A_871 : i32 to vector<16xi32>
        %parallel_loop3A_873 = arith.addi %broadcast_in_dim3A_1, %parallel_loop3A_872 : vector<16xi32>
        tpu.vector_store_idx %arg9[%parallel_loop3A_811, %parallel_loop3A_873], %parallel_loop3A_840 : memref<4000x16xf32, #tpu.memory_space<vmem>>[vector<16xi32>, vector<16xi32>], vector<16xf32>,
        %parallel_loop3A_874 = arith.constant 10 : i32
        %parallel_loop3A_875 = vector.broadcast %parallel_loop3A_874 : i32 to vector<16xi32>
        %parallel_loop3A_876 = arith.addi %broadcast_in_dim3A_1, %parallel_loop3A_875 : vector<16xi32>
        tpu.vector_store_idx %arg9[%parallel_loop3A_811, %parallel_loop3A_876], %parallel_loop3A_841 : memref<4000x16xf32, #tpu.memory_space<vmem>>[vector<16xi32>, vector<16xi32>], vector<16xf32>,
        %parallel_loop3A_877 = arith.constant 11 : i32
        %parallel_loop3A_878 = vector.broadcast %parallel_loop3A_877 : i32 to vector<16xi32>
        %parallel_loop3A_879 = arith.addi %broadcast_in_dim3A_1, %parallel_loop3A_878 : vector<16xi32>
        tpu.vector_store_idx %arg9[%parallel_loop3A_811, %parallel_loop3A_879], %parallel_loop3A_842 : memref<4000x16xf32, #tpu.memory_space<vmem>>[vector<16xi32>, vector<16xi32>], vector<16xf32>,
        %parallel_loop3A_880 = arith.constant 12 : i32
        %parallel_loop3A_881 = vector.broadcast %parallel_loop3A_880 : i32 to vector<16xi32>
        %parallel_loop3A_882 = arith.addi %broadcast_in_dim3A_1, %parallel_loop3A_881 : vector<16xi32>
        tpu.vector_store_idx %arg9[%parallel_loop3A_811, %parallel_loop3A_882], %parallel_loop3A_843 : memref<4000x16xf32, #tpu.memory_space<vmem>>[vector<16xi32>, vector<16xi32>], vector<16xf32>,
        %parallel_loop3A_883 = arith.constant 13 : i32
        %parallel_loop3A_884 = vector.broadcast %parallel_loop3A_883 : i32 to vector<16xi32>
        %parallel_loop3A_885 = arith.addi %broadcast_in_dim3A_1, %parallel_loop3A_884 : vector<16xi32>
        tpu.vector_store_idx %arg9[%parallel_loop3A_811, %parallel_loop3A_885], %parallel_loop3A_844 : memref<4000x16xf32, #tpu.memory_space<vmem>>[vector<16xi32>, vector<16xi32>], vector<16xf32>,
        %parallel_loop3A_886 = arith.constant 14 : i32
        %parallel_loop3A_887 = vector.broadcast %parallel_loop3A_886 : i32 to vector<16xi32>
        %parallel_loop3A_888 = arith.addi %broadcast_in_dim3A_1, %parallel_loop3A_887 : vector<16xi32>
        tpu.vector_store_idx %arg9[%parallel_loop3A_811, %parallel_loop3A_888], %parallel_loop3A_845 : memref<4000x16xf32, #tpu.memory_space<vmem>>[vector<16xi32>, vector<16xi32>], vector<16xf32>,
        %parallel_loop3A_889 = arith.constant 15 : i32
        %parallel_loop3A_890 = vector.broadcast %parallel_loop3A_889 : i32 to vector<16xi32>
        %parallel_loop3A_891 = arith.addi %broadcast_in_dim3A_1, %parallel_loop3A_890 : vector<16xi32>
        tpu.vector_store_idx %arg9[%parallel_loop3A_811, %parallel_loop3A_891], %parallel_loop3A_846 : memref<4000x16xf32, #tpu.memory_space<vmem>>[vector<16xi32>, vector<16xi32>], vector<16xf32>,
      } {sc.loop_unroll_factor = 1 : i64, sc.parallel_access}
      %dma_start3A_163 = arith.constant 0 : i32
      %dma_start3A_164 = arith.constant 0 : i32
      %dma_start3A_165 = arith.constant 0 : i32
      %dma_start3A_166 = tpu.memref_slice %arg9[%dma_start3A_164, %dma_start3A_165] : memref<4000x16xf32, #tpu.memory_space<vmem>> -> memref<125x16xf32, #tpu.memory_space<vmem>>
      %dma_start3A_167 = arith.constant 0 : i32
      %dma_start3A_168 = tpu.memref_slice %arg8[%dma_start3A_163, %dma_start3A_167] : memref<32x125xi32, #tpu.memory_space<vmem>> -> memref<1x125xi32, #tpu.memory_space<vmem>>
      %dma_start3A_169 = tpu.memref_squeeze %dma_start3A_168 : memref<1x125xi32, #tpu.memory_space<vmem>> -> memref<125xi32, #tpu.memory_space<vmem>>
      %dma_start3A_170 = arith.constant 0 : i32
      %dma_start3A_171 = arith.constant 0 : i32
      %dma_start3A_172 = tpu.memref_slice %arg10[%dma_start3A_170, %dma_start3A_171] : memref<25088x16xf32, #tpu.memory_space<vmem_shared>> -> memref<25088x16xf32, #tpu.memory_space<vmem_shared>>
      tpu.enqueue_indirect_dma source(%dma_start3A_166 : memref<125x16xf32, #tpu.memory_space<vmem>>) target(%dma_start3A_172 : memref<25088x16xf32, #tpu.memory_space<vmem_shared>>) offsets(%dma_start3A_169 : memref<125xi32, #tpu.memory_space<vmem>>) semaphore(%arg12 : memref<!tpu.dma_semaphore, #tpu.memory_space<semaphore_mem>>) {add = true}
      %dma_start3A_173 = arith.constant 1 : i32
      %dma_start3A_174 = arith.constant 125 : i32
      %dma_start3A_175 = arith.constant 0 : i32
      %dma_start3A_176 = tpu.memref_slice %arg9[%dma_start3A_174, %dma_start3A_175] : memref<4000x16xf32, #tpu.memory_space<vmem>> -> memref<125x16xf32, #tpu.memory_space<vmem>>
      %dma_start3A_177 = arith.constant 0 : i32
      %dma_start3A_178 = tpu.memref_slice %arg8[%dma_start3A_173, %dma_start3A_177] : memref<32x125xi32, #tpu.memory_space<vmem>> -> memref<1x125xi32, #tpu.memory_space<vmem>>
      %dma_start3A_179 = tpu.memref_squeeze %dma_start3A_178 : memref<1x125xi32, #tpu.memory_space<vmem>> -> memref<125xi32, #tpu.memory_space<vmem>>
      %dma_start3A_180 = arith.constant 0 : i32
      %dma_start3A_181 = arith.constant 0 : i32
      %dma_start3A_182 = tpu.memref_slice %arg10[%dma_start3A_180, %dma_start3A_181] : memref<25088x16xf32, #tpu.memory_space<vmem_shared>> -> memref<25088x16xf32, #tpu.memory_space<vmem_shared>>
      tpu.enqueue_indirect_dma source(%dma_start3A_176 : memref<125x16xf32, #tpu.memory_space<vmem>>) target(%dma_start3A_182 : memref<25088x16xf32, #tpu.memory_space<vmem_shared>>) offsets(%dma_start3A_179 : memref<125xi32, #tpu.memory_space<vmem>>) semaphore(%arg12 : memref<!tpu.dma_semaphore, #tpu.memory_space<semaphore_mem>>) {add = true}
      %dma_start3A_183 = arith.constant 2 : i32
      %dma_start3A_184 = arith.constant 250 : i32
      %dma_start3A_185 = arith.constant 0 : i32
      %dma_start3A_186 = tpu.memref_slice %arg9[%dma_start3A_184, %dma_start3A_185] : memref<4000x16xf32, #tpu.memory_space<vmem>> -> memref<125x16xf32, #tpu.memory_space<vmem>>
      %dma_start3A_187 = arith.constant 0 : i32
      %dma_start3A_188 = tpu.memref_slice %arg8[%dma_start3A_183, %dma_start3A_187] : memref<32x125xi32, #tpu.memory_space<vmem>> -> memref<1x125xi32, #tpu.memory_space<vmem>>
      %dma_start3A_189 = tpu.memref_squeeze %dma_start3A_188 : memref<1x125xi32, #tpu.memory_space<vmem>> -> memref<125xi32, #tpu.memory_space<vmem>>
      %dma_start3A_190 = arith.constant 0 : i32
      %dma_start3A_191 = arith.constant 0 : i32
      %dma_start3A_192 = tpu.memref_slice %arg10[%dma_start3A_190, %dma_start3A_191] : memref<25088x16xf32, #tpu.memory_space<vmem_shared>> -> memref<25088x16xf32, #tpu.memory_space<vmem_shared>>
      tpu.enqueue_indirect_dma source(%dma_start3A_186 : memref<125x16xf32, #tpu.memory_space<vmem>>) target(%dma_start3A_192 : memref<25088x16xf32, #tpu.memory_space<vmem_shared>>) offsets(%dma_start3A_189 : memref<125xi32, #tpu.memory_space<vmem>>) semaphore(%arg12 : memref<!tpu.dma_semaphore, #tpu.memory_space<semaphore_mem>>) {add = true}
      %dma_start3A_193 = arith.constant 3 : i32
      %dma_start3A_194 = arith.constant 375 : i32
      %dma_start3A_195 = arith.constant 0 : i32
      %dma_start3A_196 = tpu.memref_slice %arg9[%dma_start3A_194, %dma_start3A_195] : memref<4000x16xf32, #tpu.memory_space<vmem>> -> memref<125x16xf32, #tpu.memory_space<vmem>>
      %dma_start3A_197 = arith.constant 0 : i32
      %dma_start3A_198 = tpu.memref_slice %arg8[%dma_start3A_193, %dma_start3A_197] : memref<32x125xi32, #tpu.memory_space<vmem>> -> memref<1x125xi32, #tpu.memory_space<vmem>>
      %dma_start3A_199 = tpu.memref_squeeze %dma_start3A_198 : memref<1x125xi32, #tpu.memory_space<vmem>> -> memref<125xi32, #tpu.memory_space<vmem>>
      %dma_start3A_200 = arith.constant 0 : i32
      %dma_start3A_201 = arith.constant 0 : i32
      %dma_start3A_202 = tpu.memref_slice %arg10[%dma_start3A_200, %dma_start3A_201] : memref<25088x16xf32, #tpu.memory_space<vmem_shared>> -> memref<25088x16xf32, #tpu.memory_space<vmem_shared>>
      tpu.enqueue_indirect_dma source(%dma_start3A_196 : memref<125x16xf32, #tpu.memory_space<vmem>>) target(%dma_start3A_202 : memref<25088x16xf32, #tpu.memory_space<vmem_shared>>) offsets(%dma_start3A_199 : memref<125xi32, #tpu.memory_space<vmem>>) semaphore(%arg12 : memref<!tpu.dma_semaphore, #tpu.memory_space<semaphore_mem>>) {add = true}
      %dma_start3A_203 = arith.constant 4 : i32
      %dma_start3A_204 = arith.constant 500 : i32
      %dma_start3A_205 = arith.constant 0 : i32
      %dma_start3A_206 = tpu.memref_slice %arg9[%dma_start3A_204, %dma_start3A_205] : memref<4000x16xf32, #tpu.memory_space<vmem>> -> memref<125x16xf32, #tpu.memory_space<vmem>>
      %dma_start3A_207 = arith.constant 0 : i32
      %dma_start3A_208 = tpu.memref_slice %arg8[%dma_start3A_203, %dma_start3A_207] : memref<32x125xi32, #tpu.memory_space<vmem>> -> memref<1x125xi32, #tpu.memory_space<vmem>>
      %dma_start3A_209 = tpu.memref_squeeze %dma_start3A_208 : memref<1x125xi32, #tpu.memory_space<vmem>> -> memref<125xi32, #tpu.memory_space<vmem>>
      %dma_start3A_210 = arith.constant 0 : i32
      %dma_start3A_211 = arith.constant 0 : i32
      %dma_start3A_212 = tpu.memref_slice %arg10[%dma_start3A_210, %dma_start3A_211] : memref<25088x16xf32, #tpu.memory_space<vmem_shared>> -> memref<25088x16xf32, #tpu.memory_space<vmem_shared>>
      tpu.enqueue_indirect_dma source(%dma_start3A_206 : memref<125x16xf32, #tpu.memory_space<vmem>>) target(%dma_start3A_212 : memref<25088x16xf32, #tpu.memory_space<vmem_shared>>) offsets(%dma_start3A_209 : memref<125xi32, #tpu.memory_space<vmem>>) semaphore(%arg12 : memref<!tpu.dma_semaphore, #tpu.memory_space<semaphore_mem>>) {add = true}
      %dma_start3A_213 = arith.constant 5 : i32
      %dma_start3A_214 = arith.constant 625 : i32
      %dma_start3A_215 = arith.constant 0 : i32
      %dma_start3A_216 = tpu.memref_slice %arg9[%dma_start3A_214, %dma_start3A_215] : memref<4000x16xf32, #tpu.memory_space<vmem>> -> memref<125x16xf32, #tpu.memory_space<vmem>>
      %dma_start3A_217 = arith.constant 0 : i32
      %dma_start3A_218 = tpu.memref_slice %arg8[%dma_start3A_213, %dma_start3A_217] : memref<32x125xi32, #tpu.memory_space<vmem>> -> memref<1x125xi32, #tpu.memory_space<vmem>>
      %dma_start3A_219 = tpu.memref_squeeze %dma_start3A_218 : memref<1x125xi32, #tpu.memory_space<vmem>> -> memref<125xi32, #tpu.memory_space<vmem>>
      %dma_start3A_220 = arith.constant 0 : i32
      %dma_start3A_221 = arith.constant 0 : i32
      %dma_start3A_222 = tpu.memref_slice %arg10[%dma_start3A_220, %dma_start3A_221] : memref<25088x16xf32, #tpu.memory_space<vmem_shared>> -> memref<25088x16xf32, #tpu.memory_space<vmem_shared>>
      tpu.enqueue_indirect_dma source(%dma_start3A_216 : memref<125x16xf32, #tpu.memory_space<vmem>>) target(%dma_start3A_222 : memref<25088x16xf32, #tpu.memory_space<vmem_shared>>) offsets(%dma_start3A_219 : memref<125xi32, #tpu.memory_space<vmem>>) semaphore(%arg12 : memref<!tpu.dma_semaphore, #tpu.memory_space<semaphore_mem>>) {add = true}
      %dma_start3A_223 = arith.constant 6 : i32
      %dma_start3A_224 = arith.constant 750 : i32
      %dma_start3A_225 = arith.constant 0 : i32
      %dma_start3A_226 = tpu.memref_slice %arg9[%dma_start3A_224, %dma_start3A_225] : memref<4000x16xf32, #tpu.memory_space<vmem>> -> memref<125x16xf32, #tpu.memory_space<vmem>>
      %dma_start3A_227 = arith.constant 0 : i32
      %dma_start3A_228 = tpu.memref_slice %arg8[%dma_start3A_223, %dma_start3A_227] : memref<32x125xi32, #tpu.memory_space<vmem>> -> memref<1x125xi32, #tpu.memory_space<vmem>>
      %dma_start3A_229 = tpu.memref_squeeze %dma_start3A_228 : memref<1x125xi32, #tpu.memory_space<vmem>> -> memref<125xi32, #tpu.memory_space<vmem>>
      %dma_start3A_230 = arith.constant 0 : i32
      %dma_start3A_231 = arith.constant 0 : i32
      %dma_start3A_232 = tpu.memref_slice %arg10[%dma_start3A_230, %dma_start3A_231] : memref<25088x16xf32, #tpu.memory_space<vmem_shared>> -> memref<25088x16xf32, #tpu.memory_space<vmem_shared>>
      tpu.enqueue_indirect_dma source(%dma_start3A_226 : memref<125x16xf32, #tpu.memory_space<vmem>>) target(%dma_start3A_232 : memref<25088x16xf32, #tpu.memory_space<vmem_shared>>) offsets(%dma_start3A_229 : memref<125xi32, #tpu.memory_space<vmem>>) semaphore(%arg12 : memref<!tpu.dma_semaphore, #tpu.memory_space<semaphore_mem>>) {add = true}
      %dma_start3A_233 = arith.constant 7 : i32
      %dma_start3A_234 = arith.constant 875 : i32
      %dma_start3A_235 = arith.constant 0 : i32
      %dma_start3A_236 = tpu.memref_slice %arg9[%dma_start3A_234, %dma_start3A_235] : memref<4000x16xf32, #tpu.memory_space<vmem>> -> memref<125x16xf32, #tpu.memory_space<vmem>>
      %dma_start3A_237 = arith.constant 0 : i32
      %dma_start3A_238 = tpu.memref_slice %arg8[%dma_start3A_233, %dma_start3A_237] : memref<32x125xi32, #tpu.memory_space<vmem>> -> memref<1x125xi32, #tpu.memory_space<vmem>>
      %dma_start3A_239 = tpu.memref_squeeze %dma_start3A_238 : memref<1x125xi32, #tpu.memory_space<vmem>> -> memref<125xi32, #tpu.memory_space<vmem>>
      %dma_start3A_240 = arith.constant 0 : i32
      %dma_start3A_241 = arith.constant 0 : i32
      %dma_start3A_242 = tpu.memref_slice %arg10[%dma_start3A_240, %dma_start3A_241] : memref<25088x16xf32, #tpu.memory_space<vmem_shared>> -> memref<25088x16xf32, #tpu.memory_space<vmem_shared>>
      tpu.enqueue_indirect_dma source(%dma_start3A_236 : memref<125x16xf32, #tpu.memory_space<vmem>>) target(%dma_start3A_242 : memref<25088x16xf32, #tpu.memory_space<vmem_shared>>) offsets(%dma_start3A_239 : memref<125xi32, #tpu.memory_space<vmem>>) semaphore(%arg12 : memref<!tpu.dma_semaphore, #tpu.memory_space<semaphore_mem>>) {add = true}
      %dma_start3A_243 = arith.constant 8 : i32
      %dma_start3A_244 = arith.constant 1000 : i32
      %dma_start3A_245 = arith.constant 0 : i32
      %dma_start3A_246 = tpu.memref_slice %arg9[%dma_start3A_244, %dma_start3A_245] : memref<4000x16xf32, #tpu.memory_space<vmem>> -> memref<125x16xf32, #tpu.memory_space<vmem>>
      %dma_start3A_247 = arith.constant 0 : i32
      %dma_start3A_248 = tpu.memref_slice %arg8[%dma_start3A_243, %dma_start3A_247] : memref<32x125xi32, #tpu.memory_space<vmem>> -> memref<1x125xi32, #tpu.memory_space<vmem>>
      %dma_start3A_249 = tpu.memref_squeeze %dma_start3A_248 : memref<1x125xi32, #tpu.memory_space<vmem>> -> memref<125xi32, #tpu.memory_space<vmem>>
      %dma_start3A_250 = arith.constant 0 : i32
      %dma_start3A_251 = arith.constant 0 : i32
      %dma_start3A_252 = tpu.memref_slice %arg10[%dma_start3A_250, %dma_start3A_251] : memref<25088x16xf32, #tpu.memory_space<vmem_shared>> -> memref<25088x16xf32, #tpu.memory_space<vmem_shared>>
      tpu.enqueue_indirect_dma source(%dma_start3A_246 : memref<125x16xf32, #tpu.memory_space<vmem>>) target(%dma_start3A_252 : memref<25088x16xf32, #tpu.memory_space<vmem_shared>>) offsets(%dma_start3A_249 : memref<125xi32, #tpu.memory_space<vmem>>) semaphore(%arg12 : memref<!tpu.dma_semaphore, #tpu.memory_space<semaphore_mem>>) {add = true}
      %dma_start3A_253 = arith.constant 9 : i32
      %dma_start3A_254 = arith.constant 1125 : i32
      %dma_start3A_255 = arith.constant 0 : i32
      %dma_start3A_256 = tpu.memref_slice %arg9[%dma_start3A_254, %dma_start3A_255] : memref<4000x16xf32, #tpu.memory_space<vmem>> -> memref<125x16xf32, #tpu.memory_space<vmem>>
      %dma_start3A_257 = arith.constant 0 : i32
      %dma_start3A_258 = tpu.memref_slice %arg8[%dma_start3A_253, %dma_start3A_257] : memref<32x125xi32, #tpu.memory_space<vmem>> -> memref<1x125xi32, #tpu.memory_space<vmem>>
      %dma_start3A_259 = tpu.memref_squeeze %dma_start3A_258 : memref<1x125xi32, #tpu.memory_space<vmem>> -> memref<125xi32, #tpu.memory_space<vmem>>
      %dma_start3A_260 = arith.constant 0 : i32
      %dma_start3A_261 = arith.constant 0 : i32
      %dma_start3A_262 = tpu.memref_slice %arg10[%dma_start3A_260, %dma_start3A_261] : memref<25088x16xf32, #tpu.memory_space<vmem_shared>> -> memref<25088x16xf32, #tpu.memory_space<vmem_shared>>
      tpu.enqueue_indirect_dma source(%dma_start3A_256 : memref<125x16xf32, #tpu.memory_space<vmem>>) target(%dma_start3A_262 : memref<25088x16xf32, #tpu.memory_space<vmem_shared>>) offsets(%dma_start3A_259 : memref<125xi32, #tpu.memory_space<vmem>>) semaphore(%arg12 : memref<!tpu.dma_semaphore, #tpu.memory_space<semaphore_mem>>) {add = true}
      %dma_start3A_263 = arith.constant 10 : i32
      %dma_start3A_264 = arith.constant 1250 : i32
      %dma_start3A_265 = arith.constant 0 : i32
      %dma_start3A_266 = tpu.memref_slice %arg9[%dma_start3A_264, %dma_start3A_265] : memref<4000x16xf32, #tpu.memory_space<vmem>> -> memref<125x16xf32, #tpu.memory_space<vmem>>
      %dma_start3A_267 = arith.constant 0 : i32
      %dma_start3A_268 = tpu.memref_slice %arg8[%dma_start3A_263, %dma_start3A_267] : memref<32x125xi32, #tpu.memory_space<vmem>> -> memref<1x125xi32, #tpu.memory_space<vmem>>
      %dma_start3A_269 = tpu.memref_squeeze %dma_start3A_268 : memref<1x125xi32, #tpu.memory_space<vmem>> -> memref<125xi32, #tpu.memory_space<vmem>>
      %dma_start3A_270 = arith.constant 0 : i32
      %dma_start3A_271 = arith.constant 0 : i32
      %dma_start3A_272 = tpu.memref_slice %arg10[%dma_start3A_270, %dma_start3A_271] : memref<25088x16xf32, #tpu.memory_space<vmem_shared>> -> memref<25088x16xf32, #tpu.memory_space<vmem_shared>>
      tpu.enqueue_indirect_dma source(%dma_start3A_266 : memref<125x16xf32, #tpu.memory_space<vmem>>) target(%dma_start3A_272 : memref<25088x16xf32, #tpu.memory_space<vmem_shared>>) offsets(%dma_start3A_269 : memref<125xi32, #tpu.memory_space<vmem>>) semaphore(%arg12 : memref<!tpu.dma_semaphore, #tpu.memory_space<semaphore_mem>>) {add = true}
      %dma_start3A_273 = arith.constant 11 : i32
      %dma_start3A_274 = arith.constant 1375 : i32
      %dma_start3A_275 = arith.constant 0 : i32
      %dma_start3A_276 = tpu.memref_slice %arg9[%dma_start3A_274, %dma_start3A_275] : memref<4000x16xf32, #tpu.memory_space<vmem>> -> memref<125x16xf32, #tpu.memory_space<vmem>>
      %dma_start3A_277 = arith.constant 0 : i32
      %dma_start3A_278 = tpu.memref_slice %arg8[%dma_start3A_273, %dma_start3A_277] : memref<32x125xi32, #tpu.memory_space<vmem>> -> memref<1x125xi32, #tpu.memory_space<vmem>>
      %dma_start3A_279 = tpu.memref_squeeze %dma_start3A_278 : memref<1x125xi32, #tpu.memory_space<vmem>> -> memref<125xi32, #tpu.memory_space<vmem>>
      %dma_start3A_280 = arith.constant 0 : i32
      %dma_start3A_281 = arith.constant 0 : i32
      %dma_start3A_282 = tpu.memref_slice %arg10[%dma_start3A_280, %dma_start3A_281] : memref<25088x16xf32, #tpu.memory_space<vmem_shared>> -> memref<25088x16xf32, #tpu.memory_space<vmem_shared>>
      tpu.enqueue_indirect_dma source(%dma_start3A_276 : memref<125x16xf32, #tpu.memory_space<vmem>>) target(%dma_start3A_282 : memref<25088x16xf32, #tpu.memory_space<vmem_shared>>) offsets(%dma_start3A_279 : memref<125xi32, #tpu.memory_space<vmem>>) semaphore(%arg12 : memref<!tpu.dma_semaphore, #tpu.memory_space<semaphore_mem>>) {add = true}
      %dma_start3A_283 = arith.constant 12 : i32
      %dma_start3A_284 = arith.constant 1500 : i32
      %dma_start3A_285 = arith.constant 0 : i32
      %dma_start3A_286 = tpu.memref_slice %arg9[%dma_start3A_284, %dma_start3A_285] : memref<4000x16xf32, #tpu.memory_space<vmem>> -> memref<125x16xf32, #tpu.memory_space<vmem>>
      %dma_start3A_287 = arith.constant 0 : i32
      %dma_start3A_288 = tpu.memref_slice %arg8[%dma_start3A_283, %dma_start3A_287] : memref<32x125xi32, #tpu.memory_space<vmem>> -> memref<1x125xi32, #tpu.memory_space<vmem>>
      %dma_start3A_289 = tpu.memref_squeeze %dma_start3A_288 : memref<1x125xi32, #tpu.memory_space<vmem>> -> memref<125xi32, #tpu.memory_space<vmem>>
      %dma_start3A_290 = arith.constant 0 : i32
      %dma_start3A_291 = arith.constant 0 : i32
      %dma_start3A_292 = tpu.memref_slice %arg10[%dma_start3A_290, %dma_start3A_291] : memref<25088x16xf32, #tpu.memory_space<vmem_shared>> -> memref<25088x16xf32, #tpu.memory_space<vmem_shared>>
      tpu.enqueue_indirect_dma source(%dma_start3A_286 : memref<125x16xf32, #tpu.memory_space<vmem>>) target(%dma_start3A_292 : memref<25088x16xf32, #tpu.memory_space<vmem_shared>>) offsets(%dma_start3A_289 : memref<125xi32, #tpu.memory_space<vmem>>) semaphore(%arg12 : memref<!tpu.dma_semaphore, #tpu.memory_space<semaphore_mem>>) {add = true}
      %dma_start3A_293 = arith.constant 13 : i32
      %dma_start3A_294 = arith.constant 1625 : i32
      %dma_start3A_295 = arith.constant 0 : i32
      %dma_start3A_296 = tpu.memref_slice %arg9[%dma_start3A_294, %dma_start3A_295] : memref<4000x16xf32, #tpu.memory_space<vmem>> -> memref<125x16xf32, #tpu.memory_space<vmem>>
      %dma_start3A_297 = arith.constant 0 : i32
      %dma_start3A_298 = tpu.memref_slice %arg8[%dma_start3A_293, %dma_start3A_297] : memref<32x125xi32, #tpu.memory_space<vmem>> -> memref<1x125xi32, #tpu.memory_space<vmem>>
      %dma_start3A_299 = tpu.memref_squeeze %dma_start3A_298 : memref<1x125xi32, #tpu.memory_space<vmem>> -> memref<125xi32, #tpu.memory_space<vmem>>
      %dma_start3A_300 = arith.constant 0 : i32
      %dma_start3A_301 = arith.constant 0 : i32
      %dma_start3A_302 = tpu.memref_slice %arg10[%dma_start3A_300, %dma_start3A_301] : memref<25088x16xf32, #tpu.memory_space<vmem_shared>> -> memref<25088x16xf32, #tpu.memory_space<vmem_shared>>
      tpu.enqueue_indirect_dma source(%dma_start3A_296 : memref<125x16xf32, #tpu.memory_space<vmem>>) target(%dma_start3A_302 : memref<25088x16xf32, #tpu.memory_space<vmem_shared>>) offsets(%dma_start3A_299 : memref<125xi32, #tpu.memory_space<vmem>>) semaphore(%arg12 : memref<!tpu.dma_semaphore, #tpu.memory_space<semaphore_mem>>) {add = true}
      %dma_start3A_303 = arith.constant 14 : i32
      %dma_start3A_304 = arith.constant 1750 : i32
      %dma_start3A_305 = arith.constant 0 : i32
      %dma_start3A_306 = tpu.memref_slice %arg9[%dma_start3A_304, %dma_start3A_305] : memref<4000x16xf32, #tpu.memory_space<vmem>> -> memref<125x16xf32, #tpu.memory_space<vmem>>
      %dma_start3A_307 = arith.constant 0 : i32
      %dma_start3A_308 = tpu.memref_slice %arg8[%dma_start3A_303, %dma_start3A_307] : memref<32x125xi32, #tpu.memory_space<vmem>> -> memref<1x125xi32, #tpu.memory_space<vmem>>
      %dma_start3A_309 = tpu.memref_squeeze %dma_start3A_308 : memref<1x125xi32, #tpu.memory_space<vmem>> -> memref<125xi32, #tpu.memory_space<vmem>>
      %dma_start3A_310 = arith.constant 0 : i32
      %dma_start3A_311 = arith.constant 0 : i32
      %dma_start3A_312 = tpu.memref_slice %arg10[%dma_start3A_310, %dma_start3A_311] : memref<25088x16xf32, #tpu.memory_space<vmem_shared>> -> memref<25088x16xf32, #tpu.memory_space<vmem_shared>>
      tpu.enqueue_indirect_dma source(%dma_start3A_306 : memref<125x16xf32, #tpu.memory_space<vmem>>) target(%dma_start3A_312 : memref<25088x16xf32, #tpu.memory_space<vmem_shared>>) offsets(%dma_start3A_309 : memref<125xi32, #tpu.memory_space<vmem>>) semaphore(%arg12 : memref<!tpu.dma_semaphore, #tpu.memory_space<semaphore_mem>>) {add = true}
      %dma_start3A_313 = arith.constant 15 : i32
      %dma_start3A_314 = arith.constant 1875 : i32
      %dma_start3A_315 = arith.constant 0 : i32
      %dma_start3A_316 = tpu.memref_slice %arg9[%dma_start3A_314, %dma_start3A_315] : memref<4000x16xf32, #tpu.memory_space<vmem>> -> memref<125x16xf32, #tpu.memory_space<vmem>>
      %dma_start3A_317 = arith.constant 0 : i32
      %dma_start3A_318 = tpu.memref_slice %arg8[%dma_start3A_313, %dma_start3A_317] : memref<32x125xi32, #tpu.memory_space<vmem>> -> memref<1x125xi32, #tpu.memory_space<vmem>>
      %dma_start3A_319 = tpu.memref_squeeze %dma_start3A_318 : memref<1x125xi32, #tpu.memory_space<vmem>> -> memref<125xi32, #tpu.memory_space<vmem>>
      %dma_start3A_320 = arith.constant 0 : i32
      %dma_start3A_321 = arith.constant 0 : i32
      %dma_start3A_322 = tpu.memref_slice %arg10[%dma_start3A_320, %dma_start3A_321] : memref<25088x16xf32, #tpu.memory_space<vmem_shared>> -> memref<25088x16xf32, #tpu.memory_space<vmem_shared>>
      tpu.enqueue_indirect_dma source(%dma_start3A_316 : memref<125x16xf32, #tpu.memory_space<vmem>>) target(%dma_start3A_322 : memref<25088x16xf32, #tpu.memory_space<vmem_shared>>) offsets(%dma_start3A_319 : memref<125xi32, #tpu.memory_space<vmem>>) semaphore(%arg12 : memref<!tpu.dma_semaphore, #tpu.memory_space<semaphore_mem>>) {add = true}
      %parallel_loop3A_323 = arith.constant 125 : i32
      %parallel_loop3A_324 = arith.constant 250 : i32
      %parallel_loop3A_325 = arith.constant 1 : i32
      scf.for %parallel_loop3A_807 = %parallel_loop3A_323 to %parallel_loop3A_324 step %parallel_loop3A_325  : i32 {
        %parallel_loop3A_808 = arith.constant 16 : i32
        %parallel_loop3A_809 = arith.muli %parallel_loop3A_807, %parallel_loop3A_808 : i32
        %parallel_loop3A_810 = vector.broadcast %parallel_loop3A_809 : i32 to vector<16xi32>
        %parallel_loop3A_811 = arith.addi %parallel_loop3A_810, %iota3A : vector<16xi32>
        %parallel_loop3A_812 = arith.index_cast %parallel_loop3A_809 : i32 to index
        %parallel_loop3A_813 = tpu.vector_load %arg6[%parallel_loop3A_812] {strides = array<i32>} : memref<12000xf32, #tpu.memory_space<vmem>>, vector<16xf32>,
        %parallel_loop3A_814 = arith.constant 4000 : i32
        %parallel_loop3A_815 = arith.addi %parallel_loop3A_814, %parallel_loop3A_809 : i32
        %parallel_loop3A_816 = arith.index_cast %parallel_loop3A_815 : i32 to index
        %parallel_loop3A_817 = tpu.vector_load %arg6[%parallel_loop3A_816] {strides = array<i32>} : memref<12000xf32, #tpu.memory_space<vmem>>, vector<16xf32>,
        %parallel_loop3A_818 = arith.constant 8000 : i32
        %parallel_loop3A_819 = arith.addi %parallel_loop3A_818, %parallel_loop3A_809 : i32
        %parallel_loop3A_820 = arith.index_cast %parallel_loop3A_819 : i32 to index
        %parallel_loop3A_821 = tpu.vector_load %arg6[%parallel_loop3A_820] {strides = array<i32>} : memref<12000xf32, #tpu.memory_space<vmem>>, vector<16xf32>,
        %parallel_loop3A_822 = arith.index_cast %parallel_loop3A_809 : i32 to index
        %parallel_loop3A_823 = tpu.vector_load %arg7[%parallel_loop3A_822] {strides = array<i32>} : memref<12000xf32, #tpu.memory_space<vmem>>, vector<16xf32>,
        %parallel_loop3A_824 = arith.constant 4000 : i32
        %parallel_loop3A_825 = arith.addi %parallel_loop3A_824, %parallel_loop3A_809 : i32
        %parallel_loop3A_826 = arith.index_cast %parallel_loop3A_825 : i32 to index
        %parallel_loop3A_827 = tpu.vector_load %arg7[%parallel_loop3A_826] {strides = array<i32>} : memref<12000xf32, #tpu.memory_space<vmem>>, vector<16xf32>,
        %parallel_loop3A_828 = arith.constant 8000 : i32
        %parallel_loop3A_829 = arith.addi %parallel_loop3A_828, %parallel_loop3A_809 : i32
        %parallel_loop3A_830 = arith.index_cast %parallel_loop3A_829 : i32 to index
        %parallel_loop3A_831 = tpu.vector_load %arg7[%parallel_loop3A_830] {strides = array<i32>} : memref<12000xf32, #tpu.memory_space<vmem>>, vector<16xf32>,
        %parallel_loop3A_832 = arith.mulf %parallel_loop3A_827, %parallel_loop3A_821 : vector<16xf32>
        %parallel_loop3A_833 = arith.mulf %parallel_loop3A_831, %parallel_loop3A_817 : vector<16xf32>
        %parallel_loop3A_834 = arith.subf %parallel_loop3A_832, %parallel_loop3A_833 : vector<16xf32>
        %parallel_loop3A_835 = arith.mulf %parallel_loop3A_831, %parallel_loop3A_813 : vector<16xf32>
        %parallel_loop3A_836 = arith.mulf %parallel_loop3A_823, %parallel_loop3A_821 : vector<16xf32>
        %parallel_loop3A_837 = arith.subf %parallel_loop3A_835, %parallel_loop3A_836 : vector<16xf32>
        %parallel_loop3A_838 = arith.mulf %parallel_loop3A_823, %parallel_loop3A_817 : vector<16xf32>
        %parallel_loop3A_839 = arith.mulf %parallel_loop3A_827, %parallel_loop3A_813 : vector<16xf32>
        %parallel_loop3A_840 = arith.subf %parallel_loop3A_838, %parallel_loop3A_839 : vector<16xf32>
        %parallel_loop3A_841 = arith.mulf %parallel_loop3A_823, %parallel_loop3A_823 : vector<16xf32>
        %parallel_loop3A_842 = arith.mulf %parallel_loop3A_827, %parallel_loop3A_827 : vector<16xf32>
        %parallel_loop3A_843 = arith.mulf %parallel_loop3A_831, %parallel_loop3A_831 : vector<16xf32>
        %parallel_loop3A_844 = arith.mulf %parallel_loop3A_823, %parallel_loop3A_827 : vector<16xf32>
        %parallel_loop3A_845 = arith.mulf %parallel_loop3A_823, %parallel_loop3A_831 : vector<16xf32>
        %parallel_loop3A_846 = arith.mulf %parallel_loop3A_827, %parallel_loop3A_831 : vector<16xf32>
        %parallel_loop3A_847 = arith.constant 1 : i32
        %parallel_loop3A_848 = vector.broadcast %parallel_loop3A_847 : i32 to vector<16xi32>
        %parallel_loop3A_849 = arith.addi %broadcast_in_dim3A_1, %parallel_loop3A_848 : vector<16xi32>
        tpu.vector_store_idx %arg9[%parallel_loop3A_811, %parallel_loop3A_849], %parallel_loop3A_813 : memref<4000x16xf32, #tpu.memory_space<vmem>>[vector<16xi32>, vector<16xi32>], vector<16xf32>,
        %parallel_loop3A_850 = arith.constant 2 : i32
        %parallel_loop3A_851 = vector.broadcast %parallel_loop3A_850 : i32 to vector<16xi32>
        %parallel_loop3A_852 = arith.addi %broadcast_in_dim3A_1, %parallel_loop3A_851 : vector<16xi32>
        tpu.vector_store_idx %arg9[%parallel_loop3A_811, %parallel_loop3A_852], %parallel_loop3A_817 : memref<4000x16xf32, #tpu.memory_space<vmem>>[vector<16xi32>, vector<16xi32>], vector<16xf32>,
        %parallel_loop3A_853 = arith.constant 3 : i32
        %parallel_loop3A_854 = vector.broadcast %parallel_loop3A_853 : i32 to vector<16xi32>
        %parallel_loop3A_855 = arith.addi %broadcast_in_dim3A_1, %parallel_loop3A_854 : vector<16xi32>
        tpu.vector_store_idx %arg9[%parallel_loop3A_811, %parallel_loop3A_855], %parallel_loop3A_821 : memref<4000x16xf32, #tpu.memory_space<vmem>>[vector<16xi32>, vector<16xi32>], vector<16xf32>,
        %parallel_loop3A_856 = arith.constant 4 : i32
        %parallel_loop3A_857 = vector.broadcast %parallel_loop3A_856 : i32 to vector<16xi32>
        %parallel_loop3A_858 = arith.addi %broadcast_in_dim3A_1, %parallel_loop3A_857 : vector<16xi32>
        tpu.vector_store_idx %arg9[%parallel_loop3A_811, %parallel_loop3A_858], %parallel_loop3A_823 : memref<4000x16xf32, #tpu.memory_space<vmem>>[vector<16xi32>, vector<16xi32>], vector<16xf32>,
        %parallel_loop3A_859 = arith.constant 5 : i32
        %parallel_loop3A_860 = vector.broadcast %parallel_loop3A_859 : i32 to vector<16xi32>
        %parallel_loop3A_861 = arith.addi %broadcast_in_dim3A_1, %parallel_loop3A_860 : vector<16xi32>
        tpu.vector_store_idx %arg9[%parallel_loop3A_811, %parallel_loop3A_861], %parallel_loop3A_827 : memref<4000x16xf32, #tpu.memory_space<vmem>>[vector<16xi32>, vector<16xi32>], vector<16xf32>,
        %parallel_loop3A_862 = arith.constant 6 : i32
        %parallel_loop3A_863 = vector.broadcast %parallel_loop3A_862 : i32 to vector<16xi32>
        %parallel_loop3A_864 = arith.addi %broadcast_in_dim3A_1, %parallel_loop3A_863 : vector<16xi32>
        tpu.vector_store_idx %arg9[%parallel_loop3A_811, %parallel_loop3A_864], %parallel_loop3A_831 : memref<4000x16xf32, #tpu.memory_space<vmem>>[vector<16xi32>, vector<16xi32>], vector<16xf32>,
        %parallel_loop3A_865 = arith.constant 7 : i32
        %parallel_loop3A_866 = vector.broadcast %parallel_loop3A_865 : i32 to vector<16xi32>
        %parallel_loop3A_867 = arith.addi %broadcast_in_dim3A_1, %parallel_loop3A_866 : vector<16xi32>
        tpu.vector_store_idx %arg9[%parallel_loop3A_811, %parallel_loop3A_867], %parallel_loop3A_834 : memref<4000x16xf32, #tpu.memory_space<vmem>>[vector<16xi32>, vector<16xi32>], vector<16xf32>,
        %parallel_loop3A_868 = arith.constant 8 : i32
        %parallel_loop3A_869 = vector.broadcast %parallel_loop3A_868 : i32 to vector<16xi32>
        %parallel_loop3A_870 = arith.addi %broadcast_in_dim3A_1, %parallel_loop3A_869 : vector<16xi32>
        tpu.vector_store_idx %arg9[%parallel_loop3A_811, %parallel_loop3A_870], %parallel_loop3A_837 : memref<4000x16xf32, #tpu.memory_space<vmem>>[vector<16xi32>, vector<16xi32>], vector<16xf32>,
        %parallel_loop3A_871 = arith.constant 9 : i32
        %parallel_loop3A_872 = vector.broadcast %parallel_loop3A_871 : i32 to vector<16xi32>
        %parallel_loop3A_873 = arith.addi %broadcast_in_dim3A_1, %parallel_loop3A_872 : vector<16xi32>
        tpu.vector_store_idx %arg9[%parallel_loop3A_811, %parallel_loop3A_873], %parallel_loop3A_840 : memref<4000x16xf32, #tpu.memory_space<vmem>>[vector<16xi32>, vector<16xi32>], vector<16xf32>,
        %parallel_loop3A_874 = arith.constant 10 : i32
        %parallel_loop3A_875 = vector.broadcast %parallel_loop3A_874 : i32 to vector<16xi32>
        %parallel_loop3A_876 = arith.addi %broadcast_in_dim3A_1, %parallel_loop3A_875 : vector<16xi32>
        tpu.vector_store_idx %arg9[%parallel_loop3A_811, %parallel_loop3A_876], %parallel_loop3A_841 : memref<4000x16xf32, #tpu.memory_space<vmem>>[vector<16xi32>, vector<16xi32>], vector<16xf32>,
        %parallel_loop3A_877 = arith.constant 11 : i32
        %parallel_loop3A_878 = vector.broadcast %parallel_loop3A_877 : i32 to vector<16xi32>
        %parallel_loop3A_879 = arith.addi %broadcast_in_dim3A_1, %parallel_loop3A_878 : vector<16xi32>
        tpu.vector_store_idx %arg9[%parallel_loop3A_811, %parallel_loop3A_879], %parallel_loop3A_842 : memref<4000x16xf32, #tpu.memory_space<vmem>>[vector<16xi32>, vector<16xi32>], vector<16xf32>,
        %parallel_loop3A_880 = arith.constant 12 : i32
        %parallel_loop3A_881 = vector.broadcast %parallel_loop3A_880 : i32 to vector<16xi32>
        %parallel_loop3A_882 = arith.addi %broadcast_in_dim3A_1, %parallel_loop3A_881 : vector<16xi32>
        tpu.vector_store_idx %arg9[%parallel_loop3A_811, %parallel_loop3A_882], %parallel_loop3A_843 : memref<4000x16xf32, #tpu.memory_space<vmem>>[vector<16xi32>, vector<16xi32>], vector<16xf32>,
        %parallel_loop3A_883 = arith.constant 13 : i32
        %parallel_loop3A_884 = vector.broadcast %parallel_loop3A_883 : i32 to vector<16xi32>
        %parallel_loop3A_885 = arith.addi %broadcast_in_dim3A_1, %parallel_loop3A_884 : vector<16xi32>
        tpu.vector_store_idx %arg9[%parallel_loop3A_811, %parallel_loop3A_885], %parallel_loop3A_844 : memref<4000x16xf32, #tpu.memory_space<vmem>>[vector<16xi32>, vector<16xi32>], vector<16xf32>,
        %parallel_loop3A_886 = arith.constant 14 : i32
        %parallel_loop3A_887 = vector.broadcast %parallel_loop3A_886 : i32 to vector<16xi32>
        %parallel_loop3A_888 = arith.addi %broadcast_in_dim3A_1, %parallel_loop3A_887 : vector<16xi32>
        tpu.vector_store_idx %arg9[%parallel_loop3A_811, %parallel_loop3A_888], %parallel_loop3A_845 : memref<4000x16xf32, #tpu.memory_space<vmem>>[vector<16xi32>, vector<16xi32>], vector<16xf32>,
        %parallel_loop3A_889 = arith.constant 15 : i32
        %parallel_loop3A_890 = vector.broadcast %parallel_loop3A_889 : i32 to vector<16xi32>
        %parallel_loop3A_891 = arith.addi %broadcast_in_dim3A_1, %parallel_loop3A_890 : vector<16xi32>
        tpu.vector_store_idx %arg9[%parallel_loop3A_811, %parallel_loop3A_891], %parallel_loop3A_846 : memref<4000x16xf32, #tpu.memory_space<vmem>>[vector<16xi32>, vector<16xi32>], vector<16xf32>,
      } {sc.loop_unroll_factor = 1 : i64, sc.parallel_access}
      %dma_start3A_326 = arith.constant 16 : i32
      %dma_start3A_327 = arith.constant 2000 : i32
      %dma_start3A_328 = arith.constant 0 : i32
      %dma_start3A_329 = tpu.memref_slice %arg9[%dma_start3A_327, %dma_start3A_328] : memref<4000x16xf32, #tpu.memory_space<vmem>> -> memref<125x16xf32, #tpu.memory_space<vmem>>
      %dma_start3A_330 = arith.constant 0 : i32
      %dma_start3A_331 = tpu.memref_slice %arg8[%dma_start3A_326, %dma_start3A_330] : memref<32x125xi32, #tpu.memory_space<vmem>> -> memref<1x125xi32, #tpu.memory_space<vmem>>
      %dma_start3A_332 = tpu.memref_squeeze %dma_start3A_331 : memref<1x125xi32, #tpu.memory_space<vmem>> -> memref<125xi32, #tpu.memory_space<vmem>>
      %dma_start3A_333 = arith.constant 0 : i32
      %dma_start3A_334 = arith.constant 0 : i32
      %dma_start3A_335 = tpu.memref_slice %arg10[%dma_start3A_333, %dma_start3A_334] : memref<25088x16xf32, #tpu.memory_space<vmem_shared>> -> memref<25088x16xf32, #tpu.memory_space<vmem_shared>>
      tpu.enqueue_indirect_dma source(%dma_start3A_329 : memref<125x16xf32, #tpu.memory_space<vmem>>) target(%dma_start3A_335 : memref<25088x16xf32, #tpu.memory_space<vmem_shared>>) offsets(%dma_start3A_332 : memref<125xi32, #tpu.memory_space<vmem>>) semaphore(%arg12 : memref<!tpu.dma_semaphore, #tpu.memory_space<semaphore_mem>>) {add = true}
      %dma_start3A_336 = arith.constant 17 : i32
      %dma_start3A_337 = arith.constant 2125 : i32
      %dma_start3A_338 = arith.constant 0 : i32
      %dma_start3A_339 = tpu.memref_slice %arg9[%dma_start3A_337, %dma_start3A_338] : memref<4000x16xf32, #tpu.memory_space<vmem>> -> memref<125x16xf32, #tpu.memory_space<vmem>>
      %dma_start3A_340 = arith.constant 0 : i32
      %dma_start3A_341 = tpu.memref_slice %arg8[%dma_start3A_336, %dma_start3A_340] : memref<32x125xi32, #tpu.memory_space<vmem>> -> memref<1x125xi32, #tpu.memory_space<vmem>>
      %dma_start3A_342 = tpu.memref_squeeze %dma_start3A_341 : memref<1x125xi32, #tpu.memory_space<vmem>> -> memref<125xi32, #tpu.memory_space<vmem>>
      %dma_start3A_343 = arith.constant 0 : i32
      %dma_start3A_344 = arith.constant 0 : i32
      %dma_start3A_345 = tpu.memref_slice %arg10[%dma_start3A_343, %dma_start3A_344] : memref<25088x16xf32, #tpu.memory_space<vmem_shared>> -> memref<25088x16xf32, #tpu.memory_space<vmem_shared>>
      tpu.enqueue_indirect_dma source(%dma_start3A_339 : memref<125x16xf32, #tpu.memory_space<vmem>>) target(%dma_start3A_345 : memref<25088x16xf32, #tpu.memory_space<vmem_shared>>) offsets(%dma_start3A_342 : memref<125xi32, #tpu.memory_space<vmem>>) semaphore(%arg12 : memref<!tpu.dma_semaphore, #tpu.memory_space<semaphore_mem>>) {add = true}
      %dma_start3A_346 = arith.constant 18 : i32
      %dma_start3A_347 = arith.constant 2250 : i32
      %dma_start3A_348 = arith.constant 0 : i32
      %dma_start3A_349 = tpu.memref_slice %arg9[%dma_start3A_347, %dma_start3A_348] : memref<4000x16xf32, #tpu.memory_space<vmem>> -> memref<125x16xf32, #tpu.memory_space<vmem>>
      %dma_start3A_350 = arith.constant 0 : i32
      %dma_start3A_351 = tpu.memref_slice %arg8[%dma_start3A_346, %dma_start3A_350] : memref<32x125xi32, #tpu.memory_space<vmem>> -> memref<1x125xi32, #tpu.memory_space<vmem>>
      %dma_start3A_352 = tpu.memref_squeeze %dma_start3A_351 : memref<1x125xi32, #tpu.memory_space<vmem>> -> memref<125xi32, #tpu.memory_space<vmem>>
      %dma_start3A_353 = arith.constant 0 : i32
      %dma_start3A_354 = arith.constant 0 : i32
      %dma_start3A_355 = tpu.memref_slice %arg10[%dma_start3A_353, %dma_start3A_354] : memref<25088x16xf32, #tpu.memory_space<vmem_shared>> -> memref<25088x16xf32, #tpu.memory_space<vmem_shared>>
      tpu.enqueue_indirect_dma source(%dma_start3A_349 : memref<125x16xf32, #tpu.memory_space<vmem>>) target(%dma_start3A_355 : memref<25088x16xf32, #tpu.memory_space<vmem_shared>>) offsets(%dma_start3A_352 : memref<125xi32, #tpu.memory_space<vmem>>) semaphore(%arg12 : memref<!tpu.dma_semaphore, #tpu.memory_space<semaphore_mem>>) {add = true}
      %dma_start3A_356 = arith.constant 19 : i32
      %dma_start3A_357 = arith.constant 2375 : i32
      %dma_start3A_358 = arith.constant 0 : i32
      %dma_start3A_359 = tpu.memref_slice %arg9[%dma_start3A_357, %dma_start3A_358] : memref<4000x16xf32, #tpu.memory_space<vmem>> -> memref<125x16xf32, #tpu.memory_space<vmem>>
      %dma_start3A_360 = arith.constant 0 : i32
      %dma_start3A_361 = tpu.memref_slice %arg8[%dma_start3A_356, %dma_start3A_360] : memref<32x125xi32, #tpu.memory_space<vmem>> -> memref<1x125xi32, #tpu.memory_space<vmem>>
      %dma_start3A_362 = tpu.memref_squeeze %dma_start3A_361 : memref<1x125xi32, #tpu.memory_space<vmem>> -> memref<125xi32, #tpu.memory_space<vmem>>
      %dma_start3A_363 = arith.constant 0 : i32
      %dma_start3A_364 = arith.constant 0 : i32
      %dma_start3A_365 = tpu.memref_slice %arg10[%dma_start3A_363, %dma_start3A_364] : memref<25088x16xf32, #tpu.memory_space<vmem_shared>> -> memref<25088x16xf32, #tpu.memory_space<vmem_shared>>
      tpu.enqueue_indirect_dma source(%dma_start3A_359 : memref<125x16xf32, #tpu.memory_space<vmem>>) target(%dma_start3A_365 : memref<25088x16xf32, #tpu.memory_space<vmem_shared>>) offsets(%dma_start3A_362 : memref<125xi32, #tpu.memory_space<vmem>>) semaphore(%arg12 : memref<!tpu.dma_semaphore, #tpu.memory_space<semaphore_mem>>) {add = true}
      %dma_start3A_366 = arith.constant 20 : i32
      %dma_start3A_367 = arith.constant 2500 : i32
      %dma_start3A_368 = arith.constant 0 : i32
      %dma_start3A_369 = tpu.memref_slice %arg9[%dma_start3A_367, %dma_start3A_368] : memref<4000x16xf32, #tpu.memory_space<vmem>> -> memref<125x16xf32, #tpu.memory_space<vmem>>
      %dma_start3A_370 = arith.constant 0 : i32
      %dma_start3A_371 = tpu.memref_slice %arg8[%dma_start3A_366, %dma_start3A_370] : memref<32x125xi32, #tpu.memory_space<vmem>> -> memref<1x125xi32, #tpu.memory_space<vmem>>
      %dma_start3A_372 = tpu.memref_squeeze %dma_start3A_371 : memref<1x125xi32, #tpu.memory_space<vmem>> -> memref<125xi32, #tpu.memory_space<vmem>>
      %dma_start3A_373 = arith.constant 0 : i32
      %dma_start3A_374 = arith.constant 0 : i32
      %dma_start3A_375 = tpu.memref_slice %arg10[%dma_start3A_373, %dma_start3A_374] : memref<25088x16xf32, #tpu.memory_space<vmem_shared>> -> memref<25088x16xf32, #tpu.memory_space<vmem_shared>>
      tpu.enqueue_indirect_dma source(%dma_start3A_369 : memref<125x16xf32, #tpu.memory_space<vmem>>) target(%dma_start3A_375 : memref<25088x16xf32, #tpu.memory_space<vmem_shared>>) offsets(%dma_start3A_372 : memref<125xi32, #tpu.memory_space<vmem>>) semaphore(%arg12 : memref<!tpu.dma_semaphore, #tpu.memory_space<semaphore_mem>>) {add = true}
      %dma_start3A_376 = arith.constant 21 : i32
      %dma_start3A_377 = arith.constant 2625 : i32
      %dma_start3A_378 = arith.constant 0 : i32
      %dma_start3A_379 = tpu.memref_slice %arg9[%dma_start3A_377, %dma_start3A_378] : memref<4000x16xf32, #tpu.memory_space<vmem>> -> memref<125x16xf32, #tpu.memory_space<vmem>>
      %dma_start3A_380 = arith.constant 0 : i32
      %dma_start3A_381 = tpu.memref_slice %arg8[%dma_start3A_376, %dma_start3A_380] : memref<32x125xi32, #tpu.memory_space<vmem>> -> memref<1x125xi32, #tpu.memory_space<vmem>>
      %dma_start3A_382 = tpu.memref_squeeze %dma_start3A_381 : memref<1x125xi32, #tpu.memory_space<vmem>> -> memref<125xi32, #tpu.memory_space<vmem>>
      %dma_start3A_383 = arith.constant 0 : i32
      %dma_start3A_384 = arith.constant 0 : i32
      %dma_start3A_385 = tpu.memref_slice %arg10[%dma_start3A_383, %dma_start3A_384] : memref<25088x16xf32, #tpu.memory_space<vmem_shared>> -> memref<25088x16xf32, #tpu.memory_space<vmem_shared>>
      tpu.enqueue_indirect_dma source(%dma_start3A_379 : memref<125x16xf32, #tpu.memory_space<vmem>>) target(%dma_start3A_385 : memref<25088x16xf32, #tpu.memory_space<vmem_shared>>) offsets(%dma_start3A_382 : memref<125xi32, #tpu.memory_space<vmem>>) semaphore(%arg12 : memref<!tpu.dma_semaphore, #tpu.memory_space<semaphore_mem>>) {add = true}
      %dma_start3A_386 = arith.constant 22 : i32
      %dma_start3A_387 = arith.constant 2750 : i32
      %dma_start3A_388 = arith.constant 0 : i32
      %dma_start3A_389 = tpu.memref_slice %arg9[%dma_start3A_387, %dma_start3A_388] : memref<4000x16xf32, #tpu.memory_space<vmem>> -> memref<125x16xf32, #tpu.memory_space<vmem>>
      %dma_start3A_390 = arith.constant 0 : i32
      %dma_start3A_391 = tpu.memref_slice %arg8[%dma_start3A_386, %dma_start3A_390] : memref<32x125xi32, #tpu.memory_space<vmem>> -> memref<1x125xi32, #tpu.memory_space<vmem>>
      %dma_start3A_392 = tpu.memref_squeeze %dma_start3A_391 : memref<1x125xi32, #tpu.memory_space<vmem>> -> memref<125xi32, #tpu.memory_space<vmem>>
      %dma_start3A_393 = arith.constant 0 : i32
      %dma_start3A_394 = arith.constant 0 : i32
      %dma_start3A_395 = tpu.memref_slice %arg10[%dma_start3A_393, %dma_start3A_394] : memref<25088x16xf32, #tpu.memory_space<vmem_shared>> -> memref<25088x16xf32, #tpu.memory_space<vmem_shared>>
      tpu.enqueue_indirect_dma source(%dma_start3A_389 : memref<125x16xf32, #tpu.memory_space<vmem>>) target(%dma_start3A_395 : memref<25088x16xf32, #tpu.memory_space<vmem_shared>>) offsets(%dma_start3A_392 : memref<125xi32, #tpu.memory_space<vmem>>) semaphore(%arg12 : memref<!tpu.dma_semaphore, #tpu.memory_space<semaphore_mem>>) {add = true}
      %dma_start3A_396 = arith.constant 23 : i32
      %dma_start3A_397 = arith.constant 2875 : i32
      %dma_start3A_398 = arith.constant 0 : i32
      %dma_start3A_399 = tpu.memref_slice %arg9[%dma_start3A_397, %dma_start3A_398] : memref<4000x16xf32, #tpu.memory_space<vmem>> -> memref<125x16xf32, #tpu.memory_space<vmem>>
      %dma_start3A_400 = arith.constant 0 : i32
      %dma_start3A_401 = tpu.memref_slice %arg8[%dma_start3A_396, %dma_start3A_400] : memref<32x125xi32, #tpu.memory_space<vmem>> -> memref<1x125xi32, #tpu.memory_space<vmem>>
      %dma_start3A_402 = tpu.memref_squeeze %dma_start3A_401 : memref<1x125xi32, #tpu.memory_space<vmem>> -> memref<125xi32, #tpu.memory_space<vmem>>
      %dma_start3A_403 = arith.constant 0 : i32
      %dma_start3A_404 = arith.constant 0 : i32
      %dma_start3A_405 = tpu.memref_slice %arg10[%dma_start3A_403, %dma_start3A_404] : memref<25088x16xf32, #tpu.memory_space<vmem_shared>> -> memref<25088x16xf32, #tpu.memory_space<vmem_shared>>
      tpu.enqueue_indirect_dma source(%dma_start3A_399 : memref<125x16xf32, #tpu.memory_space<vmem>>) target(%dma_start3A_405 : memref<25088x16xf32, #tpu.memory_space<vmem_shared>>) offsets(%dma_start3A_402 : memref<125xi32, #tpu.memory_space<vmem>>) semaphore(%arg12 : memref<!tpu.dma_semaphore, #tpu.memory_space<semaphore_mem>>) {add = true}
      %dma_start3A_406 = arith.constant 24 : i32
      %dma_start3A_407 = arith.constant 3000 : i32
      %dma_start3A_408 = arith.constant 0 : i32
      %dma_start3A_409 = tpu.memref_slice %arg9[%dma_start3A_407, %dma_start3A_408] : memref<4000x16xf32, #tpu.memory_space<vmem>> -> memref<125x16xf32, #tpu.memory_space<vmem>>
      %dma_start3A_410 = arith.constant 0 : i32
      %dma_start3A_411 = tpu.memref_slice %arg8[%dma_start3A_406, %dma_start3A_410] : memref<32x125xi32, #tpu.memory_space<vmem>> -> memref<1x125xi32, #tpu.memory_space<vmem>>
      %dma_start3A_412 = tpu.memref_squeeze %dma_start3A_411 : memref<1x125xi32, #tpu.memory_space<vmem>> -> memref<125xi32, #tpu.memory_space<vmem>>
      %dma_start3A_413 = arith.constant 0 : i32
      %dma_start3A_414 = arith.constant 0 : i32
      %dma_start3A_415 = tpu.memref_slice %arg10[%dma_start3A_413, %dma_start3A_414] : memref<25088x16xf32, #tpu.memory_space<vmem_shared>> -> memref<25088x16xf32, #tpu.memory_space<vmem_shared>>
      tpu.enqueue_indirect_dma source(%dma_start3A_409 : memref<125x16xf32, #tpu.memory_space<vmem>>) target(%dma_start3A_415 : memref<25088x16xf32, #tpu.memory_space<vmem_shared>>) offsets(%dma_start3A_412 : memref<125xi32, #tpu.memory_space<vmem>>) semaphore(%arg12 : memref<!tpu.dma_semaphore, #tpu.memory_space<semaphore_mem>>) {add = true}
      %dma_start3A_416 = arith.constant 25 : i32
      %dma_start3A_417 = arith.constant 3125 : i32
      %dma_start3A_418 = arith.constant 0 : i32
      %dma_start3A_419 = tpu.memref_slice %arg9[%dma_start3A_417, %dma_start3A_418] : memref<4000x16xf32, #tpu.memory_space<vmem>> -> memref<125x16xf32, #tpu.memory_space<vmem>>
      %dma_start3A_420 = arith.constant 0 : i32
      %dma_start3A_421 = tpu.memref_slice %arg8[%dma_start3A_416, %dma_start3A_420] : memref<32x125xi32, #tpu.memory_space<vmem>> -> memref<1x125xi32, #tpu.memory_space<vmem>>
      %dma_start3A_422 = tpu.memref_squeeze %dma_start3A_421 : memref<1x125xi32, #tpu.memory_space<vmem>> -> memref<125xi32, #tpu.memory_space<vmem>>
      %dma_start3A_423 = arith.constant 0 : i32
      %dma_start3A_424 = arith.constant 0 : i32
      %dma_start3A_425 = tpu.memref_slice %arg10[%dma_start3A_423, %dma_start3A_424] : memref<25088x16xf32, #tpu.memory_space<vmem_shared>> -> memref<25088x16xf32, #tpu.memory_space<vmem_shared>>
      tpu.enqueue_indirect_dma source(%dma_start3A_419 : memref<125x16xf32, #tpu.memory_space<vmem>>) target(%dma_start3A_425 : memref<25088x16xf32, #tpu.memory_space<vmem_shared>>) offsets(%dma_start3A_422 : memref<125xi32, #tpu.memory_space<vmem>>) semaphore(%arg12 : memref<!tpu.dma_semaphore, #tpu.memory_space<semaphore_mem>>) {add = true}
      %dma_start3A_426 = arith.constant 26 : i32
      %dma_start3A_427 = arith.constant 3250 : i32
      %dma_start3A_428 = arith.constant 0 : i32
      %dma_start3A_429 = tpu.memref_slice %arg9[%dma_start3A_427, %dma_start3A_428] : memref<4000x16xf32, #tpu.memory_space<vmem>> -> memref<125x16xf32, #tpu.memory_space<vmem>>
      %dma_start3A_430 = arith.constant 0 : i32
      %dma_start3A_431 = tpu.memref_slice %arg8[%dma_start3A_426, %dma_start3A_430] : memref<32x125xi32, #tpu.memory_space<vmem>> -> memref<1x125xi32, #tpu.memory_space<vmem>>
      %dma_start3A_432 = tpu.memref_squeeze %dma_start3A_431 : memref<1x125xi32, #tpu.memory_space<vmem>> -> memref<125xi32, #tpu.memory_space<vmem>>
      %dma_start3A_433 = arith.constant 0 : i32
      %dma_start3A_434 = arith.constant 0 : i32
      %dma_start3A_435 = tpu.memref_slice %arg10[%dma_start3A_433, %dma_start3A_434] : memref<25088x16xf32, #tpu.memory_space<vmem_shared>> -> memref<25088x16xf32, #tpu.memory_space<vmem_shared>>
      tpu.enqueue_indirect_dma source(%dma_start3A_429 : memref<125x16xf32, #tpu.memory_space<vmem>>) target(%dma_start3A_435 : memref<25088x16xf32, #tpu.memory_space<vmem_shared>>) offsets(%dma_start3A_432 : memref<125xi32, #tpu.memory_space<vmem>>) semaphore(%arg12 : memref<!tpu.dma_semaphore, #tpu.memory_space<semaphore_mem>>) {add = true}
      %dma_start3A_436 = arith.constant 27 : i32
      %dma_start3A_437 = arith.constant 3375 : i32
      %dma_start3A_438 = arith.constant 0 : i32
      %dma_start3A_439 = tpu.memref_slice %arg9[%dma_start3A_437, %dma_start3A_438] : memref<4000x16xf32, #tpu.memory_space<vmem>> -> memref<125x16xf32, #tpu.memory_space<vmem>>
      %dma_start3A_440 = arith.constant 0 : i32
      %dma_start3A_441 = tpu.memref_slice %arg8[%dma_start3A_436, %dma_start3A_440] : memref<32x125xi32, #tpu.memory_space<vmem>> -> memref<1x125xi32, #tpu.memory_space<vmem>>
      %dma_start3A_442 = tpu.memref_squeeze %dma_start3A_441 : memref<1x125xi32, #tpu.memory_space<vmem>> -> memref<125xi32, #tpu.memory_space<vmem>>
      %dma_start3A_443 = arith.constant 0 : i32
      %dma_start3A_444 = arith.constant 0 : i32
      %dma_start3A_445 = tpu.memref_slice %arg10[%dma_start3A_443, %dma_start3A_444] : memref<25088x16xf32, #tpu.memory_space<vmem_shared>> -> memref<25088x16xf32, #tpu.memory_space<vmem_shared>>
      tpu.enqueue_indirect_dma source(%dma_start3A_439 : memref<125x16xf32, #tpu.memory_space<vmem>>) target(%dma_start3A_445 : memref<25088x16xf32, #tpu.memory_space<vmem_shared>>) offsets(%dma_start3A_442 : memref<125xi32, #tpu.memory_space<vmem>>) semaphore(%arg12 : memref<!tpu.dma_semaphore, #tpu.memory_space<semaphore_mem>>) {add = true}
      %dma_start3A_446 = arith.constant 28 : i32
      %dma_start3A_447 = arith.constant 3500 : i32
      %dma_start3A_448 = arith.constant 0 : i32
      %dma_start3A_449 = tpu.memref_slice %arg9[%dma_start3A_447, %dma_start3A_448] : memref<4000x16xf32, #tpu.memory_space<vmem>> -> memref<125x16xf32, #tpu.memory_space<vmem>>
      %dma_start3A_450 = arith.constant 0 : i32
      %dma_start3A_451 = tpu.memref_slice %arg8[%dma_start3A_446, %dma_start3A_450] : memref<32x125xi32, #tpu.memory_space<vmem>> -> memref<1x125xi32, #tpu.memory_space<vmem>>
      %dma_start3A_452 = tpu.memref_squeeze %dma_start3A_451 : memref<1x125xi32, #tpu.memory_space<vmem>> -> memref<125xi32, #tpu.memory_space<vmem>>
      %dma_start3A_453 = arith.constant 0 : i32
      %dma_start3A_454 = arith.constant 0 : i32
      %dma_start3A_455 = tpu.memref_slice %arg10[%dma_start3A_453, %dma_start3A_454] : memref<25088x16xf32, #tpu.memory_space<vmem_shared>> -> memref<25088x16xf32, #tpu.memory_space<vmem_shared>>
      tpu.enqueue_indirect_dma source(%dma_start3A_449 : memref<125x16xf32, #tpu.memory_space<vmem>>) target(%dma_start3A_455 : memref<25088x16xf32, #tpu.memory_space<vmem_shared>>) offsets(%dma_start3A_452 : memref<125xi32, #tpu.memory_space<vmem>>) semaphore(%arg12 : memref<!tpu.dma_semaphore, #tpu.memory_space<semaphore_mem>>) {add = true}
      %dma_start3A_456 = arith.constant 29 : i32
      %dma_start3A_457 = arith.constant 3625 : i32
      %dma_start3A_458 = arith.constant 0 : i32
      %dma_start3A_459 = tpu.memref_slice %arg9[%dma_start3A_457, %dma_start3A_458] : memref<4000x16xf32, #tpu.memory_space<vmem>> -> memref<125x16xf32, #tpu.memory_space<vmem>>
      %dma_start3A_460 = arith.constant 0 : i32
      %dma_start3A_461 = tpu.memref_slice %arg8[%dma_start3A_456, %dma_start3A_460] : memref<32x125xi32, #tpu.memory_space<vmem>> -> memref<1x125xi32, #tpu.memory_space<vmem>>
      %dma_start3A_462 = tpu.memref_squeeze %dma_start3A_461 : memref<1x125xi32, #tpu.memory_space<vmem>> -> memref<125xi32, #tpu.memory_space<vmem>>
      %dma_start3A_463 = arith.constant 0 : i32
      %dma_start3A_464 = arith.constant 0 : i32
      %dma_start3A_465 = tpu.memref_slice %arg10[%dma_start3A_463, %dma_start3A_464] : memref<25088x16xf32, #tpu.memory_space<vmem_shared>> -> memref<25088x16xf32, #tpu.memory_space<vmem_shared>>
      tpu.enqueue_indirect_dma source(%dma_start3A_459 : memref<125x16xf32, #tpu.memory_space<vmem>>) target(%dma_start3A_465 : memref<25088x16xf32, #tpu.memory_space<vmem_shared>>) offsets(%dma_start3A_462 : memref<125xi32, #tpu.memory_space<vmem>>) semaphore(%arg12 : memref<!tpu.dma_semaphore, #tpu.memory_space<semaphore_mem>>) {add = true}
      %dma_start3A_466 = arith.constant 30 : i32
      %dma_start3A_467 = arith.constant 3750 : i32
      %dma_start3A_468 = arith.constant 0 : i32
      %dma_start3A_469 = tpu.memref_slice %arg9[%dma_start3A_467, %dma_start3A_468] : memref<4000x16xf32, #tpu.memory_space<vmem>> -> memref<125x16xf32, #tpu.memory_space<vmem>>
      %dma_start3A_470 = arith.constant 0 : i32
      %dma_start3A_471 = tpu.memref_slice %arg8[%dma_start3A_466, %dma_start3A_470] : memref<32x125xi32, #tpu.memory_space<vmem>> -> memref<1x125xi32, #tpu.memory_space<vmem>>
      %dma_start3A_472 = tpu.memref_squeeze %dma_start3A_471 : memref<1x125xi32, #tpu.memory_space<vmem>> -> memref<125xi32, #tpu.memory_space<vmem>>
      %dma_start3A_473 = arith.constant 0 : i32
      %dma_start3A_474 = arith.constant 0 : i32
      %dma_start3A_475 = tpu.memref_slice %arg10[%dma_start3A_473, %dma_start3A_474] : memref<25088x16xf32, #tpu.memory_space<vmem_shared>> -> memref<25088x16xf32, #tpu.memory_space<vmem_shared>>
      tpu.enqueue_indirect_dma source(%dma_start3A_469 : memref<125x16xf32, #tpu.memory_space<vmem>>) target(%dma_start3A_475 : memref<25088x16xf32, #tpu.memory_space<vmem_shared>>) offsets(%dma_start3A_472 : memref<125xi32, #tpu.memory_space<vmem>>) semaphore(%arg12 : memref<!tpu.dma_semaphore, #tpu.memory_space<semaphore_mem>>) {add = true}
      %dma_start3A_476 = arith.constant 31 : i32
      %dma_start3A_477 = arith.constant 3875 : i32
      %dma_start3A_478 = arith.constant 0 : i32
      %dma_start3A_479 = tpu.memref_slice %arg9[%dma_start3A_477, %dma_start3A_478] : memref<4000x16xf32, #tpu.memory_space<vmem>> -> memref<125x16xf32, #tpu.memory_space<vmem>>
      %dma_start3A_480 = arith.constant 0 : i32
      %dma_start3A_481 = tpu.memref_slice %arg8[%dma_start3A_476, %dma_start3A_480] : memref<32x125xi32, #tpu.memory_space<vmem>> -> memref<1x125xi32, #tpu.memory_space<vmem>>
      %dma_start3A_482 = tpu.memref_squeeze %dma_start3A_481 : memref<1x125xi32, #tpu.memory_space<vmem>> -> memref<125xi32, #tpu.memory_space<vmem>>
      %dma_start3A_483 = arith.constant 0 : i32
      %dma_start3A_484 = arith.constant 0 : i32
      %dma_start3A_485 = tpu.memref_slice %arg10[%dma_start3A_483, %dma_start3A_484] : memref<25088x16xf32, #tpu.memory_space<vmem_shared>> -> memref<25088x16xf32, #tpu.memory_space<vmem_shared>>
      tpu.enqueue_indirect_dma source(%dma_start3A_479 : memref<125x16xf32, #tpu.memory_space<vmem>>) target(%dma_start3A_485 : memref<25088x16xf32, #tpu.memory_space<vmem_shared>>) offsets(%dma_start3A_482 : memref<125xi32, #tpu.memory_space<vmem>>) semaphore(%arg12 : memref<!tpu.dma_semaphore, #tpu.memory_space<semaphore_mem>>) {add = true}
      %dma_wait3A_486 = arith.constant 0 : i32
      %dma_wait3A_487 = arith.constant 0 : i32
      %dma_wait3A_488 = arith.constant 0 : i32
      %dma_wait3A_489 = tpu.memref_slice %arg9[%dma_wait3A_487, %dma_wait3A_488] : memref<4000x16xf32, #tpu.memory_space<vmem>> -> memref<125x16xf32, #tpu.memory_space<vmem>>
      %dma_wait3A_490 = arith.constant 0 : i32
      %dma_wait3A_491 = tpu.memref_slice %arg8[%dma_wait3A_486, %dma_wait3A_490] : memref<32x125xi32, #tpu.memory_space<vmem>> -> memref<1x125xi32, #tpu.memory_space<vmem>>
      %dma_wait3A_492 = tpu.memref_squeeze %dma_wait3A_491 : memref<1x125xi32, #tpu.memory_space<vmem>> -> memref<125xi32, #tpu.memory_space<vmem>>
      %dma_wait3A_493 = arith.constant 0 : i32
      %dma_wait3A_494 = arith.constant 0 : i32
      %dma_wait3A_495 = tpu.memref_slice %arg10[%dma_wait3A_493, %dma_wait3A_494] : memref<25088x16xf32, #tpu.memory_space<vmem_shared>> -> memref<25088x16xf32, #tpu.memory_space<vmem_shared>>
      tpu.wait_indirect_dma semaphore(%arg12 : memref<!tpu.dma_semaphore, #tpu.memory_space<semaphore_mem>>) src(%dma_wait3A_489 : memref<125x16xf32, #tpu.memory_space<vmem>>) dst(%dma_wait3A_495 : memref<25088x16xf32, #tpu.memory_space<vmem_shared>>)
      %dma_wait3A_496 = arith.constant 1 : i32
      %dma_wait3A_497 = arith.constant 125 : i32
      %dma_wait3A_498 = arith.constant 0 : i32
      %dma_wait3A_499 = tpu.memref_slice %arg9[%dma_wait3A_497, %dma_wait3A_498] : memref<4000x16xf32, #tpu.memory_space<vmem>> -> memref<125x16xf32, #tpu.memory_space<vmem>>
      %dma_wait3A_500 = arith.constant 0 : i32
      %dma_wait3A_501 = tpu.memref_slice %arg8[%dma_wait3A_496, %dma_wait3A_500] : memref<32x125xi32, #tpu.memory_space<vmem>> -> memref<1x125xi32, #tpu.memory_space<vmem>>
      %dma_wait3A_502 = tpu.memref_squeeze %dma_wait3A_501 : memref<1x125xi32, #tpu.memory_space<vmem>> -> memref<125xi32, #tpu.memory_space<vmem>>
      %dma_wait3A_503 = arith.constant 0 : i32
      %dma_wait3A_504 = arith.constant 0 : i32
      %dma_wait3A_505 = tpu.memref_slice %arg10[%dma_wait3A_503, %dma_wait3A_504] : memref<25088x16xf32, #tpu.memory_space<vmem_shared>> -> memref<25088x16xf32, #tpu.memory_space<vmem_shared>>
      tpu.wait_indirect_dma semaphore(%arg12 : memref<!tpu.dma_semaphore, #tpu.memory_space<semaphore_mem>>) src(%dma_wait3A_499 : memref<125x16xf32, #tpu.memory_space<vmem>>) dst(%dma_wait3A_505 : memref<25088x16xf32, #tpu.memory_space<vmem_shared>>)
      %dma_wait3A_506 = arith.constant 2 : i32
      %dma_wait3A_507 = arith.constant 250 : i32
      %dma_wait3A_508 = arith.constant 0 : i32
      %dma_wait3A_509 = tpu.memref_slice %arg9[%dma_wait3A_507, %dma_wait3A_508] : memref<4000x16xf32, #tpu.memory_space<vmem>> -> memref<125x16xf32, #tpu.memory_space<vmem>>
      %dma_wait3A_510 = arith.constant 0 : i32
      %dma_wait3A_511 = tpu.memref_slice %arg8[%dma_wait3A_506, %dma_wait3A_510] : memref<32x125xi32, #tpu.memory_space<vmem>> -> memref<1x125xi32, #tpu.memory_space<vmem>>
      %dma_wait3A_512 = tpu.memref_squeeze %dma_wait3A_511 : memref<1x125xi32, #tpu.memory_space<vmem>> -> memref<125xi32, #tpu.memory_space<vmem>>
      %dma_wait3A_513 = arith.constant 0 : i32
      %dma_wait3A_514 = arith.constant 0 : i32
      %dma_wait3A_515 = tpu.memref_slice %arg10[%dma_wait3A_513, %dma_wait3A_514] : memref<25088x16xf32, #tpu.memory_space<vmem_shared>> -> memref<25088x16xf32, #tpu.memory_space<vmem_shared>>
      tpu.wait_indirect_dma semaphore(%arg12 : memref<!tpu.dma_semaphore, #tpu.memory_space<semaphore_mem>>) src(%dma_wait3A_509 : memref<125x16xf32, #tpu.memory_space<vmem>>) dst(%dma_wait3A_515 : memref<25088x16xf32, #tpu.memory_space<vmem_shared>>)
      %dma_wait3A_516 = arith.constant 3 : i32
      %dma_wait3A_517 = arith.constant 375 : i32
      %dma_wait3A_518 = arith.constant 0 : i32
      %dma_wait3A_519 = tpu.memref_slice %arg9[%dma_wait3A_517, %dma_wait3A_518] : memref<4000x16xf32, #tpu.memory_space<vmem>> -> memref<125x16xf32, #tpu.memory_space<vmem>>
      %dma_wait3A_520 = arith.constant 0 : i32
      %dma_wait3A_521 = tpu.memref_slice %arg8[%dma_wait3A_516, %dma_wait3A_520] : memref<32x125xi32, #tpu.memory_space<vmem>> -> memref<1x125xi32, #tpu.memory_space<vmem>>
      %dma_wait3A_522 = tpu.memref_squeeze %dma_wait3A_521 : memref<1x125xi32, #tpu.memory_space<vmem>> -> memref<125xi32, #tpu.memory_space<vmem>>
      %dma_wait3A_523 = arith.constant 0 : i32
      %dma_wait3A_524 = arith.constant 0 : i32
      %dma_wait3A_525 = tpu.memref_slice %arg10[%dma_wait3A_523, %dma_wait3A_524] : memref<25088x16xf32, #tpu.memory_space<vmem_shared>> -> memref<25088x16xf32, #tpu.memory_space<vmem_shared>>
      tpu.wait_indirect_dma semaphore(%arg12 : memref<!tpu.dma_semaphore, #tpu.memory_space<semaphore_mem>>) src(%dma_wait3A_519 : memref<125x16xf32, #tpu.memory_space<vmem>>) dst(%dma_wait3A_525 : memref<25088x16xf32, #tpu.memory_space<vmem_shared>>)
      %dma_wait3A_526 = arith.constant 4 : i32
      %dma_wait3A_527 = arith.constant 500 : i32
      %dma_wait3A_528 = arith.constant 0 : i32
      %dma_wait3A_529 = tpu.memref_slice %arg9[%dma_wait3A_527, %dma_wait3A_528] : memref<4000x16xf32, #tpu.memory_space<vmem>> -> memref<125x16xf32, #tpu.memory_space<vmem>>
      %dma_wait3A_530 = arith.constant 0 : i32
      %dma_wait3A_531 = tpu.memref_slice %arg8[%dma_wait3A_526, %dma_wait3A_530] : memref<32x125xi32, #tpu.memory_space<vmem>> -> memref<1x125xi32, #tpu.memory_space<vmem>>
      %dma_wait3A_532 = tpu.memref_squeeze %dma_wait3A_531 : memref<1x125xi32, #tpu.memory_space<vmem>> -> memref<125xi32, #tpu.memory_space<vmem>>
      %dma_wait3A_533 = arith.constant 0 : i32
      %dma_wait3A_534 = arith.constant 0 : i32
      %dma_wait3A_535 = tpu.memref_slice %arg10[%dma_wait3A_533, %dma_wait3A_534] : memref<25088x16xf32, #tpu.memory_space<vmem_shared>> -> memref<25088x16xf32, #tpu.memory_space<vmem_shared>>
      tpu.wait_indirect_dma semaphore(%arg12 : memref<!tpu.dma_semaphore, #tpu.memory_space<semaphore_mem>>) src(%dma_wait3A_529 : memref<125x16xf32, #tpu.memory_space<vmem>>) dst(%dma_wait3A_535 : memref<25088x16xf32, #tpu.memory_space<vmem_shared>>)
      %dma_wait3A_536 = arith.constant 5 : i32
      %dma_wait3A_537 = arith.constant 625 : i32
      %dma_wait3A_538 = arith.constant 0 : i32
      %dma_wait3A_539 = tpu.memref_slice %arg9[%dma_wait3A_537, %dma_wait3A_538] : memref<4000x16xf32, #tpu.memory_space<vmem>> -> memref<125x16xf32, #tpu.memory_space<vmem>>
      %dma_wait3A_540 = arith.constant 0 : i32
      %dma_wait3A_541 = tpu.memref_slice %arg8[%dma_wait3A_536, %dma_wait3A_540] : memref<32x125xi32, #tpu.memory_space<vmem>> -> memref<1x125xi32, #tpu.memory_space<vmem>>
      %dma_wait3A_542 = tpu.memref_squeeze %dma_wait3A_541 : memref<1x125xi32, #tpu.memory_space<vmem>> -> memref<125xi32, #tpu.memory_space<vmem>>
      %dma_wait3A_543 = arith.constant 0 : i32
      %dma_wait3A_544 = arith.constant 0 : i32
      %dma_wait3A_545 = tpu.memref_slice %arg10[%dma_wait3A_543, %dma_wait3A_544] : memref<25088x16xf32, #tpu.memory_space<vmem_shared>> -> memref<25088x16xf32, #tpu.memory_space<vmem_shared>>
      tpu.wait_indirect_dma semaphore(%arg12 : memref<!tpu.dma_semaphore, #tpu.memory_space<semaphore_mem>>) src(%dma_wait3A_539 : memref<125x16xf32, #tpu.memory_space<vmem>>) dst(%dma_wait3A_545 : memref<25088x16xf32, #tpu.memory_space<vmem_shared>>)
      %dma_wait3A_546 = arith.constant 6 : i32
      %dma_wait3A_547 = arith.constant 750 : i32
      %dma_wait3A_548 = arith.constant 0 : i32
      %dma_wait3A_549 = tpu.memref_slice %arg9[%dma_wait3A_547, %dma_wait3A_548] : memref<4000x16xf32, #tpu.memory_space<vmem>> -> memref<125x16xf32, #tpu.memory_space<vmem>>
      %dma_wait3A_550 = arith.constant 0 : i32
      %dma_wait3A_551 = tpu.memref_slice %arg8[%dma_wait3A_546, %dma_wait3A_550] : memref<32x125xi32, #tpu.memory_space<vmem>> -> memref<1x125xi32, #tpu.memory_space<vmem>>
      %dma_wait3A_552 = tpu.memref_squeeze %dma_wait3A_551 : memref<1x125xi32, #tpu.memory_space<vmem>> -> memref<125xi32, #tpu.memory_space<vmem>>
      %dma_wait3A_553 = arith.constant 0 : i32
      %dma_wait3A_554 = arith.constant 0 : i32
      %dma_wait3A_555 = tpu.memref_slice %arg10[%dma_wait3A_553, %dma_wait3A_554] : memref<25088x16xf32, #tpu.memory_space<vmem_shared>> -> memref<25088x16xf32, #tpu.memory_space<vmem_shared>>
      tpu.wait_indirect_dma semaphore(%arg12 : memref<!tpu.dma_semaphore, #tpu.memory_space<semaphore_mem>>) src(%dma_wait3A_549 : memref<125x16xf32, #tpu.memory_space<vmem>>) dst(%dma_wait3A_555 : memref<25088x16xf32, #tpu.memory_space<vmem_shared>>)
      %dma_wait3A_556 = arith.constant 7 : i32
      %dma_wait3A_557 = arith.constant 875 : i32
      %dma_wait3A_558 = arith.constant 0 : i32
      %dma_wait3A_559 = tpu.memref_slice %arg9[%dma_wait3A_557, %dma_wait3A_558] : memref<4000x16xf32, #tpu.memory_space<vmem>> -> memref<125x16xf32, #tpu.memory_space<vmem>>
      %dma_wait3A_560 = arith.constant 0 : i32
      %dma_wait3A_561 = tpu.memref_slice %arg8[%dma_wait3A_556, %dma_wait3A_560] : memref<32x125xi32, #tpu.memory_space<vmem>> -> memref<1x125xi32, #tpu.memory_space<vmem>>
      %dma_wait3A_562 = tpu.memref_squeeze %dma_wait3A_561 : memref<1x125xi32, #tpu.memory_space<vmem>> -> memref<125xi32, #tpu.memory_space<vmem>>
      %dma_wait3A_563 = arith.constant 0 : i32
      %dma_wait3A_564 = arith.constant 0 : i32
      %dma_wait3A_565 = tpu.memref_slice %arg10[%dma_wait3A_563, %dma_wait3A_564] : memref<25088x16xf32, #tpu.memory_space<vmem_shared>> -> memref<25088x16xf32, #tpu.memory_space<vmem_shared>>
      tpu.wait_indirect_dma semaphore(%arg12 : memref<!tpu.dma_semaphore, #tpu.memory_space<semaphore_mem>>) src(%dma_wait3A_559 : memref<125x16xf32, #tpu.memory_space<vmem>>) dst(%dma_wait3A_565 : memref<25088x16xf32, #tpu.memory_space<vmem_shared>>)
      %dma_wait3A_566 = arith.constant 8 : i32
      %dma_wait3A_567 = arith.constant 1000 : i32
      %dma_wait3A_568 = arith.constant 0 : i32
      %dma_wait3A_569 = tpu.memref_slice %arg9[%dma_wait3A_567, %dma_wait3A_568] : memref<4000x16xf32, #tpu.memory_space<vmem>> -> memref<125x16xf32, #tpu.memory_space<vmem>>
      %dma_wait3A_570 = arith.constant 0 : i32
      %dma_wait3A_571 = tpu.memref_slice %arg8[%dma_wait3A_566, %dma_wait3A_570] : memref<32x125xi32, #tpu.memory_space<vmem>> -> memref<1x125xi32, #tpu.memory_space<vmem>>
      %dma_wait3A_572 = tpu.memref_squeeze %dma_wait3A_571 : memref<1x125xi32, #tpu.memory_space<vmem>> -> memref<125xi32, #tpu.memory_space<vmem>>
      %dma_wait3A_573 = arith.constant 0 : i32
      %dma_wait3A_574 = arith.constant 0 : i32
      %dma_wait3A_575 = tpu.memref_slice %arg10[%dma_wait3A_573, %dma_wait3A_574] : memref<25088x16xf32, #tpu.memory_space<vmem_shared>> -> memref<25088x16xf32, #tpu.memory_space<vmem_shared>>
      tpu.wait_indirect_dma semaphore(%arg12 : memref<!tpu.dma_semaphore, #tpu.memory_space<semaphore_mem>>) src(%dma_wait3A_569 : memref<125x16xf32, #tpu.memory_space<vmem>>) dst(%dma_wait3A_575 : memref<25088x16xf32, #tpu.memory_space<vmem_shared>>)
      %dma_wait3A_576 = arith.constant 9 : i32
      %dma_wait3A_577 = arith.constant 1125 : i32
      %dma_wait3A_578 = arith.constant 0 : i32
      %dma_wait3A_579 = tpu.memref_slice %arg9[%dma_wait3A_577, %dma_wait3A_578] : memref<4000x16xf32, #tpu.memory_space<vmem>> -> memref<125x16xf32, #tpu.memory_space<vmem>>
      %dma_wait3A_580 = arith.constant 0 : i32
      %dma_wait3A_581 = tpu.memref_slice %arg8[%dma_wait3A_576, %dma_wait3A_580] : memref<32x125xi32, #tpu.memory_space<vmem>> -> memref<1x125xi32, #tpu.memory_space<vmem>>
      %dma_wait3A_582 = tpu.memref_squeeze %dma_wait3A_581 : memref<1x125xi32, #tpu.memory_space<vmem>> -> memref<125xi32, #tpu.memory_space<vmem>>
      %dma_wait3A_583 = arith.constant 0 : i32
      %dma_wait3A_584 = arith.constant 0 : i32
      %dma_wait3A_585 = tpu.memref_slice %arg10[%dma_wait3A_583, %dma_wait3A_584] : memref<25088x16xf32, #tpu.memory_space<vmem_shared>> -> memref<25088x16xf32, #tpu.memory_space<vmem_shared>>
      tpu.wait_indirect_dma semaphore(%arg12 : memref<!tpu.dma_semaphore, #tpu.memory_space<semaphore_mem>>) src(%dma_wait3A_579 : memref<125x16xf32, #tpu.memory_space<vmem>>) dst(%dma_wait3A_585 : memref<25088x16xf32, #tpu.memory_space<vmem_shared>>)
      %dma_wait3A_586 = arith.constant 10 : i32
      %dma_wait3A_587 = arith.constant 1250 : i32
      %dma_wait3A_588 = arith.constant 0 : i32
      %dma_wait3A_589 = tpu.memref_slice %arg9[%dma_wait3A_587, %dma_wait3A_588] : memref<4000x16xf32, #tpu.memory_space<vmem>> -> memref<125x16xf32, #tpu.memory_space<vmem>>
      %dma_wait3A_590 = arith.constant 0 : i32
      %dma_wait3A_591 = tpu.memref_slice %arg8[%dma_wait3A_586, %dma_wait3A_590] : memref<32x125xi32, #tpu.memory_space<vmem>> -> memref<1x125xi32, #tpu.memory_space<vmem>>
      %dma_wait3A_592 = tpu.memref_squeeze %dma_wait3A_591 : memref<1x125xi32, #tpu.memory_space<vmem>> -> memref<125xi32, #tpu.memory_space<vmem>>
      %dma_wait3A_593 = arith.constant 0 : i32
      %dma_wait3A_594 = arith.constant 0 : i32
      %dma_wait3A_595 = tpu.memref_slice %arg10[%dma_wait3A_593, %dma_wait3A_594] : memref<25088x16xf32, #tpu.memory_space<vmem_shared>> -> memref<25088x16xf32, #tpu.memory_space<vmem_shared>>
      tpu.wait_indirect_dma semaphore(%arg12 : memref<!tpu.dma_semaphore, #tpu.memory_space<semaphore_mem>>) src(%dma_wait3A_589 : memref<125x16xf32, #tpu.memory_space<vmem>>) dst(%dma_wait3A_595 : memref<25088x16xf32, #tpu.memory_space<vmem_shared>>)
      %dma_wait3A_596 = arith.constant 11 : i32
      %dma_wait3A_597 = arith.constant 1375 : i32
      %dma_wait3A_598 = arith.constant 0 : i32
      %dma_wait3A_599 = tpu.memref_slice %arg9[%dma_wait3A_597, %dma_wait3A_598] : memref<4000x16xf32, #tpu.memory_space<vmem>> -> memref<125x16xf32, #tpu.memory_space<vmem>>
      %dma_wait3A_600 = arith.constant 0 : i32
      %dma_wait3A_601 = tpu.memref_slice %arg8[%dma_wait3A_596, %dma_wait3A_600] : memref<32x125xi32, #tpu.memory_space<vmem>> -> memref<1x125xi32, #tpu.memory_space<vmem>>
      %dma_wait3A_602 = tpu.memref_squeeze %dma_wait3A_601 : memref<1x125xi32, #tpu.memory_space<vmem>> -> memref<125xi32, #tpu.memory_space<vmem>>
      %dma_wait3A_603 = arith.constant 0 : i32
      %dma_wait3A_604 = arith.constant 0 : i32
      %dma_wait3A_605 = tpu.memref_slice %arg10[%dma_wait3A_603, %dma_wait3A_604] : memref<25088x16xf32, #tpu.memory_space<vmem_shared>> -> memref<25088x16xf32, #tpu.memory_space<vmem_shared>>
      tpu.wait_indirect_dma semaphore(%arg12 : memref<!tpu.dma_semaphore, #tpu.memory_space<semaphore_mem>>) src(%dma_wait3A_599 : memref<125x16xf32, #tpu.memory_space<vmem>>) dst(%dma_wait3A_605 : memref<25088x16xf32, #tpu.memory_space<vmem_shared>>)
      %dma_wait3A_606 = arith.constant 12 : i32
      %dma_wait3A_607 = arith.constant 1500 : i32
      %dma_wait3A_608 = arith.constant 0 : i32
      %dma_wait3A_609 = tpu.memref_slice %arg9[%dma_wait3A_607, %dma_wait3A_608] : memref<4000x16xf32, #tpu.memory_space<vmem>> -> memref<125x16xf32, #tpu.memory_space<vmem>>
      %dma_wait3A_610 = arith.constant 0 : i32
      %dma_wait3A_611 = tpu.memref_slice %arg8[%dma_wait3A_606, %dma_wait3A_610] : memref<32x125xi32, #tpu.memory_space<vmem>> -> memref<1x125xi32, #tpu.memory_space<vmem>>
      %dma_wait3A_612 = tpu.memref_squeeze %dma_wait3A_611 : memref<1x125xi32, #tpu.memory_space<vmem>> -> memref<125xi32, #tpu.memory_space<vmem>>
      %dma_wait3A_613 = arith.constant 0 : i32
      %dma_wait3A_614 = arith.constant 0 : i32
      %dma_wait3A_615 = tpu.memref_slice %arg10[%dma_wait3A_613, %dma_wait3A_614] : memref<25088x16xf32, #tpu.memory_space<vmem_shared>> -> memref<25088x16xf32, #tpu.memory_space<vmem_shared>>
      tpu.wait_indirect_dma semaphore(%arg12 : memref<!tpu.dma_semaphore, #tpu.memory_space<semaphore_mem>>) src(%dma_wait3A_609 : memref<125x16xf32, #tpu.memory_space<vmem>>) dst(%dma_wait3A_615 : memref<25088x16xf32, #tpu.memory_space<vmem_shared>>)
      %dma_wait3A_616 = arith.constant 13 : i32
      %dma_wait3A_617 = arith.constant 1625 : i32
      %dma_wait3A_618 = arith.constant 0 : i32
      %dma_wait3A_619 = tpu.memref_slice %arg9[%dma_wait3A_617, %dma_wait3A_618] : memref<4000x16xf32, #tpu.memory_space<vmem>> -> memref<125x16xf32, #tpu.memory_space<vmem>>
      %dma_wait3A_620 = arith.constant 0 : i32
      %dma_wait3A_621 = tpu.memref_slice %arg8[%dma_wait3A_616, %dma_wait3A_620] : memref<32x125xi32, #tpu.memory_space<vmem>> -> memref<1x125xi32, #tpu.memory_space<vmem>>
      %dma_wait3A_622 = tpu.memref_squeeze %dma_wait3A_621 : memref<1x125xi32, #tpu.memory_space<vmem>> -> memref<125xi32, #tpu.memory_space<vmem>>
      %dma_wait3A_623 = arith.constant 0 : i32
      %dma_wait3A_624 = arith.constant 0 : i32
      %dma_wait3A_625 = tpu.memref_slice %arg10[%dma_wait3A_623, %dma_wait3A_624] : memref<25088x16xf32, #tpu.memory_space<vmem_shared>> -> memref<25088x16xf32, #tpu.memory_space<vmem_shared>>
      tpu.wait_indirect_dma semaphore(%arg12 : memref<!tpu.dma_semaphore, #tpu.memory_space<semaphore_mem>>) src(%dma_wait3A_619 : memref<125x16xf32, #tpu.memory_space<vmem>>) dst(%dma_wait3A_625 : memref<25088x16xf32, #tpu.memory_space<vmem_shared>>)
      %dma_wait3A_626 = arith.constant 14 : i32
      %dma_wait3A_627 = arith.constant 1750 : i32
      %dma_wait3A_628 = arith.constant 0 : i32
      %dma_wait3A_629 = tpu.memref_slice %arg9[%dma_wait3A_627, %dma_wait3A_628] : memref<4000x16xf32, #tpu.memory_space<vmem>> -> memref<125x16xf32, #tpu.memory_space<vmem>>
      %dma_wait3A_630 = arith.constant 0 : i32
      %dma_wait3A_631 = tpu.memref_slice %arg8[%dma_wait3A_626, %dma_wait3A_630] : memref<32x125xi32, #tpu.memory_space<vmem>> -> memref<1x125xi32, #tpu.memory_space<vmem>>
      %dma_wait3A_632 = tpu.memref_squeeze %dma_wait3A_631 : memref<1x125xi32, #tpu.memory_space<vmem>> -> memref<125xi32, #tpu.memory_space<vmem>>
      %dma_wait3A_633 = arith.constant 0 : i32
      %dma_wait3A_634 = arith.constant 0 : i32
      %dma_wait3A_635 = tpu.memref_slice %arg10[%dma_wait3A_633, %dma_wait3A_634] : memref<25088x16xf32, #tpu.memory_space<vmem_shared>> -> memref<25088x16xf32, #tpu.memory_space<vmem_shared>>
      tpu.wait_indirect_dma semaphore(%arg12 : memref<!tpu.dma_semaphore, #tpu.memory_space<semaphore_mem>>) src(%dma_wait3A_629 : memref<125x16xf32, #tpu.memory_space<vmem>>) dst(%dma_wait3A_635 : memref<25088x16xf32, #tpu.memory_space<vmem_shared>>)
      %dma_wait3A_636 = arith.constant 15 : i32
      %dma_wait3A_637 = arith.constant 1875 : i32
      %dma_wait3A_638 = arith.constant 0 : i32
      %dma_wait3A_639 = tpu.memref_slice %arg9[%dma_wait3A_637, %dma_wait3A_638] : memref<4000x16xf32, #tpu.memory_space<vmem>> -> memref<125x16xf32, #tpu.memory_space<vmem>>
      %dma_wait3A_640 = arith.constant 0 : i32
      %dma_wait3A_641 = tpu.memref_slice %arg8[%dma_wait3A_636, %dma_wait3A_640] : memref<32x125xi32, #tpu.memory_space<vmem>> -> memref<1x125xi32, #tpu.memory_space<vmem>>
      %dma_wait3A_642 = tpu.memref_squeeze %dma_wait3A_641 : memref<1x125xi32, #tpu.memory_space<vmem>> -> memref<125xi32, #tpu.memory_space<vmem>>
      %dma_wait3A_643 = arith.constant 0 : i32
      %dma_wait3A_644 = arith.constant 0 : i32
      %dma_wait3A_645 = tpu.memref_slice %arg10[%dma_wait3A_643, %dma_wait3A_644] : memref<25088x16xf32, #tpu.memory_space<vmem_shared>> -> memref<25088x16xf32, #tpu.memory_space<vmem_shared>>
      tpu.wait_indirect_dma semaphore(%arg12 : memref<!tpu.dma_semaphore, #tpu.memory_space<semaphore_mem>>) src(%dma_wait3A_639 : memref<125x16xf32, #tpu.memory_space<vmem>>) dst(%dma_wait3A_645 : memref<25088x16xf32, #tpu.memory_space<vmem_shared>>)
      %dma_wait3A_646 = arith.constant 16 : i32
      %dma_wait3A_647 = arith.constant 2000 : i32
      %dma_wait3A_648 = arith.constant 0 : i32
      %dma_wait3A_649 = tpu.memref_slice %arg9[%dma_wait3A_647, %dma_wait3A_648] : memref<4000x16xf32, #tpu.memory_space<vmem>> -> memref<125x16xf32, #tpu.memory_space<vmem>>
      %dma_wait3A_650 = arith.constant 0 : i32
      %dma_wait3A_651 = tpu.memref_slice %arg8[%dma_wait3A_646, %dma_wait3A_650] : memref<32x125xi32, #tpu.memory_space<vmem>> -> memref<1x125xi32, #tpu.memory_space<vmem>>
      %dma_wait3A_652 = tpu.memref_squeeze %dma_wait3A_651 : memref<1x125xi32, #tpu.memory_space<vmem>> -> memref<125xi32, #tpu.memory_space<vmem>>
      %dma_wait3A_653 = arith.constant 0 : i32
      %dma_wait3A_654 = arith.constant 0 : i32
      %dma_wait3A_655 = tpu.memref_slice %arg10[%dma_wait3A_653, %dma_wait3A_654] : memref<25088x16xf32, #tpu.memory_space<vmem_shared>> -> memref<25088x16xf32, #tpu.memory_space<vmem_shared>>
      tpu.wait_indirect_dma semaphore(%arg12 : memref<!tpu.dma_semaphore, #tpu.memory_space<semaphore_mem>>) src(%dma_wait3A_649 : memref<125x16xf32, #tpu.memory_space<vmem>>) dst(%dma_wait3A_655 : memref<25088x16xf32, #tpu.memory_space<vmem_shared>>)
      %dma_wait3A_656 = arith.constant 17 : i32
      %dma_wait3A_657 = arith.constant 2125 : i32
      %dma_wait3A_658 = arith.constant 0 : i32
      %dma_wait3A_659 = tpu.memref_slice %arg9[%dma_wait3A_657, %dma_wait3A_658] : memref<4000x16xf32, #tpu.memory_space<vmem>> -> memref<125x16xf32, #tpu.memory_space<vmem>>
      %dma_wait3A_660 = arith.constant 0 : i32
      %dma_wait3A_661 = tpu.memref_slice %arg8[%dma_wait3A_656, %dma_wait3A_660] : memref<32x125xi32, #tpu.memory_space<vmem>> -> memref<1x125xi32, #tpu.memory_space<vmem>>
      %dma_wait3A_662 = tpu.memref_squeeze %dma_wait3A_661 : memref<1x125xi32, #tpu.memory_space<vmem>> -> memref<125xi32, #tpu.memory_space<vmem>>
      %dma_wait3A_663 = arith.constant 0 : i32
      %dma_wait3A_664 = arith.constant 0 : i32
      %dma_wait3A_665 = tpu.memref_slice %arg10[%dma_wait3A_663, %dma_wait3A_664] : memref<25088x16xf32, #tpu.memory_space<vmem_shared>> -> memref<25088x16xf32, #tpu.memory_space<vmem_shared>>
      tpu.wait_indirect_dma semaphore(%arg12 : memref<!tpu.dma_semaphore, #tpu.memory_space<semaphore_mem>>) src(%dma_wait3A_659 : memref<125x16xf32, #tpu.memory_space<vmem>>) dst(%dma_wait3A_665 : memref<25088x16xf32, #tpu.memory_space<vmem_shared>>)
      %dma_wait3A_666 = arith.constant 18 : i32
      %dma_wait3A_667 = arith.constant 2250 : i32
      %dma_wait3A_668 = arith.constant 0 : i32
      %dma_wait3A_669 = tpu.memref_slice %arg9[%dma_wait3A_667, %dma_wait3A_668] : memref<4000x16xf32, #tpu.memory_space<vmem>> -> memref<125x16xf32, #tpu.memory_space<vmem>>
      %dma_wait3A_670 = arith.constant 0 : i32
      %dma_wait3A_671 = tpu.memref_slice %arg8[%dma_wait3A_666, %dma_wait3A_670] : memref<32x125xi32, #tpu.memory_space<vmem>> -> memref<1x125xi32, #tpu.memory_space<vmem>>
      %dma_wait3A_672 = tpu.memref_squeeze %dma_wait3A_671 : memref<1x125xi32, #tpu.memory_space<vmem>> -> memref<125xi32, #tpu.memory_space<vmem>>
      %dma_wait3A_673 = arith.constant 0 : i32
      %dma_wait3A_674 = arith.constant 0 : i32
      %dma_wait3A_675 = tpu.memref_slice %arg10[%dma_wait3A_673, %dma_wait3A_674] : memref<25088x16xf32, #tpu.memory_space<vmem_shared>> -> memref<25088x16xf32, #tpu.memory_space<vmem_shared>>
      tpu.wait_indirect_dma semaphore(%arg12 : memref<!tpu.dma_semaphore, #tpu.memory_space<semaphore_mem>>) src(%dma_wait3A_669 : memref<125x16xf32, #tpu.memory_space<vmem>>) dst(%dma_wait3A_675 : memref<25088x16xf32, #tpu.memory_space<vmem_shared>>)
      %dma_wait3A_676 = arith.constant 19 : i32
      %dma_wait3A_677 = arith.constant 2375 : i32
      %dma_wait3A_678 = arith.constant 0 : i32
      %dma_wait3A_679 = tpu.memref_slice %arg9[%dma_wait3A_677, %dma_wait3A_678] : memref<4000x16xf32, #tpu.memory_space<vmem>> -> memref<125x16xf32, #tpu.memory_space<vmem>>
      %dma_wait3A_680 = arith.constant 0 : i32
      %dma_wait3A_681 = tpu.memref_slice %arg8[%dma_wait3A_676, %dma_wait3A_680] : memref<32x125xi32, #tpu.memory_space<vmem>> -> memref<1x125xi32, #tpu.memory_space<vmem>>
      %dma_wait3A_682 = tpu.memref_squeeze %dma_wait3A_681 : memref<1x125xi32, #tpu.memory_space<vmem>> -> memref<125xi32, #tpu.memory_space<vmem>>
      %dma_wait3A_683 = arith.constant 0 : i32
      %dma_wait3A_684 = arith.constant 0 : i32
      %dma_wait3A_685 = tpu.memref_slice %arg10[%dma_wait3A_683, %dma_wait3A_684] : memref<25088x16xf32, #tpu.memory_space<vmem_shared>> -> memref<25088x16xf32, #tpu.memory_space<vmem_shared>>
      tpu.wait_indirect_dma semaphore(%arg12 : memref<!tpu.dma_semaphore, #tpu.memory_space<semaphore_mem>>) src(%dma_wait3A_679 : memref<125x16xf32, #tpu.memory_space<vmem>>) dst(%dma_wait3A_685 : memref<25088x16xf32, #tpu.memory_space<vmem_shared>>)
      %dma_wait3A_686 = arith.constant 20 : i32
      %dma_wait3A_687 = arith.constant 2500 : i32
      %dma_wait3A_688 = arith.constant 0 : i32
      %dma_wait3A_689 = tpu.memref_slice %arg9[%dma_wait3A_687, %dma_wait3A_688] : memref<4000x16xf32, #tpu.memory_space<vmem>> -> memref<125x16xf32, #tpu.memory_space<vmem>>
      %dma_wait3A_690 = arith.constant 0 : i32
      %dma_wait3A_691 = tpu.memref_slice %arg8[%dma_wait3A_686, %dma_wait3A_690] : memref<32x125xi32, #tpu.memory_space<vmem>> -> memref<1x125xi32, #tpu.memory_space<vmem>>
      %dma_wait3A_692 = tpu.memref_squeeze %dma_wait3A_691 : memref<1x125xi32, #tpu.memory_space<vmem>> -> memref<125xi32, #tpu.memory_space<vmem>>
      %dma_wait3A_693 = arith.constant 0 : i32
      %dma_wait3A_694 = arith.constant 0 : i32
      %dma_wait3A_695 = tpu.memref_slice %arg10[%dma_wait3A_693, %dma_wait3A_694] : memref<25088x16xf32, #tpu.memory_space<vmem_shared>> -> memref<25088x16xf32, #tpu.memory_space<vmem_shared>>
      tpu.wait_indirect_dma semaphore(%arg12 : memref<!tpu.dma_semaphore, #tpu.memory_space<semaphore_mem>>) src(%dma_wait3A_689 : memref<125x16xf32, #tpu.memory_space<vmem>>) dst(%dma_wait3A_695 : memref<25088x16xf32, #tpu.memory_space<vmem_shared>>)
      %dma_wait3A_696 = arith.constant 21 : i32
      %dma_wait3A_697 = arith.constant 2625 : i32
      %dma_wait3A_698 = arith.constant 0 : i32
      %dma_wait3A_699 = tpu.memref_slice %arg9[%dma_wait3A_697, %dma_wait3A_698] : memref<4000x16xf32, #tpu.memory_space<vmem>> -> memref<125x16xf32, #tpu.memory_space<vmem>>
      %dma_wait3A_700 = arith.constant 0 : i32
      %dma_wait3A_701 = tpu.memref_slice %arg8[%dma_wait3A_696, %dma_wait3A_700] : memref<32x125xi32, #tpu.memory_space<vmem>> -> memref<1x125xi32, #tpu.memory_space<vmem>>
      %dma_wait3A_702 = tpu.memref_squeeze %dma_wait3A_701 : memref<1x125xi32, #tpu.memory_space<vmem>> -> memref<125xi32, #tpu.memory_space<vmem>>
      %dma_wait3A_703 = arith.constant 0 : i32
      %dma_wait3A_704 = arith.constant 0 : i32
      %dma_wait3A_705 = tpu.memref_slice %arg10[%dma_wait3A_703, %dma_wait3A_704] : memref<25088x16xf32, #tpu.memory_space<vmem_shared>> -> memref<25088x16xf32, #tpu.memory_space<vmem_shared>>
      tpu.wait_indirect_dma semaphore(%arg12 : memref<!tpu.dma_semaphore, #tpu.memory_space<semaphore_mem>>) src(%dma_wait3A_699 : memref<125x16xf32, #tpu.memory_space<vmem>>) dst(%dma_wait3A_705 : memref<25088x16xf32, #tpu.memory_space<vmem_shared>>)
      %dma_wait3A_706 = arith.constant 22 : i32
      %dma_wait3A_707 = arith.constant 2750 : i32
      %dma_wait3A_708 = arith.constant 0 : i32
      %dma_wait3A_709 = tpu.memref_slice %arg9[%dma_wait3A_707, %dma_wait3A_708] : memref<4000x16xf32, #tpu.memory_space<vmem>> -> memref<125x16xf32, #tpu.memory_space<vmem>>
      %dma_wait3A_710 = arith.constant 0 : i32
      %dma_wait3A_711 = tpu.memref_slice %arg8[%dma_wait3A_706, %dma_wait3A_710] : memref<32x125xi32, #tpu.memory_space<vmem>> -> memref<1x125xi32, #tpu.memory_space<vmem>>
      %dma_wait3A_712 = tpu.memref_squeeze %dma_wait3A_711 : memref<1x125xi32, #tpu.memory_space<vmem>> -> memref<125xi32, #tpu.memory_space<vmem>>
      %dma_wait3A_713 = arith.constant 0 : i32
      %dma_wait3A_714 = arith.constant 0 : i32
      %dma_wait3A_715 = tpu.memref_slice %arg10[%dma_wait3A_713, %dma_wait3A_714] : memref<25088x16xf32, #tpu.memory_space<vmem_shared>> -> memref<25088x16xf32, #tpu.memory_space<vmem_shared>>
      tpu.wait_indirect_dma semaphore(%arg12 : memref<!tpu.dma_semaphore, #tpu.memory_space<semaphore_mem>>) src(%dma_wait3A_709 : memref<125x16xf32, #tpu.memory_space<vmem>>) dst(%dma_wait3A_715 : memref<25088x16xf32, #tpu.memory_space<vmem_shared>>)
      %dma_wait3A_716 = arith.constant 23 : i32
      %dma_wait3A_717 = arith.constant 2875 : i32
      %dma_wait3A_718 = arith.constant 0 : i32
      %dma_wait3A_719 = tpu.memref_slice %arg9[%dma_wait3A_717, %dma_wait3A_718] : memref<4000x16xf32, #tpu.memory_space<vmem>> -> memref<125x16xf32, #tpu.memory_space<vmem>>
      %dma_wait3A_720 = arith.constant 0 : i32
      %dma_wait3A_721 = tpu.memref_slice %arg8[%dma_wait3A_716, %dma_wait3A_720] : memref<32x125xi32, #tpu.memory_space<vmem>> -> memref<1x125xi32, #tpu.memory_space<vmem>>
      %dma_wait3A_722 = tpu.memref_squeeze %dma_wait3A_721 : memref<1x125xi32, #tpu.memory_space<vmem>> -> memref<125xi32, #tpu.memory_space<vmem>>
      %dma_wait3A_723 = arith.constant 0 : i32
      %dma_wait3A_724 = arith.constant 0 : i32
      %dma_wait3A_725 = tpu.memref_slice %arg10[%dma_wait3A_723, %dma_wait3A_724] : memref<25088x16xf32, #tpu.memory_space<vmem_shared>> -> memref<25088x16xf32, #tpu.memory_space<vmem_shared>>
      tpu.wait_indirect_dma semaphore(%arg12 : memref<!tpu.dma_semaphore, #tpu.memory_space<semaphore_mem>>) src(%dma_wait3A_719 : memref<125x16xf32, #tpu.memory_space<vmem>>) dst(%dma_wait3A_725 : memref<25088x16xf32, #tpu.memory_space<vmem_shared>>)
      %dma_wait3A_726 = arith.constant 24 : i32
      %dma_wait3A_727 = arith.constant 3000 : i32
      %dma_wait3A_728 = arith.constant 0 : i32
      %dma_wait3A_729 = tpu.memref_slice %arg9[%dma_wait3A_727, %dma_wait3A_728] : memref<4000x16xf32, #tpu.memory_space<vmem>> -> memref<125x16xf32, #tpu.memory_space<vmem>>
      %dma_wait3A_730 = arith.constant 0 : i32
      %dma_wait3A_731 = tpu.memref_slice %arg8[%dma_wait3A_726, %dma_wait3A_730] : memref<32x125xi32, #tpu.memory_space<vmem>> -> memref<1x125xi32, #tpu.memory_space<vmem>>
      %dma_wait3A_732 = tpu.memref_squeeze %dma_wait3A_731 : memref<1x125xi32, #tpu.memory_space<vmem>> -> memref<125xi32, #tpu.memory_space<vmem>>
      %dma_wait3A_733 = arith.constant 0 : i32
      %dma_wait3A_734 = arith.constant 0 : i32
      %dma_wait3A_735 = tpu.memref_slice %arg10[%dma_wait3A_733, %dma_wait3A_734] : memref<25088x16xf32, #tpu.memory_space<vmem_shared>> -> memref<25088x16xf32, #tpu.memory_space<vmem_shared>>
      tpu.wait_indirect_dma semaphore(%arg12 : memref<!tpu.dma_semaphore, #tpu.memory_space<semaphore_mem>>) src(%dma_wait3A_729 : memref<125x16xf32, #tpu.memory_space<vmem>>) dst(%dma_wait3A_735 : memref<25088x16xf32, #tpu.memory_space<vmem_shared>>)
      %dma_wait3A_736 = arith.constant 25 : i32
      %dma_wait3A_737 = arith.constant 3125 : i32
      %dma_wait3A_738 = arith.constant 0 : i32
      %dma_wait3A_739 = tpu.memref_slice %arg9[%dma_wait3A_737, %dma_wait3A_738] : memref<4000x16xf32, #tpu.memory_space<vmem>> -> memref<125x16xf32, #tpu.memory_space<vmem>>
      %dma_wait3A_740 = arith.constant 0 : i32
      %dma_wait3A_741 = tpu.memref_slice %arg8[%dma_wait3A_736, %dma_wait3A_740] : memref<32x125xi32, #tpu.memory_space<vmem>> -> memref<1x125xi32, #tpu.memory_space<vmem>>
      %dma_wait3A_742 = tpu.memref_squeeze %dma_wait3A_741 : memref<1x125xi32, #tpu.memory_space<vmem>> -> memref<125xi32, #tpu.memory_space<vmem>>
      %dma_wait3A_743 = arith.constant 0 : i32
      %dma_wait3A_744 = arith.constant 0 : i32
      %dma_wait3A_745 = tpu.memref_slice %arg10[%dma_wait3A_743, %dma_wait3A_744] : memref<25088x16xf32, #tpu.memory_space<vmem_shared>> -> memref<25088x16xf32, #tpu.memory_space<vmem_shared>>
      tpu.wait_indirect_dma semaphore(%arg12 : memref<!tpu.dma_semaphore, #tpu.memory_space<semaphore_mem>>) src(%dma_wait3A_739 : memref<125x16xf32, #tpu.memory_space<vmem>>) dst(%dma_wait3A_745 : memref<25088x16xf32, #tpu.memory_space<vmem_shared>>)
      %dma_wait3A_746 = arith.constant 26 : i32
      %dma_wait3A_747 = arith.constant 3250 : i32
      %dma_wait3A_748 = arith.constant 0 : i32
      %dma_wait3A_749 = tpu.memref_slice %arg9[%dma_wait3A_747, %dma_wait3A_748] : memref<4000x16xf32, #tpu.memory_space<vmem>> -> memref<125x16xf32, #tpu.memory_space<vmem>>
      %dma_wait3A_750 = arith.constant 0 : i32
      %dma_wait3A_751 = tpu.memref_slice %arg8[%dma_wait3A_746, %dma_wait3A_750] : memref<32x125xi32, #tpu.memory_space<vmem>> -> memref<1x125xi32, #tpu.memory_space<vmem>>
      %dma_wait3A_752 = tpu.memref_squeeze %dma_wait3A_751 : memref<1x125xi32, #tpu.memory_space<vmem>> -> memref<125xi32, #tpu.memory_space<vmem>>
      %dma_wait3A_753 = arith.constant 0 : i32
      %dma_wait3A_754 = arith.constant 0 : i32
      %dma_wait3A_755 = tpu.memref_slice %arg10[%dma_wait3A_753, %dma_wait3A_754] : memref<25088x16xf32, #tpu.memory_space<vmem_shared>> -> memref<25088x16xf32, #tpu.memory_space<vmem_shared>>
      tpu.wait_indirect_dma semaphore(%arg12 : memref<!tpu.dma_semaphore, #tpu.memory_space<semaphore_mem>>) src(%dma_wait3A_749 : memref<125x16xf32, #tpu.memory_space<vmem>>) dst(%dma_wait3A_755 : memref<25088x16xf32, #tpu.memory_space<vmem_shared>>)
      %dma_wait3A_756 = arith.constant 27 : i32
      %dma_wait3A_757 = arith.constant 3375 : i32
      %dma_wait3A_758 = arith.constant 0 : i32
      %dma_wait3A_759 = tpu.memref_slice %arg9[%dma_wait3A_757, %dma_wait3A_758] : memref<4000x16xf32, #tpu.memory_space<vmem>> -> memref<125x16xf32, #tpu.memory_space<vmem>>
      %dma_wait3A_760 = arith.constant 0 : i32
      %dma_wait3A_761 = tpu.memref_slice %arg8[%dma_wait3A_756, %dma_wait3A_760] : memref<32x125xi32, #tpu.memory_space<vmem>> -> memref<1x125xi32, #tpu.memory_space<vmem>>
      %dma_wait3A_762 = tpu.memref_squeeze %dma_wait3A_761 : memref<1x125xi32, #tpu.memory_space<vmem>> -> memref<125xi32, #tpu.memory_space<vmem>>
      %dma_wait3A_763 = arith.constant 0 : i32
      %dma_wait3A_764 = arith.constant 0 : i32
      %dma_wait3A_765 = tpu.memref_slice %arg10[%dma_wait3A_763, %dma_wait3A_764] : memref<25088x16xf32, #tpu.memory_space<vmem_shared>> -> memref<25088x16xf32, #tpu.memory_space<vmem_shared>>
      tpu.wait_indirect_dma semaphore(%arg12 : memref<!tpu.dma_semaphore, #tpu.memory_space<semaphore_mem>>) src(%dma_wait3A_759 : memref<125x16xf32, #tpu.memory_space<vmem>>) dst(%dma_wait3A_765 : memref<25088x16xf32, #tpu.memory_space<vmem_shared>>)
      %dma_wait3A_766 = arith.constant 28 : i32
      %dma_wait3A_767 = arith.constant 3500 : i32
      %dma_wait3A_768 = arith.constant 0 : i32
      %dma_wait3A_769 = tpu.memref_slice %arg9[%dma_wait3A_767, %dma_wait3A_768] : memref<4000x16xf32, #tpu.memory_space<vmem>> -> memref<125x16xf32, #tpu.memory_space<vmem>>
      %dma_wait3A_770 = arith.constant 0 : i32
      %dma_wait3A_771 = tpu.memref_slice %arg8[%dma_wait3A_766, %dma_wait3A_770] : memref<32x125xi32, #tpu.memory_space<vmem>> -> memref<1x125xi32, #tpu.memory_space<vmem>>
      %dma_wait3A_772 = tpu.memref_squeeze %dma_wait3A_771 : memref<1x125xi32, #tpu.memory_space<vmem>> -> memref<125xi32, #tpu.memory_space<vmem>>
      %dma_wait3A_773 = arith.constant 0 : i32
      %dma_wait3A_774 = arith.constant 0 : i32
      %dma_wait3A_775 = tpu.memref_slice %arg10[%dma_wait3A_773, %dma_wait3A_774] : memref<25088x16xf32, #tpu.memory_space<vmem_shared>> -> memref<25088x16xf32, #tpu.memory_space<vmem_shared>>
      tpu.wait_indirect_dma semaphore(%arg12 : memref<!tpu.dma_semaphore, #tpu.memory_space<semaphore_mem>>) src(%dma_wait3A_769 : memref<125x16xf32, #tpu.memory_space<vmem>>) dst(%dma_wait3A_775 : memref<25088x16xf32, #tpu.memory_space<vmem_shared>>)
      %dma_wait3A_776 = arith.constant 29 : i32
      %dma_wait3A_777 = arith.constant 3625 : i32
      %dma_wait3A_778 = arith.constant 0 : i32
      %dma_wait3A_779 = tpu.memref_slice %arg9[%dma_wait3A_777, %dma_wait3A_778] : memref<4000x16xf32, #tpu.memory_space<vmem>> -> memref<125x16xf32, #tpu.memory_space<vmem>>
      %dma_wait3A_780 = arith.constant 0 : i32
      %dma_wait3A_781 = tpu.memref_slice %arg8[%dma_wait3A_776, %dma_wait3A_780] : memref<32x125xi32, #tpu.memory_space<vmem>> -> memref<1x125xi32, #tpu.memory_space<vmem>>
      %dma_wait3A_782 = tpu.memref_squeeze %dma_wait3A_781 : memref<1x125xi32, #tpu.memory_space<vmem>> -> memref<125xi32, #tpu.memory_space<vmem>>
      %dma_wait3A_783 = arith.constant 0 : i32
      %dma_wait3A_784 = arith.constant 0 : i32
      %dma_wait3A_785 = tpu.memref_slice %arg10[%dma_wait3A_783, %dma_wait3A_784] : memref<25088x16xf32, #tpu.memory_space<vmem_shared>> -> memref<25088x16xf32, #tpu.memory_space<vmem_shared>>
      tpu.wait_indirect_dma semaphore(%arg12 : memref<!tpu.dma_semaphore, #tpu.memory_space<semaphore_mem>>) src(%dma_wait3A_779 : memref<125x16xf32, #tpu.memory_space<vmem>>) dst(%dma_wait3A_785 : memref<25088x16xf32, #tpu.memory_space<vmem_shared>>)
      %dma_wait3A_786 = arith.constant 30 : i32
      %dma_wait3A_787 = arith.constant 3750 : i32
      %dma_wait3A_788 = arith.constant 0 : i32
      %dma_wait3A_789 = tpu.memref_slice %arg9[%dma_wait3A_787, %dma_wait3A_788] : memref<4000x16xf32, #tpu.memory_space<vmem>> -> memref<125x16xf32, #tpu.memory_space<vmem>>
      %dma_wait3A_790 = arith.constant 0 : i32
      %dma_wait3A_791 = tpu.memref_slice %arg8[%dma_wait3A_786, %dma_wait3A_790] : memref<32x125xi32, #tpu.memory_space<vmem>> -> memref<1x125xi32, #tpu.memory_space<vmem>>
      %dma_wait3A_792 = tpu.memref_squeeze %dma_wait3A_791 : memref<1x125xi32, #tpu.memory_space<vmem>> -> memref<125xi32, #tpu.memory_space<vmem>>
      %dma_wait3A_793 = arith.constant 0 : i32
      %dma_wait3A_794 = arith.constant 0 : i32
      %dma_wait3A_795 = tpu.memref_slice %arg10[%dma_wait3A_793, %dma_wait3A_794] : memref<25088x16xf32, #tpu.memory_space<vmem_shared>> -> memref<25088x16xf32, #tpu.memory_space<vmem_shared>>
      tpu.wait_indirect_dma semaphore(%arg12 : memref<!tpu.dma_semaphore, #tpu.memory_space<semaphore_mem>>) src(%dma_wait3A_789 : memref<125x16xf32, #tpu.memory_space<vmem>>) dst(%dma_wait3A_795 : memref<25088x16xf32, #tpu.memory_space<vmem_shared>>)
      %dma_wait3A_796 = arith.constant 31 : i32
      %dma_wait3A_797 = arith.constant 3875 : i32
      %dma_wait3A_798 = arith.constant 0 : i32
      %dma_wait3A_799 = tpu.memref_slice %arg9[%dma_wait3A_797, %dma_wait3A_798] : memref<4000x16xf32, #tpu.memory_space<vmem>> -> memref<125x16xf32, #tpu.memory_space<vmem>>
      %dma_wait3A_800 = arith.constant 0 : i32
      %dma_wait3A_801 = tpu.memref_slice %arg8[%dma_wait3A_796, %dma_wait3A_800] : memref<32x125xi32, #tpu.memory_space<vmem>> -> memref<1x125xi32, #tpu.memory_space<vmem>>
      %dma_wait3A_802 = tpu.memref_squeeze %dma_wait3A_801 : memref<1x125xi32, #tpu.memory_space<vmem>> -> memref<125xi32, #tpu.memory_space<vmem>>
      %dma_wait3A_803 = arith.constant 0 : i32
      %dma_wait3A_804 = arith.constant 0 : i32
      %dma_wait3A_805 = tpu.memref_slice %arg10[%dma_wait3A_803, %dma_wait3A_804] : memref<25088x16xf32, #tpu.memory_space<vmem_shared>> -> memref<25088x16xf32, #tpu.memory_space<vmem_shared>>
      tpu.wait_indirect_dma semaphore(%arg12 : memref<!tpu.dma_semaphore, #tpu.memory_space<semaphore_mem>>) src(%dma_wait3A_799 : memref<125x16xf32, #tpu.memory_space<vmem>>) dst(%dma_wait3A_805 : memref<25088x16xf32, #tpu.memory_space<vmem_shared>>)
      %while3A_806 = arith.constant 0 : i32
      scf.yield %while3A_806 : i32
    }
    %barrier3A_41 = arith.constant 0 : index
    tpu.barrier barrier_id(%barrier3A_41)
    %mul3A_42 = arith.constant 1568 : i32
    %mul3A_43 = arith.muli %arg1, %mul3A_42 : i32
    %multiple_of3A_44 = tpu.assume_multiple %mul3A_43, 1568 : i32
    "tpu.region"() ({
      %run_scoped3A = tpu.sem_alloc : memref<!tpu.dma_semaphore, #tpu.memory_space<semaphore_mem>>
      %dma_start3A = arith.constant 0 : i32
      %dma_start3A_45 = arith.constant 0 : i32
      %dma_start3A_46 = tpu.memref_slice %arg5[%arg0, %dma_start3A, %dma_start3A_45] : memref<2x25088x16xf32, #tpu.memory_space<hbm>> -> memref<1x25088x16xf32, #tpu.memory_space<hbm>>
      %dma_start3A_47 = tpu.memref_squeeze %dma_start3A_46 : memref<1x25088x16xf32, #tpu.memory_space<hbm>> -> memref<25088x16xf32, #tpu.memory_space<hbm>>
      %dma_start3A_48 = arith.constant 0 : i32
      %dma_start3A_49 = tpu.memref_slice %dma_start3A_47[%multiple_of3A_44, %dma_start3A_48] : memref<25088x16xf32, #tpu.memory_space<hbm>> -> memref<1568x16xf32, #tpu.memory_space<hbm>>
      %dma_start3A_50 = arith.constant 0 : i32
      %dma_start3A_51 = tpu.memref_slice %arg10[%multiple_of3A_44, %dma_start3A_50] : memref<25088x16xf32, #tpu.memory_space<vmem_shared>> -> memref<1568x16xf32, #tpu.memory_space<vmem_shared>>
      tpu.enqueue_dma source(%dma_start3A_51 : memref<1568x16xf32, #tpu.memory_space<vmem_shared>>) target(%dma_start3A_49 : memref<1568x16xf32, #tpu.memory_space<hbm>>) target_semaphore(%run_scoped3A : memref<!tpu.dma_semaphore, #tpu.memory_space<semaphore_mem>>)
      %dma_wait3A = arith.constant 0 : i32
      %dma_wait3A_52 = arith.constant 0 : i32
      %dma_wait3A_53 = tpu.memref_slice %arg5[%arg0, %dma_wait3A, %dma_wait3A_52] : memref<2x25088x16xf32, #tpu.memory_space<hbm>> -> memref<1x25088x16xf32, #tpu.memory_space<hbm>>
      %dma_wait3A_54 = tpu.memref_squeeze %dma_wait3A_53 : memref<1x25088x16xf32, #tpu.memory_space<hbm>> -> memref<25088x16xf32, #tpu.memory_space<hbm>>
      %dma_wait3A_55 = arith.constant 0 : i32
      %dma_wait3A_56 = tpu.memref_slice %dma_wait3A_54[%multiple_of3A_44, %dma_wait3A_55] : memref<25088x16xf32, #tpu.memory_space<hbm>> -> memref<1568x16xf32, #tpu.memory_space<hbm>>
      %dma_wait3A_57 = arith.constant 0 : i32
      %dma_wait3A_58 = tpu.memref_slice %arg10[%multiple_of3A_44, %dma_wait3A_57] : memref<25088x16xf32, #tpu.memory_space<vmem_shared>> -> memref<1568x16xf32, #tpu.memory_space<vmem_shared>>
      tpu.wait_dma2 semaphore(%run_scoped3A : memref<!tpu.dma_semaphore, #tpu.memory_space<semaphore_mem>>) src(%dma_wait3A_58 : memref<1568x16xf32, #tpu.memory_space<vmem_shared>>) dst(%dma_wait3A_56 : memref<1568x16xf32, #tpu.memory_space<hbm>>)
      tpu.yield
    }) : () -> ()
    return
  }
}

#map = affine_map<(d0, d1) -> (0, 0, 0)>
#map1 = affine_map<(d0, d1) -> (0)>
module attributes {stable_mosaic.version = 14 : i64} {
  func.func @k2(%arg0: i32, %arg1: i32, %arg2: memref<2x25088x16xf32, #tpu.memory_space<hbm>>, %arg3: memref<75264xf32, #tpu.memory_space<hbm>>, %arg4: memref<25088xi32, #tpu.memory_space<hbm>>, %arg5: memref<75264xf32, #tpu.memory_space<hbm>>, %arg6: memref<75264xf32, #tpu.memory_space<hbm>>, %arg7: memref<784x16xf32, #tpu.memory_space<vmem>>, %arg8: memref<784x16xf32, #tpu.memory_space<vmem>>, %arg9: memref<2352xf32, #tpu.memory_space<vmem>>, %arg10: memref<784xi32, #tpu.memory_space<vmem>>, %arg11: memref<2352xf32, #tpu.memory_space<vmem>>, %arg12: memref<2352xf32, #tpu.memory_space<vmem>>, %arg13: memref<!tpu.dma_semaphore, #tpu.memory_space<semaphore_mem>>) attributes {dimension_semantics = [#tpu.dimension_semantics<core_parallel>, #tpu.dimension_semantics<subcore_parallel>], iteration_bounds = array<i64: 2, 16>, scalar_prefetch = 0 : i64, scratch_operands = 7 : i64, tpu.core_type = #tpu.core_type<sc_vector_subcore>, window_params = [{transform_indices = #map}, {transform_indices = #map1}, {transform_indices = #map1}, {transform_indices = #map1}, {transform_indices = #map1}]} {
    %mul3A = arith.constant 16 : i32
    %mul3A_0 = arith.muli %arg0, %mul3A : i32
    %add3A = arith.addi %mul3A_0, %arg1 : i32
    %mul3A_1 = arith.constant 784 : i32
    %mul3A_2 = arith.muli %add3A, %mul3A_1 : i32
    %multiple_of3A = tpu.assume_multiple %mul3A_2, 784 : i32
    %dma_start3A = arith.constant 0 : i32
    %dma_start3A_3 = arith.constant 0 : i32
    %dma_start3A_4 = arith.constant 0 : i32
    %dma_start3A_5 = tpu.memref_slice %arg2[%dma_start3A, %dma_start3A_3, %dma_start3A_4] : memref<2x25088x16xf32, #tpu.memory_space<hbm>> -> memref<1x25088x16xf32, #tpu.memory_space<hbm>>
    %dma_start3A_6 = tpu.memref_squeeze %dma_start3A_5 : memref<1x25088x16xf32, #tpu.memory_space<hbm>> -> memref<25088x16xf32, #tpu.memory_space<hbm>>
    %dma_start3A_7 = arith.constant 0 : i32
    %dma_start3A_8 = tpu.memref_slice %dma_start3A_6[%multiple_of3A, %dma_start3A_7] : memref<25088x16xf32, #tpu.memory_space<hbm>> -> memref<784x16xf32, #tpu.memory_space<hbm>>
    %dma_start3A_9 = arith.constant 0 : i32
    %dma_start3A_10 = arith.constant 0 : i32
    %dma_start3A_11 = tpu.memref_slice %arg2[%dma_start3A, %dma_start3A_9, %dma_start3A_10] : memref<2x25088x16xf32, #tpu.memory_space<hbm>> -> memref<1x25088x16xf32, #tpu.memory_space<hbm>>
    %dma_start3A_12 = tpu.memref_squeeze %dma_start3A_11 : memref<1x25088x16xf32, #tpu.memory_space<hbm>> -> memref<25088x16xf32, #tpu.memory_space<hbm>>
    %dma_start3A_13 = arith.constant 0 : i32
    %dma_start3A_14 = tpu.memref_slice %dma_start3A_12[%multiple_of3A, %dma_start3A_13] : memref<25088x16xf32, #tpu.memory_space<hbm>> -> memref<784x16xf32, #tpu.memory_space<hbm>>
    tpu.enqueue_dma source(%dma_start3A_14 : memref<784x16xf32, #tpu.memory_space<hbm>>) target(%arg7 : memref<784x16xf32, #tpu.memory_space<vmem>>) target_semaphore(%arg13 : memref<!tpu.dma_semaphore, #tpu.memory_space<semaphore_mem>>)
    %dma_start3A_15 = arith.constant 1 : i32
    %dma_start3A_16 = arith.constant 0 : i32
    %dma_start3A_17 = arith.constant 0 : i32
    %dma_start3A_18 = tpu.memref_slice %arg2[%dma_start3A_15, %dma_start3A_16, %dma_start3A_17] : memref<2x25088x16xf32, #tpu.memory_space<hbm>> -> memref<1x25088x16xf32, #tpu.memory_space<hbm>>
    %dma_start3A_19 = tpu.memref_squeeze %dma_start3A_18 : memref<1x25088x16xf32, #tpu.memory_space<hbm>> -> memref<25088x16xf32, #tpu.memory_space<hbm>>
    %dma_start3A_20 = arith.constant 0 : i32
    %dma_start3A_21 = tpu.memref_slice %dma_start3A_19[%multiple_of3A, %dma_start3A_20] : memref<25088x16xf32, #tpu.memory_space<hbm>> -> memref<784x16xf32, #tpu.memory_space<hbm>>
    %dma_start3A_22 = arith.constant 0 : i32
    %dma_start3A_23 = arith.constant 0 : i32
    %dma_start3A_24 = tpu.memref_slice %arg2[%dma_start3A_15, %dma_start3A_22, %dma_start3A_23] : memref<2x25088x16xf32, #tpu.memory_space<hbm>> -> memref<1x25088x16xf32, #tpu.memory_space<hbm>>
    %dma_start3A_25 = tpu.memref_squeeze %dma_start3A_24 : memref<1x25088x16xf32, #tpu.memory_space<hbm>> -> memref<25088x16xf32, #tpu.memory_space<hbm>>
    %dma_start3A_26 = arith.constant 0 : i32
    %dma_start3A_27 = tpu.memref_slice %dma_start3A_25[%multiple_of3A, %dma_start3A_26] : memref<25088x16xf32, #tpu.memory_space<hbm>> -> memref<784x16xf32, #tpu.memory_space<hbm>>
    tpu.enqueue_dma source(%dma_start3A_27 : memref<784x16xf32, #tpu.memory_space<hbm>>) target(%arg8 : memref<784x16xf32, #tpu.memory_space<vmem>>) target_semaphore(%arg13 : memref<!tpu.dma_semaphore, #tpu.memory_space<semaphore_mem>>)
    %dma_start3A_28 = arith.constant 0 : i32
    %dma_start3A_29 = tpu.memref_slice %arg9[%dma_start3A_28] : memref<2352xf32, #tpu.memory_space<vmem>> -> memref<784xf32, #tpu.memory_space<vmem>>
    %dma_start3A_30 = tpu.memref_slice %arg3[%multiple_of3A] : memref<75264xf32, #tpu.memory_space<hbm>> -> memref<784xf32, #tpu.memory_space<hbm>>
    %dma_start3A_31 = arith.constant 0 : i32
    %dma_start3A_32 = tpu.memref_slice %arg9[%dma_start3A_31] : memref<2352xf32, #tpu.memory_space<vmem>> -> memref<784xf32, #tpu.memory_space<vmem>>
    %dma_start3A_33 = tpu.memref_slice %arg3[%multiple_of3A] : memref<75264xf32, #tpu.memory_space<hbm>> -> memref<784xf32, #tpu.memory_space<hbm>>
    tpu.enqueue_dma source(%dma_start3A_33 : memref<784xf32, #tpu.memory_space<hbm>>) target(%dma_start3A_32 : memref<784xf32, #tpu.memory_space<vmem>>) target_semaphore(%arg13 : memref<!tpu.dma_semaphore, #tpu.memory_space<semaphore_mem>>)
    %add3A_34 = arith.constant 25088 : i32
    %add3A_35 = arith.addi %add3A_34, %multiple_of3A : i32
    %multiple_of3A_36 = tpu.assume_multiple %add3A_35, 784 : i32
    %dma_start3A_37 = arith.constant 784 : i32
    %dma_start3A_38 = tpu.memref_slice %arg9[%dma_start3A_37] : memref<2352xf32, #tpu.memory_space<vmem>> -> memref<784xf32, #tpu.memory_space<vmem>>
    %dma_start3A_39 = tpu.memref_slice %arg3[%multiple_of3A_36] : memref<75264xf32, #tpu.memory_space<hbm>> -> memref<784xf32, #tpu.memory_space<hbm>>
    %dma_start3A_40 = arith.constant 784 : i32
    %dma_start3A_41 = tpu.memref_slice %arg9[%dma_start3A_40] : memref<2352xf32, #tpu.memory_space<vmem>> -> memref<784xf32, #tpu.memory_space<vmem>>
    %dma_start3A_42 = tpu.memref_slice %arg3[%multiple_of3A_36] : memref<75264xf32, #tpu.memory_space<hbm>> -> memref<784xf32, #tpu.memory_space<hbm>>
    tpu.enqueue_dma source(%dma_start3A_42 : memref<784xf32, #tpu.memory_space<hbm>>) target(%dma_start3A_41 : memref<784xf32, #tpu.memory_space<vmem>>) target_semaphore(%arg13 : memref<!tpu.dma_semaphore, #tpu.memory_space<semaphore_mem>>)
    %add3A_43 = arith.constant 50176 : i32
    %add3A_44 = arith.addi %add3A_43, %multiple_of3A : i32
    %multiple_of3A_45 = tpu.assume_multiple %add3A_44, 784 : i32
    %dma_start3A_46 = arith.constant 1568 : i32
    %dma_start3A_47 = tpu.memref_slice %arg9[%dma_start3A_46] : memref<2352xf32, #tpu.memory_space<vmem>> -> memref<784xf32, #tpu.memory_space<vmem>>
    %dma_start3A_48 = tpu.memref_slice %arg3[%multiple_of3A_45] : memref<75264xf32, #tpu.memory_space<hbm>> -> memref<784xf32, #tpu.memory_space<hbm>>
    %dma_start3A_49 = arith.constant 1568 : i32
    %dma_start3A_50 = tpu.memref_slice %arg9[%dma_start3A_49] : memref<2352xf32, #tpu.memory_space<vmem>> -> memref<784xf32, #tpu.memory_space<vmem>>
    %dma_start3A_51 = tpu.memref_slice %arg3[%multiple_of3A_45] : memref<75264xf32, #tpu.memory_space<hbm>> -> memref<784xf32, #tpu.memory_space<hbm>>
    tpu.enqueue_dma source(%dma_start3A_51 : memref<784xf32, #tpu.memory_space<hbm>>) target(%dma_start3A_50 : memref<784xf32, #tpu.memory_space<vmem>>) target_semaphore(%arg13 : memref<!tpu.dma_semaphore, #tpu.memory_space<semaphore_mem>>)
    %dma_start3A_52 = tpu.memref_slice %arg4[%multiple_of3A] : memref<25088xi32, #tpu.memory_space<hbm>> -> memref<784xi32, #tpu.memory_space<hbm>>
    %dma_start3A_53 = tpu.memref_slice %arg4[%multiple_of3A] : memref<25088xi32, #tpu.memory_space<hbm>> -> memref<784xi32, #tpu.memory_space<hbm>>
    tpu.enqueue_dma source(%dma_start3A_53 : memref<784xi32, #tpu.memory_space<hbm>>) target(%arg10 : memref<784xi32, #tpu.memory_space<vmem>>) target_semaphore(%arg13 : memref<!tpu.dma_semaphore, #tpu.memory_space<semaphore_mem>>)
    %dma_wait3A = arith.constant 0 : i32
    %dma_wait3A_54 = arith.constant 0 : i32
    %dma_wait3A_55 = arith.constant 0 : i32
    %dma_wait3A_56 = tpu.memref_slice %arg2[%dma_wait3A, %dma_wait3A_54, %dma_wait3A_55] : memref<2x25088x16xf32, #tpu.memory_space<hbm>> -> memref<1x25088x16xf32, #tpu.memory_space<hbm>>
    %dma_wait3A_57 = tpu.memref_squeeze %dma_wait3A_56 : memref<1x25088x16xf32, #tpu.memory_space<hbm>> -> memref<25088x16xf32, #tpu.memory_space<hbm>>
    %dma_wait3A_58 = arith.constant 0 : i32
    %dma_wait3A_59 = tpu.memref_slice %dma_wait3A_57[%multiple_of3A, %dma_wait3A_58] : memref<25088x16xf32, #tpu.memory_space<hbm>> -> memref<784x16xf32, #tpu.memory_space<hbm>>
    %dma_wait3A_60 = arith.constant 0 : i32
    %dma_wait3A_61 = arith.constant 0 : i32
    %dma_wait3A_62 = tpu.memref_slice %arg2[%dma_wait3A, %dma_wait3A_60, %dma_wait3A_61] : memref<2x25088x16xf32, #tpu.memory_space<hbm>> -> memref<1x25088x16xf32, #tpu.memory_space<hbm>>
    %dma_wait3A_63 = tpu.memref_squeeze %dma_wait3A_62 : memref<1x25088x16xf32, #tpu.memory_space<hbm>> -> memref<25088x16xf32, #tpu.memory_space<hbm>>
    %dma_wait3A_64 = arith.constant 0 : i32
    %dma_wait3A_65 = tpu.memref_slice %dma_wait3A_63[%multiple_of3A, %dma_wait3A_64] : memref<25088x16xf32, #tpu.memory_space<hbm>> -> memref<784x16xf32, #tpu.memory_space<hbm>>
    tpu.wait_dma2 semaphore(%arg13 : memref<!tpu.dma_semaphore, #tpu.memory_space<semaphore_mem>>) src(%dma_wait3A_65 : memref<784x16xf32, #tpu.memory_space<hbm>>) dst(%arg7 : memref<784x16xf32, #tpu.memory_space<vmem>>)
    %dma_wait3A_66 = arith.constant 1 : i32
    %dma_wait3A_67 = arith.constant 0 : i32
    %dma_wait3A_68 = arith.constant 0 : i32
    %dma_wait3A_69 = tpu.memref_slice %arg2[%dma_wait3A_66, %dma_wait3A_67, %dma_wait3A_68] : memref<2x25088x16xf32, #tpu.memory_space<hbm>> -> memref<1x25088x16xf32, #tpu.memory_space<hbm>>
    %dma_wait3A_70 = tpu.memref_squeeze %dma_wait3A_69 : memref<1x25088x16xf32, #tpu.memory_space<hbm>> -> memref<25088x16xf32, #tpu.memory_space<hbm>>
    %dma_wait3A_71 = arith.constant 0 : i32
    %dma_wait3A_72 = tpu.memref_slice %dma_wait3A_70[%multiple_of3A, %dma_wait3A_71] : memref<25088x16xf32, #tpu.memory_space<hbm>> -> memref<784x16xf32, #tpu.memory_space<hbm>>
    %dma_wait3A_73 = arith.constant 0 : i32
    %dma_wait3A_74 = arith.constant 0 : i32
    %dma_wait3A_75 = tpu.memref_slice %arg2[%dma_wait3A_66, %dma_wait3A_73, %dma_wait3A_74] : memref<2x25088x16xf32, #tpu.memory_space<hbm>> -> memref<1x25088x16xf32, #tpu.memory_space<hbm>>
    %dma_wait3A_76 = tpu.memref_squeeze %dma_wait3A_75 : memref<1x25088x16xf32, #tpu.memory_space<hbm>> -> memref<25088x16xf32, #tpu.memory_space<hbm>>
    %dma_wait3A_77 = arith.constant 0 : i32
    %dma_wait3A_78 = tpu.memref_slice %dma_wait3A_76[%multiple_of3A, %dma_wait3A_77] : memref<25088x16xf32, #tpu.memory_space<hbm>> -> memref<784x16xf32, #tpu.memory_space<hbm>>
    tpu.wait_dma2 semaphore(%arg13 : memref<!tpu.dma_semaphore, #tpu.memory_space<semaphore_mem>>) src(%dma_wait3A_78 : memref<784x16xf32, #tpu.memory_space<hbm>>) dst(%arg8 : memref<784x16xf32, #tpu.memory_space<vmem>>)
    %dma_wait3A_79 = arith.constant 0 : i32
    %dma_wait3A_80 = tpu.memref_slice %arg9[%dma_wait3A_79] : memref<2352xf32, #tpu.memory_space<vmem>> -> memref<784xf32, #tpu.memory_space<vmem>>
    %dma_wait3A_81 = tpu.memref_slice %arg3[%multiple_of3A] : memref<75264xf32, #tpu.memory_space<hbm>> -> memref<784xf32, #tpu.memory_space<hbm>>
    %dma_wait3A_82 = arith.constant 0 : i32
    %dma_wait3A_83 = tpu.memref_slice %arg9[%dma_wait3A_82] : memref<2352xf32, #tpu.memory_space<vmem>> -> memref<784xf32, #tpu.memory_space<vmem>>
    %dma_wait3A_84 = tpu.memref_slice %arg3[%multiple_of3A] : memref<75264xf32, #tpu.memory_space<hbm>> -> memref<784xf32, #tpu.memory_space<hbm>>
    tpu.wait_dma2 semaphore(%arg13 : memref<!tpu.dma_semaphore, #tpu.memory_space<semaphore_mem>>) src(%dma_wait3A_84 : memref<784xf32, #tpu.memory_space<hbm>>) dst(%dma_wait3A_83 : memref<784xf32, #tpu.memory_space<vmem>>)
    %dma_wait3A_85 = arith.constant 784 : i32
    %dma_wait3A_86 = tpu.memref_slice %arg9[%dma_wait3A_85] : memref<2352xf32, #tpu.memory_space<vmem>> -> memref<784xf32, #tpu.memory_space<vmem>>
    %dma_wait3A_87 = tpu.memref_slice %arg3[%multiple_of3A_36] : memref<75264xf32, #tpu.memory_space<hbm>> -> memref<784xf32, #tpu.memory_space<hbm>>
    %dma_wait3A_88 = arith.constant 784 : i32
    %dma_wait3A_89 = tpu.memref_slice %arg9[%dma_wait3A_88] : memref<2352xf32, #tpu.memory_space<vmem>> -> memref<784xf32, #tpu.memory_space<vmem>>
    %dma_wait3A_90 = tpu.memref_slice %arg3[%multiple_of3A_36] : memref<75264xf32, #tpu.memory_space<hbm>> -> memref<784xf32, #tpu.memory_space<hbm>>
    tpu.wait_dma2 semaphore(%arg13 : memref<!tpu.dma_semaphore, #tpu.memory_space<semaphore_mem>>) src(%dma_wait3A_90 : memref<784xf32, #tpu.memory_space<hbm>>) dst(%dma_wait3A_89 : memref<784xf32, #tpu.memory_space<vmem>>)
    %dma_wait3A_91 = arith.constant 1568 : i32
    %dma_wait3A_92 = tpu.memref_slice %arg9[%dma_wait3A_91] : memref<2352xf32, #tpu.memory_space<vmem>> -> memref<784xf32, #tpu.memory_space<vmem>>
    %dma_wait3A_93 = tpu.memref_slice %arg3[%multiple_of3A_45] : memref<75264xf32, #tpu.memory_space<hbm>> -> memref<784xf32, #tpu.memory_space<hbm>>
    %dma_wait3A_94 = arith.constant 1568 : i32
    %dma_wait3A_95 = tpu.memref_slice %arg9[%dma_wait3A_94] : memref<2352xf32, #tpu.memory_space<vmem>> -> memref<784xf32, #tpu.memory_space<vmem>>
    %dma_wait3A_96 = tpu.memref_slice %arg3[%multiple_of3A_45] : memref<75264xf32, #tpu.memory_space<hbm>> -> memref<784xf32, #tpu.memory_space<hbm>>
    tpu.wait_dma2 semaphore(%arg13 : memref<!tpu.dma_semaphore, #tpu.memory_space<semaphore_mem>>) src(%dma_wait3A_96 : memref<784xf32, #tpu.memory_space<hbm>>) dst(%dma_wait3A_95 : memref<784xf32, #tpu.memory_space<vmem>>)
    %dma_wait3A_97 = tpu.memref_slice %arg4[%multiple_of3A] : memref<25088xi32, #tpu.memory_space<hbm>> -> memref<784xi32, #tpu.memory_space<hbm>>
    %dma_wait3A_98 = tpu.memref_slice %arg4[%multiple_of3A] : memref<25088xi32, #tpu.memory_space<hbm>> -> memref<784xi32, #tpu.memory_space<hbm>>
    tpu.wait_dma2 semaphore(%arg13 : memref<!tpu.dma_semaphore, #tpu.memory_space<semaphore_mem>>) src(%dma_wait3A_98 : memref<784xi32, #tpu.memory_space<hbm>>) dst(%arg10 : memref<784xi32, #tpu.memory_space<vmem>>)
    %scan3A = arith.constant 0 : i32
    %scan3A_99 = arith.constant 0 : i32
    %scan3A_100 = arith.constant 784 : i32
    %scan3A_101 = arith.addi %scan3A_99, %scan3A_100 : i32
    %scan3A_102 = arith.constant 1 : i32
    %scan3A_103 = scf.for %scan3A_125 = %scan3A_99 to %scan3A_101 step %scan3A_102 iter_args(%scan3A_126 = %scan3A) -> (i32)  : i32 {
      %get3A = arith.index_cast %scan3A_125 : i32 to index
      %get3A_127 = arith.constant 0 : index
      %get3A_128 = tpu.vector_load %arg7[%get3A, %get3A_127] {strides = array<i32>} : memref<784x16xf32, #tpu.memory_space<vmem>>, vector<16xf32>,
      %get3A_129 = arith.index_cast %scan3A_125 : i32 to index
      %get3A_130 = arith.constant 0 : index
      %get3A_131 = tpu.vector_load %arg8[%get3A_129, %get3A_130] {strides = array<i32>} : memref<784x16xf32, #tpu.memory_space<vmem>>, vector<16xf32>,
      %add3A_132 = arith.addf %get3A_128, %get3A_131 : vector<16xf32>
      %swap3A = arith.index_cast %scan3A_125 : i32 to index
      %swap3A_133 = arith.constant 0 : index
      %swap3A_134 = tpu.vector_load %arg7[%swap3A, %swap3A_133] {strides = array<i32>} : memref<784x16xf32, #tpu.memory_space<vmem>>, vector<16xf32>,
      tpu.vector_store %arg7[%swap3A, %swap3A_133], %add3A_132 {strides = array<i32>} : memref<784x16xf32, #tpu.memory_space<vmem>>, vector<16xf32>,
      %scan3A_135 = arith.constant 0 : i32
      scf.yield %scan3A_135 : i32
    }
    %scan3A_104 = arith.constant 784 : i32
    %iota3A = tpu.iota {dimensions = array<i32: 0>} : vector<16xi32>
    %broadcast_in_dim3A = arith.constant 0 : i32
    %broadcast_in_dim3A_105 = vector.broadcast %broadcast_in_dim3A : i32 to vector<16xi32>
    %scan3A_106 = arith.constant 0 : i32
    %scan3A_107 = arith.constant 0 : i32
    %scan3A_108 = arith.constant 49 : i32
    %scan3A_109 = arith.addi %scan3A_107, %scan3A_108 : i32
    %scan3A_110 = arith.constant 1 : i32
    %scan3A_111 = scf.for %scan3A_125 = %scan3A_107 to %scan3A_109 step %scan3A_110 iter_args(%scan3A_126 = %scan3A_106) -> (i32)  : i32 {
      %mul3A_127 = arith.constant 16 : i32
      %mul3A_128 = arith.muli %scan3A_125, %mul3A_127 : i32
      %add3A_129 = vector.broadcast %mul3A_128 : i32 to vector<16xi32>
      %add3A_130 = arith.addi %add3A_129, %iota3A : vector<16xi32>
      %add3A_131 = arith.constant 0 : i32
      %add3A_132 = vector.broadcast %add3A_131 : i32 to vector<16xi32>
      %add3A_133 = arith.addi %broadcast_in_dim3A_105, %add3A_132 : vector<16xi32>
      %gather3A = tpu.vector_load_idx %arg7[%add3A_130, %add3A_133] : memref<784x16xf32, #tpu.memory_space<vmem>>[vector<16xi32>, vector<16xi32>], vector<16xf32>,
      %add3A_134 = arith.constant 1 : i32
      %add3A_135 = vector.broadcast %add3A_134 : i32 to vector<16xi32>
      %add3A_136 = arith.addi %broadcast_in_dim3A_105, %add3A_135 : vector<16xi32>
      %gather3A_137 = tpu.vector_load_idx %arg7[%add3A_130, %add3A_136] : memref<784x16xf32, #tpu.memory_space<vmem>>[vector<16xi32>, vector<16xi32>], vector<16xf32>,
      %add3A_138 = arith.constant 2 : i32
      %add3A_139 = vector.broadcast %add3A_138 : i32 to vector<16xi32>
      %add3A_140 = arith.addi %broadcast_in_dim3A_105, %add3A_139 : vector<16xi32>
      %gather3A_141 = tpu.vector_load_idx %arg7[%add3A_130, %add3A_140] : memref<784x16xf32, #tpu.memory_space<vmem>>[vector<16xi32>, vector<16xi32>], vector<16xf32>,
      %add3A_142 = arith.constant 3 : i32
      %add3A_143 = vector.broadcast %add3A_142 : i32 to vector<16xi32>
      %add3A_144 = arith.addi %broadcast_in_dim3A_105, %add3A_143 : vector<16xi32>
      %gather3A_145 = tpu.vector_load_idx %arg7[%add3A_130, %add3A_144] : memref<784x16xf32, #tpu.memory_space<vmem>>[vector<16xi32>, vector<16xi32>], vector<16xf32>,
      %add3A_146 = arith.constant 4 : i32
      %add3A_147 = vector.broadcast %add3A_146 : i32 to vector<16xi32>
      %add3A_148 = arith.addi %broadcast_in_dim3A_105, %add3A_147 : vector<16xi32>
      %gather3A_149 = tpu.vector_load_idx %arg7[%add3A_130, %add3A_148] : memref<784x16xf32, #tpu.memory_space<vmem>>[vector<16xi32>, vector<16xi32>], vector<16xf32>,
      %add3A_150 = arith.constant 5 : i32
      %add3A_151 = vector.broadcast %add3A_150 : i32 to vector<16xi32>
      %add3A_152 = arith.addi %broadcast_in_dim3A_105, %add3A_151 : vector<16xi32>
      %gather3A_153 = tpu.vector_load_idx %arg7[%add3A_130, %add3A_152] : memref<784x16xf32, #tpu.memory_space<vmem>>[vector<16xi32>, vector<16xi32>], vector<16xf32>,
      %add3A_154 = arith.constant 6 : i32
      %add3A_155 = vector.broadcast %add3A_154 : i32 to vector<16xi32>
      %add3A_156 = arith.addi %broadcast_in_dim3A_105, %add3A_155 : vector<16xi32>
      %gather3A_157 = tpu.vector_load_idx %arg7[%add3A_130, %add3A_156] : memref<784x16xf32, #tpu.memory_space<vmem>>[vector<16xi32>, vector<16xi32>], vector<16xf32>,
      %add3A_158 = arith.constant 7 : i32
      %add3A_159 = vector.broadcast %add3A_158 : i32 to vector<16xi32>
      %add3A_160 = arith.addi %broadcast_in_dim3A_105, %add3A_159 : vector<16xi32>
      %gather3A_161 = tpu.vector_load_idx %arg7[%add3A_130, %add3A_160] : memref<784x16xf32, #tpu.memory_space<vmem>>[vector<16xi32>, vector<16xi32>], vector<16xf32>,
      %add3A_162 = arith.constant 8 : i32
      %add3A_163 = vector.broadcast %add3A_162 : i32 to vector<16xi32>
      %add3A_164 = arith.addi %broadcast_in_dim3A_105, %add3A_163 : vector<16xi32>
      %gather3A_165 = tpu.vector_load_idx %arg7[%add3A_130, %add3A_164] : memref<784x16xf32, #tpu.memory_space<vmem>>[vector<16xi32>, vector<16xi32>], vector<16xf32>,
      %add3A_166 = arith.constant 9 : i32
      %add3A_167 = vector.broadcast %add3A_166 : i32 to vector<16xi32>
      %add3A_168 = arith.addi %broadcast_in_dim3A_105, %add3A_167 : vector<16xi32>
      %gather3A_169 = tpu.vector_load_idx %arg7[%add3A_130, %add3A_168] : memref<784x16xf32, #tpu.memory_space<vmem>>[vector<16xi32>, vector<16xi32>], vector<16xf32>,
      %add3A_170 = arith.constant 10 : i32
      %add3A_171 = vector.broadcast %add3A_170 : i32 to vector<16xi32>
      %add3A_172 = arith.addi %broadcast_in_dim3A_105, %add3A_171 : vector<16xi32>
      %gather3A_173 = tpu.vector_load_idx %arg7[%add3A_130, %add3A_172] : memref<784x16xf32, #tpu.memory_space<vmem>>[vector<16xi32>, vector<16xi32>], vector<16xf32>,
      %add3A_174 = arith.constant 11 : i32
      %add3A_175 = vector.broadcast %add3A_174 : i32 to vector<16xi32>
      %add3A_176 = arith.addi %broadcast_in_dim3A_105, %add3A_175 : vector<16xi32>
      %gather3A_177 = tpu.vector_load_idx %arg7[%add3A_130, %add3A_176] : memref<784x16xf32, #tpu.memory_space<vmem>>[vector<16xi32>, vector<16xi32>], vector<16xf32>,
      %add3A_178 = arith.constant 12 : i32
      %add3A_179 = vector.broadcast %add3A_178 : i32 to vector<16xi32>
      %add3A_180 = arith.addi %broadcast_in_dim3A_105, %add3A_179 : vector<16xi32>
      %gather3A_181 = tpu.vector_load_idx %arg7[%add3A_130, %add3A_180] : memref<784x16xf32, #tpu.memory_space<vmem>>[vector<16xi32>, vector<16xi32>], vector<16xf32>,
      %add3A_182 = arith.constant 13 : i32
      %add3A_183 = vector.broadcast %add3A_182 : i32 to vector<16xi32>
      %add3A_184 = arith.addi %broadcast_in_dim3A_105, %add3A_183 : vector<16xi32>
      %gather3A_185 = tpu.vector_load_idx %arg7[%add3A_130, %add3A_184] : memref<784x16xf32, #tpu.memory_space<vmem>>[vector<16xi32>, vector<16xi32>], vector<16xf32>,
      %add3A_186 = arith.constant 14 : i32
      %add3A_187 = vector.broadcast %add3A_186 : i32 to vector<16xi32>
      %add3A_188 = arith.addi %broadcast_in_dim3A_105, %add3A_187 : vector<16xi32>
      %gather3A_189 = tpu.vector_load_idx %arg7[%add3A_130, %add3A_188] : memref<784x16xf32, #tpu.memory_space<vmem>>[vector<16xi32>, vector<16xi32>], vector<16xf32>,
      %add3A_190 = arith.constant 15 : i32
      %add3A_191 = vector.broadcast %add3A_190 : i32 to vector<16xi32>
      %add3A_192 = arith.addi %broadcast_in_dim3A_105, %add3A_191 : vector<16xi32>
      %gather3A_193 = tpu.vector_load_idx %arg7[%add3A_130, %add3A_192] : memref<784x16xf32, #tpu.memory_space<vmem>>[vector<16xi32>, vector<16xi32>], vector<16xf32>,
      %get3A = arith.index_cast %mul3A_128 : i32 to index
      %get3A_194 = tpu.vector_load %arg9[%get3A] {strides = array<i32>} : memref<2352xf32, #tpu.memory_space<vmem>>, vector<16xf32>,
      %add3A_195 = arith.constant 784 : i32
      %add3A_196 = arith.addi %add3A_195, %mul3A_128 : i32
      %get3A_197 = arith.index_cast %add3A_196 : i32 to index
      %get3A_198 = tpu.vector_load %arg9[%get3A_197] {strides = array<i32>} : memref<2352xf32, #tpu.memory_space<vmem>>, vector<16xf32>,
      %add3A_199 = arith.constant 1568 : i32
      %add3A_200 = arith.addi %add3A_199, %mul3A_128 : i32
      %get3A_201 = arith.index_cast %add3A_200 : i32 to index
      %get3A_202 = tpu.vector_load %arg9[%get3A_201] {strides = array<i32>} : memref<2352xf32, #tpu.memory_space<vmem>>, vector<16xf32>,
      %get3A_203 = arith.index_cast %mul3A_128 : i32 to index
      %get3A_204 = tpu.vector_load %arg10[%get3A_203] {strides = array<i32>} : memref<784xi32, #tpu.memory_space<vmem>>, vector<16xi32>,
      %max3A = arith.constant 1.000000e+00 : f32
      %max3A_205 = vector.broadcast %max3A : f32 to vector<16xf32>
      %max3A_206 = arith.maximumf %gather3A, %max3A_205 : vector<16xf32>
      %div3A = arith.divf %gather3A_137, %max3A_206 : vector<16xf32>
      %div3A_207 = arith.divf %gather3A_141, %max3A_206 : vector<16xf32>
      %div3A_208 = arith.divf %gather3A_145, %max3A_206 : vector<16xf32>
      %mul3A_209 = arith.mulf %get3A_198, %gather3A_145 : vector<16xf32>
      %mul3A_210 = arith.mulf %get3A_202, %gather3A_141 : vector<16xf32>
      %sub3A = arith.subf %mul3A_209, %mul3A_210 : vector<16xf32>
      %sub3A_211 = arith.subf %gather3A_161, %sub3A : vector<16xf32>
      %mul3A_212 = arith.mulf %get3A_202, %gather3A_137 : vector<16xf32>
      %mul3A_213 = arith.mulf %get3A_194, %gather3A_145 : vector<16xf32>
      %sub3A_214 = arith.subf %mul3A_212, %mul3A_213 : vector<16xf32>
      %sub3A_215 = arith.subf %gather3A_165, %sub3A_214 : vector<16xf32>
      %mul3A_216 = arith.mulf %get3A_194, %gather3A_141 : vector<16xf32>
      %mul3A_217 = arith.mulf %get3A_198, %gather3A_137 : vector<16xf32>
      %sub3A_218 = arith.subf %mul3A_216, %mul3A_217 : vector<16xf32>
      %sub3A_219 = arith.subf %gather3A_169, %sub3A_218 : vector<16xf32>
      %mul3A_220 = arith.constant 2.000000e+00 : f32
      %mul3A_221 = vector.broadcast %mul3A_220 : f32 to vector<16xf32>
      %mul3A_222 = arith.mulf %mul3A_221, %get3A_194 : vector<16xf32>
      %mul3A_223 = arith.mulf %mul3A_222, %gather3A_149 : vector<16xf32>
      %sub3A_224 = arith.subf %gather3A_173, %mul3A_223 : vector<16xf32>
      %mul3A_225 = arith.mulf %gather3A, %get3A_194 : vector<16xf32>
      %mul3A_226 = arith.mulf %mul3A_225, %get3A_194 : vector<16xf32>
      %add3A_227 = arith.addf %sub3A_224, %mul3A_226 : vector<16xf32>
      %mul3A_228 = arith.constant 2.000000e+00 : f32
      %mul3A_229 = vector.broadcast %mul3A_228 : f32 to vector<16xf32>
      %mul3A_230 = arith.mulf %mul3A_229, %get3A_198 : vector<16xf32>
      %mul3A_231 = arith.mulf %mul3A_230, %gather3A_153 : vector<16xf32>
      %sub3A_232 = arith.subf %gather3A_177, %mul3A_231 : vector<16xf32>
      %mul3A_233 = arith.mulf %gather3A, %get3A_198 : vector<16xf32>
      %mul3A_234 = arith.mulf %mul3A_233, %get3A_198 : vector<16xf32>
      %add3A_235 = arith.addf %sub3A_232, %mul3A_234 : vector<16xf32>
      %mul3A_236 = arith.constant 2.000000e+00 : f32
      %mul3A_237 = vector.broadcast %mul3A_236 : f32 to vector<16xf32>
      %mul3A_238 = arith.mulf %mul3A_237, %get3A_202 : vector<16xf32>
      %mul3A_239 = arith.mulf %mul3A_238, %gather3A_157 : vector<16xf32>
      %sub3A_240 = arith.subf %gather3A_181, %mul3A_239 : vector<16xf32>
      %mul3A_241 = arith.mulf %gather3A, %get3A_202 : vector<16xf32>
      %mul3A_242 = arith.mulf %mul3A_241, %get3A_202 : vector<16xf32>
      %add3A_243 = arith.addf %sub3A_240, %mul3A_242 : vector<16xf32>
      %mul3A_244 = arith.mulf %get3A_194, %gather3A_153 : vector<16xf32>
      %sub3A_245 = arith.subf %gather3A_185, %mul3A_244 : vector<16xf32>
      %mul3A_246 = arith.mulf %get3A_198, %gather3A_149 : vector<16xf32>
      %sub3A_247 = arith.subf %sub3A_245, %mul3A_246 : vector<16xf32>
      %mul3A_248 = arith.mulf %gather3A, %get3A_194 : vector<16xf32>
      %mul3A_249 = arith.mulf %mul3A_248, %get3A_198 : vector<16xf32>
      %add3A_250 = arith.addf %sub3A_247, %mul3A_249 : vector<16xf32>
      %mul3A_251 = arith.mulf %get3A_194, %gather3A_157 : vector<16xf32>
      %sub3A_252 = arith.subf %gather3A_189, %mul3A_251 : vector<16xf32>
      %mul3A_253 = arith.mulf %get3A_202, %gather3A_149 : vector<16xf32>
      %sub3A_254 = arith.subf %sub3A_252, %mul3A_253 : vector<16xf32>
      %mul3A_255 = arith.mulf %gather3A, %get3A_194 : vector<16xf32>
      %mul3A_256 = arith.mulf %mul3A_255, %get3A_202 : vector<16xf32>
      %add3A_257 = arith.addf %sub3A_254, %mul3A_256 : vector<16xf32>
      %mul3A_258 = arith.mulf %get3A_198, %gather3A_157 : vector<16xf32>
      %sub3A_259 = arith.subf %gather3A_193, %mul3A_258 : vector<16xf32>
      %mul3A_260 = arith.mulf %get3A_202, %gather3A_153 : vector<16xf32>
      %sub3A_261 = arith.subf %sub3A_259, %mul3A_260 : vector<16xf32>
      %mul3A_262 = arith.mulf %gather3A, %get3A_198 : vector<16xf32>
      %mul3A_263 = arith.mulf %mul3A_262, %get3A_202 : vector<16xf32>
      %add3A_264 = arith.addf %sub3A_261, %mul3A_263 : vector<16xf32>
      %add3A_265 = arith.addf %add3A_227, %add3A_235 : vector<16xf32>
      %add3A_266 = arith.addf %add3A_265, %add3A_243 : vector<16xf32>
      %sub3A_267 = arith.subf %add3A_266, %add3A_227 : vector<16xf32>
      %add3A_268 = arith.constant 9.99999974E-5 : f32
      %add3A_269 = vector.broadcast %add3A_268 : f32 to vector<16xf32>
      %add3A_270 = arith.addf %sub3A_267, %add3A_269 : vector<16xf32>
      %sub3A_271 = arith.subf %add3A_266, %add3A_235 : vector<16xf32>
      %add3A_272 = arith.constant 9.99999974E-5 : f32
      %add3A_273 = vector.broadcast %add3A_272 : f32 to vector<16xf32>
      %add3A_274 = arith.addf %sub3A_271, %add3A_273 : vector<16xf32>
      %sub3A_275 = arith.subf %add3A_266, %add3A_243 : vector<16xf32>
      %add3A_276 = arith.constant 9.99999974E-5 : f32
      %add3A_277 = vector.broadcast %add3A_276 : f32 to vector<16xf32>
      %add3A_278 = arith.addf %sub3A_275, %add3A_277 : vector<16xf32>
      %neg3A = arith.constant 0.000000e+00 : f32
      %neg3A_279 = vector.broadcast %neg3A : f32 to vector<16xf32>
      %neg3A_280 = arith.subf %neg3A_279, %add3A_250 : vector<16xf32>
      %neg3A_281 = arith.constant 0.000000e+00 : f32
      %neg3A_282 = vector.broadcast %neg3A_281 : f32 to vector<16xf32>
      %neg3A_283 = arith.subf %neg3A_282, %add3A_257 : vector<16xf32>
      %neg3A_284 = arith.constant 0.000000e+00 : f32
      %neg3A_285 = vector.broadcast %neg3A_284 : f32 to vector<16xf32>
      %neg3A_286 = arith.subf %neg3A_285, %add3A_264 : vector<16xf32>
      %mul3A_287 = arith.mulf %add3A_274, %add3A_278 : vector<16xf32>
      %mul3A_288 = arith.mulf %neg3A_286, %neg3A_286 : vector<16xf32>
      %sub3A_289 = arith.subf %mul3A_287, %mul3A_288 : vector<16xf32>
      %mul3A_290 = arith.mulf %neg3A_283, %neg3A_286 : vector<16xf32>
      %mul3A_291 = arith.mulf %neg3A_280, %add3A_278 : vector<16xf32>
      %sub3A_292 = arith.subf %mul3A_290, %mul3A_291 : vector<16xf32>
      %mul3A_293 = arith.mulf %neg3A_280, %neg3A_286 : vector<16xf32>
      %mul3A_294 = arith.mulf %add3A_274, %neg3A_283 : vector<16xf32>
      %sub3A_295 = arith.subf %mul3A_293, %mul3A_294 : vector<16xf32>
      %mul3A_296 = arith.mulf %add3A_270, %add3A_278 : vector<16xf32>
      %mul3A_297 = arith.mulf %neg3A_283, %neg3A_283 : vector<16xf32>
      %sub3A_298 = arith.subf %mul3A_296, %mul3A_297 : vector<16xf32>
      %mul3A_299 = arith.mulf %neg3A_280, %neg3A_283 : vector<16xf32>
      %mul3A_300 = arith.mulf %add3A_270, %neg3A_286 : vector<16xf32>
      %sub3A_301 = arith.subf %mul3A_299, %mul3A_300 : vector<16xf32>
      %mul3A_302 = arith.mulf %add3A_270, %add3A_274 : vector<16xf32>
      %mul3A_303 = arith.mulf %neg3A_280, %neg3A_280 : vector<16xf32>
      %sub3A_304 = arith.subf %mul3A_302, %mul3A_303 : vector<16xf32>
      %mul3A_305 = arith.mulf %add3A_270, %sub3A_289 : vector<16xf32>
      %mul3A_306 = arith.mulf %neg3A_280, %sub3A_292 : vector<16xf32>
      %add3A_307 = arith.addf %mul3A_305, %mul3A_306 : vector<16xf32>
      %mul3A_308 = arith.mulf %neg3A_283, %sub3A_295 : vector<16xf32>
      %add3A_309 = arith.addf %add3A_307, %mul3A_308 : vector<16xf32>
      %div3A_310 = arith.constant 1.000000e+00 : f32
      %div3A_311 = vector.broadcast %div3A_310 : f32 to vector<16xf32>
      %div3A_312 = arith.divf %div3A_311, %add3A_309 : vector<16xf32>
      %mul3A_313 = arith.mulf %sub3A_289, %sub3A_211 : vector<16xf32>
      %mul3A_314 = arith.mulf %sub3A_292, %sub3A_215 : vector<16xf32>
      %add3A_315 = arith.addf %mul3A_313, %mul3A_314 : vector<16xf32>
      %mul3A_316 = arith.mulf %sub3A_295, %sub3A_219 : vector<16xf32>
      %add3A_317 = arith.addf %add3A_315, %mul3A_316 : vector<16xf32>
      %mul3A_318 = arith.mulf %add3A_317, %div3A_312 : vector<16xf32>
      %mul3A_319 = arith.mulf %sub3A_292, %sub3A_211 : vector<16xf32>
      %mul3A_320 = arith.mulf %sub3A_298, %sub3A_215 : vector<16xf32>
      %add3A_321 = arith.addf %mul3A_319, %mul3A_320 : vector<16xf32>
      %mul3A_322 = arith.mulf %sub3A_301, %sub3A_219 : vector<16xf32>
      %add3A_323 = arith.addf %add3A_321, %mul3A_322 : vector<16xf32>
      %mul3A_324 = arith.mulf %add3A_323, %div3A_312 : vector<16xf32>
      %mul3A_325 = arith.mulf %sub3A_295, %sub3A_211 : vector<16xf32>
      %mul3A_326 = arith.mulf %sub3A_301, %sub3A_215 : vector<16xf32>
      %add3A_327 = arith.addf %mul3A_325, %mul3A_326 : vector<16xf32>
      %mul3A_328 = arith.mulf %sub3A_304, %sub3A_219 : vector<16xf32>
      %add3A_329 = arith.addf %add3A_327, %mul3A_328 : vector<16xf32>
      %mul3A_330 = arith.mulf %add3A_329, %div3A_312 : vector<16xf32>
      %le3A = arith.constant 1 : i32
      %le3A_331 = vector.broadcast %le3A : i32 to vector<16xi32>
      %le3A_332 = arith.cmpi sle, %get3A_204, %le3A_331 : vector<16xi32>
      %broadcast_in_dim3A_333 = arith.constant 0.000000e+00 : f32
      %broadcast_in_dim3A_334 = vector.broadcast %broadcast_in_dim3A_333 : f32 to vector<16xf32>
      %select_n3A = arith.select %le3A_332, %broadcast_in_dim3A_334, %mul3A_318 : vector<16xi1>, vector<16xf32>
      %select_n3A_335 = arith.select %le3A_332, %broadcast_in_dim3A_334, %mul3A_324 : vector<16xi1>, vector<16xf32>
      %select_n3A_336 = arith.select %le3A_332, %broadcast_in_dim3A_334, %mul3A_330 : vector<16xi1>, vector<16xf32>
      %swap3A = arith.index_cast %mul3A_128 : i32 to index
      %swap3A_337 = tpu.vector_load %arg11[%swap3A] {strides = array<i32>} : memref<2352xf32, #tpu.memory_space<vmem>>, vector<16xf32>,
      tpu.vector_store %arg11[%swap3A], %div3A {strides = array<i32>} : memref<2352xf32, #tpu.memory_space<vmem>>, vector<16xf32>,
      %add3A_338 = arith.constant 784 : i32
      %add3A_339 = arith.addi %add3A_338, %mul3A_128 : i32
      %swap3A_340 = arith.index_cast %add3A_339 : i32 to index
      %swap3A_341 = tpu.vector_load %arg11[%swap3A_340] {strides = array<i32>} : memref<2352xf32, #tpu.memory_space<vmem>>, vector<16xf32>,
      tpu.vector_store %arg11[%swap3A_340], %div3A_207 {strides = array<i32>} : memref<2352xf32, #tpu.memory_space<vmem>>, vector<16xf32>,
      %add3A_342 = arith.constant 1568 : i32
      %add3A_343 = arith.addi %add3A_342, %mul3A_128 : i32
      %swap3A_344 = arith.index_cast %add3A_343 : i32 to index
      %swap3A_345 = tpu.vector_load %arg11[%swap3A_344] {strides = array<i32>} : memref<2352xf32, #tpu.memory_space<vmem>>, vector<16xf32>,
      tpu.vector_store %arg11[%swap3A_344], %div3A_208 {strides = array<i32>} : memref<2352xf32, #tpu.memory_space<vmem>>, vector<16xf32>,
      %swap3A_346 = arith.index_cast %mul3A_128 : i32 to index
      %swap3A_347 = tpu.vector_load %arg12[%swap3A_346] {strides = array<i32>} : memref<2352xf32, #tpu.memory_space<vmem>>, vector<16xf32>,
      tpu.vector_store %arg12[%swap3A_346], %select_n3A {strides = array<i32>} : memref<2352xf32, #tpu.memory_space<vmem>>, vector<16xf32>,
      %add3A_348 = arith.constant 784 : i32
      %add3A_349 = arith.addi %add3A_348, %mul3A_128 : i32
      %swap3A_350 = arith.index_cast %add3A_349 : i32 to index
      %swap3A_351 = tpu.vector_load %arg12[%swap3A_350] {strides = array<i32>} : memref<2352xf32, #tpu.memory_space<vmem>>, vector<16xf32>,
      tpu.vector_store %arg12[%swap3A_350], %select_n3A_335 {strides = array<i32>} : memref<2352xf32, #tpu.memory_space<vmem>>, vector<16xf32>,
      %add3A_352 = arith.constant 1568 : i32
      %add3A_353 = arith.addi %add3A_352, %mul3A_128 : i32
      %swap3A_354 = arith.index_cast %add3A_353 : i32 to index
      %swap3A_355 = tpu.vector_load %arg12[%swap3A_354] {strides = array<i32>} : memref<2352xf32, #tpu.memory_space<vmem>>, vector<16xf32>,
      tpu.vector_store %arg12[%swap3A_354], %select_n3A_336 {strides = array<i32>} : memref<2352xf32, #tpu.memory_space<vmem>>, vector<16xf32>,
      %scan3A_356 = arith.constant 0 : i32
      scf.yield %scan3A_356 : i32
    }
    %scan3A_112 = arith.constant 49 : i32
    "tpu.region"() ({
      %run_scoped3A = tpu.sem_alloc : memref<!tpu.dma_semaphore, #tpu.memory_space<semaphore_mem>>
      %dma_start3A_125 = arith.constant 0 : i32
      %dma_start3A_126 = tpu.memref_slice %arg11[%dma_start3A_125] : memref<2352xf32, #tpu.memory_space<vmem>> -> memref<784xf32, #tpu.memory_space<vmem>>
      %dma_start3A_127 = tpu.memref_slice %arg5[%multiple_of3A] : memref<75264xf32, #tpu.memory_space<hbm>> -> memref<784xf32, #tpu.memory_space<hbm>>
      %dma_start3A_128 = tpu.memref_slice %arg5[%multiple_of3A] : memref<75264xf32, #tpu.memory_space<hbm>> -> memref<784xf32, #tpu.memory_space<hbm>>
      %dma_start3A_129 = arith.constant 0 : i32
      %dma_start3A_130 = tpu.memref_slice %arg11[%dma_start3A_129] : memref<2352xf32, #tpu.memory_space<vmem>> -> memref<784xf32, #tpu.memory_space<vmem>>
      tpu.enqueue_dma source(%dma_start3A_130 : memref<784xf32, #tpu.memory_space<vmem>>) target(%dma_start3A_128 : memref<784xf32, #tpu.memory_space<hbm>>) target_semaphore(%run_scoped3A : memref<!tpu.dma_semaphore, #tpu.memory_space<semaphore_mem>>)
      %dma_wait3A_131 = arith.constant 0 : i32
      %dma_wait3A_132 = tpu.memref_slice %arg11[%dma_wait3A_131] : memref<2352xf32, #tpu.memory_space<vmem>> -> memref<784xf32, #tpu.memory_space<vmem>>
      %dma_wait3A_133 = tpu.memref_slice %arg5[%multiple_of3A] : memref<75264xf32, #tpu.memory_space<hbm>> -> memref<784xf32, #tpu.memory_space<hbm>>
      %dma_wait3A_134 = tpu.memref_slice %arg5[%multiple_of3A] : memref<75264xf32, #tpu.memory_space<hbm>> -> memref<784xf32, #tpu.memory_space<hbm>>
      %dma_wait3A_135 = arith.constant 0 : i32
      %dma_wait3A_136 = tpu.memref_slice %arg11[%dma_wait3A_135] : memref<2352xf32, #tpu.memory_space<vmem>> -> memref<784xf32, #tpu.memory_space<vmem>>
      tpu.wait_dma2 semaphore(%run_scoped3A : memref<!tpu.dma_semaphore, #tpu.memory_space<semaphore_mem>>) src(%dma_wait3A_136 : memref<784xf32, #tpu.memory_space<vmem>>) dst(%dma_wait3A_134 : memref<784xf32, #tpu.memory_space<hbm>>)
      tpu.yield
    }) : () -> ()
    %add3A_113 = arith.constant 25088 : i32
    %add3A_114 = arith.addi %add3A_113, %multiple_of3A : i32
    %multiple_of3A_115 = tpu.assume_multiple %add3A_114, 784 : i32
    "tpu.region"() ({
      %run_scoped3A = tpu.sem_alloc : memref<!tpu.dma_semaphore, #tpu.memory_space<semaphore_mem>>
      %dma_start3A_125 = arith.constant 784 : i32
      %dma_start3A_126 = tpu.memref_slice %arg11[%dma_start3A_125] : memref<2352xf32, #tpu.memory_space<vmem>> -> memref<784xf32, #tpu.memory_space<vmem>>
      %dma_start3A_127 = tpu.memref_slice %arg5[%multiple_of3A_115] : memref<75264xf32, #tpu.memory_space<hbm>> -> memref<784xf32, #tpu.memory_space<hbm>>
      %dma_start3A_128 = tpu.memref_slice %arg5[%multiple_of3A_115] : memref<75264xf32, #tpu.memory_space<hbm>> -> memref<784xf32, #tpu.memory_space<hbm>>
      %dma_start3A_129 = arith.constant 784 : i32
      %dma_start3A_130 = tpu.memref_slice %arg11[%dma_start3A_129] : memref<2352xf32, #tpu.memory_space<vmem>> -> memref<784xf32, #tpu.memory_space<vmem>>
      tpu.enqueue_dma source(%dma_start3A_130 : memref<784xf32, #tpu.memory_space<vmem>>) target(%dma_start3A_128 : memref<784xf32, #tpu.memory_space<hbm>>) target_semaphore(%run_scoped3A : memref<!tpu.dma_semaphore, #tpu.memory_space<semaphore_mem>>)
      %dma_wait3A_131 = arith.constant 784 : i32
      %dma_wait3A_132 = tpu.memref_slice %arg11[%dma_wait3A_131] : memref<2352xf32, #tpu.memory_space<vmem>> -> memref<784xf32, #tpu.memory_space<vmem>>
      %dma_wait3A_133 = tpu.memref_slice %arg5[%multiple_of3A_115] : memref<75264xf32, #tpu.memory_space<hbm>> -> memref<784xf32, #tpu.memory_space<hbm>>
      %dma_wait3A_134 = tpu.memref_slice %arg5[%multiple_of3A_115] : memref<75264xf32, #tpu.memory_space<hbm>> -> memref<784xf32, #tpu.memory_space<hbm>>
      %dma_wait3A_135 = arith.constant 784 : i32
      %dma_wait3A_136 = tpu.memref_slice %arg11[%dma_wait3A_135] : memref<2352xf32, #tpu.memory_space<vmem>> -> memref<784xf32, #tpu.memory_space<vmem>>
      tpu.wait_dma2 semaphore(%run_scoped3A : memref<!tpu.dma_semaphore, #tpu.memory_space<semaphore_mem>>) src(%dma_wait3A_136 : memref<784xf32, #tpu.memory_space<vmem>>) dst(%dma_wait3A_134 : memref<784xf32, #tpu.memory_space<hbm>>)
      tpu.yield
    }) : () -> ()
    %add3A_116 = arith.constant 50176 : i32
    %add3A_117 = arith.addi %add3A_116, %multiple_of3A : i32
    %multiple_of3A_118 = tpu.assume_multiple %add3A_117, 784 : i32
    "tpu.region"() ({
      %run_scoped3A = tpu.sem_alloc : memref<!tpu.dma_semaphore, #tpu.memory_space<semaphore_mem>>
      %dma_start3A_125 = arith.constant 1568 : i32
      %dma_start3A_126 = tpu.memref_slice %arg11[%dma_start3A_125] : memref<2352xf32, #tpu.memory_space<vmem>> -> memref<784xf32, #tpu.memory_space<vmem>>
      %dma_start3A_127 = tpu.memref_slice %arg5[%multiple_of3A_118] : memref<75264xf32, #tpu.memory_space<hbm>> -> memref<784xf32, #tpu.memory_space<hbm>>
      %dma_start3A_128 = tpu.memref_slice %arg5[%multiple_of3A_118] : memref<75264xf32, #tpu.memory_space<hbm>> -> memref<784xf32, #tpu.memory_space<hbm>>
      %dma_start3A_129 = arith.constant 1568 : i32
      %dma_start3A_130 = tpu.memref_slice %arg11[%dma_start3A_129] : memref<2352xf32, #tpu.memory_space<vmem>> -> memref<784xf32, #tpu.memory_space<vmem>>
      tpu.enqueue_dma source(%dma_start3A_130 : memref<784xf32, #tpu.memory_space<vmem>>) target(%dma_start3A_128 : memref<784xf32, #tpu.memory_space<hbm>>) target_semaphore(%run_scoped3A : memref<!tpu.dma_semaphore, #tpu.memory_space<semaphore_mem>>)
      %dma_wait3A_131 = arith.constant 1568 : i32
      %dma_wait3A_132 = tpu.memref_slice %arg11[%dma_wait3A_131] : memref<2352xf32, #tpu.memory_space<vmem>> -> memref<784xf32, #tpu.memory_space<vmem>>
      %dma_wait3A_133 = tpu.memref_slice %arg5[%multiple_of3A_118] : memref<75264xf32, #tpu.memory_space<hbm>> -> memref<784xf32, #tpu.memory_space<hbm>>
      %dma_wait3A_134 = tpu.memref_slice %arg5[%multiple_of3A_118] : memref<75264xf32, #tpu.memory_space<hbm>> -> memref<784xf32, #tpu.memory_space<hbm>>
      %dma_wait3A_135 = arith.constant 1568 : i32
      %dma_wait3A_136 = tpu.memref_slice %arg11[%dma_wait3A_135] : memref<2352xf32, #tpu.memory_space<vmem>> -> memref<784xf32, #tpu.memory_space<vmem>>
      tpu.wait_dma2 semaphore(%run_scoped3A : memref<!tpu.dma_semaphore, #tpu.memory_space<semaphore_mem>>) src(%dma_wait3A_136 : memref<784xf32, #tpu.memory_space<vmem>>) dst(%dma_wait3A_134 : memref<784xf32, #tpu.memory_space<hbm>>)
      tpu.yield
    }) : () -> ()
    "tpu.region"() ({
      %run_scoped3A = tpu.sem_alloc : memref<!tpu.dma_semaphore, #tpu.memory_space<semaphore_mem>>
      %dma_start3A_125 = arith.constant 0 : i32
      %dma_start3A_126 = tpu.memref_slice %arg12[%dma_start3A_125] : memref<2352xf32, #tpu.memory_space<vmem>> -> memref<784xf32, #tpu.memory_space<vmem>>
      %dma_start3A_127 = tpu.memref_slice %arg6[%multiple_of3A] : memref<75264xf32, #tpu.memory_space<hbm>> -> memref<784xf32, #tpu.memory_space<hbm>>
      %dma_start3A_128 = tpu.memref_slice %arg6[%multiple_of3A] : memref<75264xf32, #tpu.memory_space<hbm>> -> memref<784xf32, #tpu.memory_space<hbm>>
      %dma_start3A_129 = arith.constant 0 : i32
      %dma_start3A_130 = tpu.memref_slice %arg12[%dma_start3A_129] : memref<2352xf32, #tpu.memory_space<vmem>> -> memref<784xf32, #tpu.memory_space<vmem>>
      tpu.enqueue_dma source(%dma_start3A_130 : memref<784xf32, #tpu.memory_space<vmem>>) target(%dma_start3A_128 : memref<784xf32, #tpu.memory_space<hbm>>) target_semaphore(%run_scoped3A : memref<!tpu.dma_semaphore, #tpu.memory_space<semaphore_mem>>)
      %dma_wait3A_131 = arith.constant 0 : i32
      %dma_wait3A_132 = tpu.memref_slice %arg12[%dma_wait3A_131] : memref<2352xf32, #tpu.memory_space<vmem>> -> memref<784xf32, #tpu.memory_space<vmem>>
      %dma_wait3A_133 = tpu.memref_slice %arg6[%multiple_of3A] : memref<75264xf32, #tpu.memory_space<hbm>> -> memref<784xf32, #tpu.memory_space<hbm>>
      %dma_wait3A_134 = tpu.memref_slice %arg6[%multiple_of3A] : memref<75264xf32, #tpu.memory_space<hbm>> -> memref<784xf32, #tpu.memory_space<hbm>>
      %dma_wait3A_135 = arith.constant 0 : i32
      %dma_wait3A_136 = tpu.memref_slice %arg12[%dma_wait3A_135] : memref<2352xf32, #tpu.memory_space<vmem>> -> memref<784xf32, #tpu.memory_space<vmem>>
      tpu.wait_dma2 semaphore(%run_scoped3A : memref<!tpu.dma_semaphore, #tpu.memory_space<semaphore_mem>>) src(%dma_wait3A_136 : memref<784xf32, #tpu.memory_space<vmem>>) dst(%dma_wait3A_134 : memref<784xf32, #tpu.memory_space<hbm>>)
      tpu.yield
    }) : () -> ()
    %add3A_119 = arith.constant 25088 : i32
    %add3A_120 = arith.addi %add3A_119, %multiple_of3A : i32
    %multiple_of3A_121 = tpu.assume_multiple %add3A_120, 784 : i32
    "tpu.region"() ({
      %run_scoped3A = tpu.sem_alloc : memref<!tpu.dma_semaphore, #tpu.memory_space<semaphore_mem>>
      %dma_start3A_125 = arith.constant 784 : i32
      %dma_start3A_126 = tpu.memref_slice %arg12[%dma_start3A_125] : memref<2352xf32, #tpu.memory_space<vmem>> -> memref<784xf32, #tpu.memory_space<vmem>>
      %dma_start3A_127 = tpu.memref_slice %arg6[%multiple_of3A_121] : memref<75264xf32, #tpu.memory_space<hbm>> -> memref<784xf32, #tpu.memory_space<hbm>>
      %dma_start3A_128 = tpu.memref_slice %arg6[%multiple_of3A_121] : memref<75264xf32, #tpu.memory_space<hbm>> -> memref<784xf32, #tpu.memory_space<hbm>>
      %dma_start3A_129 = arith.constant 784 : i32
      %dma_start3A_130 = tpu.memref_slice %arg12[%dma_start3A_129] : memref<2352xf32, #tpu.memory_space<vmem>> -> memref<784xf32, #tpu.memory_space<vmem>>
      tpu.enqueue_dma source(%dma_start3A_130 : memref<784xf32, #tpu.memory_space<vmem>>) target(%dma_start3A_128 : memref<784xf32, #tpu.memory_space<hbm>>) target_semaphore(%run_scoped3A : memref<!tpu.dma_semaphore, #tpu.memory_space<semaphore_mem>>)
      %dma_wait3A_131 = arith.constant 784 : i32
      %dma_wait3A_132 = tpu.memref_slice %arg12[%dma_wait3A_131] : memref<2352xf32, #tpu.memory_space<vmem>> -> memref<784xf32, #tpu.memory_space<vmem>>
      %dma_wait3A_133 = tpu.memref_slice %arg6[%multiple_of3A_121] : memref<75264xf32, #tpu.memory_space<hbm>> -> memref<784xf32, #tpu.memory_space<hbm>>
      %dma_wait3A_134 = tpu.memref_slice %arg6[%multiple_of3A_121] : memref<75264xf32, #tpu.memory_space<hbm>> -> memref<784xf32, #tpu.memory_space<hbm>>
      %dma_wait3A_135 = arith.constant 784 : i32
      %dma_wait3A_136 = tpu.memref_slice %arg12[%dma_wait3A_135] : memref<2352xf32, #tpu.memory_space<vmem>> -> memref<784xf32, #tpu.memory_space<vmem>>
      tpu.wait_dma2 semaphore(%run_scoped3A : memref<!tpu.dma_semaphore, #tpu.memory_space<semaphore_mem>>) src(%dma_wait3A_136 : memref<784xf32, #tpu.memory_space<vmem>>) dst(%dma_wait3A_134 : memref<784xf32, #tpu.memory_space<hbm>>)
      tpu.yield
    }) : () -> ()
    %add3A_122 = arith.constant 50176 : i32
    %add3A_123 = arith.addi %add3A_122, %multiple_of3A : i32
    %multiple_of3A_124 = tpu.assume_multiple %add3A_123, 784 : i32
    "tpu.region"() ({
      %run_scoped3A = tpu.sem_alloc : memref<!tpu.dma_semaphore, #tpu.memory_space<semaphore_mem>>
      %dma_start3A_125 = arith.constant 1568 : i32
      %dma_start3A_126 = tpu.memref_slice %arg12[%dma_start3A_125] : memref<2352xf32, #tpu.memory_space<vmem>> -> memref<784xf32, #tpu.memory_space<vmem>>
      %dma_start3A_127 = tpu.memref_slice %arg6[%multiple_of3A_124] : memref<75264xf32, #tpu.memory_space<hbm>> -> memref<784xf32, #tpu.memory_space<hbm>>
      %dma_start3A_128 = tpu.memref_slice %arg6[%multiple_of3A_124] : memref<75264xf32, #tpu.memory_space<hbm>> -> memref<784xf32, #tpu.memory_space<hbm>>
      %dma_start3A_129 = arith.constant 1568 : i32
      %dma_start3A_130 = tpu.memref_slice %arg12[%dma_start3A_129] : memref<2352xf32, #tpu.memory_space<vmem>> -> memref<784xf32, #tpu.memory_space<vmem>>
      tpu.enqueue_dma source(%dma_start3A_130 : memref<784xf32, #tpu.memory_space<vmem>>) target(%dma_start3A_128 : memref<784xf32, #tpu.memory_space<hbm>>) target_semaphore(%run_scoped3A : memref<!tpu.dma_semaphore, #tpu.memory_space<semaphore_mem>>)
      %dma_wait3A_131 = arith.constant 1568 : i32
      %dma_wait3A_132 = tpu.memref_slice %arg12[%dma_wait3A_131] : memref<2352xf32, #tpu.memory_space<vmem>> -> memref<784xf32, #tpu.memory_space<vmem>>
      %dma_wait3A_133 = tpu.memref_slice %arg6[%multiple_of3A_124] : memref<75264xf32, #tpu.memory_space<hbm>> -> memref<784xf32, #tpu.memory_space<hbm>>
      %dma_wait3A_134 = tpu.memref_slice %arg6[%multiple_of3A_124] : memref<75264xf32, #tpu.memory_space<hbm>> -> memref<784xf32, #tpu.memory_space<hbm>>
      %dma_wait3A_135 = arith.constant 1568 : i32
      %dma_wait3A_136 = tpu.memref_slice %arg12[%dma_wait3A_135] : memref<2352xf32, #tpu.memory_space<vmem>> -> memref<784xf32, #tpu.memory_space<vmem>>
      tpu.wait_dma2 semaphore(%run_scoped3A : memref<!tpu.dma_semaphore, #tpu.memory_space<semaphore_mem>>) src(%dma_wait3A_136 : memref<784xf32, #tpu.memory_space<vmem>>) dst(%dma_wait3A_134 : memref<784xf32, #tpu.memory_space<hbm>>)
      tpu.yield
    }) : () -> ()
    return
  }
}

</mosaic_0001>

<sc_bundles>
// kernel: kernel.4.cloned.1.call-start
scs
__scs_entry_jumppad:
0x0: {  	(pc) =	sbr.rel $0x88, $3  }
0x1: {  	(tag) =	ssettag $0x0;
	lr =	simm.s32 $0x1  }
0x2: {  	[smem:$0x3F9C] =	sst lr;
	_ =	strace $0xD0000000  }
0x3: {  	_ = 	snop  }
0x4: {  	_ = 	snop  }
0x5: {  	_ = 	snop  }
0x6: {  	_ = 	snop  }
0x7: {  	_ = 	snop  }
__scs_overlays_trampoline_lowered:
0x8: {  	[smem:$0x3FAB] =	sst s0  }
0x9: {  	[smem:$0x3FAC] =	sst s1  }
0xa: {  	[smem:$0x3FAD] =	sst s2  }
0xb: {  	[smem:$0x3FAE] =	sst s3  }
0xc: {  	[smem:$0x3FAF] =	sst s4  }
0xd: {  	[smem:$0x3FB0] =	sst s5  }
0xe: {  	[smem:$0x3FB1] =	sst s6  }
0xf: {  	[smem:$0x3FB2] =	sst s7  }
0x10: {  	[smem:$0x3FB3] =	sst s8  }
0x11: {  	[smem:$0x3FB4] =	sst s9;
	s0 =	simm.s32 @!p0 $0x0  }
0x12: {  	s1 =	sld [smem:$0x3F9A];
	s0 =	simm.s32 @p0 $0x1  }
0x13: {  	[smem:$0x3FB5] =	sst s0;
	s0 =	simm.s32 @!p1 $0x0  }
0x14: {  	s2 =	sld [smem:$0x3F99];
	s0 =	simm.s32 @p1 $0x1  }
0x15: {  	[smem:$0x3FB6] =	sst s0;
	s0 =	simm.s32 @!p2 $0x0  }
0x16: {  	s3 =	sld [smem:$0x3FDB];
	s0 =	simm.s32 @p2 $0x1  }
0x17: {  	s4 =	simm.s32 $0x1BF5;
	[smem:$0x3FB8] =	sst s0  }
0x18: {  	s0 =	sld [smem:$0x3F9B];
	_ =	swait.ge [sflag:s4], $0x0  }
0x19: {  	s7 =	sld [smem:$0x3F9C]  }
0x1a: {  	s8 =	sadd.s32 $0xFFFFE003, lr  }
0x1b: {  	s9 =	sadd.s32 $0xFFFFFEF7, lr;
	s5 =	simm.s32 $0xFFFFFFFF;
	p2 =	slt.u32 s8, $0xFFFFF086  }
0x1c: {  	p1 =	slt.u32 s9, $0xF7A;
	s5 =	simm.s32 @!p2 $0x0  }
0x1d: {  	s5 =	simm.s32 @p1 $0x1;
	p0 =	seq.s32 s7, s2  }
0x1e: {  	s7 =	smul.u32 @!p0 $0xF7A, s2;
	p2 =	seq.s32 @!p0 s5, $0x0  }
0x1f: {  	s9 =	smul.u32 $0xF7A, s1;
	s8 =	simm.s32 @!p0 $0x1BF5;
	p2 =	por !p2, p0  }
0x20: {  	[sflag:s8] =	ssyncset.s32 @!p0 $0xFFFFF086;
	s6 =	sadd.s32 @!p0 s3, s7;
	s7 =	simm.s32 @!p0 $0x108  }
0x21: {  	s3 =	sadd.s32 s3, s9;
	s6 =	sadd.s32 @!p0 $0x88, s6;
	s7 =	simm.s32 @p2 $0x1082  }
0x22: {  	[simem:s7], [sflag:s8] =	dma.local @!p0 [hbm:s6], $0xF7A  }
0x23: {  	s9 =	sor.u32 $0xD0000000, s2;
	s6 =	simm.s32 $0x108;
	_ =	swait.ge @!p0 [sflag:s8], $0x0  }
0x24: {  	s3 =	sadd.s32 $0x88, s3;
	s6 =	simm.s32 @!p1 $0x1082;
	[sflag:s4] =	ssyncset.s32 $0xFFFFF086  }
0x25: {  	[simem:s6], [sflag:s4] =	dma.local [hbm:s3], $0xF7A  }
0x26: {  	[smem:$0x3F9C] =	sst s1;
	(tag) =	ssettag s2;
	_ =	strace s9  }
0x27: {  	s1 =	sld [smem:$0x3FAC]  }
0x28: {  	s2 =	sld [smem:$0x3FAD]  }
0x29: {  	s4 =	sld [smem:$0x3FAF]  }
0x2a: {  	p0 =	seq.s32 s5, $0x0;
	s5 =	sld [smem:$0x3FB0]  }
0x2b: {  	s6 =	sld [smem:$0x3FB1]  }
0x2c: {  	s7 =	sld [smem:$0x3FB2]  }
0x2d: {  	s3 =	simm.s32 $0x108;
	s8 =	sld [smem:$0x3FB3]  }
0x2e: {  	s3 =	simm.s32 @!p0 $0x1082;
	s9 =	sld [smem:$0x3FB4]  }
0x2f: {  	lr =	sadd.s32 s0, s3;
	s0 =	sld [smem:$0x3FAB]  }
0x30: {  	s3 =	sld [smem:$0x3FAE]  }
0x31: {  	[smem:$0x3FB7] =	sst s10  }
0x32: {  	s10 =	sld [smem:$0x3FB5];
	_ =	sdelay $0x3  }
0x33: {  	p0 =	seq.s32 s10, $0x1;
	s10 =	sld [smem:$0x3FB7];
	_ =	sdelay $0x3  }
0x34: {  	[smem:$0x3FB7] =	sst s10  }
0x35: {  	s10 =	sld [smem:$0x3FB6];
	_ =	sdelay $0x3  }
0x36: {  	p1 =	seq.s32 s10, $0x1;
	s10 =	sld [smem:$0x3FB7];
	_ =	sdelay $0x3  }
0x37: {  	[smem:$0x3FB7] =	sst s10  }
0x38: {  	s10 =	sld [smem:$0x3FB8]  }
0x39: {  	_ = 	snop;
	(pc) =	sbr.ind lr, $3  }
0x3a: {  	_ = 	snop  }
0x3b: {  	_ = 	snop  }
0x3c: {  	p2 =	seq.s32 s10, $0x1;
	s10 =	sld [smem:$0x3FB7]  }
0x3d: {  	_ =	shalt  }
0x3e: {  	_ =	shalt  }
0x3f: {  	_ =	shalt  }
0x40: {  	_ =	shalt  }
0x41: {  	_ =	shalt  }
0x42: {  	_ =	shalt  }
0x43: {  	_ =	shalt  }
0x44: {  	_ =	shalt  }
0x45: {  	_ =	shalt  }
0x46: {  	_ =	shalt  }
0x47: {  	_ =	shalt  }
0x48: {  	_ =	shalt  }
0x49: {  	_ =	shalt  }
0x4a: {  	_ =	shalt  }
0x4b: {  	_ =	shalt  }
0x4c: {  	_ =	shalt  }
0x4d: {  	_ =	shalt  }
0x4e: {  	_ =	shalt  }
0x4f: {  	_ =	shalt  }
0x50: {  	_ =	shalt  }
0x51: {  	_ =	shalt  }
0x52: {  	_ =	shalt  }
0x53: {  	_ =	shalt  }
0x54: {  	_ =	shalt  }
0x55: {  	_ =	shalt  }
0x56: {  	_ =	shalt  }
0x57: {  	_ =	shalt  }
0x58: {  	_ =	shalt  }
0x59: {  	_ =	shalt  }
0x5a: {  	_ =	shalt  }
0x5b: {  	_ =	shalt  }
0x5c: {  	_ =	shalt  }
0x5d: {  	_ =	shalt  }
0x5e: {  	_ =	shalt  }
0x5f: {  	_ =	shalt  }
0x60: {  	_ =	shalt  }
0x61: {  	_ =	shalt  }
0x62: {  	_ =	shalt  }
0x63: {  	_ =	shalt  }
0x64: {  	_ =	shalt  }
0x65: {  	_ =	shalt  }
0x66: {  	_ =	shalt  }
0x67: {  	_ =	shalt  }
0x68: {  	_ =	shalt  }
0x69: {  	_ =	shalt  }
0x6a: {  	_ =	shalt  }
0x6b: {  	_ =	shalt  }
0x6c: {  	_ =	shalt  }
0x6d: {  	_ =	shalt  }
0x6e: {  	_ =	shalt  }
0x6f: {  	_ =	shalt  }
0x70: {  	_ =	shalt  }
0x71: {  	_ =	shalt  }
0x72: {  	_ =	shalt  }
0x73: {  	_ =	shalt  }
0x74: {  	_ =	shalt  }
0x75: {  	_ =	shalt  }
0x76: {  	_ =	shalt  }
0x77: {  	_ =	shalt  }
0x78: {  	_ =	shalt  }
0x79: {  	_ =	shalt  }
0x7a: {  	_ =	shalt  }
0x7b: {  	_ =	shalt  }
0x7c: {  	_ =	shalt  }
0x7d: {  	_ =	shalt  }
0x7e: {  	_ =	shalt  }
0x7f: {  	_ =	shalt  }
0x80: {  	_ =	shalt  }
0x81: {  	_ =	shalt  }
0x82: {  	_ =	shalt  }
0x83: {  	_ =	shalt  }
0x84: {  	_ =	shalt  }
0x85: {  	_ =	shalt  }
0x86: {  	_ =	shalt  }
0x87: {  	_ =	shalt  }
.Lfunc_end0:
.L_simem_size_0:
called_computation_lowered:
.L_overlay_start_0:
0x88: {  	s2 =	sld [smem:$0x3FD9]  }
0x89: {  	s3 =	sld [smem:$0x3FFE];
	_ =	sdelay $0x1  }
0x8a: {  	s1 =	srdreg.scid  }
0x8b: {  	s0 =	sand.u32 $0x1, s1  }
0x8c: {  	s16 =	sshll.u32 s0, $0xA;
	s2 =	sadd.s32 s3, s2  }
0x8d: {  	s2 =	sadd.s32 s2, s16  }
0x8e: {  	[smem:$0x3FC3] =	sst s2  }
0x8f: {  	_ = 	snop  }
0x90: {  	(tm) =	ssettm $0x1  }
0x91: {  	s17 =	sld [smem:$0x3FFB];
	_ =	sdelay $0x3  }
0x92: {  	_ =	strace s17  }
0x93: {  	s2 =	sld [smem:$0x3FFC];
	_ =	sdelay $0x3  }
0x94: {  	_ =	strace s2  }
0x95: {  	s2 =	sld [smem:$0x3FFD];
	_ =	sdelay $0x3  }
0x96: {  	_ =	strace s2  }
0x97: {  	_ =	strace $0x8FFFFFFF  }
0x98: {  	s18 =	sld [smem:$0x3FDB];
	_ =	sdelay $0x1  }
0x99: {  	s19 =	simm.s32 $_scs_section_size  }
0x9a: {  	s4 =	simm.s32 $_size__tile_overlayer_lowered;
	s5 =	simm.s32 $_tile_overlayer_lowered  }
0x9b: {  	s22 =	simm.s32 $0x1BFF;
	s21 =	sshll.u32 s5, $0x1;
	s2 =	sadd.s32 s19, s18  }
0x9c: {  	s6 =	simm.s32 $0x0;
	s20 =	sshll.u32 s4, $0x1;
	s4 =	sadd.s32 s21, s2  }
0x9d: {  	[timem:s6], [sflag:s22] =	dma.local [hbm:s4], s20  }
0x9e: {  	_ =	swait.ge [sflag:s22], s20  }
0x9f: {  	s3 =	ssub.s32 $0x0, s20;
	[sflag:s22] =	ssyncset.done $0x0  }
0xa0: {  	[sflag:s22] =	ssyncadd.s32 s3;
	_ =	sdelay $0x1  }
0xa1: {  	s23 =	simm.s32 $0x1B8B  }
0xa2: {  	_ =	swait.ge [sflag:s23], $0x1  }
0xa3: {  	[sflag:s23] =	ssyncset.done $0x0  }
0xa4: {  	s25 =	simm.s32 $0x1B8E;
	s24 =	sld [smem:$0x3FFE];
	[sflag:s23] =	ssyncadd.s32 $0xFFFFFFFF  }
0xa5: {  	s26 =	simm.s32 $execute0_lowered;
	[smem:$0x3FD2] =	sst s25  }
0xa6: {  	s4 =	sshll.u32 s26, $0x1;
	_ =	strace $0x80000046;
	[dreg:$0x1] =	wrdreg $0xFFFFFFFF  }
0xa7: {  	s28 =	simm.s32 $_size_execute0_lowered;
	s2 =	sadd.s32 s2, s4;
	[dreg:$0x0] =	wrdreg $0x0  }
0xa8: {  	s4 =	sshll.u32 s28, $0x1;
	[dreg:$0x2] =	wrdreg s2  }
0xa9: {  	[dreg:$0x3] =	wrdreg s4  }
0xaa: {  	[dreg:$0x4] =	wrdreg $0xC0  }
0xab: {  	_ =	task [dreg:s6], $0x5FFFF  }
0xac: {  	[dreg:$0x1] =	wrdreg $0xFFFFFFFF  }
0xad: {  	[dreg:$0x0] =	wrdreg $0x60  }
0xae: {  	[dreg:$0x2] =	wrdreg s24  }
0xaf: {  	[dreg:$0x3] =	wrdreg $0x167C00  }
0xb0: {  	[dreg:$0x4] =	wrdreg $0x9  }
0xb1: {  	_ =	task.clear_ibuf [dreg:s6], $0x5FFFF;
	_ =	strace $0x90000046  }
0xb2: {  	s29 =	simm.s32 $0x9;
	_ =	strace $0x80000048  }
0xb3: {  	_ =	swait.ge [sflag:s29], $0x1  }
0xb4: {  	[sflag:s29] =	ssyncadd.s32 $0xFFFFFFFF  }
0xb5: {  	_ =	strace $0x90000048  }
0xb6: {  	_ =	sfence  }
0xb7: {  	s30 =	sld [smem:$0x0];
	_ =	sdelay $0x2  }
0xb8: {  	s31 =	sshll.u32 s1, $0xD;
	s1 =	sshrl.u32 s1, $0x2  }
0xb9: {  	s3 =	sand.u32 $0x4000, s31;
	s1 =	sadd.s32 s1, s30  }
0xba: {  	s0 =	sor.u32 s3, s0;
	s1 =	sshll.u32 s1, $0x11  }
0xbb: {  	s0 =	sor.u32 s1, s0  }
0xbc: {  	s0 =	sadd.s32 $0x8F2B, s0  }
0xbd: {  	[sflag:s0] =	ssyncadd.remote.s32 $0x1  }
0xbe: {  	_ =	sfence.sel $0xFFFF  }
0xbf: {  	[dreg:$0x0] =	wrdreg $0xFFFFFFFF;
	(pc) =	sbr.abs _section_cstart, $3  }
0xc0: {  	[dreg:$0x1] =	wrdreg $0xFFFFFFFF  }
0xc1: {  	_ =	task.clear_ibuf [dreg:s6], $0x2FFFF;
	_ =	strace $0x9FFFFFFF  }
0xc2: {  	(tm) =	ssettm $0x7FFFFFFF  }
0xc3: {  	_ =	shalt  }
tec
execute0_lowered:
.L_overlay_start_1:
0x0: {  	(tag) =	ssettag $0x1  }
0x1: {  	s0 =	rddreg [dreg:$0x0]  }
0x2: {  	s1 =	rddreg [dreg:$0x1];
	s23 =	simm.s32 $0x0;
	s2 =	srdreg.scid  }
0x3: {  	s9 =	stileid.u32;
	s12 =	simm.s32 $0x6DC0;
	s14 =	simm.s32 $0x1  }
0x4: {  	s18 =	simm.s32 $0x5DC0;
	s19 =	simm.s32 $0x7D;
	s24 =	simm.s32 $0x140B0  }
0x5: {  	s13 =	simm.s32 $0x14880;
	s15 =	simm.s32 $0x15050;
	s16 =	simm.s32 $0x6CC0  }
0x6: {  	s17 =	simm.s32 $0x15820;
	s20 =	simm.s32 $0x6D40;
	s21 =	simm.s32 $0x15FF0  }
0x7: {  	s22 =	simm.s32 $0x2;
	[smem:$0x7FF] =	sst s23;
	s3 =	sadd.s32 $0x2F200, s0  }
0x8: {  	s2 =	sand.u32 $0x1, s2;
	s5 =	sadd.s32 $0x1400, s0;
	s6 =	sadd.s32 $0x5D000, s0  }
0x9: {  	s11 =	smul.u32 $0x6200, s9;
	_ =	strace $0x80000047;
	s7 =	ssub.s32 $0x2, s2  }
0xa: {  	s4 =	smul.u32 $0xC400, s2;
	s2 =	sshll.u32 s2, $0x4;
	s8 =	sshrl.u32 s7, $0x1  }
0xb: {  	s2 =	sor.u32 s9, s2;
	s26 =	sadd.s32 s11, s1;
	s31 =	sshrl.u32 s11, $0x3  }
0xc: {  	s11 =	simm.s32 $0x6B40;
	s0 =	sadd.s32 s4, s0;
	s29 =	ssub.s32 s7, s8  }
0xd: {  	s30 =	smul.u32 $0x3E80, s2;
	p0 =	slt.u32 s2, $0x1D;
	s8 =	simm.s32 $0x4  }
0xe: {  	s9 =	smax.u32 s2, $0x1D;
	s7 =	simm.s32 $0x6BC0;
	s2 =	simm.s32 $0x6C40  }
0xf: {  	[dreg:$0x4] =	wrdreg s26;
	s0 =	sadd.s32 $0x6CA00, s0;
	s4 =	smax.u32 s29, $0x1  }
0x10: {  	v1 =	vlaneseq.u32;
	s8 =	simm.s32 @!p0 $0x3;
	[dreg:$0x5] =	wrdreg s4;
	s0 =	sadd.s32 s31, s0  }
0x11: {  	v0 =	vimm.f32 $0.0e+00;
	v2 =	vimm.f32 $1.000000000e+00;
	v1 =	vmul.u32 $0x10, v1;
	s10 =	sadd.s32 $0x1C520, s30;
	s4 =	simm.s32 $0x3;
	[dreg:$0x6] =	wrdreg s0  }
.LBB2_1:
0x12: {  	[dreg:$0x3] =	wrdreg s23;
	s23 =	simm.s32 $0x40;
	s25 =	simm.s32 $0x0  }
.LBB2_2:
0x13: {  	p0 =	sne.s32 s23, $0x187C0;
	[tilespmem:s25+$0x6DC0] =	vst v0;
	s25 =	smov.u32 s23;
	s23 =	sadd.s32 $0x40, s23  }
.Ltmp0:
0x14: {  	(pc) =	sbr.rel @p0 .LBB2_2-.Ltmp0, $2  }
0x15: {  	_ =	sdelay $0x2  }
0x16: {  	s25 =	sshra.s32 s25, $0x2  }
0x17: {  	[tilespmem:s25+$0x6DC0] =	vst v0;
	s23 =	simm.s32 $0x0  }
0x18: {  	[spmem:s26] =	stream.linear.scatter [tilespmem:s12], [sflag:$0x3], $0x6200, $0x38;
	[tilespmem:$0x1C9C0] =	vst v63  }
0x19: {  	v3 =	vmov s23;
	_ =	swait.ge [sflag:s4], $0x6200  }
0x1a: {  	v3 =	vshll.u32 v3, $0x4;
	[sflag:s4] =	ssyncset.done $0x0  }
0x1b: {  	s23 =	simm.s32 $0x10;
	v3 =	vor.u32 v1, v3;
	[sflag:s4] =	ssyncadd.s32 $0xFFFF9E00  }
.LBB2_4:
0x1c: {  	p0 =	sne.s32 s23, $0xF90  }
.Ltmp1:
0x1d: {  	_ = 	snop;
	(pc) =	sbr.rel @p0 .LBB2_4-.Ltmp1, $4  }
0x1e: {  	_ = 	snop  }
0x1f: {  	v4 =	vmov s23;
	s23 =	sadd.s32 $0x10, s23  }
0x20: {  	v4 =	vshll.u32 v4, $0x4;
	[tilespmem:v3+s12+$0x0] =	vst.idx.msk $0xffff, v2  }
0x21: {  	v3 =	vor.u32 v1, v4  }
0x22: {  	_ =	sdelay $0x3  }
0x23: {  	[tilespmem:v3+s12+$0x0] =	vst.idx.msk $0xffff, v2  }
0x24: {  	s23 =	simm.s32 $0x0;
	s25 =	simm.s32 $0x0;
	[bflag:$0x0] =	sbarrier.arrive $0xFFFF  }
.LBB2_6:
0x25: {  	s26 =	ssub.s32 s25, s9  }
0x26: {  	s26 =	smul.u32 $0xFA0, s26;
	_ =	sdelay $0x1  }
0x27: {  	s29 =	sadd.s32 s26, s10  }
0x28: {  	s26 =	sshrl.u32 s29, $0x3;
	s28 =	smulhi.u32 $0x10624DD3, s29;
	s30 =	sshra.s32 s29, $0x1F  }
0x29: {  	s0 =	simm.s32 $0x2EE0;
	s31 =	sadd.s32 s3, s26;
	s30 =	smul.u32 $0x10624DD3, s30  }
0x2a: {  	[tilespmem:s23], [sflag:$0x1] =	stream.linear.gather [hbm4b:s31+s23], $0xFA0, $0x38;
	[tilespmem:$0x1C9C0] =	vst v63  }
0x2b: {  	s26 =	sadd.s32 s5, s26;
	s31 =	sadd.s32 s30, s28;
	s28 =	sadd.s32 $0x7A120, s29  }
0x2c: {  	[tilespmem:s0], [sflag:$0x1] =	stream.linear.gather [hbm4b:s26+s23], $0xFA0, $0x38;
	[tilespmem:$0x1C9C0] =	vst v63  }
0x2d: {  	s30 =	sshrl.u32 s31, $0x1F;
	s26 =	sshra.s32 s31, $0x3;
	s28 =	sshrl.u32 s28, $0x3  }
0x2e: {  	s30 =	sadd.s32 s30, s26;
	s0 =	sadd.s32 s3, s28;
	s26 =	simm.s32 $0xFA0  }
0x2f: {  	[tilespmem:s26], [sflag:$0x1] =	stream.linear.gather [hbm4b:s0+s23], $0xFA0, $0x38;
	[tilespmem:$0x1C9C0] =	vst v63  }
0x30: {  	s4 =	sadd.s32 s5, s28;
	s28 =	simm.s32 $0x3E80;
	s31 =	smul.u32 $0xFFFFFF83, s30  }
0x31: {  	[tilespmem:s28], [sflag:$0x1] =	stream.linear.gather [hbm4b:s4+s23], $0xFA0, $0x38;
	[tilespmem:$0x1C9C0] =	vst v63  }
0x32: {  	s0 =	ssub.s32 $0x0, s29;
	s4 =	sadd.s32 $0xF4240, s29  }
0x33: {  	p1 =	slt.s32 s29, $0x1;
	p0 =	sne.s32 s31, s0;
	s31 =	sshrl.u32 s4, $0x3  }
0x34: {  	s29 =	simm.s32 $0x1F40;
	p0 =	por !p1, !p0;
	s4 =	sadd.s32 s3, s31  }
0x35: {  	[tilespmem:s29], [sflag:$0x1] =	stream.linear.gather [hbm4b:s4+s23], $0xFA0, $0x38;
	[tilespmem:$0x1C9C0] =	vst v63  }
0x36: {  	p0 =	por !p0, !p0;
	s4 =	simm.s32 $0x1  }
0x37: {  	s4 =	simm.s32 @!p0 $0x0  }
0x38: {  	s0 =	sadd.s32 s5, s31;
	s29 =	simm.s32 $0x4E20;
	s4 =	ssub.s32 s30, s4  }
0x39: {  	[tilespmem:s29], [sflag:$0x1] =	stream.linear.gather [hbm4b:s0+s23], $0xFA0, $0x38;
	[tilespmem:$0x1C9C0] =	vst v63  }
0x3a: {  	s31 =	sshll.u32 s4, $0x4  }
0x3b: {  	s0 =	sand.u32 $0x1FFFFE00, s31  }
0x3c: {  	s0 =	sadd.s32 s6, s0  }
0x3d: {  	[tilespmem:s18], [sflag:$0x1] =	stream.linear.gather [hbm4b:s0+s23], $0x1000, $0x38;
	[tilespmem:$0x1C9C0] =	vst v63  }
0x3e: {  	_ =	swait.ge [sflag:s14], $0xFA0  }
0x3f: {  	[sflag:s14] =	ssyncset.done $0x0  }
0x40: {  	[sflag:s14] =	ssyncadd.s32 $0xFFFFF060  }
0x41: {  	_ =	swait.ge [sflag:s14], $0xFA0  }
0x42: {  	[sflag:s14] =	ssyncset.done $0x0  }
0x43: {  	[sflag:s14] =	ssyncadd.s32 $0xFFFFF060  }
0x44: {  	_ =	swait.ge [sflag:s14], $0xFA0  }
0x45: {  	[sflag:s14] =	ssyncset.done $0x0  }
0x46: {  	[sflag:s14] =	ssyncadd.s32 $0xFFFFF060  }
0x47: {  	_ =	swait.ge [sflag:s14], $0xFA0  }
0x48: {  	[sflag:s14] =	ssyncset.done $0x0  }
0x49: {  	[sflag:s14] =	ssyncadd.s32 $0xFFFFF060  }
0x4a: {  	_ =	swait.ge [sflag:s14], $0xFA0  }
0x4b: {  	[sflag:s14] =	ssyncset.done $0x0  }
0x4c: {  	[sflag:s14] =	ssyncadd.s32 $0xFFFFF060  }
0x4d: {  	_ =	swait.ge [sflag:s14], $0xFA0  }
0x4e: {  	[sflag:s14] =	ssyncset.done $0x0  }
0x4f: {  	[sflag:s14] =	ssyncadd.s32 $0xFFFFF060  }
0x50: {  	_ =	swait.ge [sflag:s14], $0x1000  }
0x51: {  	[sflag:s14] =	ssyncset.done $0x0  }
0x52: {  	v3 =	vmov s23;
	[sflag:s14] =	ssyncadd.s32 $0xFFFFF000  }
0x53: {  	v3 =	vshll.u32 v3, $0x4;
	v7 =	vld [tilespmem:s26+$0xFFFFF060]  }
0x54: {  	v3 =	vor.u32 v1, v3;
	v8 =	vld [tilespmem:s26+$0x0]  }
0x55: {  	v9 =	vor.u32 $0x1, v3;
	v10 =	vld [tilespmem:s26+$0xFA0]  }
0x56: {  	v11 =	vor.u32 $0x2, v3;
	v6 =	vld [tilespmem:s28+$0x0]  }
0x57: {  	v12 =	vor.u32 $0x3, v3;
	v4 =	vld [tilespmem:s28+$0xFA0]  }
0x58: {  	v14 =	vor.u32 $0x4, v3;
	v5 =	vld [tilespmem:s28+$0xFFFFF060]  }
0x59: {  	v15 =	vor.u32 $0x5, v3  }
0x5a: {  	v17 =	vor.u32 $0x6, v3;
	[tilespmem:v9+s12+$0x0] =	vst.idx.msk $0xffff, v7  }
0x5b: {  	v16 =	vmul.f32 v6, v10;
	v9 =	vor.u32 $0x7, v3;
	[tilespmem:v11+s12+$0x0] =	vst.idx.msk $0xffff, v8  }
0x5c: {  	v18 =	vmul.f32 v4, v8;
	v19 =	vmul.f32 v4, v7;
	v11 =	vor.u32 $0x8, v3;
	[tilespmem:v12+s12+$0x0] =	vst.idx.msk $0xffff, v10  }
0x5d: {  	v20 =	vmul.f32 v5, v10;
	v13 =	vmul.f32 v5, v8;
	v10 =	vor.u32 $0x9, v3;
	[tilespmem:v14+s12+$0x0] =	vst.idx.msk $0xffff, v5  }
0x5e: {  	v12 =	vor.u32 $0xA, v3;
	v14 =	vsub.f32 v16, v18;
	v16 =	vmul.f32 v6, v7;
	[tilespmem:v15+s12+$0x0] =	vst.idx.msk $0xffff, v6  }
0x5f: {  	s29 =	simm.s32 $0x10;
	v8 =	vor.u32 $0xB, v3;
	v7 =	vmov v6;
	v15 =	vsub.f32 v19, v20;
	[tilespmem:v17+s12+$0x0] =	vst.idx.msk $0xffff, v4  }
.LBB2_7:
0x60: {  	p0 =	sne.s32 s29, $0x7C0;
	v13 =	vsub.f32 v13, v16;
	[tilespmem:v9+s12+$0x0] =	vst.idx.msk $0xffff, v14;
	v9 =	vor.u32 $0xC, v3  }
0x61: {  	v14 =	vmov s29;
	v16 =	vmul.f32 v5, v5;
	s26 =	sadd.s32 $0x10, s26;
	[tilespmem:v11+s12+$0x0] =	vst.idx.msk $0xffff, v15;
	v11 =	vor.u32 $0xD, v3  }
0x62: {  	v7 =	vmul.f32 v7, v6;
	v14 =	vshll.u32 v14, $0x4;
	v15 =	vld [tilespmem:s26+$0xFFFFF060];
	[tilespmem:v10+s12+$0x0] =	vst.idx.msk $0xffff, v13;
	v10 =	vor.u32 $0xE, v3  }
0x63: {  	v17 =	vmul.f32 v4, v4;
	v13 =	vld [tilespmem:s26+$0x0];
	[tilespmem:v12+s12+$0x0] =	vst.idx.msk $0xffff, v16;
	v12 =	vor.u32 $0xF, v3;
	v3 =	vor.u32 v1, v14  }
0x64: {  	v18 =	vmul.f32 v6, v5;
	s28 =	sadd.s32 $0x10, s28;
	v14 =	vld [tilespmem:s26+$0xFA0];
	v16 =	vor.u32 $0x1, v3;
	[tilespmem:v8+s12+$0x0] =	vst.idx.msk $0xffff, v7  }
0x65: {  	v19 =	vmul.f32 v4, v5;
	v8 =	vor.u32 $0x2, v3;
	v7 =	vld [tilespmem:s28+$0x0];
	[tilespmem:v9+s12+$0x0] =	vst.idx.msk $0xffff, v17  }
0x66: {  	v6 =	vmul.f32 v4, v6;
	v17 =	vor.u32 $0x3, v3;
	v4 =	vld [tilespmem:s28+$0xFA0];
	[tilespmem:v11+s12+$0x0] =	vst.idx.msk $0xffff, v18  }
0x67: {  	v18 =	vor.u32 $0x4, v3;
	v5 =	vld [tilespmem:s28+$0xFFFFF060];
	[tilespmem:v10+s12+$0x0] =	vst.idx.msk $0xffff, v19  }
0x68: {  	v19 =	vor.u32 $0x5, v3;
	[tilespmem:v12+s12+$0x0] =	vst.idx.msk $0xffff, v6  }
0x69: {  	v20 =	vor.u32 $0x6, v3;
	[tilespmem:v16+s12+$0x0] =	vst.idx.msk $0xffff, v15  }
.Ltmp2:
0x6a: {  	v9 =	vor.u32 $0x7, v3;
	v12 =	vmul.f32 v7, v14;
	[tilespmem:v8+s12+$0x0] =	vst.idx.msk $0xffff, v13;
	v6 =	vmov v7;
	(pc) =	sbr.rel @p0 .LBB2_7-.Ltmp2, $4  }
0x6b: {  	v11 =	vor.u32 $0x8, v3;
	v8 =	vmul.f32 v4, v13;
	v21 =	vmul.f32 v4, v15;
	[tilespmem:v17+s12+$0x0] =	vst.idx.msk $0xffff, v14  }
0x6c: {  	v10 =	vor.u32 $0x9, v3;
	v17 =	vmul.f32 v5, v14;
	v13 =	vmul.f32 v5, v13;
	[tilespmem:v18+s12+$0x0] =	vst.idx.msk $0xffff, v5  }
0x6d: {  	v16 =	vmul.f32 v6, v15;
	v14 =	vsub.f32 v12, v8;
	[tilespmem:v19+s12+$0x0] =	vst.idx.msk $0xffff, v6;
	v12 =	vor.u32 $0xA, v3  }
0x6e: {  	s29 =	sadd.s32 $0x10, s29;
	v8 =	vor.u32 $0xB, v3;
	v15 =	vsub.f32 v21, v17;
	[tilespmem:v20+s12+$0x0] =	vst.idx.msk $0xffff, v4  }
0x6f: {  	_ =	sdelay $0x3  }
0x70: {  	v13 =	vsub.f32 v13, v16;
	[tilespmem:v9+s12+$0x0] =	vst.idx.msk $0xffff, v14;
	v9 =	vor.u32 $0xC, v3  }
0x71: {  	v14 =	vmul.f32 v5, v5;
	[tilespmem:v11+s12+$0x0] =	vst.idx.msk $0xffff, v15;
	v11 =	vor.u32 $0xD, v3  }
0x72: {  	v7 =	vmul.f32 v7, v6;
	[tilespmem:v10+s12+$0x0] =	vst.idx.msk $0xffff, v13;
	v10 =	vor.u32 $0xE, v3  }
0x73: {  	v13 =	vmul.f32 v4, v4;
	v3 =	vor.u32 $0xF, v3;
	[tilespmem:v12+s12+$0x0] =	vst.idx.msk $0xffff, v14  }
0x74: {  	v12 =	vmul.f32 v6, v5;
	[tilespmem:v8+s12+$0x0] =	vst.idx.msk $0xffff, v7  }
0x75: {  	v5 =	vmul.f32 v4, v5;
	[tilespmem:v9+s12+$0x0] =	vst.idx.msk $0xffff, v13  }
0x76: {  	v4 =	vmul.f32 v4, v6;
	[tilespmem:v11+s12+$0x0] =	vst.idx.msk $0xffff, v12  }
0x77: {  	[tilespmem:v10+s12+$0x0] =	vst.idx.msk $0xffff, v5  }
0x78: {  	[tilespmem:v3+s12+$0x0] =	vst.idx.msk $0xffff, v4  }
0x79: {  	[spmem:s1] =	stream.indirect.scatter.add.f32 [tilespmem:s12], [sflag:$0x2], $0x10, s18, s19, $0xb8;
	[tilespmem:$0x1C9C0] =	vst v63  }
0x7a: {  	s0 =	simm.s32 $0x5E40;
	s4 =	simm.s32 $0x7590  }
0x7b: {  	[spmem:s1] =	stream.indirect.scatter.add.f32 [tilespmem:s4], [sflag:$0x2], $0x10, s0, s19, $0xb8;
	[tilespmem:$0x1C9C0] =	vst v63  }
0x7c: {  	s30 =	simm.s32 $0x5EC0;
	s31 =	simm.s32 $0x7D60  }
0x7d: {  	[spmem:s1] =	stream.indirect.scatter.add.f32 [tilespmem:s31], [sflag:$0x2], $0x10, s30, s19, $0xb8;
	[tilespmem:$0x1C9C0] =	vst v63  }
0x7e: {  	s26 =	simm.s32 $0x8530;
	s4 =	simm.s32 $0x5F40  }
0x7f: {  	[spmem:s1] =	stream.indirect.scatter.add.f32 [tilespmem:s26], [sflag:$0x2], $0x10, s4, s19, $0xb8;
	[tilespmem:$0x1C9C0] =	vst v63  }
0x80: {  	s30 =	simm.s32 $0x5FC0;
	s31 =	simm.s32 $0x8D00  }
0x81: {  	[spmem:s1] =	stream.indirect.scatter.add.f32 [tilespmem:s31], [sflag:$0x2], $0x10, s30, s19, $0xb8;
	[tilespmem:$0x1C9C0] =	vst v63  }
0x82: {  	s4 =	simm.s32 $0x6040;
	s26 =	simm.s32 $0x94D0  }
0x83: {  	[spmem:s1] =	stream.indirect.scatter.add.f32 [tilespmem:s26], [sflag:$0x2], $0x10, s4, s19, $0xb8;
	[tilespmem:$0x1C9C0] =	vst v63  }
0x84: {  	s30 =	simm.s32 $0x60C0;
	s31 =	simm.s32 $0x9CA0  }
0x85: {  	[spmem:s1] =	stream.indirect.scatter.add.f32 [tilespmem:s31], [sflag:$0x2], $0x10, s30, s19, $0xb8;
	[tilespmem:$0x1C9C0] =	vst v63  }
0x86: {  	s4 =	simm.s32 $0x6140;
	s26 =	simm.s32 $0xA470  }
0x87: {  	[spmem:s1] =	stream.indirect.scatter.add.f32 [tilespmem:s26], [sflag:$0x2], $0x10, s4, s19, $0xb8;
	[tilespmem:$0x1C9C0] =	vst v63  }
0x88: {  	s30 =	simm.s32 $0x61C0;
	s31 =	simm.s32 $0xAC40  }
0x89: {  	[spmem:s1] =	stream.indirect.scatter.add.f32 [tilespmem:s31], [sflag:$0x2], $0x10, s30, s19, $0xb8;
	[tilespmem:$0x1C9C0] =	vst v63  }
0x8a: {  	s4 =	simm.s32 $0x6240;
	s26 =	simm.s32 $0xB410  }
0x8b: {  	[spmem:s1] =	stream.indirect.scatter.add.f32 [tilespmem:s26], [sflag:$0x2], $0x10, s4, s19, $0xb8;
	[tilespmem:$0x1C9C0] =	vst v63  }
0x8c: {  	s30 =	simm.s32 $0x62C0;
	s31 =	simm.s32 $0xBBE0  }
0x8d: {  	[spmem:s1] =	stream.indirect.scatter.add.f32 [tilespmem:s31], [sflag:$0x2], $0x10, s30, s19, $0xb8;
	[tilespmem:$0x1C9C0] =	vst v63  }
0x8e: {  	s4 =	simm.s32 $0x6340;
	s26 =	simm.s32 $0xC3B0  }
0x8f: {  	[spmem:s1] =	stream.indirect.scatter.add.f32 [tilespmem:s26], [sflag:$0x2], $0x10, s4, s19, $0xb8;
	[tilespmem:$0x1C9C0] =	vst v63  }
0x90: {  	s30 =	simm.s32 $0x63C0;
	s31 =	simm.s32 $0xCB80  }
0x91: {  	[spmem:s1] =	stream.indirect.scatter.add.f32 [tilespmem:s31], [sflag:$0x2], $0x10, s30, s19, $0xb8;
	[tilespmem:$0x1C9C0] =	vst v63  }
0x92: {  	s4 =	simm.s32 $0x6440;
	s26 =	simm.s32 $0xD350  }
0x93: {  	[spmem:s1] =	stream.indirect.scatter.add.f32 [tilespmem:s26], [sflag:$0x2], $0x10, s4, s19, $0xb8;
	[tilespmem:$0x1C9C0] =	vst v63  }
0x94: {  	s30 =	simm.s32 $0x64C0;
	s31 =	simm.s32 $0xDB20  }
0x95: {  	[spmem:s1] =	stream.indirect.scatter.add.f32 [tilespmem:s31], [sflag:$0x2], $0x10, s30, s19, $0xb8;
	[tilespmem:$0x1C9C0] =	vst v63  }
0x96: {  	s26 =	simm.s32 $0x6540;
	s30 =	simm.s32 $0xE2F0;
	s31 =	simm.s32 $0x7D0  }
0x97: {  	[spmem:s1] =	stream.indirect.scatter.add.f32 [tilespmem:s30], [sflag:$0x2], $0x10, s26, s19, $0xb8;
	[tilespmem:$0x1C9C0] =	vst v63  }
0x98: {  	v3 =	vmov s31;
	s26 =	simm.s32 $0x1770  }
0x99: {  	v3 =	vshll.u32 v3, $0x4;
	v7 =	vld [tilespmem:s26+$0xFFFFF060]  }
0x9a: {  	v8 =	vld [tilespmem:s26+$0x0];
	v3 =	vor.u32 v1, v3  }
0x9b: {  	s28 =	simm.s32 $0x4650;
	v10 =	vld [tilespmem:s26+$0xFA0];
	v9 =	vor.u32 $0x1, v3  }
0x9c: {  	v6 =	vld [tilespmem:s28+$0x0];
	v11 =	vor.u32 $0x2, v3  }
0x9d: {  	v4 =	vld [tilespmem:s28+$0xFA0];
	v12 =	vor.u32 $0x3, v3  }
0x9e: {  	v5 =	vld [tilespmem:s28+$0xFFFFF060];
	v14 =	vor.u32 $0x4, v3  }
0x9f: {  	v15 =	vor.u32 $0x5, v3  }
0xa0: {  	v17 =	vor.u32 $0x6, v3;
	[tilespmem:v9+s12+$0x0] =	vst.idx.msk $0xffff, v7  }
0xa1: {  	v16 =	vmul.f32 v6, v10;
	v9 =	vor.u32 $0x7, v3;
	[tilespmem:v11+s12+$0x0] =	vst.idx.msk $0xffff, v8  }
0xa2: {  	v18 =	vmul.f32 v4, v8;
	v19 =	vmul.f32 v4, v7;
	v11 =	vor.u32 $0x8, v3;
	[tilespmem:v12+s12+$0x0] =	vst.idx.msk $0xffff, v10  }
0xa3: {  	v20 =	vmul.f32 v5, v10;
	v13 =	vmul.f32 v5, v8;
	v10 =	vor.u32 $0x9, v3;
	[tilespmem:v14+s12+$0x0] =	vst.idx.msk $0xffff, v5  }
0xa4: {  	v12 =	vor.u32 $0xA, v3;
	v14 =	vsub.f32 v16, v18;
	v16 =	vmul.f32 v6, v7;
	[tilespmem:v15+s12+$0x0] =	vst.idx.msk $0xffff, v6  }
0xa5: {  	s29 =	simm.s32 $0x7E0;
	v8 =	vor.u32 $0xB, v3;
	v7 =	vmov v6;
	v15 =	vsub.f32 v19, v20;
	[tilespmem:v17+s12+$0x0] =	vst.idx.msk $0xffff, v4  }
.LBB2_9:
0xa6: {  	p0 =	sne.s32 s29, $0xF90;
	v13 =	vsub.f32 v13, v16;
	[tilespmem:v9+s12+$0x0] =	vst.idx.msk $0xffff, v14;
	v9 =	vor.u32 $0xC, v3  }
0xa7: {  	v14 =	vmov s29;
	v16 =	vmul.f32 v5, v5;
	s26 =	sadd.s32 $0x10, s26;
	[tilespmem:v11+s12+$0x0] =	vst.idx.msk $0xffff, v15;
	v11 =	vor.u32 $0xD, v3  }
0xa8: {  	v7 =	vmul.f32 v7, v6;
	v14 =	vshll.u32 v14, $0x4;
	v15 =	vld [tilespmem:s26+$0xFFFFF060];
	[tilespmem:v10+s12+$0x0] =	vst.idx.msk $0xffff, v13;
	v10 =	vor.u32 $0xE, v3  }
0xa9: {  	v17 =	vmul.f32 v4, v4;
	v13 =	vld [tilespmem:s26+$0x0];
	[tilespmem:v12+s12+$0x0] =	vst.idx.msk $0xffff, v16;
	v12 =	vor.u32 $0xF, v3;
	v3 =	vor.u32 v1, v14  }
0xaa: {  	v18 =	vmul.f32 v6, v5;
	s28 =	sadd.s32 $0x10, s28;
	v14 =	vld [tilespmem:s26+$0xFA0];
	v16 =	vor.u32 $0x1, v3;
	[tilespmem:v8+s12+$0x0] =	vst.idx.msk $0xffff, v7  }
0xab: {  	v19 =	vmul.f32 v4, v5;
	v8 =	vor.u32 $0x2, v3;
	v7 =	vld [tilespmem:s28+$0x0];
	[tilespmem:v9+s12+$0x0] =	vst.idx.msk $0xffff, v17  }
0xac: {  	v6 =	vmul.f32 v4, v6;
	v17 =	vor.u32 $0x3, v3;
	v4 =	vld [tilespmem:s28+$0xFA0];
	[tilespmem:v11+s12+$0x0] =	vst.idx.msk $0xffff, v18  }
0xad: {  	v18 =	vor.u32 $0x4, v3;
	v5 =	vld [tilespmem:s28+$0xFFFFF060];
	[tilespmem:v10+s12+$0x0] =	vst.idx.msk $0xffff, v19  }
0xae: {  	v19 =	vor.u32 $0x5, v3;
	[tilespmem:v12+s12+$0x0] =	vst.idx.msk $0xffff, v6  }
0xaf: {  	v20 =	vor.u32 $0x6, v3;
	[tilespmem:v16+s12+$0x0] =	vst.idx.msk $0xffff, v15  }
.Ltmp3:
0xb0: {  	v9 =	vor.u32 $0x7, v3;
	v12 =	vmul.f32 v7, v14;
	[tilespmem:v8+s12+$0x0] =	vst.idx.msk $0xffff, v13;
	v6 =	vmov v7;
	(pc) =	sbr.rel @p0 .LBB2_9-.Ltmp3, $4  }
0xb1: {  	v11 =	vor.u32 $0x8, v3;
	v8 =	vmul.f32 v4, v13;
	v21 =	vmul.f32 v4, v15;
	[tilespmem:v17+s12+$0x0] =	vst.idx.msk $0xffff, v14  }
0xb2: {  	v10 =	vor.u32 $0x9, v3;
	v17 =	vmul.f32 v5, v14;
	v13 =	vmul.f32 v5, v13;
	[tilespmem:v18+s12+$0x0] =	vst.idx.msk $0xffff, v5  }
0xb3: {  	v16 =	vmul.f32 v6, v15;
	v14 =	vsub.f32 v12, v8;
	[tilespmem:v19+s12+$0x0] =	vst.idx.msk $0xffff, v6;
	v12 =	vor.u32 $0xA, v3  }
0xb4: {  	s29 =	sadd.s32 $0x10, s29;
	v8 =	vor.u32 $0xB, v3;
	v15 =	vsub.f32 v21, v17;
	[tilespmem:v20+s12+$0x0] =	vst.idx.msk $0xffff, v4  }
0xb5: {  	_ =	sdelay $0x3  }
0xb6: {  	v13 =	vsub.f32 v13, v16;
	[tilespmem:v9+s12+$0x0] =	vst.idx.msk $0xffff, v14;
	v56 =	vor.u32 $0xC, v3  }
0xb7: {  	v57 =	vmul.f32 v5, v5;
	v58 =	vor.u32 $0xD, v3;
	[tilespmem:v11+s12+$0x0] =	vst.idx.msk $0xffff, v15  }
0xb8: {  	v7 =	vmul.f32 v7, v6;
	v59 =	vor.u32 $0xE, v3;
	[tilespmem:v10+s12+$0x0] =	vst.idx.msk $0xffff, v13  }
0xb9: {  	v60 =	vmul.f32 v4, v4;
	v3 =	vor.u32 $0xF, v3;
	[tilespmem:v12+s12+$0x0] =	vst.idx.msk $0xffff, v57  }
0xba: {  	v61 =	vmul.f32 v6, v5;
	[tilespmem:v8+s12+$0x0] =	vst.idx.msk $0xffff, v7  }
0xbb: {  	v62 =	vmul.f32 v4, v5;
	[tilespmem:v56+s12+$0x0] =	vst.idx.msk $0xffff, v60  }
0xbc: {  	v63 =	vmul.f32 v4, v6;
	[tilespmem:v58+s12+$0x0] =	vst.idx.msk $0xffff, v61  }
0xbd: {  	[tilespmem:v59+s12+$0x0] =	vst.idx.msk $0xffff, v62  }
0xbe: {  	s0 =	simm.s32 $0x65C0;
	s4 =	simm.s32 $0xEAC0;
	[tilespmem:v3+s12+$0x0] =	vst.idx.msk $0xffff, v63  }
0xbf: {  	[spmem:s1] =	stream.indirect.scatter.add.f32 [tilespmem:s4], [sflag:$0x2], $0x10, s0, s19, $0xb8;
	[tilespmem:$0x1C9C0] =	vst v63  }
0xc0: {  	s30 =	simm.s32 $0x6640;
	s31 =	simm.s32 $0xF290  }
0xc1: {  	[spmem:s1] =	stream.indirect.scatter.add.f32 [tilespmem:s31], [sflag:$0x2], $0x10, s30, s19, $0xb8;
	[tilespmem:$0x1C9C0] =	vst v63  }
0xc2: {  	s26 =	simm.s32 $0xFA60;
	s4 =	simm.s32 $0x66C0  }
0xc3: {  	[spmem:s1] =	stream.indirect.scatter.add.f32 [tilespmem:s26], [sflag:$0x2], $0x10, s4, s19, $0xb8;
	[tilespmem:$0x1C9C0] =	vst v63  }
0xc4: {  	s28 =	simm.s32 $0x6740;
	s29 =	simm.s32 $0x10230  }
0xc5: {  	[spmem:s1] =	stream.indirect.scatter.add.f32 [tilespmem:s29], [sflag:$0x2], $0x10, s28, s19, $0xb8;
	[tilespmem:$0x1C9C0] =	vst v63  }
0xc6: {  	s30 =	simm.s32 $0x67C0;
	s31 =	simm.s32 $0x10A00  }
0xc7: {  	[spmem:s1] =	stream.indirect.scatter.add.f32 [tilespmem:s31], [sflag:$0x2], $0x10, s30, s19, $0xb8;
	[tilespmem:$0x1C9C0] =	vst v63  }
0xc8: {  	s4 =	simm.s32 $0x6840;
	s26 =	simm.s32 $0x111D0  }
0xc9: {  	[spmem:s1] =	stream.indirect.scatter.add.f32 [tilespmem:s26], [sflag:$0x2], $0x10, s4, s19, $0xb8;
	[tilespmem:$0x1C9C0] =	vst v63  }
0xca: {  	s28 =	simm.s32 $0x68C0;
	s29 =	simm.s32 $0x119A0  }
0xcb: {  	[spmem:s1] =	stream.indirect.scatter.add.f32 [tilespmem:s29], [sflag:$0x2], $0x10, s28, s19, $0xb8;
	[tilespmem:$0x1C9C0] =	vst v63  }
0xcc: {  	s30 =	simm.s32 $0x6940;
	s31 =	simm.s32 $0x12170  }
0xcd: {  	[spmem:s1] =	stream.indirect.scatter.add.f32 [tilespmem:s31], [sflag:$0x2], $0x10, s30, s19, $0xb8;
	[tilespmem:$0x1C9C0] =	vst v63  }
0xce: {  	s4 =	simm.s32 $0x69C0;
	s26 =	simm.s32 $0x12940  }
0xcf: {  	[spmem:s1] =	stream.indirect.scatter.add.f32 [tilespmem:s26], [sflag:$0x2], $0x10, s4, s19, $0xb8;
	[tilespmem:$0x1C9C0] =	vst v63  }
0xd0: {  	s28 =	simm.s32 $0x6A40;
	s29 =	simm.s32 $0x13110  }
0xd1: {  	[spmem:s1] =	stream.indirect.scatter.add.f32 [tilespmem:s29], [sflag:$0x2], $0x10, s28, s19, $0xb8;
	[tilespmem:$0x1C9C0] =	vst v63  }
0xd2: {  	s30 =	simm.s32 $0x6AC0;
	s31 =	simm.s32 $0x138E0  }
0xd3: {  	[spmem:s1] =	stream.indirect.scatter.add.f32 [tilespmem:s31], [sflag:$0x2], $0x10, s30, s19, $0xb8;
	[tilespmem:$0x1C9C0] =	vst v63  }
0xd4: {  	_ = 	snop  }
0xd5: {  	[spmem:s1] =	stream.indirect.scatter.add.f32 [tilespmem:s24], [sflag:$0x2], $0x10, s11, s19, $0xb8;
	[tilespmem:$0x1C9C0] =	vst v63  }
0xd6: {  	_ = 	snop  }
0xd7: {  	[spmem:s1] =	stream.indirect.scatter.add.f32 [tilespmem:s13], [sflag:$0x2], $0x10, s7, s19, $0xb8;
	[tilespmem:$0x1C9C0] =	vst v63  }
0xd8: {  	_ = 	snop  }
0xd9: {  	[spmem:s1] =	stream.indirect.scatter.add.f32 [tilespmem:s15], [sflag:$0x2], $0x10, s2, s19, $0xb8;
	[tilespmem:$0x1C9C0] =	vst v63  }
0xda: {  	_ = 	snop  }
0xdb: {  	[spmem:s1] =	stream.indirect.scatter.add.f32 [tilespmem:s17], [sflag:$0x2], $0x10, s16, s19, $0xb8;
	[tilespmem:$0x1C9C0] =	vst v63  }
0xdc: {  	_ = 	snop  }
0xdd: {  	[spmem:s1] =	stream.indirect.scatter.add.f32 [tilespmem:s21], [sflag:$0x2], $0x10, s20, s19, $0xb8;
	[tilespmem:$0x1C9C0] =	vst v63  }
0xde: {  	_ =	swait.ge [sflag:s22], $0x7D0  }
0xdf: {  	[sflag:s22] =	ssyncset.done $0x0  }
0xe0: {  	[sflag:s22] =	ssyncadd.s32 $0xFFFFF830  }
0xe1: {  	_ =	swait.ge [sflag:s22], $0x7D0  }
0xe2: {  	[sflag:s22] =	ssyncset.done $0x0  }
0xe3: {  	[sflag:s22] =	ssyncadd.s32 $0xFFFFF830  }
0xe4: {  	_ =	swait.ge [sflag:s22], $0x7D0  }
0xe5: {  	[sflag:s22] =	ssyncset.done $0x0  }
0xe6: {  	[sflag:s22] =	ssyncadd.s32 $0xFFFFF830  }
0xe7: {  	_ =	swait.ge [sflag:s22], $0x7D0  }
0xe8: {  	[sflag:s22] =	ssyncset.done $0x0  }
0xe9: {  	[sflag:s22] =	ssyncadd.s32 $0xFFFFF830  }
0xea: {  	_ =	swait.ge [sflag:s22], $0x7D0  }
0xeb: {  	[sflag:s22] =	ssyncset.done $0x0  }
0xec: {  	[sflag:s22] =	ssyncadd.s32 $0xFFFFF830  }
0xed: {  	_ =	swait.ge [sflag:s22], $0x7D0  }
0xee: {  	[sflag:s22] =	ssyncset.done $0x0  }
0xef: {  	[sflag:s22] =	ssyncadd.s32 $0xFFFFF830  }
0xf0: {  	_ =	swait.ge [sflag:s22], $0x7D0  }
0xf1: {  	[sflag:s22] =	ssyncset.done $0x0  }
0xf2: {  	[sflag:s22] =	ssyncadd.s32 $0xFFFFF830  }
0xf3: {  	_ =	swait.ge [sflag:s22], $0x7D0  }
0xf4: {  	[sflag:s22] =	ssyncset.done $0x0  }
0xf5: {  	[sflag:s22] =	ssyncadd.s32 $0xFFFFF830  }
0xf6: {  	_ =	swait.ge [sflag:s22], $0x7D0  }
0xf7: {  	[sflag:s22] =	ssyncset.done $0x0  }
0xf8: {  	[sflag:s22] =	ssyncadd.s32 $0xFFFFF830  }
0xf9: {  	_ =	swait.ge [sflag:s22], $0x7D0  }
0xfa: {  	[sflag:s22] =	ssyncset.done $0x0  }
0xfb: {  	[sflag:s22] =	ssyncadd.s32 $0xFFFFF830  }
0xfc: {  	_ =	swait.ge [sflag:s22], $0x7D0  }
0xfd: {  	[sflag:s22] =	ssyncset.done $0x0  }
0xfe: {  	[sflag:s22] =	ssyncadd.s32 $0xFFFFF830  }
0xff: {  	_ =	swait.ge [sflag:s22], $0x7D0  }
0x100: {  	[sflag:s22] =	ssyncset.done $0x0  }
0x101: {  	[sflag:s22] =	ssyncadd.s32 $0xFFFFF830  }
0x102: {  	_ =	swait.ge [sflag:s22], $0x7D0  }
0x103: {  	[sflag:s22] =	ssyncset.done $0x0  }
0x104: {  	[sflag:s22] =	ssyncadd.s32 $0xFFFFF830  }
0x105: {  	_ =	swait.ge [sflag:s22], $0x7D0  }
0x106: {  	[sflag:s22] =	ssyncset.done $0x0  }
0x107: {  	[sflag:s22] =	ssyncadd.s32 $0xFFFFF830  }
0x108: {  	_ =	swait.ge [sflag:s22], $0x7D0  }
0x109: {  	[sflag:s22] =	ssyncset.done $0x0  }
0x10a: {  	[sflag:s22] =	ssyncadd.s32 $0xFFFFF830  }
0x10b: {  	_ =	swait.ge [sflag:s22], $0x7D0  }
0x10c: {  	[sflag:s22] =	ssyncset.done $0x0  }
0x10d: {  	[sflag:s22] =	ssyncadd.s32 $0xFFFFF830  }
0x10e: {  	_ =	swait.ge [sflag:s22], $0x7D0  }
0x10f: {  	[sflag:s22] =	ssyncset.done $0x0  }
0x110: {  	[sflag:s22] =	ssyncadd.s32 $0xFFFFF830  }
0x111: {  	_ =	swait.ge [sflag:s22], $0x7D0  }
0x112: {  	[sflag:s22] =	ssyncset.done $0x0  }
0x113: {  	[sflag:s22] =	ssyncadd.s32 $0xFFFFF830  }
0x114: {  	_ =	swait.ge [sflag:s22], $0x7D0  }
0x115: {  	[sflag:s22] =	ssyncset.done $0x0  }
0x116: {  	[sflag:s22] =	ssyncadd.s32 $0xFFFFF830  }
0x117: {  	_ =	swait.ge [sflag:s22], $0x7D0  }
0x118: {  	[sflag:s22] =	ssyncset.done $0x0  }
0x119: {  	[sflag:s22] =	ssyncadd.s32 $0xFFFFF830  }
0x11a: {  	_ =	swait.ge [sflag:s22], $0x7D0  }
0x11b: {  	[sflag:s22] =	ssyncset.done $0x0  }
0x11c: {  	[sflag:s22] =	ssyncadd.s32 $0xFFFFF830  }
0x11d: {  	_ =	swait.ge [sflag:s22], $0x7D0  }
0x11e: {  	[sflag:s22] =	ssyncset.done $0x0  }
0x11f: {  	[sflag:s22] =	ssyncadd.s32 $0xFFFFF830  }
0x120: {  	_ =	swait.ge [sflag:s22], $0x7D0  }
0x121: {  	[sflag:s22] =	ssyncset.done $0x0  }
0x122: {  	[sflag:s22] =	ssyncadd.s32 $0xFFFFF830  }
0x123: {  	_ =	swait.ge [sflag:s22], $0x7D0  }
0x124: {  	[sflag:s22] =	ssyncset.done $0x0  }
0x125: {  	[sflag:s22] =	ssyncadd.s32 $0xFFFFF830  }
0x126: {  	_ =	swait.ge [sflag:s22], $0x7D0  }
0x127: {  	[sflag:s22] =	ssyncset.done $0x0  }
0x128: {  	[sflag:s22] =	ssyncadd.s32 $0xFFFFF830  }
0x129: {  	_ =	swait.ge [sflag:s22], $0x7D0  }
0x12a: {  	[sflag:s22] =	ssyncset.done $0x0  }
0x12b: {  	[sflag:s22] =	ssyncadd.s32 $0xFFFFF830  }
0x12c: {  	_ =	swait.ge [sflag:s22], $0x7D0  }
0x12d: {  	[sflag:s22] =	ssyncset.done $0x0  }
0x12e: {  	[sflag:s22] =	ssyncadd.s32 $0xFFFFF830  }
0x12f: {  	_ =	swait.ge [sflag:s22], $0x7D0  }
0x130: {  	[sflag:s22] =	ssyncset.done $0x0  }
0x131: {  	[sflag:s22] =	ssyncadd.s32 $0xFFFFF830  }
0x132: {  	_ =	swait.ge [sflag:s22], $0x7D0  }
0x133: {  	[sflag:s22] =	ssyncset.done $0x0  }
0x134: {  	[sflag:s22] =	ssyncadd.s32 $0xFFFFF830  }
0x135: {  	_ =	swait.ge [sflag:s22], $0x7D0  }
0x136: {  	[sflag:s22] =	ssyncset.done $0x0  }
0x137: {  	s25 =	sadd.s32 $0x1, s25;
	[sflag:s22] =	ssyncadd.s32 $0xFFFFF830  }
0x138: {  	p0 =	sne.s32 s25, s8;
	_ =	swait.ge [sflag:s22], $0x7D0  }
.Ltmp4:
0x139: {  	[sflag:s22] =	ssyncset.done $0x0;
	(pc) =	sbr.rel @p0 .LBB2_6-.Ltmp4, $4  }
0x13a: {  	[sflag:s22] =	ssyncadd.s32 $0xFFFFF830  }
0x13b: {  	_ =	swait.ge [sflag:s22], $0x7D0  }
0x13c: {  	[sflag:s22] =	ssyncset.done $0x0  }
0x13d: {  	[sflag:s22] =	ssyncadd.s32 $0xFFFFF830  }
0x13e: {  	s0 =	stileid.u32;
	[bflag:$0x0] =	sbarrier.arrive $0xFFFF  }
0x13f: {  	s0 =	sshll.u32 s0, $0x6;
	s26 =	rddreg [dreg:$0x4]  }
0x140: {  	s23 =	rddreg [dreg:$0x6];
	s0 =	sor.u32 $0x1C03, s0;
	s4 =	sshrl.u32 s26, $0x3  }
0x141: {  	[hbm:s23], [sflag:s0] =	dma.local [spmem:s4], $0xC40  }
0x142: {  	s4 =	simm.s32 $0x3  }
0x143: {  	_ =	swait.ge [sflag:s4], $0xC40  }
0x144: {  	s30 =	rddreg [dreg:$0x3]  }
0x145: {  	s31 =	rddreg [dreg:$0x5];
	s23 =	sadd.s32 $0x1, s30  }
0x146: {  	p0 =	sne.s32 s23, s31  }
.Ltmp5:
0x147: {  	_ = 	snop;
	(pc) =	sbr.rel @p0 .LBB2_1-.Ltmp5, $3  }
0x148: {  	_ =	sdelay $0x1  }
0x149: {  	[sflag:s4] =	ssyncset.done $0x0  }
0x14a: {  	[sflag:s4] =	ssyncadd.s32 $0xFFFFF3C0  }
0x14b: {  	_ =	sfence.sel $0x180000  }
0x14c: {  	[bflag:$0x0] =	sbarrier.arrive $0xFFFF  }
0x14d: {  	_ =	strace $0x90000047  }
0x14e: {  	s0 =	stileid.u32;
	[bflag:$0x2] =	sbarrier.arrive $0xFFFF  }
0x14f: {  	p0 =	sne.s32 s0, $0x0;
	s0 =	rddreg [dreg:$0x2]  }
0x150: {  	s0 =	sadd.s32 @!p0 $0x100000, s0  }
0x151: {  	[sflag:s0] =	ssyncadd.tile.s32 @!p0 $0x1;
	_ =	shalt  }
.Lfunc_end2:
_tile_overlayer_lowered:
.L_overlay_start_2:
0x152: {  	(tag) =	ssettag $0x2  }
0x153: {  	s0 =	rddreg [dreg:$0x0];
	s2 =	stileid.u32  }
0x154: {  	s1 =	rddreg [dreg:$0x1];
	p0 =	sne.s32 s2, $0x0  }
0x155: {  	s3 =	rddreg [dreg:$0x2];
	[bflag:$0x3] =	sbarrier.arrive $0xFFFF;
	s2 =	simm.s32 @!p0 $0x1C03  }
0x156: {  	[timem:s3], [sflag:s2] =	dma.local @!p0 [hbm:s0], s1  }
0x157: {  	s0 =	simm.s32 @!p0 $0x3  }
0x158: {  	_ =	swait.ge @!p0 [sflag:s0], s1  }
0x159: {  	s1 =	ssub.s32 @!p0 $0x0, s1;
	[sflag:s0] =	ssyncset.done @!p0 $0x0  }
0x15a: {  	[sflag:s0] =	ssyncadd.s32 @!p0 s1  }
0x15b: {  	[bflag:$0x3] =	sbarrier.arrive $0xFFFF  }
0x15c: {  	_ =	shalt  }

// kernel: kernel.7.cloned.1.call-start
scs
__scs_entry_jumppad:
0x0: {  	(pc) =	sbr.rel $0x88, $3  }
0x1: {  	(tag) =	ssettag $0x0;
	lr =	simm.s32 $0x1  }
0x2: {  	[smem:$0x3F9C] =	sst lr;
	_ =	strace $0xD0000000  }
0x3: {  	_ = 	snop  }
0x4: {  	_ = 	snop  }
0x5: {  	_ = 	snop  }
0x6: {  	_ = 	snop  }
0x7: {  	_ = 	snop  }
__scs_overlays_trampoline_lowered:
0x8: {  	[smem:$0x3FAB] =	sst s0  }
0x9: {  	[smem:$0x3FAC] =	sst s1  }
0xa: {  	[smem:$0x3FAD] =	sst s2  }
0xb: {  	[smem:$0x3FAE] =	sst s3  }
0xc: {  	[smem:$0x3FAF] =	sst s4  }
0xd: {  	[smem:$0x3FB0] =	sst s5  }
0xe: {  	[smem:$0x3FB1] =	sst s6  }
0xf: {  	[smem:$0x3FB2] =	sst s7  }
0x10: {  	[smem:$0x3FB3] =	sst s8  }
0x11: {  	[smem:$0x3FB4] =	sst s9;
	s0 =	simm.s32 @!p0 $0x0  }
0x12: {  	s1 =	sld [smem:$0x3F9A];
	s0 =	simm.s32 @p0 $0x1  }
0x13: {  	[smem:$0x3FB5] =	sst s0;
	s0 =	simm.s32 @!p1 $0x0  }
0x14: {  	s2 =	sld [smem:$0x3F99];
	s0 =	simm.s32 @p1 $0x1  }
0x15: {  	[smem:$0x3FB6] =	sst s0;
	s0 =	simm.s32 @!p2 $0x0  }
0x16: {  	s3 =	sld [smem:$0x3FDB];
	s0 =	simm.s32 @p2 $0x1  }
0x17: {  	s4 =	simm.s32 $0x1BF5;
	[smem:$0x3FB8] =	sst s0  }
0x18: {  	s0 =	sld [smem:$0x3F9B];
	_ =	swait.ge [sflag:s4], $0x0  }
0x19: {  	s7 =	sld [smem:$0x3F9C]  }
0x1a: {  	s8 =	sadd.s32 $0xFFFFE003, lr  }
0x1b: {  	s9 =	sadd.s32 $0xFFFFFEF7, lr;
	s5 =	simm.s32 $0xFFFFFFFF;
	p2 =	slt.u32 s8, $0xFFFFF086  }
0x1c: {  	p1 =	slt.u32 s9, $0xF7A;
	s5 =	simm.s32 @!p2 $0x0  }
0x1d: {  	s5 =	simm.s32 @p1 $0x1;
	p0 =	seq.s32 s7, s2  }
0x1e: {  	s7 =	smul.u32 @!p0 $0xF7A, s2;
	p2 =	seq.s32 @!p0 s5, $0x0  }
0x1f: {  	s9 =	smul.u32 $0xF7A, s1;
	s8 =	simm.s32 @!p0 $0x1BF5;
	p2 =	por !p2, p0  }
0x20: {  	[sflag:s8] =	ssyncset.s32 @!p0 $0xFFFFF086;
	s6 =	sadd.s32 @!p0 s3, s7;
	s7 =	simm.s32 @!p0 $0x108  }
0x21: {  	s3 =	sadd.s32 s3, s9;
	s6 =	sadd.s32 @!p0 $0x88, s6;
	s7 =	simm.s32 @p2 $0x1082  }
0x22: {  	[simem:s7], [sflag:s8] =	dma.local @!p0 [hbm:s6], $0xF7A  }
0x23: {  	s9 =	sor.u32 $0xD0000000, s2;
	s6 =	simm.s32 $0x108;
	_ =	swait.ge @!p0 [sflag:s8], $0x0  }
0x24: {  	s3 =	sadd.s32 $0x88, s3;
	s6 =	simm.s32 @!p1 $0x1082;
	[sflag:s4] =	ssyncset.s32 $0xFFFFF086  }
0x25: {  	[simem:s6], [sflag:s4] =	dma.local [hbm:s3], $0xF7A  }
0x26: {  	[smem:$0x3F9C] =	sst s1;
	(tag) =	ssettag s2;
	_ =	strace s9  }
0x27: {  	s1 =	sld [smem:$0x3FAC]  }
0x28: {  	s2 =	sld [smem:$0x3FAD]  }
0x29: {  	s4 =	sld [smem:$0x3FAF]  }
0x2a: {  	p0 =	seq.s32 s5, $0x0;
	s5 =	sld [smem:$0x3FB0]  }
0x2b: {  	s6 =	sld [smem:$0x3FB1]  }
0x2c: {  	s7 =	sld [smem:$0x3FB2]  }
0x2d: {  	s3 =	simm.s32 $0x108;
	s8 =	sld [smem:$0x3FB3]  }
0x2e: {  	s3 =	simm.s32 @!p0 $0x1082;
	s9 =	sld [smem:$0x3FB4]  }
0x2f: {  	lr =	sadd.s32 s0, s3;
	s0 =	sld [smem:$0x3FAB]  }
0x30: {  	s3 =	sld [smem:$0x3FAE]  }
0x31: {  	[smem:$0x3FB7] =	sst s10  }
0x32: {  	s10 =	sld [smem:$0x3FB5];
	_ =	sdelay $0x3  }
0x33: {  	p0 =	seq.s32 s10, $0x1;
	s10 =	sld [smem:$0x3FB7];
	_ =	sdelay $0x3  }
0x34: {  	[smem:$0x3FB7] =	sst s10  }
0x35: {  	s10 =	sld [smem:$0x3FB6];
	_ =	sdelay $0x3  }
0x36: {  	p1 =	seq.s32 s10, $0x1;
	s10 =	sld [smem:$0x3FB7];
	_ =	sdelay $0x3  }
0x37: {  	[smem:$0x3FB7] =	sst s10  }
0x38: {  	s10 =	sld [smem:$0x3FB8]  }
0x39: {  	_ = 	snop;
	(pc) =	sbr.ind lr, $3  }
0x3a: {  	_ = 	snop  }
0x3b: {  	_ = 	snop  }
0x3c: {  	p2 =	seq.s32 s10, $0x1;
	s10 =	sld [smem:$0x3FB7]  }
0x3d: {  	_ =	shalt  }
0x3e: {  	_ =	shalt  }
0x3f: {  	_ =	shalt  }
0x40: {  	_ =	shalt  }
0x41: {  	_ =	shalt  }
0x42: {  	_ =	shalt  }
0x43: {  	_ =	shalt  }
0x44: {  	_ =	shalt  }
0x45: {  	_ =	shalt  }
0x46: {  	_ =	shalt  }
0x47: {  	_ =	shalt  }
0x48: {  	_ =	shalt  }
0x49: {  	_ =	shalt  }
0x4a: {  	_ =	shalt  }
0x4b: {  	_ =	shalt  }
0x4c: {  	_ =	shalt  }
0x4d: {  	_ =	shalt  }
0x4e: {  	_ =	shalt  }
0x4f: {  	_ =	shalt  }
0x50: {  	_ =	shalt  }
0x51: {  	_ =	shalt  }
0x52: {  	_ =	shalt  }
0x53: {  	_ =	shalt  }
0x54: {  	_ =	shalt  }
0x55: {  	_ =	shalt  }
0x56: {  	_ =	shalt  }
0x57: {  	_ =	shalt  }
0x58: {  	_ =	shalt  }
0x59: {  	_ =	shalt  }
0x5a: {  	_ =	shalt  }
0x5b: {  	_ =	shalt  }
0x5c: {  	_ =	shalt  }
0x5d: {  	_ =	shalt  }
0x5e: {  	_ =	shalt  }
0x5f: {  	_ =	shalt  }
0x60: {  	_ =	shalt  }
0x61: {  	_ =	shalt  }
0x62: {  	_ =	shalt  }
0x63: {  	_ =	shalt  }
0x64: {  	_ =	shalt  }
0x65: {  	_ =	shalt  }
0x66: {  	_ =	shalt  }
0x67: {  	_ =	shalt  }
0x68: {  	_ =	shalt  }
0x69: {  	_ =	shalt  }
0x6a: {  	_ =	shalt  }
0x6b: {  	_ =	shalt  }
0x6c: {  	_ =	shalt  }
0x6d: {  	_ =	shalt  }
0x6e: {  	_ =	shalt  }
0x6f: {  	_ =	shalt  }
0x70: {  	_ =	shalt  }
0x71: {  	_ =	shalt  }
0x72: {  	_ =	shalt  }
0x73: {  	_ =	shalt  }
0x74: {  	_ =	shalt  }
0x75: {  	_ =	shalt  }
0x76: {  	_ =	shalt  }
0x77: {  	_ =	shalt  }
0x78: {  	_ =	shalt  }
0x79: {  	_ =	shalt  }
0x7a: {  	_ =	shalt  }
0x7b: {  	_ =	shalt  }
0x7c: {  	_ =	shalt  }
0x7d: {  	_ =	shalt  }
0x7e: {  	_ =	shalt  }
0x7f: {  	_ =	shalt  }
0x80: {  	_ =	shalt  }
0x81: {  	_ =	shalt  }
0x82: {  	_ =	shalt  }
0x83: {  	_ =	shalt  }
0x84: {  	_ =	shalt  }
0x85: {  	_ =	shalt  }
0x86: {  	_ =	shalt  }
0x87: {  	_ =	shalt  }
.Lfunc_end0:
.L_simem_size_0:
called_computation.1_lowered:
.L_overlay_start_0:
0x88: {  	s2 =	sld [smem:$0x3FD9]  }
0x89: {  	s3 =	sld [smem:$0x3FFE];
	_ =	sdelay $0x1  }
0x8a: {  	s1 =	srdreg.scid  }
0x8b: {  	s0 =	sand.u32 $0x1, s1  }
0x8c: {  	s14 =	sshll.u32 s0, $0xA;
	s2 =	sadd.s32 s3, s2  }
0x8d: {  	s2 =	sadd.s32 s2, s14  }
0x8e: {  	[smem:$0x3FC3] =	sst s2  }
0x8f: {  	_ = 	snop  }
0x90: {  	s2 =	sld [smem:$0x3FD0];
	_ =	sdelay $0x2  }
0x91: {  	s15 =	simm.s32 $0xA;
	s4 =	simm.s32 $0x10  }
0x92: {  	[smem:s4], [sflag:s15] =	dma.local [hbm:s2], $0x1  }
0x93: {  	_ =	swait.eq [sflag:s15], $0x1  }
0x94: {  	[sflag:s15] =	ssyncset.done $0x0  }
0x95: {  	s16 =	sld [smem:$0x10];
	[sflag:s15] =	ssyncadd.s32 $0xFFFFFFFF  }
0x96: {  	s17 =	sld [smem:$0x11];
	(tm) =	ssettm $0x1  }
0x97: {  	s18 =	sld [smem:$0x3FFB];
	_ =	sdelay $0x3  }
0x98: {  	_ =	strace s18  }
0x99: {  	s4 =	sld [smem:$0x3FFC];
	_ =	sdelay $0x3  }
0x9a: {  	_ =	strace s4  }
0x9b: {  	s4 =	sld [smem:$0x3FFD];
	_ =	sdelay $0x3  }
0x9c: {  	_ =	strace s4  }
0x9d: {  	_ =	strace $0x8FFFFFFF  }
0x9e: {  	s19 =	sld [smem:$0x3FDB];
	_ =	sdelay $0x1  }
0x9f: {  	s5 =	simm.s32 $_scs_section_size  }
0xa0: {  	s6 =	simm.s32 $_size__tile_overlayer_lowered;
	s7 =	simm.s32 $_tile_overlayer_lowered  }
0xa1: {  	s22 =	simm.s32 $0x1BFF;
	s21 =	sshll.u32 s7, $0x1;
	s4 =	sadd.s32 s5, s19  }
0xa2: {  	s8 =	simm.s32 $0x0;
	s20 =	sshll.u32 s6, $0x1;
	s6 =	sadd.s32 s21, s4  }
0xa3: {  	[timem:s8], [sflag:s22] =	dma.local [hbm:s6], s20  }
0xa4: {  	_ =	swait.ge [sflag:s22], s20  }
0xa5: {  	s5 =	ssub.s32 $0x0, s20;
	[sflag:s22] =	ssyncset.done $0x0  }
0xa6: {  	[sflag:s22] =	ssyncadd.s32 s5;
	_ =	sdelay $0x1  }
0xa7: {  	s23 =	simm.s32 $0x1B8B  }
0xa8: {  	_ =	swait.ge [sflag:s23], $0x1  }
0xa9: {  	[sflag:s23] =	ssyncset.done $0x0  }
0xaa: {  	s25 =	simm.s32 $0x1B8E;
	s24 =	sld [smem:$0x3FFE];
	[sflag:s23] =	ssyncadd.s32 $0xFFFFFFFF  }
0xab: {  	s26 =	simm.s32 $execute0_lowered;
	[smem:$0x3FD2] =	sst s25  }
0xac: {  	s6 =	sshll.u32 s26, $0x1;
	_ =	strace $0x80000049;
	[dreg:$0x1] =	wrdreg $0xFFFFFFFF  }
0xad: {  	s28 =	simm.s32 $_size_execute0_lowered;
	s4 =	sadd.s32 s4, s6;
	[dreg:$0x0] =	wrdreg $0x0  }
0xae: {  	s6 =	sshll.u32 s28, $0x1;
	[dreg:$0x2] =	wrdreg s4  }
0xaf: {  	[dreg:$0x3] =	wrdreg s6  }
0xb0: {  	[dreg:$0x4] =	wrdreg $0xC0  }
0xb1: {  	_ =	task [dreg:s8], $0x5FFFF  }
0xb2: {  	[dreg:$0x1] =	wrdreg $0xFFFFFFFF  }
0xb3: {  	[dreg:$0x0] =	wrdreg $0x60  }
0xb4: {  	[dreg:$0x2] =	wrdreg s24  }
0xb5: {  	[dreg:$0x3] =	wrdreg s17  }
0xb6: {  	[dreg:$0x4] =	wrdreg s16  }
0xb7: {  	[dreg:$0x5] =	wrdreg $0x9  }
0xb8: {  	_ =	task.clear_ibuf [dreg:s8], $0x6FFFF;
	_ =	strace $0x90000049  }
0xb9: {  	s29 =	simm.s32 $0x9;
	_ =	strace $0x8000004B  }
0xba: {  	_ =	swait.ge [sflag:s29], $0x1  }
0xbb: {  	[sflag:s29] =	ssyncadd.s32 $0xFFFFFFFF  }
0xbc: {  	_ =	strace $0x9000004B  }
0xbd: {  	_ =	sfence  }
0xbe: {  	s30 =	sld [smem:$0x0];
	_ =	sdelay $0x2  }
0xbf: {  	s31 =	sshll.u32 s1, $0xD;
	s1 =	sshrl.u32 s1, $0x2  }
0xc0: {  	s3 =	sand.u32 $0x4000, s31;
	s1 =	sadd.s32 s1, s30  }
0xc1: {  	s0 =	sor.u32 s3, s0;
	s1 =	sshll.u32 s1, $0x11  }
0xc2: {  	s0 =	sor.u32 s1, s0  }
0xc3: {  	s0 =	sadd.s32 $0x8F2B, s0  }
0xc4: {  	[sflag:s0] =	ssyncadd.remote.s32 $0x1  }
0xc5: {  	_ =	sfence.sel $0xFFFF  }
0xc6: {  	[dreg:$0x0] =	wrdreg $0xFFFFFFFF;
	(pc) =	sbr.abs _section_cstart, $3  }
0xc7: {  	[dreg:$0x1] =	wrdreg $0xFFFFFFFF  }
0xc8: {  	_ =	task.clear_ibuf [dreg:s8], $0x2FFFF;
	_ =	strace $0x9FFFFFFF  }
0xc9: {  	(tm) =	ssettm $0x7FFFFFFF  }
tec
execute0_lowered:
.L_overlay_start_1:
0x0: {  	(tag) =	ssettag $0x1  }
0x1: {  	s0 =	rddreg [dreg:$0x0]  }
0x2: {  	s1 =	srdreg.scid;
	s7 =	rddreg [dreg:$0x1]  }
0x3: {  	s8 =	rddreg [dreg:$0x2];
	s4 =	stileid.u32  }
0x4: {  	s2 =	simm.s32 $0x0;
	s21 =	simm.s32 $0x1;
	s22 =	simm.s32 $0x6E40  }
0x5: {  	s23 =	simm.s32 $0x2;
	s24 =	simm.s32 $0x7150;
	s25 =	simm.s32 $0x7460  }
0x6: {  	s26 =	simm.s32 $0x7770;
	s28 =	simm.s32 $0x7A80;
	s1 =	sand.u32 $0x1, s1  }
0x7: {  	s29 =	simm.s32 $0x7D90;
	s30 =	simm.s32 $0x0;
	s3 =	sshll.u32 s1, $0x4  }
0x8: {  	[smem:$0x7FF] =	sst s2;
	s1 =	ssub.s32 $0x2, s1;
	s3 =	sor.u32 s4, s3  }
0x9: {  	s11 =	sadd.s32 $0x1400, s0;
	s5 =	sshrl.u32 s1, $0x1;
	s4 =	smul.u32 $0x620, s3  }
0xa: {  	_ =	strace $0x8000004A;
	s6 =	smul.u32 $0x310, s3;
	s1 =	ssub.s32 s1, s5  }
0xb: {  	s15 =	smax.u32 s1, $0x1;
	s4 =	sadd.s32 s4, s0;
	s0 =	sadd.s32 $0x3A00, s0  }
0xc: {  	s12 =	sshrl.u32 s6, $0x3;
	s3 =	sadd.s32 $0x6CA00, s4;
	s4 =	sadd.s32 $0x78E00, s4  }
0xd: {  	s5 =	sadd.s32 s7, s12;
	s13 =	sadd.s32 $0xC40, s12;
	s14 =	sadd.s32 $0x1880, s12  }
0xe: {  	s8 =	sadd.s32 s8, s12;
	s9 =	sadd.s32 s11, s12;
	s12 =	sadd.s32 s0, s12  }
0xf: {  	v0 =	vlaneseq.u32;
	s6 =	sadd.s32 s7, s13;
	s7 =	sadd.s32 s7, s14;
	s10 =	sadd.s32 s11, s13  }
0x10: {  	v0 =	vmul.u32 $0x10, v0;
	s11 =	sadd.s32 s11, s14;
	s13 =	sadd.s32 s0, s13;
	s14 =	sadd.s32 s0, s14  }
.LBB2_1:
0x11: {  	[tilespmem:s2], [sflag:$0x1] =	stream.linear.gather [hbm4b:s3+s2], $0x3100, $0x38;
	[tilespmem:$0x80A0] =	vst v63  }
0x12: {  	s0 =	simm.s32 $0x3100  }
0x13: {  	[tilespmem:s0], [sflag:$0x1] =	stream.linear.gather [hbm4b:s4+s2], $0x3100, $0x38;
	[tilespmem:$0x80A0] =	vst v63  }
0x14: {  	s18 =	simm.s32 $0x6200  }
0x15: {  	[tilespmem:s18], [sflag:$0x1] =	stream.linear.gather [hbm4b:s5+s2], $0x310, $0x38;
	[tilespmem:$0x80A0] =	vst v63  }
0x16: {  	s19 =	simm.s32 $0x6510  }
0x17: {  	[tilespmem:s19], [sflag:$0x1] =	stream.linear.gather [hbm4b:s6+s2], $0x310, $0x38;
	[tilespmem:$0x80A0] =	vst v63  }
0x18: {  	s20 =	simm.s32 $0x6820  }
0x19: {  	[tilespmem:s20], [sflag:$0x1] =	stream.linear.gather [hbm4b:s7+s2], $0x310, $0x38;
	[tilespmem:$0x80A0] =	vst v63  }
0x1a: {  	s31 =	simm.s32 $0x6B30  }
0x1b: {  	[tilespmem:s31], [sflag:$0x1] =	stream.linear.gather [hbm4b:s8+s2], $0x310, $0x38;
	[tilespmem:$0x80A0] =	vst v63  }
0x1c: {  	_ =	swait.ge [sflag:s21], $0x3100  }
0x1d: {  	[sflag:s21] =	ssyncset.done $0x0  }
0x1e: {  	[sflag:s21] =	ssyncadd.s32 $0xFFFFCF00  }
0x1f: {  	_ =	swait.ge [sflag:s21], $0x3100  }
0x20: {  	[sflag:s21] =	ssyncset.done $0x0  }
0x21: {  	[sflag:s21] =	ssyncadd.s32 $0xFFFFCF00  }
0x22: {  	_ =	swait.ge [sflag:s21], $0x310  }
0x23: {  	[sflag:s21] =	ssyncset.done $0x0  }
0x24: {  	[sflag:s21] =	ssyncadd.s32 $0xFFFFFCF0  }
0x25: {  	_ =	swait.ge [sflag:s21], $0x310  }
0x26: {  	[sflag:s21] =	ssyncset.done $0x0  }
0x27: {  	[sflag:s21] =	ssyncadd.s32 $0xFFFFFCF0  }
0x28: {  	_ =	swait.ge [sflag:s21], $0x310  }
0x29: {  	[sflag:s21] =	ssyncset.done $0x0  }
0x2a: {  	[sflag:s21] =	ssyncadd.s32 $0xFFFFFCF0  }
0x2b: {  	_ =	swait.ge [sflag:s21], $0x310  }
0x2c: {  	[sflag:s21] =	ssyncset.done $0x0  }
0x2d: {  	s0 =	simm.s32 $0x0;
	[sflag:s21] =	ssyncadd.s32 $0xFFFFFCF0  }
0x2e: {  	s1 =	simm.s32 $0x40;
	v1 =	vld [tilespmem:s0+$0x3100]  }
.LBB2_2:
0x2f: {  	p0 =	sne.s32 s1, $0xC3C0;
	v2 =	vld [tilespmem:s0+$0x0];
	_ =	sdelay $0x2  }
.Ltmp0:
0x30: {  	(pc) =	sbr.rel @p0 .LBB2_2-.Ltmp0, $4  }
0x31: {  	_ = 	snop  }
0x32: {  	v2 =	vadd.f32 v1, v2  }
0x33: {  	s16 =	sshra.s32 s1, $0x2  }
0x34: {  	s1 =	sadd.s32 $0x40, s1;
	v1 =	vld [tilespmem:s16+$0x3100];
	[tilespmem:s0+$0x0] =	vst v2;
	s0 =	smov.u32 s16  }
0x35: {  	s1 =	simm.s32 $0x0;
	v2 =	vld [tilespmem:s0+$0x0]  }
0x36: {  	v3 =	vmov s1  }
0x37: {  	v3 =	vshll.u32 v3, $0x4  }
0x38: {  	v3 =	vor.u32 v0, v3;
	_ =	sdelay $0x1  }
0x39: {  	v1 =	vadd.f32 v1, v2;
	_ =	sdelay $0x1  }
0x3a: {  	v4 =	vor.u32 $0x4, v3;
	[tilespmem:s0+$0x0] =	vst v1  }
0x3b: {  	s31 =	simm.s32 $0x6510;
	v6 =	vor.u32 $0xE, v3;
	v5 =	vld.idx.msk [tilespmem:v3+s2+$0x0], $0xffff  }
0x3c: {  	v13 =	vor.u32 $0x3, v3;
	v8 =	vld [tilespmem:s31+$0x310]  }
0x3d: {  	v2 =	vor.u32 $0x5, v3;
	v10 =	vld [tilespmem:s31+$0x0]  }
0x3e: {  	v11 =	vor.u32 $0x2, v3;
	v12 =	vld [tilespmem:s31+$0xFFFFFCF0]  }
0x3f: {  	v1 =	vld.idx.msk [tilespmem:v4+s2+$0x0], $0xffff;
	v4 =	vor.u32 $0x6, v3  }
0x40: {  	v7 =	vor.u32 $0xF, v3;
	v6 =	vld.idx.msk [tilespmem:v6+s2+$0x0], $0xffff  }
0x41: {  	v15 =	vor.u32 $0xB, v3;
	v13 =	vld.idx.msk [tilespmem:v13+s2+$0x0], $0xffff  }
0x42: {  	v9 =	vor.u32 $0xC, v3;
	v2 =	vld.idx.msk [tilespmem:v2+s2+$0x0], $0xffff  }
0x43: {  	v16 =	vor.u32 $0xA, v3;
	v17 =	vor.u32 $0x1, v3;
	v20 =	vld.idx.msk [tilespmem:v11+s2+$0x0], $0xffff  }
0x44: {  	v21 =	vor.u32 $0x7, v3;
	v14 =	vmax.f32 v5, $1.000000000e+00;
	v11 =	vmul.f32 v12, v5;
	v4 =	vld.idx.msk [tilespmem:v4+s2+$0x0], $0xffff  }
0x45: {  	v7 =	vld.idx.msk [tilespmem:v7+s2+$0x0], $0xffff;
	v24 =	vmul.f32 v10, v5;
	(erf) = vrcp.f32 v14;
	v14 =	vor.u32 $0xD, v3  }
0x46: {  	v22 =	vor.u32 $0x9, v3;
	v15 =	vld.idx.msk [tilespmem:v15+s2+$0x0], $0xffff;
	v5 =	vmul.f32 v8, v5;
	v19 =	vmul.f32 v10, v1  }
0x47: {  	v9 =	vld.idx.msk [tilespmem:v9+s2+$0x0], $0xffff;
	v26 =	vadd.f32 v10, v10;
	v63 =	vmul.f32 v10, v13;
	v18 =	vmul.f32 v8, v2  }
0x48: {  	v16 =	vld.idx.msk [tilespmem:v16+s2+$0x0], $0xffff;
	v27 =	vadd.f32 v8, v8;
	v28 =	vmul.f32 v12, v2;
	v61 =	vmul.f32 v8, v24  }
0x49: {  	v23 =	vadd.f32 v12, v12;
	v2 =	vmul.f32 v26, v2;
	v25 =	vmul.f32 v10, v4  }
0x4a: {  	v3 =	vor.u32 $0x8, v3;
	v29 =	vmul.f32 v12, v4;
	v14 =	vld.idx.msk [tilespmem:v14+s2+$0x0], $0xffff;
	v4 =	vmul.f32 v27, v4  }
0x4b: {  	v30 =	vmul.f32 v11, v12;
	v23 =	vmul.f32 v23, v1;
	v2 =	vsub.f32 v15, v2  }
0x4c: {  	v17 =	vld.idx.msk [tilespmem:v17+s2+$0x0], $0xffff;
	v5 =	vmul.f32 v5, v8;
	v7 =	vsub.f32 v7, v25;
	v4 =	vsub.f32 v9, v4  }
0x4d: {  	v1 =	vmul.f32 v8, v1;
	v15 =	vsub.f32 v16, v23;
	v6 =	vsub.f32 v6, v29  }
0x4e: {  	v16 =	vmul.f32 v24, v10;
	v7 =	vsub.f32 v7, v18;
	v18 =	vpop (erf);
	v4 =	vadd.f32 v4, v5  }
0x4f: {  	v1 =	vsub.f32 v6, v1;
	v31 =	vmul.f32 v13, v18;
	v9 =	vsub.f32 v14, v28  }
0x50: {  	v13 =	vmul.f32 v12, v13;
	v14 =	vadd.f32 v15, v30;
	v15 =	vadd.f32 v2, v16  }
0x51: {  	v16 =	vmul.f32 v8, v17;
	v2 =	vsub.f32 v9, v19;
	v9 =	vmul.f32 v10, v11  }
0x52: {  	v62 =	vmul.f32 v8, v20;
	v7 =	vadd.f32 v7, v61;
	v5 =	vadd.f32 v15, v14  }
0x53: {  	v13 =	vsub.f32 v16, v13;
	v9 =	vadd.f32 v2, v9;
	v2 =	vmul.f32 v8, v11  }
0x54: {  	v19 =	vsub.f32 v63, v62;
	v16 =	vadd.f32 v4, v5  }
0x55: {  	v3 =	vld.idx.msk [tilespmem:v3+s2+$0x0], $0xffff;
	v6 =	vmul.f32 v18, v17;
	v1 =	vadd.f32 v1, v2;
	v2 =	vsub.f32 $0.0e+00, v7  }
0x56: {  	v11 =	vmul.f32 v12, v20;
	v5 =	vsub.f32 v16, v15;
	v12 =	vsub.f32 v16, v4  }
0x57: {  	v10 =	vmul.f32 v10, v17;
	v7 =	vsub.f32 $0.0e+00, v9;
	v8 =	vsub.f32 $0.0e+00, v1  }
0x58: {  	v4 =	vmul.f32 v18, v20;
	v5 =	vadd.f32 $9.999999740e-05, v5;
	v9 =	vadd.f32 $9.999999740e-05, v12  }
0x59: {  	v15 =	vld.idx.msk [tilespmem:v21+s2+$0x0], $0xffff;
	v14 =	vsub.f32 v16, v14;
	v12 =	vmul.f32 v2, v2;
	v21 =	vmul.f32 v2, v8  }
0x5a: {  	v3 =	vsub.f32 v3, v13;
	v18 =	vmul.f32 v9, v5;
	v23 =	vmul.f32 v9, v7  }
0x5b: {  	s16 =	simm.s32 $0x6B30;
	s17 =	simm.s32 $0x10;
	s1 =	simm.s32 $0x7150;
	v16 =	vld.idx.msk [tilespmem:v22+s2+$0x0], $0xffff;
	v17 =	vmul.f32 v2, v7;
	v13 =	vadd.f32 $9.999999740e-05, v14;
	v20 =	vmul.f32 v5, v8  }
0x5c: {  	s18 =	simm.s32 $0x7A90;
	s19 =	simm.s32 $0x7150;
	s0 =	simm.s32 $0x7A80;
	v1 =	vld [tilespmem:s16+$0x0];
	[tilespmem:s1+$0x310] =	vst v31;
	v18 =	vsub.f32 v18, v12;
	v14 =	vsub.f32 v21, v23;
	v12 =	vmul.f32 v8, v7  }
.LBB2_4:
0x5d: {  	s31 =	sadd.s32 $0x10, s31  }
0x5e: {  	v15 =	vsub.f32 v15, v19;
	v10 =	vsub.f32 v11, v10;
	[tilespmem:s1+$0xFFFFFCF0] =	vst v6;
	s16 =	sadd.s32 $0x10, s16;
	s19 =	sadd.s32 $0x10, s19;
	s20 =	smov.u32 s17  }
0x5f: {  	p0 =	sne.s32 s17, $0x300;
	s17 =	sadd.s32 $0x10, s17;
	v6 =	vsub.f32 v17, v20;
	v11 =	vmul.f32 v18, v13;
	v17 =	vmul.f32 v14, v7;
	[tilespmem:s1+$0x0] =	vst v4;
	s1 =	smov.u32 s19  }
0x60: {  	v4 =	vmul.f32 v18, v15;
	v18 =	vmul.f32 v14, v3  }
0x61: {  	v11 =	vadd.f32 v17, v11;
	v17 =	vmul.f32 v6, v8  }
0x62: {  	v10 =	vsub.f32 v16, v10;
	v4 =	vadd.f32 v18, v4  }
0x63: {  	v7 =	vmul.f32 v7, v7;
	v11 =	vadd.f32 v11, v17  }
0x64: {  	v8 =	vmul.f32 v8, v8;
	v16 =	vmul.f32 v6, v10  }
0x65: {  	v9 =	vmul.f32 v9, v13;
	(erf) = vrcp.f32 v11  }
0x66: {  	v5 =	vmul.f32 v5, v13;
	v6 =	vmul.f32 v6, v15;
	v11 =	vmov s20  }
0x67: {  	v2 =	vmul.f32 v13, v2;
	v8 =	vsub.f32 v9, v8;
	v11 =	vshll.u32 v11, $0x4  }
0x68: {  	v5 =	vsub.f32 v5, v7;
	v7 =	vmul.f32 v14, v15;
	v9 =	vor.u32 v0, v11  }
0x69: {  	v8 =	vmul.f32 v8, v3;
	v11 =	vor.u32 $0x4, v9;
	v13 =	vor.u32 $0x5, v9  }
0x6a: {  	v2 =	vsub.f32 v12, v2;
	v14 =	vor.u32 $0x6, v9;
	v15 =	vor.u32 $0xB, v9  }
0x6b: {  	v7 =	vadd.f32 v8, v7;
	v12 =	vor.u32 $0xD, v9;
	v17 =	vor.u32 $0xE, v9  }
0x6c: {  	v3 =	vmul.f32 v2, v3;
	v8 =	vor.u32 $0x1, v9;
	v18 =	vor.u32 $0x2, v9  }
0x6d: {  	v4 =	vadd.f32 v4, v16;
	v2 =	vmul.f32 v2, v10  }
0x6e: {  	v5 =	vmul.f32 v5, v10;
	v3 =	vadd.f32 v3, v6;
	v16 =	vor.u32 $0xA, v9;
	v6 =	vpop (erf)  }
0x6f: {  	v2 =	vadd.f32 v7, v2;
	v4 =	vmul.f32 v6, v4  }
0x70: {  	vm0 =	vlt.s32 v1, $0x2;
	v3 =	vadd.f32 v3, v5  }
0x71: {  	v1 =	vmul.f32 v6, v2;
	v2 =	vsel vm0, $0x0, v4  }
0x72: {  	v3 =	vmul.f32 v6, v3;
	v4 =	vor.u32 $0xC, v9;
	[tilespmem:s0+$0xFFFFFCF0] =	vst v2  }
0x73: {  	v1 =	vsel vm0, $0x0, v1  }
0x74: {  	v2 =	vsel vm0, $0x0, v3;
	[tilespmem:s0+$0x0] =	vst v1  }
0x75: {  	[tilespmem:s0+$0x310] =	vst v2;
	s0 =	smov.u32 s18  }
0x76: {  	v1 =	vld.idx.msk [tilespmem:v11+s2+$0x0], $0xffff  }
0x77: {  	v2 =	vld.idx.msk [tilespmem:v17+s2+$0x0], $0xffff  }
0x78: {  	v3 =	vld.idx.msk [tilespmem:v9+s2+$0x0], $0xffff  }
0x79: {  	v6 =	vor.u32 $0xF, v9;
	v5 =	vld.idx.msk [tilespmem:v13+s2+$0x0], $0xffff  }
0x7a: {  	v7 =	vld [tilespmem:s31+$0x310]  }
0x7b: {  	v10 =	vor.u32 $0x3, v9;
	v11 =	vld [tilespmem:s31+$0x0]  }
0x7c: {  	v13 =	vld [tilespmem:s31+$0xFFFFFCF0]  }
0x7d: {  	v14 =	vld.idx.msk [tilespmem:v14+s2+$0x0], $0xffff  }
0x7e: {  	v17 =	vmax.f32 v3, $1.000000000e+00;
	v6 =	vld.idx.msk [tilespmem:v6+s2+$0x0], $0xffff  }
0x7f: {  	v4 =	vld.idx.msk [tilespmem:v4+s2+$0x0], $0xffff;
	v19 =	vmul.f32 v7, v5;
	(erf) = vrcp.f32 v17  }
0x80: {  	v10 =	vld.idx.msk [tilespmem:v10+s2+$0x0], $0xffff;
	v17 =	vmul.f32 v11, v1  }
0x81: {  	v18 =	vld.idx.msk [tilespmem:v18+s2+$0x0], $0xffff;
	v20 =	vmul.f32 v13, v3  }
0x82: {  	v21 =	vor.u32 $0x7, v9;
	v22 =	vor.u32 $0x9, v9;
	v8 =	vld.idx.msk [tilespmem:v8+s2+$0x0], $0xffff  }
0x83: {  	v24 =	vmul.f32 v11, v3;
	v23 =	vadd.f32 v13, v13;
	v25 =	vmul.f32 v11, v14;
	v15 =	vld.idx.msk [tilespmem:v15+s2+$0x0], $0xffff  }
0x84: {  	v27 =	vadd.f32 v7, v7;
	v26 =	vadd.f32 v11, v11;
	v28 =	vmul.f32 v13, v5;
	v16 =	vld.idx.msk [tilespmem:v16+s2+$0x0], $0xffff  }
0x85: {  	v29 =	vmul.f32 v13, v14;
	v6 =	vsub.f32 v6, v25;
	v25 =	vmul.f32 v7, v24;
	v12 =	vld.idx.msk [tilespmem:v12+s2+$0x0], $0xffff  }
0x86: {  	v9 =	vor.u32 $0x8, v9;
	v5 =	vmul.f32 v26, v5;
	v30 =	vmul.f32 v20, v13  }
0x87: {  	v23 =	vmul.f32 v23, v1;
	v2 =	vsub.f32 v2, v29;
	v26 =	vmul.f32 v7, v18  }
0x88: {  	v3 =	vmul.f32 v7, v3;
	v29 =	vmul.f32 v11, v10;
	v6 =	vsub.f32 v6, v19;
	v19 =	vpop (erf)  }
0x89: {  	v14 =	vmul.f32 v27, v14;
	v5 =	vsub.f32 v15, v5;
	v31 =	vmul.f32 v10, v19  }
0x8a: {  	v3 =	vmul.f32 v3, v7;
	v15 =	vsub.f32 v16, v23;
	v16 =	vmul.f32 v24, v11  }
0x8b: {  	v4 =	vsub.f32 v4, v14;
	v10 =	vmul.f32 v13, v10;
	v12 =	vsub.f32 v12, v28  }
0x8c: {  	v1 =	vmul.f32 v7, v1;
	v14 =	vadd.f32 v15, v30;
	v5 =	vadd.f32 v5, v16  }
0x8d: {  	v6 =	vadd.f32 v6, v25;
	v15 =	vmul.f32 v11, v20;
	v12 =	vsub.f32 v12, v17  }
0x8e: {  	v3 =	vadd.f32 v4, v3;
	v16 =	vmul.f32 v7, v8;
	v4 =	vadd.f32 v5, v14  }
0x8f: {  	v1 =	vsub.f32 v2, v1;
	v2 =	vmul.f32 v7, v20;
	v12 =	vadd.f32 v12, v15  }
0x90: {  	v16 =	vsub.f32 v16, v10;
	v10 =	vmul.f32 v11, v8;
	v17 =	vadd.f32 v3, v4;
	v20 =	vld.idx.msk [tilespmem:v9+s2+$0x0], $0xffff  }
0x91: {  	v1 =	vadd.f32 v1, v2;
	v2 =	vsub.f32 $0.0e+00, v6;
	v11 =	vmul.f32 v13, v18  }
0x92: {  	v6 =	vmul.f32 v19, v8;
	v5 =	vsub.f32 v17, v5;
	v3 =	vsub.f32 v17, v3  }
0x93: {  	v8 =	vsub.f32 $0.0e+00, v1;
	v4 =	vmul.f32 v19, v18;
	v7 =	vsub.f32 $0.0e+00, v12;
	v15 =	vld.idx.msk [tilespmem:v21+s2+$0x0], $0xffff  }
.Ltmp1:
0x94: {  	v12 =	vmul.f32 v2, v2;
	v5 =	vadd.f32 $9.999999740e-05, v5;
	v9 =	vadd.f32 $9.999999740e-05, v3;
	(pc) =	sbr.rel @p0 .LBB2_4-.Ltmp1, $4  }
0x95: {  	v13 =	vsub.f32 v17, v14;
	v14 =	vmul.f32 v2, v8;
	v17 =	vmul.f32 v2, v7  }
0x96: {  	v3 =	vsub.f32 v20, v16;
	v18 =	vmul.f32 v9, v5;
	v21 =	vmul.f32 v9, v7;
	v1 =	vld [tilespmem:s16+$0x0]  }
0x97: {  	v19 =	vsub.f32 v29, v26;
	v13 =	vadd.f32 $9.999999740e-05, v13;
	v20 =	vmul.f32 v5, v8;
	v16 =	vld.idx.msk [tilespmem:v22+s2+$0x0], $0xffff  }
0x98: {  	s18 =	sadd.s32 $0x10, s18;
	v18 =	vsub.f32 v18, v12;
	v14 =	vsub.f32 v14, v21;
	v12 =	vmul.f32 v8, v7;
	[tilespmem:s19+$0x310] =	vst v31  }
0x99: {  	_ = 	snop  }
0x9a: {  	v17 =	vsub.f32 v17, v20;
	v51 =	vmul.f32 v18, v13;
	v21 =	vmul.f32 v14, v7;
	_ =	sdelay $0x1  }
0x9b: {  	v52 =	vmul.f32 v17, v8;
	v20 =	vadd.f32 v21, v51;
	_ =	sdelay $0x1  }
0x9c: {  	v20 =	vadd.f32 v20, v52;
	_ =	sdelay $0x1  }
0x9d: {  	v53 =	vmul.f32 v8, v8;
	(erf) = vrcp.f32 v20  }
0x9e: {  	v15 =	vsub.f32 v15, v19;
	v9 =	vmul.f32 v9, v13;
	v2 =	vmul.f32 v13, v2  }
0x9f: {  	v10 =	vsub.f32 v11, v10;
	v56 =	vmul.f32 v7, v7;
	v5 =	vmul.f32 v5, v13  }
0xa0: {  	v55 =	vmul.f32 v14, v3;
	v54 =	vmul.f32 v18, v15;
	v8 =	vsub.f32 v9, v53  }
0xa1: {  	v2 =	vsub.f32 v12, v2;
	v58 =	vmul.f32 v14, v15;
	v10 =	vsub.f32 v16, v10  }
0xa2: {  	v59 =	vmul.f32 v17, v15;
	v5 =	vsub.f32 v5, v56;
	v8 =	vmul.f32 v8, v3  }
0xa3: {  	v11 =	vadd.f32 v55, v54;
	v3 =	vmul.f32 v2, v3;
	v57 =	vmul.f32 v17, v10  }
0xa4: {  	v2 =	vmul.f32 v2, v10;
	v60 =	vadd.f32 v8, v58  }
0xa5: {  	v5 =	vmul.f32 v5, v10;
	v3 =	vadd.f32 v3, v59;
	v61 =	vadd.f32 v11, v57  }
0xa6: {  	v2 =	vadd.f32 v60, v2;
	v62 =	vpop (erf)  }
0xa7: {  	v3 =	vadd.f32 v3, v5;
	v63 =	vmul.f32 v62, v61  }
0xa8: {  	[tilespmem:s1+$0xFFFFFCF0] =	vst v6;
	vm0 =	vlt.s32 v1, $0x2;
	v1 =	vmul.f32 v62, v2  }
0xa9: {  	[tilespmem:s1+$0x0] =	vst v4;
	v3 =	vmul.f32 v62, v3;
	v2 =	vsel vm0, $0x0, v63  }
0xaa: {  	v1 =	vsel vm0, $0x0, v1;
	[tilespmem:s0+$0xFFFFFCF0] =	vst v2  }
0xab: {  	v2 =	vsel vm0, $0x0, v3;
	[tilespmem:s0+$0x0] =	vst v1  }
0xac: {  	[tilespmem:s0+$0x310] =	vst v2  }
0xad: {  	[hbm4b:s9+s2] =	stream.linear.scatter [tilespmem:s22], [sflag:$0x2], $0x310, $0x38;
	[tilespmem:$0x80A0] =	vst v63  }
0xae: {  	_ =	swait.ge [sflag:s23], $0x310  }
0xaf: {  	[sflag:s23] =	ssyncset.done $0x0  }
0xb0: {  	[sflag:s23] =	ssyncadd.s32 $0xFFFFFCF0  }
0xb1: {  	[hbm4b:s10+s2] =	stream.linear.scatter [tilespmem:s24], [sflag:$0x2], $0x310, $0x38;
	[tilespmem:$0x80A0] =	vst v63  }
0xb2: {  	_ =	swait.ge [sflag:s23], $0x310  }
0xb3: {  	[sflag:s23] =	ssyncset.done $0x0  }
0xb4: {  	[sflag:s23] =	ssyncadd.s32 $0xFFFFFCF0  }
0xb5: {  	[hbm4b:s11+s2] =	stream.linear.scatter [tilespmem:s25], [sflag:$0x2], $0x310, $0x38;
	[tilespmem:$0x80A0] =	vst v63  }
0xb6: {  	_ =	swait.ge [sflag:s23], $0x310  }
0xb7: {  	[sflag:s23] =	ssyncset.done $0x0  }
0xb8: {  	[sflag:s23] =	ssyncadd.s32 $0xFFFFFCF0  }
0xb9: {  	[hbm4b:s12+s2] =	stream.linear.scatter [tilespmem:s26], [sflag:$0x2], $0x310, $0x38;
	[tilespmem:$0x80A0] =	vst v63  }
0xba: {  	_ =	swait.ge [sflag:s23], $0x310  }
0xbb: {  	[sflag:s23] =	ssyncset.done $0x0  }
0xbc: {  	[sflag:s23] =	ssyncadd.s32 $0xFFFFFCF0  }
0xbd: {  	[hbm4b:s13+s2] =	stream.linear.scatter [tilespmem:s28], [sflag:$0x2], $0x310, $0x38;
	[tilespmem:$0x80A0] =	vst v63  }
0xbe: {  	s30 =	sadd.s32 $0x1, s30;
	_ =	swait.ge [sflag:s23], $0x310  }
0xbf: {  	p0 =	sne.s32 s30, s15;
	[sflag:s23] =	ssyncset.done $0x0  }
.Ltmp2:
0xc0: {  	[sflag:s23] =	ssyncadd.s32 $0xFFFFFCF0;
	(pc) =	sbr.rel @p0 .LBB2_1-.Ltmp2, $4  }
0xc1: {  	[hbm4b:s14+s2] =	stream.linear.scatter [tilespmem:s29], [sflag:$0x2], $0x310, $0x38;
	[tilespmem:$0x80A0] =	vst v63  }
0xc2: {  	_ =	swait.ge [sflag:s23], $0x310  }
0xc3: {  	[sflag:s23] =	ssyncset.done $0x0  }
0xc4: {  	[sflag:s23] =	ssyncadd.s32 $0xFFFFFCF0  }
0xc5: {  	_ =	sfence.sel $0x180000  }
0xc6: {  	[bflag:$0x0] =	sbarrier.arrive $0xFFFF  }
0xc7: {  	_ =	strace $0x9000004A  }
0xc8: {  	s0 =	stileid.u32;
	[bflag:$0x2] =	sbarrier.arrive $0xFFFF  }
0xc9: {  	p0 =	sne.s32 s0, $0x0;
	s0 =	rddreg [dreg:$0x3]  }
0xca: {  	s0 =	sadd.s32 @!p0 $0x100000, s0  }
0xcb: {  	[sflag:s0] =	ssyncadd.tile.s32 @!p0 $0x1;
	_ =	shalt  }
.Lfunc_end2:
_tile_overlayer_lowered:
.L_overlay_start_2:
0xcc: {  	(tag) =	ssettag $0x2  }
0xcd: {  	s0 =	rddreg [dreg:$0x0];
	s2 =	stileid.u32  }
0xce: {  	s1 =	rddreg [dreg:$0x1];
	p0 =	sne.s32 s2, $0x0  }
0xcf: {  	s3 =	rddreg [dreg:$0x2];
	[bflag:$0x3] =	sbarrier.arrive $0xFFFF;
	s2 =	simm.s32 @!p0 $0x1C02  }
0xd0: {  	[timem:s3], [sflag:s2] =	dma.local @!p0 [hbm:s0], s1  }
0xd1: {  	s0 =	simm.s32 @!p0 $0x2  }
0xd2: {  	_ =	swait.ge @!p0 [sflag:s0], s1  }
0xd3: {  	s1 =	ssub.s32 @!p0 $0x0, s1;
	[sflag:s0] =	ssyncset.done @!p0 $0x0  }
0xd4: {  	[sflag:s0] =	ssyncadd.s32 @!p0 s1  }
0xd5: {  	[bflag:$0x3] =	sbarrier.arrive $0xFFFF  }
0xd6: {  	_ =	shalt  }

</sc_bundles>
